<compile_context>
chip_gen: v7x
topology: tpu7x:2x2x1
jax: 0.10.2.dev20260603
libtpu: 0.0.44.dev20260713+nightly
codegen_flags: <defaults>
</compile_context>

<pallas_src>
import functools

import jax
import jax.numpy as jnp
from jax import lax
from jax.experimental import pallas as pl
from jax.experimental.pallas import tpu as pltpu
from jax.experimental.pallas import tpu_sc as plsc

N_ROWS = 16384
D = 1024
LANES = 16
VPR = D // LANES
NW = 32
ROWS_PER_W = N_ROWS // NW
C = 16
NCHUNK = ROWS_PER_W // C
NBX = 3
NBP = 3


def _make_sc_kernel():
    mesh = plsc.VectorSubcoreMesh(core_axis_name="c", subcore_axis_name="s")

    @functools.partial(
        pl.kernel,
        mesh=mesh,
        out_type=jax.ShapeDtypeStruct((N_ROWS, D), jnp.float32),
        scratch_types=(
            [pltpu.VMEM((NCHUNK, C), jnp.int32)]
            + [pltpu.VMEM((C, D), jnp.float32)] * (NBX + NBP)
            + [pltpu.SemaphoreType.DMA] * (2 * NBX + NBP + 1)
        ),
    )
    def sc_kernel(x_hbm, t2_hbm, pe_hbm, out_hbm, idx_all, *rest):
        xb = list(rest[0:NBX])
        pb = list(rest[NBX:NBX + NBP])
        sems = rest[NBX + NBP:]
        sx = sems[0:NBX]
        sg = sems[NBX:NBX + NBP]
        ss = sems[NBX + NBP:2 * NBX + NBP]
        sidx = sems[2 * NBX + NBP]

        wid = lax.axis_index("s") * 2 + lax.axis_index("c")
        base = wid * ROWS_PER_W
        cbase = wid * NCHUNK

        idx_cp = pltpu.async_copy(t2_hbm.at[pl.ds(cbase, NCHUNK)], idx_all,
                                  sidx)

        xls = [None] * NBX
        gls = [None] * NBP
        stores = [None] * NBX

        def start_x(i):
            b = i % NBX
            return pltpu.async_copy(x_hbm.at[pl.ds(base + i * C, C)],
                                    xb[b], sx[b])

        def start_gather(i):
            b = i % NBP
            return pltpu.async_copy(pe_hbm.at[idx_all.at[i]], pb[b], sg[b])

        for i in range(NBX - 1):
            xls[i] = start_x(i)
        idx_cp.wait()
        for i in range(NBP - 1):
            gls[i] = start_gather(i)

        for i in range(NCHUNK):
            bx, bp = i % NBX, i % NBP
            jx = i + NBX - 1
            if jx < NCHUNK:
                nb = jx % NBX
                if stores[nb] is not None:
                    stores[nb].wait()
                    stores[nb] = None
                xls[nb] = start_x(jx)
            jg = i + NBP - 1
            if jg < NCHUNK:
                gls[jg % NBP] = start_gather(jg)
            xls[bx].wait()
            gls[bp].wait()

            @plsc.parallel_loop(0, C * VPR, unroll=8)
            def add(k, _b=bx, _p=bp):
                r = k // VPR
                col = (k % VPR) * LANES
                plsc.addupdate(xb[_b].at[r, pl.ds(col, LANES)],
                               pb[_p][r, pl.ds(col, LANES)])

            stores[bx] = pltpu.async_copy(
                xb[bx], out_hbm.at[pl.ds(base + i * C, C)], ss[bx])

        for b in range(NBX):
            if stores[b] is not None:
                stores[b].wait()
                stores[b] = None

    return sc_kernel


def kernel(x, times, pe):
    B, L, _ = x.shape
    xf = x.reshape(N_ROWS, D)
    tf = times.reshape(N_ROWS // C, C)
    out = _make_sc_kernel()(xf, tf, pe)
    return out.reshape(B, L, D)

# --- scband reference (transcript-rebuilt; emitter-appended) ---
"""Pipeline reference for scband-position-encoding-12807592477477 (READ-ONLY COPY).

The authoritative reference and input builder live on the scoring server;
editing this copy changes nothing except your own understanding.
"""

import jax, jax.numpy as jnp
import numpy as np
import math

N_FILTERS = 1024
MAX_LEN = 8192

def _build_pe(max_len, n_filters):
    position = jnp.arange(0, max_len, dtype=jnp.float32)[:, None]
    div_term = jnp.exp(jnp.arange(0, n_filters, 2, dtype=jnp.float32) * (-(math.log(10000.0) / n_filters)))
    pe = jnp.zeros((max_len, n_filters), dtype=jnp.float32)
    pe = pe.at[:, 0::2].set(jnp.sin(position * div_term))
    pe = pe.at[:, 1::2].set(jnp.cos(position * div_term))
    return pe

def setup_inputs(seed: int = 0) -> dict:
    key = jax.random.key(seed)
    k1, k2 = jax.random.split(key)
    x = jax.random.normal(k1, (4, 4096, 1024), dtype=jnp.float32)
    times = jax.random.randint(k2, (4, 4096), 0, MAX_LEN, dtype=jnp.int64 if jax.config.jax_enable_x64 else jnp.int32).astype(jnp.int32)
    pe = _build_pe(MAX_LEN, N_FILTERS)
    return {"x": x, "times": times, "pe": pe}

def reference(x, times, pe):
    # per-batch gather of position encodings, stacked -> equivalent to pe[times]
    pe_tensor = jnp.take(pe, times, axis=0)  # (B, L, D)
    return x + pe_tensor

if __name__ == "__main__":
    import jax
    _d = setup_inputs()
    print(jax.jit(kernel)(*tuple(_d.values())))

</pallas_src>

<mosaic_0001>
#map = affine_map<(d0, d1) -> (0, 0)>
module attributes {stable_mosaic.version = 14 : i64} {
  func.func @sc_kernel(%arg0: i32, %arg1: i32, %arg2: memref<16384x1024xf32, #tpu.memory_space<hbm>>, %arg3: memref<1024x16xi32, #tpu.memory_space<hbm>>, %arg4: memref<8192x1024xf32, #tpu.memory_space<hbm>>, %arg5: memref<16384x1024xf32, #tpu.memory_space<hbm>>, %arg6: memref<32x16xi32, #tpu.memory_space<vmem>>, %arg7: memref<16x1024xf32, #tpu.memory_space<vmem>>, %arg8: memref<16x1024xf32, #tpu.memory_space<vmem>>, %arg9: memref<16x1024xf32, #tpu.memory_space<vmem>>, %arg10: memref<16x1024xf32, #tpu.memory_space<vmem>>, %arg11: memref<16x1024xf32, #tpu.memory_space<vmem>>, %arg12: memref<16x1024xf32, #tpu.memory_space<vmem>>, %arg13: memref<!tpu.dma_semaphore, #tpu.memory_space<semaphore_mem>>, %arg14: memref<!tpu.dma_semaphore, #tpu.memory_space<semaphore_mem>>, %arg15: memref<!tpu.dma_semaphore, #tpu.memory_space<semaphore_mem>>, %arg16: memref<!tpu.dma_semaphore, #tpu.memory_space<semaphore_mem>>, %arg17: memref<!tpu.dma_semaphore, #tpu.memory_space<semaphore_mem>>, %arg18: memref<!tpu.dma_semaphore, #tpu.memory_space<semaphore_mem>>, %arg19: memref<!tpu.dma_semaphore, #tpu.memory_space<semaphore_mem>>, %arg20: memref<!tpu.dma_semaphore, #tpu.memory_space<semaphore_mem>>, %arg21: memref<!tpu.dma_semaphore, #tpu.memory_space<semaphore_mem>>, %arg22: memref<!tpu.dma_semaphore, #tpu.memory_space<semaphore_mem>>) attributes {dimension_semantics = [#tpu.dimension_semantics<core_parallel>, #tpu.dimension_semantics<subcore_parallel>], iteration_bounds = array<i64: 2, 16>, scalar_prefetch = 0 : i64, scratch_operands = 17 : i64, tpu.core_type = #tpu.core_type<sc_vector_subcore>, window_params = [{transform_indices = #map}, {transform_indices = #map}, {transform_indices = #map}, {transform_indices = #map}]} {
    %mul3A = arith.constant 2 : i32
    %mul3A_0 = arith.muli %arg1, %mul3A : i32
    %add3A = arith.addi %mul3A_0, %arg0 : i32
    %mul3A_1 = arith.constant 512 : i32
    %mul3A_2 = arith.muli %add3A, %mul3A_1 : i32
    %mul3A_3 = arith.constant 32 : i32
    %mul3A_4 = arith.muli %add3A, %mul3A_3 : i32
    %dma_start3A = arith.constant 0 : i32
    %dma_start3A_5 = tpu.memref_slice %arg3[%mul3A_4, %dma_start3A] : memref<1024x16xi32, #tpu.memory_space<hbm>> -> memref<32x16xi32, #tpu.memory_space<hbm>>
    %dma_start3A_6 = arith.constant 0 : i32
    %dma_start3A_7 = tpu.memref_slice %arg3[%mul3A_4, %dma_start3A_6] : memref<1024x16xi32, #tpu.memory_space<hbm>> -> memref<32x16xi32, #tpu.memory_space<hbm>>
    tpu.enqueue_dma source(%dma_start3A_7 : memref<32x16xi32, #tpu.memory_space<hbm>>) target(%arg6 : memref<32x16xi32, #tpu.memory_space<vmem>>) target_semaphore(%arg22 : memref<!tpu.dma_semaphore, #tpu.memory_space<semaphore_mem>>)
    %add3A_8 = arith.constant 0 : i32
    %add3A_9 = arith.addi %mul3A_2, %add3A_8 : i32
    %dma_start3A_10 = arith.constant 0 : i32
    %dma_start3A_11 = tpu.memref_slice %arg2[%add3A_9, %dma_start3A_10] : memref<16384x1024xf32, #tpu.memory_space<hbm>> -> memref<16x1024xf32, #tpu.memory_space<hbm>>
    %dma_start3A_12 = arith.constant 0 : i32
    %dma_start3A_13 = tpu.memref_slice %arg2[%add3A_9, %dma_start3A_12] : memref<16384x1024xf32, #tpu.memory_space<hbm>> -> memref<16x1024xf32, #tpu.memory_space<hbm>>
    tpu.enqueue_dma source(%dma_start3A_13 : memref<16x1024xf32, #tpu.memory_space<hbm>>) target(%arg7 : memref<16x1024xf32, #tpu.memory_space<vmem>>) target_semaphore(%arg13 : memref<!tpu.dma_semaphore, #tpu.memory_space<semaphore_mem>>)
    %add3A_14 = arith.constant 16 : i32
    %add3A_15 = arith.addi %mul3A_2, %add3A_14 : i32
    %dma_start3A_16 = arith.constant 0 : i32
    %dma_start3A_17 = tpu.memref_slice %arg2[%add3A_15, %dma_start3A_16] : memref<16384x1024xf32, #tpu.memory_space<hbm>> -> memref<16x1024xf32, #tpu.memory_space<hbm>>
    %dma_start3A_18 = arith.constant 0 : i32
    %dma_start3A_19 = tpu.memref_slice %arg2[%add3A_15, %dma_start3A_18] : memref<16384x1024xf32, #tpu.memory_space<hbm>> -> memref<16x1024xf32, #tpu.memory_space<hbm>>
    tpu.enqueue_dma source(%dma_start3A_19 : memref<16x1024xf32, #tpu.memory_space<hbm>>) target(%arg8 : memref<16x1024xf32, #tpu.memory_space<vmem>>) target_semaphore(%arg14 : memref<!tpu.dma_semaphore, #tpu.memory_space<semaphore_mem>>)
    %dma_wait3A = arith.constant 0 : i32
    %dma_wait3A_20 = tpu.memref_slice %arg3[%mul3A_4, %dma_wait3A] : memref<1024x16xi32, #tpu.memory_space<hbm>> -> memref<32x16xi32, #tpu.memory_space<hbm>>
    %dma_wait3A_21 = arith.constant 0 : i32
    %dma_wait3A_22 = tpu.memref_slice %arg3[%mul3A_4, %dma_wait3A_21] : memref<1024x16xi32, #tpu.memory_space<hbm>> -> memref<32x16xi32, #tpu.memory_space<hbm>>
    tpu.wait_dma2 semaphore(%arg22 : memref<!tpu.dma_semaphore, #tpu.memory_space<semaphore_mem>>) src(%dma_wait3A_22 : memref<32x16xi32, #tpu.memory_space<hbm>>) dst(%arg6 : memref<32x16xi32, #tpu.memory_space<vmem>>)
    %dma_start3A_23 = arith.constant 0 : i32
    %dma_start3A_24 = arith.constant 0 : i32
    %dma_start3A_25 = tpu.memref_slice %arg6[%dma_start3A_23, %dma_start3A_24] : memref<32x16xi32, #tpu.memory_space<vmem>> -> memref<1x16xi32, #tpu.memory_space<vmem>>
    %dma_start3A_26 = tpu.memref_squeeze %dma_start3A_25 : memref<1x16xi32, #tpu.memory_space<vmem>> -> memref<16xi32, #tpu.memory_space<vmem>>
    %dma_start3A_27 = arith.constant 0 : i32
    %dma_start3A_28 = arith.constant 0 : i32
    %dma_start3A_29 = tpu.memref_slice %arg4[%dma_start3A_27, %dma_start3A_28] : memref<8192x1024xf32, #tpu.memory_space<hbm>> -> memref<8192x1024xf32, #tpu.memory_space<hbm>>
    tpu.enqueue_indirect_dma source(%dma_start3A_29 : memref<8192x1024xf32, #tpu.memory_space<hbm>>) target(%arg10 : memref<16x1024xf32, #tpu.memory_space<vmem>>) offsets(%dma_start3A_26 : memref<16xi32, #tpu.memory_space<vmem>>) semaphore(%arg16 : memref<!tpu.dma_semaphore, #tpu.memory_space<semaphore_mem>>)
    %dma_start3A_30 = arith.constant 1 : i32
    %dma_start3A_31 = arith.constant 0 : i32
    %dma_start3A_32 = tpu.memref_slice %arg6[%dma_start3A_30, %dma_start3A_31] : memref<32x16xi32, #tpu.memory_space<vmem>> -> memref<1x16xi32, #tpu.memory_space<vmem>>
    %dma_start3A_33 = tpu.memref_squeeze %dma_start3A_32 : memref<1x16xi32, #tpu.memory_space<vmem>> -> memref<16xi32, #tpu.memory_space<vmem>>
    %dma_start3A_34 = arith.constant 0 : i32
    %dma_start3A_35 = arith.constant 0 : i32
    %dma_start3A_36 = tpu.memref_slice %arg4[%dma_start3A_34, %dma_start3A_35] : memref<8192x1024xf32, #tpu.memory_space<hbm>> -> memref<8192x1024xf32, #tpu.memory_space<hbm>>
    tpu.enqueue_indirect_dma source(%dma_start3A_36 : memref<8192x1024xf32, #tpu.memory_space<hbm>>) target(%arg11 : memref<16x1024xf32, #tpu.memory_space<vmem>>) offsets(%dma_start3A_33 : memref<16xi32, #tpu.memory_space<vmem>>) semaphore(%arg17 : memref<!tpu.dma_semaphore, #tpu.memory_space<semaphore_mem>>)
    %add3A_37 = arith.constant 32 : i32
    %add3A_38 = arith.addi %mul3A_2, %add3A_37 : i32
    %dma_start3A_39 = arith.constant 0 : i32
    %dma_start3A_40 = tpu.memref_slice %arg2[%add3A_38, %dma_start3A_39] : memref<16384x1024xf32, #tpu.memory_space<hbm>> -> memref<16x1024xf32, #tpu.memory_space<hbm>>
    %dma_start3A_41 = arith.constant 0 : i32
    %dma_start3A_42 = tpu.memref_slice %arg2[%add3A_38, %dma_start3A_41] : memref<16384x1024xf32, #tpu.memory_space<hbm>> -> memref<16x1024xf32, #tpu.memory_space<hbm>>
    tpu.enqueue_dma source(%dma_start3A_42 : memref<16x1024xf32, #tpu.memory_space<hbm>>) target(%arg9 : memref<16x1024xf32, #tpu.memory_space<vmem>>) target_semaphore(%arg15 : memref<!tpu.dma_semaphore, #tpu.memory_space<semaphore_mem>>)
    %dma_start3A_43 = arith.constant 2 : i32
    %dma_start3A_44 = arith.constant 0 : i32
    %dma_start3A_45 = tpu.memref_slice %arg6[%dma_start3A_43, %dma_start3A_44] : memref<32x16xi32, #tpu.memory_space<vmem>> -> memref<1x16xi32, #tpu.memory_space<vmem>>
    %dma_start3A_46 = tpu.memref_squeeze %dma_start3A_45 : memref<1x16xi32, #tpu.memory_space<vmem>> -> memref<16xi32, #tpu.memory_space<vmem>>
    %dma_start3A_47 = arith.constant 0 : i32
    %dma_start3A_48 = arith.constant 0 : i32
    %dma_start3A_49 = tpu.memref_slice %arg4[%dma_start3A_47, %dma_start3A_48] : memref<8192x1024xf32, #tpu.memory_space<hbm>> -> memref<8192x1024xf32, #tpu.memory_space<hbm>>
    tpu.enqueue_indirect_dma source(%dma_start3A_49 : memref<8192x1024xf32, #tpu.memory_space<hbm>>) target(%arg12 : memref<16x1024xf32, #tpu.memory_space<vmem>>) offsets(%dma_start3A_46 : memref<16xi32, #tpu.memory_space<vmem>>) semaphore(%arg18 : memref<!tpu.dma_semaphore, #tpu.memory_space<semaphore_mem>>)
    %dma_wait3A_50 = arith.constant 0 : i32
    %dma_wait3A_51 = tpu.memref_slice %arg2[%add3A_9, %dma_wait3A_50] : memref<16384x1024xf32, #tpu.memory_space<hbm>> -> memref<16x1024xf32, #tpu.memory_space<hbm>>
    %dma_wait3A_52 = arith.constant 0 : i32
    %dma_wait3A_53 = tpu.memref_slice %arg2[%add3A_9, %dma_wait3A_52] : memref<16384x1024xf32, #tpu.memory_space<hbm>> -> memref<16x1024xf32, #tpu.memory_space<hbm>>
    tpu.wait_dma2 semaphore(%arg13 : memref<!tpu.dma_semaphore, #tpu.memory_space<semaphore_mem>>) src(%dma_wait3A_53 : memref<16x1024xf32, #tpu.memory_space<hbm>>) dst(%arg7 : memref<16x1024xf32, #tpu.memory_space<vmem>>)
    %dma_wait3A_54 = arith.constant 0 : i32
    %dma_wait3A_55 = arith.constant 0 : i32
    %dma_wait3A_56 = tpu.memref_slice %arg6[%dma_wait3A_54, %dma_wait3A_55] : memref<32x16xi32, #tpu.memory_space<vmem>> -> memref<1x16xi32, #tpu.memory_space<vmem>>
    %dma_wait3A_57 = tpu.memref_squeeze %dma_wait3A_56 : memref<1x16xi32, #tpu.memory_space<vmem>> -> memref<16xi32, #tpu.memory_space<vmem>>
    %dma_wait3A_58 = arith.constant 0 : i32
    %dma_wait3A_59 = arith.constant 0 : i32
    %dma_wait3A_60 = tpu.memref_slice %arg4[%dma_wait3A_58, %dma_wait3A_59] : memref<8192x1024xf32, #tpu.memory_space<hbm>> -> memref<8192x1024xf32, #tpu.memory_space<hbm>>
    tpu.wait_indirect_dma semaphore(%arg16 : memref<!tpu.dma_semaphore, #tpu.memory_space<semaphore_mem>>) src(%dma_wait3A_60 : memref<8192x1024xf32, #tpu.memory_space<hbm>>) dst(%arg10 : memref<16x1024xf32, #tpu.memory_space<vmem>>)
    %parallel_loop3A = arith.constant 0 : i32
    %parallel_loop3A_61 = arith.constant 1024 : i32
    %parallel_loop3A_62 = arith.constant 1 : i32
    scf.for %parallel_loop3A_1194 = %parallel_loop3A to %parallel_loop3A_61 step %parallel_loop3A_62  : i32 {
      %parallel_loop3A_1195 = arith.constant 64 : i32
      %parallel_loop3A_1196 = arith.divsi %parallel_loop3A_1194, %parallel_loop3A_1195 : i32
      %parallel_loop3A_1197 = arith.constant 0 : i32
      %parallel_loop3A_1198 = arith.cmpi sgt, %parallel_loop3A_1194, %parallel_loop3A_1197 : i32
      %parallel_loop3A_1199 = arith.extui %parallel_loop3A_1198 : i1 to i32
      %parallel_loop3A_1200 = arith.constant 0 : i32
      %parallel_loop3A_1201 = arith.cmpi slt, %parallel_loop3A_1194, %parallel_loop3A_1200 : i32
      %parallel_loop3A_1202 = arith.extui %parallel_loop3A_1201 : i1 to i32
      %parallel_loop3A_1203 = arith.subi %parallel_loop3A_1199, %parallel_loop3A_1202 : i32
      %parallel_loop3A_1204 = arith.constant 0 : i32
      %parallel_loop3A_1205 = arith.cmpi sgt, %parallel_loop3A_1195, %parallel_loop3A_1204 : i32
      %parallel_loop3A_1206 = arith.extui %parallel_loop3A_1205 : i1 to i32
      %parallel_loop3A_1207 = arith.constant 0 : i32
      %parallel_loop3A_1208 = arith.cmpi slt, %parallel_loop3A_1195, %parallel_loop3A_1207 : i32
      %parallel_loop3A_1209 = arith.extui %parallel_loop3A_1208 : i1 to i32
      %parallel_loop3A_1210 = arith.subi %parallel_loop3A_1206, %parallel_loop3A_1209 : i32
      %parallel_loop3A_1211 = arith.cmpi ne, %parallel_loop3A_1203, %parallel_loop3A_1210 : i32
      %parallel_loop3A_1212 = arith.remsi %parallel_loop3A_1194, %parallel_loop3A_1195 : i32
      %parallel_loop3A_1213 = arith.constant 0 : i32
      %parallel_loop3A_1214 = arith.cmpi ne, %parallel_loop3A_1212, %parallel_loop3A_1213 : i32
      %parallel_loop3A_1215 = arith.andi %parallel_loop3A_1211, %parallel_loop3A_1214 : i1
      %parallel_loop3A_1216 = arith.constant 1 : i32
      %parallel_loop3A_1217 = arith.subi %parallel_loop3A_1196, %parallel_loop3A_1216 : i32
      %parallel_loop3A_1218 = arith.select %parallel_loop3A_1215, %parallel_loop3A_1217, %parallel_loop3A_1196 : i32
      %parallel_loop3A_1219 = arith.constant 64 : i32
      %parallel_loop3A_1220 = arith.constant 0 : i32
      %parallel_loop3A_1221 = arith.cmpi eq, %parallel_loop3A_1219, %parallel_loop3A_1220 : i32
      %parallel_loop3A_1222 = arith.constant 1 : i32
      %parallel_loop3A_1223 = arith.select %parallel_loop3A_1221, %parallel_loop3A_1222, %parallel_loop3A_1219 : i32
      %parallel_loop3A_1224 = arith.remsi %parallel_loop3A_1194, %parallel_loop3A_1223 : i32
      %parallel_loop3A_1225 = arith.constant 0 : i32
      %parallel_loop3A_1226 = arith.cmpi ne, %parallel_loop3A_1224, %parallel_loop3A_1225 : i32
      %parallel_loop3A_1227 = arith.constant 0 : i32
      %parallel_loop3A_1228 = arith.cmpi slt, %parallel_loop3A_1224, %parallel_loop3A_1227 : i32
      %parallel_loop3A_1229 = arith.constant 0 : i32
      %parallel_loop3A_1230 = arith.cmpi slt, %parallel_loop3A_1223, %parallel_loop3A_1229 : i32
      %parallel_loop3A_1231 = arith.xori %parallel_loop3A_1228, %parallel_loop3A_1230 : i1
      %parallel_loop3A_1232 = arith.andi %parallel_loop3A_1231, %parallel_loop3A_1226 : i1
      %parallel_loop3A_1233 = arith.addi %parallel_loop3A_1224, %parallel_loop3A_1223 : i32
      %parallel_loop3A_1234 = arith.select %parallel_loop3A_1232, %parallel_loop3A_1233, %parallel_loop3A_1224 : i32
      %parallel_loop3A_1235 = arith.constant 16 : i32
      %parallel_loop3A_1236 = arith.muli %parallel_loop3A_1234, %parallel_loop3A_1235 : i32
      %parallel_loop3A_1237 = arith.index_cast %parallel_loop3A_1218 : i32 to index
      %parallel_loop3A_1238 = arith.index_cast %parallel_loop3A_1236 : i32 to index
      %parallel_loop3A_1239 = tpu.vector_load %arg10[%parallel_loop3A_1237, %parallel_loop3A_1238] {strides = array<i32>} : memref<16x1024xf32, #tpu.memory_space<vmem>>, vector<1x16xf32>,
      %parallel_loop3A_1240 = vector.shape_cast %parallel_loop3A_1239 : vector<1x16xf32> to vector<16xf32>
      %parallel_loop3A_1241 = arith.index_cast %parallel_loop3A_1218 : i32 to index
      %parallel_loop3A_1242 = arith.index_cast %parallel_loop3A_1236 : i32 to index
      %parallel_loop3A_1243 = tpu.vector_load %arg7[%parallel_loop3A_1241, %parallel_loop3A_1242] {strides = array<i32>} : memref<16x1024xf32, #tpu.memory_space<vmem>>, vector<1x16xf32>,
      %parallel_loop3A_1244 = vector.shape_cast %parallel_loop3A_1243 : vector<1x16xf32> to vector<16xf32>
      %parallel_loop3A_1245 = vector.shape_cast %parallel_loop3A_1240 : vector<16xf32> to vector<1x16xf32>
      tpu.vector_store %arg7[%parallel_loop3A_1241, %parallel_loop3A_1242], %parallel_loop3A_1245 {add = true, strides = array<i32>} : memref<16x1024xf32, #tpu.memory_space<vmem>>, vector<1x16xf32>,
    } {sc.loop_unroll_factor = 8 : i64, sc.parallel_access}
    %add3A_63 = arith.constant 0 : i32
    %add3A_64 = arith.addi %mul3A_2, %add3A_63 : i32
    %dma_start3A_65 = arith.constant 0 : i32
    %dma_start3A_66 = tpu.memref_slice %arg5[%add3A_64, %dma_start3A_65] : memref<16384x1024xf32, #tpu.memory_space<hbm>> -> memref<16x1024xf32, #tpu.memory_space<hbm>>
    %dma_start3A_67 = arith.constant 0 : i32
    %dma_start3A_68 = tpu.memref_slice %arg5[%add3A_64, %dma_start3A_67] : memref<16384x1024xf32, #tpu.memory_space<hbm>> -> memref<16x1024xf32, #tpu.memory_space<hbm>>
    tpu.enqueue_dma source(%arg7 : memref<16x1024xf32, #tpu.memory_space<vmem>>) target(%dma_start3A_68 : memref<16x1024xf32, #tpu.memory_space<hbm>>) target_semaphore(%arg19 : memref<!tpu.dma_semaphore, #tpu.memory_space<semaphore_mem>>)
    %dma_wait3A_69 = arith.constant 0 : i32
    %dma_wait3A_70 = tpu.memref_slice %arg5[%add3A_64, %dma_wait3A_69] : memref<16384x1024xf32, #tpu.memory_space<hbm>> -> memref<16x1024xf32, #tpu.memory_space<hbm>>
    %dma_wait3A_71 = arith.constant 0 : i32
    %dma_wait3A_72 = tpu.memref_slice %arg5[%add3A_64, %dma_wait3A_71] : memref<16384x1024xf32, #tpu.memory_space<hbm>> -> memref<16x1024xf32, #tpu.memory_space<hbm>>
    tpu.wait_dma2 semaphore(%arg19 : memref<!tpu.dma_semaphore, #tpu.memory_space<semaphore_mem>>) src(%arg7 : memref<16x1024xf32, #tpu.memory_space<vmem>>) dst(%dma_wait3A_72 : memref<16x1024xf32, #tpu.memory_space<hbm>>)
    %add3A_73 = arith.constant 48 : i32
    %add3A_74 = arith.addi %mul3A_2, %add3A_73 : i32
    %dma_start3A_75 = arith.constant 0 : i32
    %dma_start3A_76 = tpu.memref_slice %arg2[%add3A_74, %dma_start3A_75] : memref<16384x1024xf32, #tpu.memory_space<hbm>> -> memref<16x1024xf32, #tpu.memory_space<hbm>>
    %dma_start3A_77 = arith.constant 0 : i32
    %dma_start3A_78 = tpu.memref_slice %arg2[%add3A_74, %dma_start3A_77] : memref<16384x1024xf32, #tpu.memory_space<hbm>> -> memref<16x1024xf32, #tpu.memory_space<hbm>>
    tpu.enqueue_dma source(%dma_start3A_78 : memref<16x1024xf32, #tpu.memory_space<hbm>>) target(%arg7 : memref<16x1024xf32, #tpu.memory_space<vmem>>) target_semaphore(%arg13 : memref<!tpu.dma_semaphore, #tpu.memory_space<semaphore_mem>>)
    %dma_start3A_79 = arith.constant 3 : i32
    %dma_start3A_80 = arith.constant 0 : i32
    %dma_start3A_81 = tpu.memref_slice %arg6[%dma_start3A_79, %dma_start3A_80] : memref<32x16xi32, #tpu.memory_space<vmem>> -> memref<1x16xi32, #tpu.memory_space<vmem>>
    %dma_start3A_82 = tpu.memref_squeeze %dma_start3A_81 : memref<1x16xi32, #tpu.memory_space<vmem>> -> memref<16xi32, #tpu.memory_space<vmem>>
    %dma_start3A_83 = arith.constant 0 : i32
    %dma_start3A_84 = arith.constant 0 : i32
    %dma_start3A_85 = tpu.memref_slice %arg4[%dma_start3A_83, %dma_start3A_84] : memref<8192x1024xf32, #tpu.memory_space<hbm>> -> memref<8192x1024xf32, #tpu.memory_space<hbm>>
    tpu.enqueue_indirect_dma source(%dma_start3A_85 : memref<8192x1024xf32, #tpu.memory_space<hbm>>) target(%arg10 : memref<16x1024xf32, #tpu.memory_space<vmem>>) offsets(%dma_start3A_82 : memref<16xi32, #tpu.memory_space<vmem>>) semaphore(%arg16 : memref<!tpu.dma_semaphore, #tpu.memory_space<semaphore_mem>>)
    %dma_wait3A_86 = arith.constant 0 : i32
    %dma_wait3A_87 = tpu.memref_slice %arg2[%add3A_15, %dma_wait3A_86] : memref<16384x1024xf32, #tpu.memory_space<hbm>> -> memref<16x1024xf32, #tpu.memory_space<hbm>>
    %dma_wait3A_88 = arith.constant 0 : i32
    %dma_wait3A_89 = tpu.memref_slice %arg2[%add3A_15, %dma_wait3A_88] : memref<16384x1024xf32, #tpu.memory_space<hbm>> -> memref<16x1024xf32, #tpu.memory_space<hbm>>
    tpu.wait_dma2 semaphore(%arg14 : memref<!tpu.dma_semaphore, #tpu.memory_space<semaphore_mem>>) src(%dma_wait3A_89 : memref<16x1024xf32, #tpu.memory_space<hbm>>) dst(%arg8 : memref<16x1024xf32, #tpu.memory_space<vmem>>)
    %dma_wait3A_90 = arith.constant 1 : i32
    %dma_wait3A_91 = arith.constant 0 : i32
    %dma_wait3A_92 = tpu.memref_slice %arg6[%dma_wait3A_90, %dma_wait3A_91] : memref<32x16xi32, #tpu.memory_space<vmem>> -> memref<1x16xi32, #tpu.memory_space<vmem>>
    %dma_wait3A_93 = tpu.memref_squeeze %dma_wait3A_92 : memref<1x16xi32, #tpu.memory_space<vmem>> -> memref<16xi32, #tpu.memory_space<vmem>>
    %dma_wait3A_94 = arith.constant 0 : i32
    %dma_wait3A_95 = arith.constant 0 : i32
    %dma_wait3A_96 = tpu.memref_slice %arg4[%dma_wait3A_94, %dma_wait3A_95] : memref<8192x1024xf32, #tpu.memory_space<hbm>> -> memref<8192x1024xf32, #tpu.memory_space<hbm>>
    tpu.wait_indirect_dma semaphore(%arg17 : memref<!tpu.dma_semaphore, #tpu.memory_space<semaphore_mem>>) src(%dma_wait3A_96 : memref<8192x1024xf32, #tpu.memory_space<hbm>>) dst(%arg11 : memref<16x1024xf32, #tpu.memory_space<vmem>>)
    %parallel_loop3A_97 = arith.constant 0 : i32
    %parallel_loop3A_98 = arith.constant 1024 : i32
    %parallel_loop3A_99 = arith.constant 1 : i32
    scf.for %parallel_loop3A_1194 = %parallel_loop3A_97 to %parallel_loop3A_98 step %parallel_loop3A_99  : i32 {
      %parallel_loop3A_1195 = arith.constant 64 : i32
      %parallel_loop3A_1196 = arith.divsi %parallel_loop3A_1194, %parallel_loop3A_1195 : i32
      %parallel_loop3A_1197 = arith.constant 0 : i32
      %parallel_loop3A_1198 = arith.cmpi sgt, %parallel_loop3A_1194, %parallel_loop3A_1197 : i32
      %parallel_loop3A_1199 = arith.extui %parallel_loop3A_1198 : i1 to i32
      %parallel_loop3A_1200 = arith.constant 0 : i32
      %parallel_loop3A_1201 = arith.cmpi slt, %parallel_loop3A_1194, %parallel_loop3A_1200 : i32
      %parallel_loop3A_1202 = arith.extui %parallel_loop3A_1201 : i1 to i32
      %parallel_loop3A_1203 = arith.subi %parallel_loop3A_1199, %parallel_loop3A_1202 : i32
      %parallel_loop3A_1204 = arith.constant 0 : i32
      %parallel_loop3A_1205 = arith.cmpi sgt, %parallel_loop3A_1195, %parallel_loop3A_1204 : i32
      %parallel_loop3A_1206 = arith.extui %parallel_loop3A_1205 : i1 to i32
      %parallel_loop3A_1207 = arith.constant 0 : i32
      %parallel_loop3A_1208 = arith.cmpi slt, %parallel_loop3A_1195, %parallel_loop3A_1207 : i32
      %parallel_loop3A_1209 = arith.extui %parallel_loop3A_1208 : i1 to i32
      %parallel_loop3A_1210 = arith.subi %parallel_loop3A_1206, %parallel_loop3A_1209 : i32
      %parallel_loop3A_1211 = arith.cmpi ne, %parallel_loop3A_1203, %parallel_loop3A_1210 : i32
      %parallel_loop3A_1212 = arith.remsi %parallel_loop3A_1194, %parallel_loop3A_1195 : i32
      %parallel_loop3A_1213 = arith.constant 0 : i32
      %parallel_loop3A_1214 = arith.cmpi ne, %parallel_loop3A_1212, %parallel_loop3A_1213 : i32
      %parallel_loop3A_1215 = arith.andi %parallel_loop3A_1211, %parallel_loop3A_1214 : i1
      %parallel_loop3A_1216 = arith.constant 1 : i32
      %parallel_loop3A_1217 = arith.subi %parallel_loop3A_1196, %parallel_loop3A_1216 : i32
      %parallel_loop3A_1218 = arith.select %parallel_loop3A_1215, %parallel_loop3A_1217, %parallel_loop3A_1196 : i32
      %parallel_loop3A_1219 = arith.constant 64 : i32
      %parallel_loop3A_1220 = arith.constant 0 : i32
      %parallel_loop3A_1221 = arith.cmpi eq, %parallel_loop3A_1219, %parallel_loop3A_1220 : i32
      %parallel_loop3A_1222 = arith.constant 1 : i32
      %parallel_loop3A_1223 = arith.select %parallel_loop3A_1221, %parallel_loop3A_1222, %parallel_loop3A_1219 : i32
      %parallel_loop3A_1224 = arith.remsi %parallel_loop3A_1194, %parallel_loop3A_1223 : i32
      %parallel_loop3A_1225 = arith.constant 0 : i32
      %parallel_loop3A_1226 = arith.cmpi ne, %parallel_loop3A_1224, %parallel_loop3A_1225 : i32
      %parallel_loop3A_1227 = arith.constant 0 : i32
      %parallel_loop3A_1228 = arith.cmpi slt, %parallel_loop3A_1224, %parallel_loop3A_1227 : i32
      %parallel_loop3A_1229 = arith.constant 0 : i32
      %parallel_loop3A_1230 = arith.cmpi slt, %parallel_loop3A_1223, %parallel_loop3A_1229 : i32
      %parallel_loop3A_1231 = arith.xori %parallel_loop3A_1228, %parallel_loop3A_1230 : i1
      %parallel_loop3A_1232 = arith.andi %parallel_loop3A_1231, %parallel_loop3A_1226 : i1
      %parallel_loop3A_1233 = arith.addi %parallel_loop3A_1224, %parallel_loop3A_1223 : i32
      %parallel_loop3A_1234 = arith.select %parallel_loop3A_1232, %parallel_loop3A_1233, %parallel_loop3A_1224 : i32
      %parallel_loop3A_1235 = arith.constant 16 : i32
      %parallel_loop3A_1236 = arith.muli %parallel_loop3A_1234, %parallel_loop3A_1235 : i32
      %parallel_loop3A_1237 = arith.index_cast %parallel_loop3A_1218 : i32 to index
      %parallel_loop3A_1238 = arith.index_cast %parallel_loop3A_1236 : i32 to index
      %parallel_loop3A_1239 = tpu.vector_load %arg11[%parallel_loop3A_1237, %parallel_loop3A_1238] {strides = array<i32>} : memref<16x1024xf32, #tpu.memory_space<vmem>>, vector<1x16xf32>,
      %parallel_loop3A_1240 = vector.shape_cast %parallel_loop3A_1239 : vector<1x16xf32> to vector<16xf32>
      %parallel_loop3A_1241 = arith.index_cast %parallel_loop3A_1218 : i32 to index
      %parallel_loop3A_1242 = arith.index_cast %parallel_loop3A_1236 : i32 to index
      %parallel_loop3A_1243 = tpu.vector_load %arg8[%parallel_loop3A_1241, %parallel_loop3A_1242] {strides = array<i32>} : memref<16x1024xf32, #tpu.memory_space<vmem>>, vector<1x16xf32>,
      %parallel_loop3A_1244 = vector.shape_cast %parallel_loop3A_1243 : vector<1x16xf32> to vector<16xf32>
      %parallel_loop3A_1245 = vector.shape_cast %parallel_loop3A_1240 : vector<16xf32> to vector<1x16xf32>
      tpu.vector_store %arg8[%parallel_loop3A_1241, %parallel_loop3A_1242], %parallel_loop3A_1245 {add = true, strides = array<i32>} : memref<16x1024xf32, #tpu.memory_space<vmem>>, vector<1x16xf32>,
    } {sc.loop_unroll_factor = 8 : i64, sc.parallel_access}
    %add3A_100 = arith.constant 16 : i32
    %add3A_101 = arith.addi %mul3A_2, %add3A_100 : i32
    %dma_start3A_102 = arith.constant 0 : i32
    %dma_start3A_103 = tpu.memref_slice %arg5[%add3A_101, %dma_start3A_102] : memref<16384x1024xf32, #tpu.memory_space<hbm>> -> memref<16x1024xf32, #tpu.memory_space<hbm>>
    %dma_start3A_104 = arith.constant 0 : i32
    %dma_start3A_105 = tpu.memref_slice %arg5[%add3A_101, %dma_start3A_104] : memref<16384x1024xf32, #tpu.memory_space<hbm>> -> memref<16x1024xf32, #tpu.memory_space<hbm>>
    tpu.enqueue_dma source(%arg8 : memref<16x1024xf32, #tpu.memory_space<vmem>>) target(%dma_start3A_105 : memref<16x1024xf32, #tpu.memory_space<hbm>>) target_semaphore(%arg20 : memref<!tpu.dma_semaphore, #tpu.memory_space<semaphore_mem>>)
    %dma_wait3A_106 = arith.constant 0 : i32
    %dma_wait3A_107 = tpu.memref_slice %arg5[%add3A_101, %dma_wait3A_106] : memref<16384x1024xf32, #tpu.memory_space<hbm>> -> memref<16x1024xf32, #tpu.memory_space<hbm>>
    %dma_wait3A_108 = arith.constant 0 : i32
    %dma_wait3A_109 = tpu.memref_slice %arg5[%add3A_101, %dma_wait3A_108] : memref<16384x1024xf32, #tpu.memory_space<hbm>> -> memref<16x1024xf32, #tpu.memory_space<hbm>>
    tpu.wait_dma2 semaphore(%arg20 : memref<!tpu.dma_semaphore, #tpu.memory_space<semaphore_mem>>) src(%arg8 : memref<16x1024xf32, #tpu.memory_space<vmem>>) dst(%dma_wait3A_109 : memref<16x1024xf32, #tpu.memory_space<hbm>>)
    %add3A_110 = arith.constant 64 : i32
    %add3A_111 = arith.addi %mul3A_2, %add3A_110 : i32
    %dma_start3A_112 = arith.constant 0 : i32
    %dma_start3A_113 = tpu.memref_slice %arg2[%add3A_111, %dma_start3A_112] : memref<16384x1024xf32, #tpu.memory_space<hbm>> -> memref<16x1024xf32, #tpu.memory_space<hbm>>
    %dma_start3A_114 = arith.constant 0 : i32
    %dma_start3A_115 = tpu.memref_slice %arg2[%add3A_111, %dma_start3A_114] : memref<16384x1024xf32, #tpu.memory_space<hbm>> -> memref<16x1024xf32, #tpu.memory_space<hbm>>
    tpu.enqueue_dma source(%dma_start3A_115 : memref<16x1024xf32, #tpu.memory_space<hbm>>) target(%arg8 : memref<16x1024xf32, #tpu.memory_space<vmem>>) target_semaphore(%arg14 : memref<!tpu.dma_semaphore, #tpu.memory_space<semaphore_mem>>)
    %dma_start3A_116 = arith.constant 4 : i32
    %dma_start3A_117 = arith.constant 0 : i32
    %dma_start3A_118 = tpu.memref_slice %arg6[%dma_start3A_116, %dma_start3A_117] : memref<32x16xi32, #tpu.memory_space<vmem>> -> memref<1x16xi32, #tpu.memory_space<vmem>>
    %dma_start3A_119 = tpu.memref_squeeze %dma_start3A_118 : memref<1x16xi32, #tpu.memory_space<vmem>> -> memref<16xi32, #tpu.memory_space<vmem>>
    %dma_start3A_120 = arith.constant 0 : i32
    %dma_start3A_121 = arith.constant 0 : i32
    %dma_start3A_122 = tpu.memref_slice %arg4[%dma_start3A_120, %dma_start3A_121] : memref<8192x1024xf32, #tpu.memory_space<hbm>> -> memref<8192x1024xf32, #tpu.memory_space<hbm>>
    tpu.enqueue_indirect_dma source(%dma_start3A_122 : memref<8192x1024xf32, #tpu.memory_space<hbm>>) target(%arg11 : memref<16x1024xf32, #tpu.memory_space<vmem>>) offsets(%dma_start3A_119 : memref<16xi32, #tpu.memory_space<vmem>>) semaphore(%arg17 : memref<!tpu.dma_semaphore, #tpu.memory_space<semaphore_mem>>)
    %dma_wait3A_123 = arith.constant 0 : i32
    %dma_wait3A_124 = tpu.memref_slice %arg2[%add3A_38, %dma_wait3A_123] : memref<16384x1024xf32, #tpu.memory_space<hbm>> -> memref<16x1024xf32, #tpu.memory_space<hbm>>
    %dma_wait3A_125 = arith.constant 0 : i32
    %dma_wait3A_126 = tpu.memref_slice %arg2[%add3A_38, %dma_wait3A_125] : memref<16384x1024xf32, #tpu.memory_space<hbm>> -> memref<16x1024xf32, #tpu.memory_space<hbm>>
    tpu.wait_dma2 semaphore(%arg15 : memref<!tpu.dma_semaphore, #tpu.memory_space<semaphore_mem>>) src(%dma_wait3A_126 : memref<16x1024xf32, #tpu.memory_space<hbm>>) dst(%arg9 : memref<16x1024xf32, #tpu.memory_space<vmem>>)
    %dma_wait3A_127 = arith.constant 2 : i32
    %dma_wait3A_128 = arith.constant 0 : i32
    %dma_wait3A_129 = tpu.memref_slice %arg6[%dma_wait3A_127, %dma_wait3A_128] : memref<32x16xi32, #tpu.memory_space<vmem>> -> memref<1x16xi32, #tpu.memory_space<vmem>>
    %dma_wait3A_130 = tpu.memref_squeeze %dma_wait3A_129 : memref<1x16xi32, #tpu.memory_space<vmem>> -> memref<16xi32, #tpu.memory_space<vmem>>
    %dma_wait3A_131 = arith.constant 0 : i32
    %dma_wait3A_132 = arith.constant 0 : i32
    %dma_wait3A_133 = tpu.memref_slice %arg4[%dma_wait3A_131, %dma_wait3A_132] : memref<8192x1024xf32, #tpu.memory_space<hbm>> -> memref<8192x1024xf32, #tpu.memory_space<hbm>>
    tpu.wait_indirect_dma semaphore(%arg18 : memref<!tpu.dma_semaphore, #tpu.memory_space<semaphore_mem>>) src(%dma_wait3A_133 : memref<8192x1024xf32, #tpu.memory_space<hbm>>) dst(%arg12 : memref<16x1024xf32, #tpu.memory_space<vmem>>)
    %parallel_loop3A_134 = arith.constant 0 : i32
    %parallel_loop3A_135 = arith.constant 1024 : i32
    %parallel_loop3A_136 = arith.constant 1 : i32
    scf.for %parallel_loop3A_1194 = %parallel_loop3A_134 to %parallel_loop3A_135 step %parallel_loop3A_136  : i32 {
      %parallel_loop3A_1195 = arith.constant 64 : i32
      %parallel_loop3A_1196 = arith.divsi %parallel_loop3A_1194, %parallel_loop3A_1195 : i32
      %parallel_loop3A_1197 = arith.constant 0 : i32
      %parallel_loop3A_1198 = arith.cmpi sgt, %parallel_loop3A_1194, %parallel_loop3A_1197 : i32
      %parallel_loop3A_1199 = arith.extui %parallel_loop3A_1198 : i1 to i32
      %parallel_loop3A_1200 = arith.constant 0 : i32
      %parallel_loop3A_1201 = arith.cmpi slt, %parallel_loop3A_1194, %parallel_loop3A_1200 : i32
      %parallel_loop3A_1202 = arith.extui %parallel_loop3A_1201 : i1 to i32
      %parallel_loop3A_1203 = arith.subi %parallel_loop3A_1199, %parallel_loop3A_1202 : i32
      %parallel_loop3A_1204 = arith.constant 0 : i32
      %parallel_loop3A_1205 = arith.cmpi sgt, %parallel_loop3A_1195, %parallel_loop3A_1204 : i32
      %parallel_loop3A_1206 = arith.extui %parallel_loop3A_1205 : i1 to i32
      %parallel_loop3A_1207 = arith.constant 0 : i32
      %parallel_loop3A_1208 = arith.cmpi slt, %parallel_loop3A_1195, %parallel_loop3A_1207 : i32
      %parallel_loop3A_1209 = arith.extui %parallel_loop3A_1208 : i1 to i32
      %parallel_loop3A_1210 = arith.subi %parallel_loop3A_1206, %parallel_loop3A_1209 : i32
      %parallel_loop3A_1211 = arith.cmpi ne, %parallel_loop3A_1203, %parallel_loop3A_1210 : i32
      %parallel_loop3A_1212 = arith.remsi %parallel_loop3A_1194, %parallel_loop3A_1195 : i32
      %parallel_loop3A_1213 = arith.constant 0 : i32
      %parallel_loop3A_1214 = arith.cmpi ne, %parallel_loop3A_1212, %parallel_loop3A_1213 : i32
      %parallel_loop3A_1215 = arith.andi %parallel_loop3A_1211, %parallel_loop3A_1214 : i1
      %parallel_loop3A_1216 = arith.constant 1 : i32
      %parallel_loop3A_1217 = arith.subi %parallel_loop3A_1196, %parallel_loop3A_1216 : i32
      %parallel_loop3A_1218 = arith.select %parallel_loop3A_1215, %parallel_loop3A_1217, %parallel_loop3A_1196 : i32
      %parallel_loop3A_1219 = arith.constant 64 : i32
      %parallel_loop3A_1220 = arith.constant 0 : i32
      %parallel_loop3A_1221 = arith.cmpi eq, %parallel_loop3A_1219, %parallel_loop3A_1220 : i32
      %parallel_loop3A_1222 = arith.constant 1 : i32
      %parallel_loop3A_1223 = arith.select %parallel_loop3A_1221, %parallel_loop3A_1222, %parallel_loop3A_1219 : i32
      %parallel_loop3A_1224 = arith.remsi %parallel_loop3A_1194, %parallel_loop3A_1223 : i32
      %parallel_loop3A_1225 = arith.constant 0 : i32
      %parallel_loop3A_1226 = arith.cmpi ne, %parallel_loop3A_1224, %parallel_loop3A_1225 : i32
      %parallel_loop3A_1227 = arith.constant 0 : i32
      %parallel_loop3A_1228 = arith.cmpi slt, %parallel_loop3A_1224, %parallel_loop3A_1227 : i32
      %parallel_loop3A_1229 = arith.constant 0 : i32
      %parallel_loop3A_1230 = arith.cmpi slt, %parallel_loop3A_1223, %parallel_loop3A_1229 : i32
      %parallel_loop3A_1231 = arith.xori %parallel_loop3A_1228, %parallel_loop3A_1230 : i1
      %parallel_loop3A_1232 = arith.andi %parallel_loop3A_1231, %parallel_loop3A_1226 : i1
      %parallel_loop3A_1233 = arith.addi %parallel_loop3A_1224, %parallel_loop3A_1223 : i32
      %parallel_loop3A_1234 = arith.select %parallel_loop3A_1232, %parallel_loop3A_1233, %parallel_loop3A_1224 : i32
      %parallel_loop3A_1235 = arith.constant 16 : i32
      %parallel_loop3A_1236 = arith.muli %parallel_loop3A_1234, %parallel_loop3A_1235 : i32
      %parallel_loop3A_1237 = arith.index_cast %parallel_loop3A_1218 : i32 to index
      %parallel_loop3A_1238 = arith.index_cast %parallel_loop3A_1236 : i32 to index
      %parallel_loop3A_1239 = tpu.vector_load %arg12[%parallel_loop3A_1237, %parallel_loop3A_1238] {strides = array<i32>} : memref<16x1024xf32, #tpu.memory_space<vmem>>, vector<1x16xf32>,
      %parallel_loop3A_1240 = vector.shape_cast %parallel_loop3A_1239 : vector<1x16xf32> to vector<16xf32>
      %parallel_loop3A_1241 = arith.index_cast %parallel_loop3A_1218 : i32 to index
      %parallel_loop3A_1242 = arith.index_cast %parallel_loop3A_1236 : i32 to index
      %parallel_loop3A_1243 = tpu.vector_load %arg9[%parallel_loop3A_1241, %parallel_loop3A_1242] {strides = array<i32>} : memref<16x1024xf32, #tpu.memory_space<vmem>>, vector<1x16xf32>,
      %parallel_loop3A_1244 = vector.shape_cast %parallel_loop3A_1243 : vector<1x16xf32> to vector<16xf32>
      %parallel_loop3A_1245 = vector.shape_cast %parallel_loop3A_1240 : vector<16xf32> to vector<1x16xf32>
      tpu.vector_store %arg9[%parallel_loop3A_1241, %parallel_loop3A_1242], %parallel_loop3A_1245 {add = true, strides = array<i32>} : memref<16x1024xf32, #tpu.memory_space<vmem>>, vector<1x16xf32>,
    } {sc.loop_unroll_factor = 8 : i64, sc.parallel_access}
    %add3A_137 = arith.constant 32 : i32
    %add3A_138 = arith.addi %mul3A_2, %add3A_137 : i32
    %dma_start3A_139 = arith.constant 0 : i32
    %dma_start3A_140 = tpu.memref_slice %arg5[%add3A_138, %dma_start3A_139] : memref<16384x1024xf32, #tpu.memory_space<hbm>> -> memref<16x1024xf32, #tpu.memory_space<hbm>>
    %dma_start3A_141 = arith.constant 0 : i32
    %dma_start3A_142 = tpu.memref_slice %arg5[%add3A_138, %dma_start3A_141] : memref<16384x1024xf32, #tpu.memory_space<hbm>> -> memref<16x1024xf32, #tpu.memory_space<hbm>>
    tpu.enqueue_dma source(%arg9 : memref<16x1024xf32, #tpu.memory_space<vmem>>) target(%dma_start3A_142 : memref<16x1024xf32, #tpu.memory_space<hbm>>) target_semaphore(%arg21 : memref<!tpu.dma_semaphore, #tpu.memory_space<semaphore_mem>>)
    %dma_wait3A_143 = arith.constant 0 : i32
    %dma_wait3A_144 = tpu.memref_slice %arg5[%add3A_138, %dma_wait3A_143] : memref<16384x1024xf32, #tpu.memory_space<hbm>> -> memref<16x1024xf32, #tpu.memory_space<hbm>>
    %dma_wait3A_145 = arith.constant 0 : i32
    %dma_wait3A_146 = tpu.memref_slice %arg5[%add3A_138, %dma_wait3A_145] : memref<16384x1024xf32, #tpu.memory_space<hbm>> -> memref<16x1024xf32, #tpu.memory_space<hbm>>
    tpu.wait_dma2 semaphore(%arg21 : memref<!tpu.dma_semaphore, #tpu.memory_space<semaphore_mem>>) src(%arg9 : memref<16x1024xf32, #tpu.memory_space<vmem>>) dst(%dma_wait3A_146 : memref<16x1024xf32, #tpu.memory_space<hbm>>)
    %add3A_147 = arith.constant 80 : i32
    %add3A_148 = arith.addi %mul3A_2, %add3A_147 : i32
    %dma_start3A_149 = arith.constant 0 : i32
    %dma_start3A_150 = tpu.memref_slice %arg2[%add3A_148, %dma_start3A_149] : memref<16384x1024xf32, #tpu.memory_space<hbm>> -> memref<16x1024xf32, #tpu.memory_space<hbm>>
    %dma_start3A_151 = arith.constant 0 : i32
    %dma_start3A_152 = tpu.memref_slice %arg2[%add3A_148, %dma_start3A_151] : memref<16384x1024xf32, #tpu.memory_space<hbm>> -> memref<16x1024xf32, #tpu.memory_space<hbm>>
    tpu.enqueue_dma source(%dma_start3A_152 : memref<16x1024xf32, #tpu.memory_space<hbm>>) target(%arg9 : memref<16x1024xf32, #tpu.memory_space<vmem>>) target_semaphore(%arg15 : memref<!tpu.dma_semaphore, #tpu.memory_space<semaphore_mem>>)
    %dma_start3A_153 = arith.constant 5 : i32
    %dma_start3A_154 = arith.constant 0 : i32
    %dma_start3A_155 = tpu.memref_slice %arg6[%dma_start3A_153, %dma_start3A_154] : memref<32x16xi32, #tpu.memory_space<vmem>> -> memref<1x16xi32, #tpu.memory_space<vmem>>
    %dma_start3A_156 = tpu.memref_squeeze %dma_start3A_155 : memref<1x16xi32, #tpu.memory_space<vmem>> -> memref<16xi32, #tpu.memory_space<vmem>>
    %dma_start3A_157 = arith.constant 0 : i32
    %dma_start3A_158 = arith.constant 0 : i32
    %dma_start3A_159 = tpu.memref_slice %arg4[%dma_start3A_157, %dma_start3A_158] : memref<8192x1024xf32, #tpu.memory_space<hbm>> -> memref<8192x1024xf32, #tpu.memory_space<hbm>>
    tpu.enqueue_indirect_dma source(%dma_start3A_159 : memref<8192x1024xf32, #tpu.memory_space<hbm>>) target(%arg12 : memref<16x1024xf32, #tpu.memory_space<vmem>>) offsets(%dma_start3A_156 : memref<16xi32, #tpu.memory_space<vmem>>) semaphore(%arg18 : memref<!tpu.dma_semaphore, #tpu.memory_space<semaphore_mem>>)
    %dma_wait3A_160 = arith.constant 0 : i32
    %dma_wait3A_161 = tpu.memref_slice %arg2[%add3A_74, %dma_wait3A_160] : memref<16384x1024xf32, #tpu.memory_space<hbm>> -> memref<16x1024xf32, #tpu.memory_space<hbm>>
    %dma_wait3A_162 = arith.constant 0 : i32
    %dma_wait3A_163 = tpu.memref_slice %arg2[%add3A_74, %dma_wait3A_162] : memref<16384x1024xf32, #tpu.memory_space<hbm>> -> memref<16x1024xf32, #tpu.memory_space<hbm>>
    tpu.wait_dma2 semaphore(%arg13 : memref<!tpu.dma_semaphore, #tpu.memory_space<semaphore_mem>>) src(%dma_wait3A_163 : memref<16x1024xf32, #tpu.memory_space<hbm>>) dst(%arg7 : memref<16x1024xf32, #tpu.memory_space<vmem>>)
    %dma_wait3A_164 = arith.constant 3 : i32
    %dma_wait3A_165 = arith.constant 0 : i32
    %dma_wait3A_166 = tpu.memref_slice %arg6[%dma_wait3A_164, %dma_wait3A_165] : memref<32x16xi32, #tpu.memory_space<vmem>> -> memref<1x16xi32, #tpu.memory_space<vmem>>
    %dma_wait3A_167 = tpu.memref_squeeze %dma_wait3A_166 : memref<1x16xi32, #tpu.memory_space<vmem>> -> memref<16xi32, #tpu.memory_space<vmem>>
    %dma_wait3A_168 = arith.constant 0 : i32
    %dma_wait3A_169 = arith.constant 0 : i32
    %dma_wait3A_170 = tpu.memref_slice %arg4[%dma_wait3A_168, %dma_wait3A_169] : memref<8192x1024xf32, #tpu.memory_space<hbm>> -> memref<8192x1024xf32, #tpu.memory_space<hbm>>
    tpu.wait_indirect_dma semaphore(%arg16 : memref<!tpu.dma_semaphore, #tpu.memory_space<semaphore_mem>>) src(%dma_wait3A_170 : memref<8192x1024xf32, #tpu.memory_space<hbm>>) dst(%arg10 : memref<16x1024xf32, #tpu.memory_space<vmem>>)
    %parallel_loop3A_171 = arith.constant 0 : i32
    %parallel_loop3A_172 = arith.constant 1024 : i32
    %parallel_loop3A_173 = arith.constant 1 : i32
    scf.for %parallel_loop3A_1194 = %parallel_loop3A_171 to %parallel_loop3A_172 step %parallel_loop3A_173  : i32 {
      %parallel_loop3A_1195 = arith.constant 64 : i32
      %parallel_loop3A_1196 = arith.divsi %parallel_loop3A_1194, %parallel_loop3A_1195 : i32
      %parallel_loop3A_1197 = arith.constant 0 : i32
      %parallel_loop3A_1198 = arith.cmpi sgt, %parallel_loop3A_1194, %parallel_loop3A_1197 : i32
      %parallel_loop3A_1199 = arith.extui %parallel_loop3A_1198 : i1 to i32
      %parallel_loop3A_1200 = arith.constant 0 : i32
      %parallel_loop3A_1201 = arith.cmpi slt, %parallel_loop3A_1194, %parallel_loop3A_1200 : i32
      %parallel_loop3A_1202 = arith.extui %parallel_loop3A_1201 : i1 to i32
      %parallel_loop3A_1203 = arith.subi %parallel_loop3A_1199, %parallel_loop3A_1202 : i32
      %parallel_loop3A_1204 = arith.constant 0 : i32
      %parallel_loop3A_1205 = arith.cmpi sgt, %parallel_loop3A_1195, %parallel_loop3A_1204 : i32
      %parallel_loop3A_1206 = arith.extui %parallel_loop3A_1205 : i1 to i32
      %parallel_loop3A_1207 = arith.constant 0 : i32
      %parallel_loop3A_1208 = arith.cmpi slt, %parallel_loop3A_1195, %parallel_loop3A_1207 : i32
      %parallel_loop3A_1209 = arith.extui %parallel_loop3A_1208 : i1 to i32
      %parallel_loop3A_1210 = arith.subi %parallel_loop3A_1206, %parallel_loop3A_1209 : i32
      %parallel_loop3A_1211 = arith.cmpi ne, %parallel_loop3A_1203, %parallel_loop3A_1210 : i32
      %parallel_loop3A_1212 = arith.remsi %parallel_loop3A_1194, %parallel_loop3A_1195 : i32
      %parallel_loop3A_1213 = arith.constant 0 : i32
      %parallel_loop3A_1214 = arith.cmpi ne, %parallel_loop3A_1212, %parallel_loop3A_1213 : i32
      %parallel_loop3A_1215 = arith.andi %parallel_loop3A_1211, %parallel_loop3A_1214 : i1
      %parallel_loop3A_1216 = arith.constant 1 : i32
      %parallel_loop3A_1217 = arith.subi %parallel_loop3A_1196, %parallel_loop3A_1216 : i32
      %parallel_loop3A_1218 = arith.select %parallel_loop3A_1215, %parallel_loop3A_1217, %parallel_loop3A_1196 : i32
      %parallel_loop3A_1219 = arith.constant 64 : i32
      %parallel_loop3A_1220 = arith.constant 0 : i32
      %parallel_loop3A_1221 = arith.cmpi eq, %parallel_loop3A_1219, %parallel_loop3A_1220 : i32
      %parallel_loop3A_1222 = arith.constant 1 : i32
      %parallel_loop3A_1223 = arith.select %parallel_loop3A_1221, %parallel_loop3A_1222, %parallel_loop3A_1219 : i32
      %parallel_loop3A_1224 = arith.remsi %parallel_loop3A_1194, %parallel_loop3A_1223 : i32
      %parallel_loop3A_1225 = arith.constant 0 : i32
      %parallel_loop3A_1226 = arith.cmpi ne, %parallel_loop3A_1224, %parallel_loop3A_1225 : i32
      %parallel_loop3A_1227 = arith.constant 0 : i32
      %parallel_loop3A_1228 = arith.cmpi slt, %parallel_loop3A_1224, %parallel_loop3A_1227 : i32
      %parallel_loop3A_1229 = arith.constant 0 : i32
      %parallel_loop3A_1230 = arith.cmpi slt, %parallel_loop3A_1223, %parallel_loop3A_1229 : i32
      %parallel_loop3A_1231 = arith.xori %parallel_loop3A_1228, %parallel_loop3A_1230 : i1
      %parallel_loop3A_1232 = arith.andi %parallel_loop3A_1231, %parallel_loop3A_1226 : i1
      %parallel_loop3A_1233 = arith.addi %parallel_loop3A_1224, %parallel_loop3A_1223 : i32
      %parallel_loop3A_1234 = arith.select %parallel_loop3A_1232, %parallel_loop3A_1233, %parallel_loop3A_1224 : i32
      %parallel_loop3A_1235 = arith.constant 16 : i32
      %parallel_loop3A_1236 = arith.muli %parallel_loop3A_1234, %parallel_loop3A_1235 : i32
      %parallel_loop3A_1237 = arith.index_cast %parallel_loop3A_1218 : i32 to index
      %parallel_loop3A_1238 = arith.index_cast %parallel_loop3A_1236 : i32 to index
      %parallel_loop3A_1239 = tpu.vector_load %arg10[%parallel_loop3A_1237, %parallel_loop3A_1238] {strides = array<i32>} : memref<16x1024xf32, #tpu.memory_space<vmem>>, vector<1x16xf32>,
      %parallel_loop3A_1240 = vector.shape_cast %parallel_loop3A_1239 : vector<1x16xf32> to vector<16xf32>
      %parallel_loop3A_1241 = arith.index_cast %parallel_loop3A_1218 : i32 to index
      %parallel_loop3A_1242 = arith.index_cast %parallel_loop3A_1236 : i32 to index
      %parallel_loop3A_1243 = tpu.vector_load %arg7[%parallel_loop3A_1241, %parallel_loop3A_1242] {strides = array<i32>} : memref<16x1024xf32, #tpu.memory_space<vmem>>, vector<1x16xf32>,
      %parallel_loop3A_1244 = vector.shape_cast %parallel_loop3A_1243 : vector<1x16xf32> to vector<16xf32>
      %parallel_loop3A_1245 = vector.shape_cast %parallel_loop3A_1240 : vector<16xf32> to vector<1x16xf32>
      tpu.vector_store %arg7[%parallel_loop3A_1241, %parallel_loop3A_1242], %parallel_loop3A_1245 {add = true, strides = array<i32>} : memref<16x1024xf32, #tpu.memory_space<vmem>>, vector<1x16xf32>,
    } {sc.loop_unroll_factor = 8 : i64, sc.parallel_access}
    %add3A_174 = arith.constant 48 : i32
    %add3A_175 = arith.addi %mul3A_2, %add3A_174 : i32
    %dma_start3A_176 = arith.constant 0 : i32
    %dma_start3A_177 = tpu.memref_slice %arg5[%add3A_175, %dma_start3A_176] : memref<16384x1024xf32, #tpu.memory_space<hbm>> -> memref<16x1024xf32, #tpu.memory_space<hbm>>
    %dma_start3A_178 = arith.constant 0 : i32
    %dma_start3A_179 = tpu.memref_slice %arg5[%add3A_175, %dma_start3A_178] : memref<16384x1024xf32, #tpu.memory_space<hbm>> -> memref<16x1024xf32, #tpu.memory_space<hbm>>
    tpu.enqueue_dma source(%arg7 : memref<16x1024xf32, #tpu.memory_space<vmem>>) target(%dma_start3A_179 : memref<16x1024xf32, #tpu.memory_space<hbm>>) target_semaphore(%arg19 : memref<!tpu.dma_semaphore, #tpu.memory_space<semaphore_mem>>)
    %dma_wait3A_180 = arith.constant 0 : i32
    %dma_wait3A_181 = tpu.memref_slice %arg5[%add3A_175, %dma_wait3A_180] : memref<16384x1024xf32, #tpu.memory_space<hbm>> -> memref<16x1024xf32, #tpu.memory_space<hbm>>
    %dma_wait3A_182 = arith.constant 0 : i32
    %dma_wait3A_183 = tpu.memref_slice %arg5[%add3A_175, %dma_wait3A_182] : memref<16384x1024xf32, #tpu.memory_space<hbm>> -> memref<16x1024xf32, #tpu.memory_space<hbm>>
    tpu.wait_dma2 semaphore(%arg19 : memref<!tpu.dma_semaphore, #tpu.memory_space<semaphore_mem>>) src(%arg7 : memref<16x1024xf32, #tpu.memory_space<vmem>>) dst(%dma_wait3A_183 : memref<16x1024xf32, #tpu.memory_space<hbm>>)
    %add3A_184 = arith.constant 96 : i32
    %add3A_185 = arith.addi %mul3A_2, %add3A_184 : i32
    %dma_start3A_186 = arith.constant 0 : i32
    %dma_start3A_187 = tpu.memref_slice %arg2[%add3A_185, %dma_start3A_186] : memref<16384x1024xf32, #tpu.memory_space<hbm>> -> memref<16x1024xf32, #tpu.memory_space<hbm>>
    %dma_start3A_188 = arith.constant 0 : i32
    %dma_start3A_189 = tpu.memref_slice %arg2[%add3A_185, %dma_start3A_188] : memref<16384x1024xf32, #tpu.memory_space<hbm>> -> memref<16x1024xf32, #tpu.memory_space<hbm>>
    tpu.enqueue_dma source(%dma_start3A_189 : memref<16x1024xf32, #tpu.memory_space<hbm>>) target(%arg7 : memref<16x1024xf32, #tpu.memory_space<vmem>>) target_semaphore(%arg13 : memref<!tpu.dma_semaphore, #tpu.memory_space<semaphore_mem>>)
    %dma_start3A_190 = arith.constant 6 : i32
    %dma_start3A_191 = arith.constant 0 : i32
    %dma_start3A_192 = tpu.memref_slice %arg6[%dma_start3A_190, %dma_start3A_191] : memref<32x16xi32, #tpu.memory_space<vmem>> -> memref<1x16xi32, #tpu.memory_space<vmem>>
    %dma_start3A_193 = tpu.memref_squeeze %dma_start3A_192 : memref<1x16xi32, #tpu.memory_space<vmem>> -> memref<16xi32, #tpu.memory_space<vmem>>
    %dma_start3A_194 = arith.constant 0 : i32
    %dma_start3A_195 = arith.constant 0 : i32
    %dma_start3A_196 = tpu.memref_slice %arg4[%dma_start3A_194, %dma_start3A_195] : memref<8192x1024xf32, #tpu.memory_space<hbm>> -> memref<8192x1024xf32, #tpu.memory_space<hbm>>
    tpu.enqueue_indirect_dma source(%dma_start3A_196 : memref<8192x1024xf32, #tpu.memory_space<hbm>>) target(%arg10 : memref<16x1024xf32, #tpu.memory_space<vmem>>) offsets(%dma_start3A_193 : memref<16xi32, #tpu.memory_space<vmem>>) semaphore(%arg16 : memref<!tpu.dma_semaphore, #tpu.memory_space<semaphore_mem>>)
    %dma_wait3A_197 = arith.constant 0 : i32
    %dma_wait3A_198 = tpu.memref_slice %arg2[%add3A_111, %dma_wait3A_197] : memref<16384x1024xf32, #tpu.memory_space<hbm>> -> memref<16x1024xf32, #tpu.memory_space<hbm>>
    %dma_wait3A_199 = arith.constant 0 : i32
    %dma_wait3A_200 = tpu.memref_slice %arg2[%add3A_111, %dma_wait3A_199] : memref<16384x1024xf32, #tpu.memory_space<hbm>> -> memref<16x1024xf32, #tpu.memory_space<hbm>>
    tpu.wait_dma2 semaphore(%arg14 : memref<!tpu.dma_semaphore, #tpu.memory_space<semaphore_mem>>) src(%dma_wait3A_200 : memref<16x1024xf32, #tpu.memory_space<hbm>>) dst(%arg8 : memref<16x1024xf32, #tpu.memory_space<vmem>>)
    %dma_wait3A_201 = arith.constant 4 : i32
    %dma_wait3A_202 = arith.constant 0 : i32
    %dma_wait3A_203 = tpu.memref_slice %arg6[%dma_wait3A_201, %dma_wait3A_202] : memref<32x16xi32, #tpu.memory_space<vmem>> -> memref<1x16xi32, #tpu.memory_space<vmem>>
    %dma_wait3A_204 = tpu.memref_squeeze %dma_wait3A_203 : memref<1x16xi32, #tpu.memory_space<vmem>> -> memref<16xi32, #tpu.memory_space<vmem>>
    %dma_wait3A_205 = arith.constant 0 : i32
    %dma_wait3A_206 = arith.constant 0 : i32
    %dma_wait3A_207 = tpu.memref_slice %arg4[%dma_wait3A_205, %dma_wait3A_206] : memref<8192x1024xf32, #tpu.memory_space<hbm>> -> memref<8192x1024xf32, #tpu.memory_space<hbm>>
    tpu.wait_indirect_dma semaphore(%arg17 : memref<!tpu.dma_semaphore, #tpu.memory_space<semaphore_mem>>) src(%dma_wait3A_207 : memref<8192x1024xf32, #tpu.memory_space<hbm>>) dst(%arg11 : memref<16x1024xf32, #tpu.memory_space<vmem>>)
    %parallel_loop3A_208 = arith.constant 0 : i32
    %parallel_loop3A_209 = arith.constant 1024 : i32
    %parallel_loop3A_210 = arith.constant 1 : i32
    scf.for %parallel_loop3A_1194 = %parallel_loop3A_208 to %parallel_loop3A_209 step %parallel_loop3A_210  : i32 {
      %parallel_loop3A_1195 = arith.constant 64 : i32
      %parallel_loop3A_1196 = arith.divsi %parallel_loop3A_1194, %parallel_loop3A_1195 : i32
      %parallel_loop3A_1197 = arith.constant 0 : i32
      %parallel_loop3A_1198 = arith.cmpi sgt, %parallel_loop3A_1194, %parallel_loop3A_1197 : i32
      %parallel_loop3A_1199 = arith.extui %parallel_loop3A_1198 : i1 to i32
      %parallel_loop3A_1200 = arith.constant 0 : i32
      %parallel_loop3A_1201 = arith.cmpi slt, %parallel_loop3A_1194, %parallel_loop3A_1200 : i32
      %parallel_loop3A_1202 = arith.extui %parallel_loop3A_1201 : i1 to i32
      %parallel_loop3A_1203 = arith.subi %parallel_loop3A_1199, %parallel_loop3A_1202 : i32
      %parallel_loop3A_1204 = arith.constant 0 : i32
      %parallel_loop3A_1205 = arith.cmpi sgt, %parallel_loop3A_1195, %parallel_loop3A_1204 : i32
      %parallel_loop3A_1206 = arith.extui %parallel_loop3A_1205 : i1 to i32
      %parallel_loop3A_1207 = arith.constant 0 : i32
      %parallel_loop3A_1208 = arith.cmpi slt, %parallel_loop3A_1195, %parallel_loop3A_1207 : i32
      %parallel_loop3A_1209 = arith.extui %parallel_loop3A_1208 : i1 to i32
      %parallel_loop3A_1210 = arith.subi %parallel_loop3A_1206, %parallel_loop3A_1209 : i32
      %parallel_loop3A_1211 = arith.cmpi ne, %parallel_loop3A_1203, %parallel_loop3A_1210 : i32
      %parallel_loop3A_1212 = arith.remsi %parallel_loop3A_1194, %parallel_loop3A_1195 : i32
      %parallel_loop3A_1213 = arith.constant 0 : i32
      %parallel_loop3A_1214 = arith.cmpi ne, %parallel_loop3A_1212, %parallel_loop3A_1213 : i32
      %parallel_loop3A_1215 = arith.andi %parallel_loop3A_1211, %parallel_loop3A_1214 : i1
      %parallel_loop3A_1216 = arith.constant 1 : i32
      %parallel_loop3A_1217 = arith.subi %parallel_loop3A_1196, %parallel_loop3A_1216 : i32
      %parallel_loop3A_1218 = arith.select %parallel_loop3A_1215, %parallel_loop3A_1217, %parallel_loop3A_1196 : i32
      %parallel_loop3A_1219 = arith.constant 64 : i32
      %parallel_loop3A_1220 = arith.constant 0 : i32
      %parallel_loop3A_1221 = arith.cmpi eq, %parallel_loop3A_1219, %parallel_loop3A_1220 : i32
      %parallel_loop3A_1222 = arith.constant 1 : i32
      %parallel_loop3A_1223 = arith.select %parallel_loop3A_1221, %parallel_loop3A_1222, %parallel_loop3A_1219 : i32
      %parallel_loop3A_1224 = arith.remsi %parallel_loop3A_1194, %parallel_loop3A_1223 : i32
      %parallel_loop3A_1225 = arith.constant 0 : i32
      %parallel_loop3A_1226 = arith.cmpi ne, %parallel_loop3A_1224, %parallel_loop3A_1225 : i32
      %parallel_loop3A_1227 = arith.constant 0 : i32
      %parallel_loop3A_1228 = arith.cmpi slt, %parallel_loop3A_1224, %parallel_loop3A_1227 : i32
      %parallel_loop3A_1229 = arith.constant 0 : i32
      %parallel_loop3A_1230 = arith.cmpi slt, %parallel_loop3A_1223, %parallel_loop3A_1229 : i32
      %parallel_loop3A_1231 = arith.xori %parallel_loop3A_1228, %parallel_loop3A_1230 : i1
      %parallel_loop3A_1232 = arith.andi %parallel_loop3A_1231, %parallel_loop3A_1226 : i1
      %parallel_loop3A_1233 = arith.addi %parallel_loop3A_1224, %parallel_loop3A_1223 : i32
      %parallel_loop3A_1234 = arith.select %parallel_loop3A_1232, %parallel_loop3A_1233, %parallel_loop3A_1224 : i32
      %parallel_loop3A_1235 = arith.constant 16 : i32
      %parallel_loop3A_1236 = arith.muli %parallel_loop3A_1234, %parallel_loop3A_1235 : i32
      %parallel_loop3A_1237 = arith.index_cast %parallel_loop3A_1218 : i32 to index
      %parallel_loop3A_1238 = arith.index_cast %parallel_loop3A_1236 : i32 to index
      %parallel_loop3A_1239 = tpu.vector_load %arg11[%parallel_loop3A_1237, %parallel_loop3A_1238] {strides = array<i32>} : memref<16x1024xf32, #tpu.memory_space<vmem>>, vector<1x16xf32>,
      %parallel_loop3A_1240 = vector.shape_cast %parallel_loop3A_1239 : vector<1x16xf32> to vector<16xf32>
      %parallel_loop3A_1241 = arith.index_cast %parallel_loop3A_1218 : i32 to index
      %parallel_loop3A_1242 = arith.index_cast %parallel_loop3A_1236 : i32 to index
      %parallel_loop3A_1243 = tpu.vector_load %arg8[%parallel_loop3A_1241, %parallel_loop3A_1242] {strides = array<i32>} : memref<16x1024xf32, #tpu.memory_space<vmem>>, vector<1x16xf32>,
      %parallel_loop3A_1244 = vector.shape_cast %parallel_loop3A_1243 : vector<1x16xf32> to vector<16xf32>
      %parallel_loop3A_1245 = vector.shape_cast %parallel_loop3A_1240 : vector<16xf32> to vector<1x16xf32>
      tpu.vector_store %arg8[%parallel_loop3A_1241, %parallel_loop3A_1242], %parallel_loop3A_1245 {add = true, strides = array<i32>} : memref<16x1024xf32, #tpu.memory_space<vmem>>, vector<1x16xf32>,
    } {sc.loop_unroll_factor = 8 : i64, sc.parallel_access}
    %add3A_211 = arith.constant 64 : i32
    %add3A_212 = arith.addi %mul3A_2, %add3A_211 : i32
    %dma_start3A_213 = arith.constant 0 : i32
    %dma_start3A_214 = tpu.memref_slice %arg5[%add3A_212, %dma_start3A_213] : memref<16384x1024xf32, #tpu.memory_space<hbm>> -> memref<16x1024xf32, #tpu.memory_space<hbm>>
    %dma_start3A_215 = arith.constant 0 : i32
    %dma_start3A_216 = tpu.memref_slice %arg5[%add3A_212, %dma_start3A_215] : memref<16384x1024xf32, #tpu.memory_space<hbm>> -> memref<16x1024xf32, #tpu.memory_space<hbm>>
    tpu.enqueue_dma source(%arg8 : memref<16x1024xf32, #tpu.memory_space<vmem>>) target(%dma_start3A_216 : memref<16x1024xf32, #tpu.memory_space<hbm>>) target_semaphore(%arg20 : memref<!tpu.dma_semaphore, #tpu.memory_space<semaphore_mem>>)
    %dma_wait3A_217 = arith.constant 0 : i32
    %dma_wait3A_218 = tpu.memref_slice %arg5[%add3A_212, %dma_wait3A_217] : memref<16384x1024xf32, #tpu.memory_space<hbm>> -> memref<16x1024xf32, #tpu.memory_space<hbm>>
    %dma_wait3A_219 = arith.constant 0 : i32
    %dma_wait3A_220 = tpu.memref_slice %arg5[%add3A_212, %dma_wait3A_219] : memref<16384x1024xf32, #tpu.memory_space<hbm>> -> memref<16x1024xf32, #tpu.memory_space<hbm>>
    tpu.wait_dma2 semaphore(%arg20 : memref<!tpu.dma_semaphore, #tpu.memory_space<semaphore_mem>>) src(%arg8 : memref<16x1024xf32, #tpu.memory_space<vmem>>) dst(%dma_wait3A_220 : memref<16x1024xf32, #tpu.memory_space<hbm>>)
    %add3A_221 = arith.constant 112 : i32
    %add3A_222 = arith.addi %mul3A_2, %add3A_221 : i32
    %dma_start3A_223 = arith.constant 0 : i32
    %dma_start3A_224 = tpu.memref_slice %arg2[%add3A_222, %dma_start3A_223] : memref<16384x1024xf32, #tpu.memory_space<hbm>> -> memref<16x1024xf32, #tpu.memory_space<hbm>>
    %dma_start3A_225 = arith.constant 0 : i32
    %dma_start3A_226 = tpu.memref_slice %arg2[%add3A_222, %dma_start3A_225] : memref<16384x1024xf32, #tpu.memory_space<hbm>> -> memref<16x1024xf32, #tpu.memory_space<hbm>>
    tpu.enqueue_dma source(%dma_start3A_226 : memref<16x1024xf32, #tpu.memory_space<hbm>>) target(%arg8 : memref<16x1024xf32, #tpu.memory_space<vmem>>) target_semaphore(%arg14 : memref<!tpu.dma_semaphore, #tpu.memory_space<semaphore_mem>>)
    %dma_start3A_227 = arith.constant 7 : i32
    %dma_start3A_228 = arith.constant 0 : i32
    %dma_start3A_229 = tpu.memref_slice %arg6[%dma_start3A_227, %dma_start3A_228] : memref<32x16xi32, #tpu.memory_space<vmem>> -> memref<1x16xi32, #tpu.memory_space<vmem>>
    %dma_start3A_230 = tpu.memref_squeeze %dma_start3A_229 : memref<1x16xi32, #tpu.memory_space<vmem>> -> memref<16xi32, #tpu.memory_space<vmem>>
    %dma_start3A_231 = arith.constant 0 : i32
    %dma_start3A_232 = arith.constant 0 : i32
    %dma_start3A_233 = tpu.memref_slice %arg4[%dma_start3A_231, %dma_start3A_232] : memref<8192x1024xf32, #tpu.memory_space<hbm>> -> memref<8192x1024xf32, #tpu.memory_space<hbm>>
    tpu.enqueue_indirect_dma source(%dma_start3A_233 : memref<8192x1024xf32, #tpu.memory_space<hbm>>) target(%arg11 : memref<16x1024xf32, #tpu.memory_space<vmem>>) offsets(%dma_start3A_230 : memref<16xi32, #tpu.memory_space<vmem>>) semaphore(%arg17 : memref<!tpu.dma_semaphore, #tpu.memory_space<semaphore_mem>>)
    %dma_wait3A_234 = arith.constant 0 : i32
    %dma_wait3A_235 = tpu.memref_slice %arg2[%add3A_148, %dma_wait3A_234] : memref<16384x1024xf32, #tpu.memory_space<hbm>> -> memref<16x1024xf32, #tpu.memory_space<hbm>>
    %dma_wait3A_236 = arith.constant 0 : i32
    %dma_wait3A_237 = tpu.memref_slice %arg2[%add3A_148, %dma_wait3A_236] : memref<16384x1024xf32, #tpu.memory_space<hbm>> -> memref<16x1024xf32, #tpu.memory_space<hbm>>
    tpu.wait_dma2 semaphore(%arg15 : memref<!tpu.dma_semaphore, #tpu.memory_space<semaphore_mem>>) src(%dma_wait3A_237 : memref<16x1024xf32, #tpu.memory_space<hbm>>) dst(%arg9 : memref<16x1024xf32, #tpu.memory_space<vmem>>)
    %dma_wait3A_238 = arith.constant 5 : i32
    %dma_wait3A_239 = arith.constant 0 : i32
    %dma_wait3A_240 = tpu.memref_slice %arg6[%dma_wait3A_238, %dma_wait3A_239] : memref<32x16xi32, #tpu.memory_space<vmem>> -> memref<1x16xi32, #tpu.memory_space<vmem>>
    %dma_wait3A_241 = tpu.memref_squeeze %dma_wait3A_240 : memref<1x16xi32, #tpu.memory_space<vmem>> -> memref<16xi32, #tpu.memory_space<vmem>>
    %dma_wait3A_242 = arith.constant 0 : i32
    %dma_wait3A_243 = arith.constant 0 : i32
    %dma_wait3A_244 = tpu.memref_slice %arg4[%dma_wait3A_242, %dma_wait3A_243] : memref<8192x1024xf32, #tpu.memory_space<hbm>> -> memref<8192x1024xf32, #tpu.memory_space<hbm>>
    tpu.wait_indirect_dma semaphore(%arg18 : memref<!tpu.dma_semaphore, #tpu.memory_space<semaphore_mem>>) src(%dma_wait3A_244 : memref<8192x1024xf32, #tpu.memory_space<hbm>>) dst(%arg12 : memref<16x1024xf32, #tpu.memory_space<vmem>>)
    %parallel_loop3A_245 = arith.constant 0 : i32
    %parallel_loop3A_246 = arith.constant 1024 : i32
    %parallel_loop3A_247 = arith.constant 1 : i32
    scf.for %parallel_loop3A_1194 = %parallel_loop3A_245 to %parallel_loop3A_246 step %parallel_loop3A_247  : i32 {
      %parallel_loop3A_1195 = arith.constant 64 : i32
      %parallel_loop3A_1196 = arith.divsi %parallel_loop3A_1194, %parallel_loop3A_1195 : i32
      %parallel_loop3A_1197 = arith.constant 0 : i32
      %parallel_loop3A_1198 = arith.cmpi sgt, %parallel_loop3A_1194, %parallel_loop3A_1197 : i32
      %parallel_loop3A_1199 = arith.extui %parallel_loop3A_1198 : i1 to i32
      %parallel_loop3A_1200 = arith.constant 0 : i32
      %parallel_loop3A_1201 = arith.cmpi slt, %parallel_loop3A_1194, %parallel_loop3A_1200 : i32
      %parallel_loop3A_1202 = arith.extui %parallel_loop3A_1201 : i1 to i32
      %parallel_loop3A_1203 = arith.subi %parallel_loop3A_1199, %parallel_loop3A_1202 : i32
      %parallel_loop3A_1204 = arith.constant 0 : i32
      %parallel_loop3A_1205 = arith.cmpi sgt, %parallel_loop3A_1195, %parallel_loop3A_1204 : i32
      %parallel_loop3A_1206 = arith.extui %parallel_loop3A_1205 : i1 to i32
      %parallel_loop3A_1207 = arith.constant 0 : i32
      %parallel_loop3A_1208 = arith.cmpi slt, %parallel_loop3A_1195, %parallel_loop3A_1207 : i32
      %parallel_loop3A_1209 = arith.extui %parallel_loop3A_1208 : i1 to i32
      %parallel_loop3A_1210 = arith.subi %parallel_loop3A_1206, %parallel_loop3A_1209 : i32
      %parallel_loop3A_1211 = arith.cmpi ne, %parallel_loop3A_1203, %parallel_loop3A_1210 : i32
      %parallel_loop3A_1212 = arith.remsi %parallel_loop3A_1194, %parallel_loop3A_1195 : i32
      %parallel_loop3A_1213 = arith.constant 0 : i32
      %parallel_loop3A_1214 = arith.cmpi ne, %parallel_loop3A_1212, %parallel_loop3A_1213 : i32
      %parallel_loop3A_1215 = arith.andi %parallel_loop3A_1211, %parallel_loop3A_1214 : i1
      %parallel_loop3A_1216 = arith.constant 1 : i32
      %parallel_loop3A_1217 = arith.subi %parallel_loop3A_1196, %parallel_loop3A_1216 : i32
      %parallel_loop3A_1218 = arith.select %parallel_loop3A_1215, %parallel_loop3A_1217, %parallel_loop3A_1196 : i32
      %parallel_loop3A_1219 = arith.constant 64 : i32
      %parallel_loop3A_1220 = arith.constant 0 : i32
      %parallel_loop3A_1221 = arith.cmpi eq, %parallel_loop3A_1219, %parallel_loop3A_1220 : i32
      %parallel_loop3A_1222 = arith.constant 1 : i32
      %parallel_loop3A_1223 = arith.select %parallel_loop3A_1221, %parallel_loop3A_1222, %parallel_loop3A_1219 : i32
      %parallel_loop3A_1224 = arith.remsi %parallel_loop3A_1194, %parallel_loop3A_1223 : i32
      %parallel_loop3A_1225 = arith.constant 0 : i32
      %parallel_loop3A_1226 = arith.cmpi ne, %parallel_loop3A_1224, %parallel_loop3A_1225 : i32
      %parallel_loop3A_1227 = arith.constant 0 : i32
      %parallel_loop3A_1228 = arith.cmpi slt, %parallel_loop3A_1224, %parallel_loop3A_1227 : i32
      %parallel_loop3A_1229 = arith.constant 0 : i32
      %parallel_loop3A_1230 = arith.cmpi slt, %parallel_loop3A_1223, %parallel_loop3A_1229 : i32
      %parallel_loop3A_1231 = arith.xori %parallel_loop3A_1228, %parallel_loop3A_1230 : i1
      %parallel_loop3A_1232 = arith.andi %parallel_loop3A_1231, %parallel_loop3A_1226 : i1
      %parallel_loop3A_1233 = arith.addi %parallel_loop3A_1224, %parallel_loop3A_1223 : i32
      %parallel_loop3A_1234 = arith.select %parallel_loop3A_1232, %parallel_loop3A_1233, %parallel_loop3A_1224 : i32
      %parallel_loop3A_1235 = arith.constant 16 : i32
      %parallel_loop3A_1236 = arith.muli %parallel_loop3A_1234, %parallel_loop3A_1235 : i32
      %parallel_loop3A_1237 = arith.index_cast %parallel_loop3A_1218 : i32 to index
      %parallel_loop3A_1238 = arith.index_cast %parallel_loop3A_1236 : i32 to index
      %parallel_loop3A_1239 = tpu.vector_load %arg12[%parallel_loop3A_1237, %parallel_loop3A_1238] {strides = array<i32>} : memref<16x1024xf32, #tpu.memory_space<vmem>>, vector<1x16xf32>,
      %parallel_loop3A_1240 = vector.shape_cast %parallel_loop3A_1239 : vector<1x16xf32> to vector<16xf32>
      %parallel_loop3A_1241 = arith.index_cast %parallel_loop3A_1218 : i32 to index
      %parallel_loop3A_1242 = arith.index_cast %parallel_loop3A_1236 : i32 to index
      %parallel_loop3A_1243 = tpu.vector_load %arg9[%parallel_loop3A_1241, %parallel_loop3A_1242] {strides = array<i32>} : memref<16x1024xf32, #tpu.memory_space<vmem>>, vector<1x16xf32>,
      %parallel_loop3A_1244 = vector.shape_cast %parallel_loop3A_1243 : vector<1x16xf32> to vector<16xf32>
      %parallel_loop3A_1245 = vector.shape_cast %parallel_loop3A_1240 : vector<16xf32> to vector<1x16xf32>
      tpu.vector_store %arg9[%parallel_loop3A_1241, %parallel_loop3A_1242], %parallel_loop3A_1245 {add = true, strides = array<i32>} : memref<16x1024xf32, #tpu.memory_space<vmem>>, vector<1x16xf32>,
    } {sc.loop_unroll_factor = 8 : i64, sc.parallel_access}
    %add3A_248 = arith.constant 80 : i32
    %add3A_249 = arith.addi %mul3A_2, %add3A_248 : i32
    %dma_start3A_250 = arith.constant 0 : i32
    %dma_start3A_251 = tpu.memref_slice %arg5[%add3A_249, %dma_start3A_250] : memref<16384x1024xf32, #tpu.memory_space<hbm>> -> memref<16x1024xf32, #tpu.memory_space<hbm>>
    %dma_start3A_252 = arith.constant 0 : i32
    %dma_start3A_253 = tpu.memref_slice %arg5[%add3A_249, %dma_start3A_252] : memref<16384x1024xf32, #tpu.memory_space<hbm>> -> memref<16x1024xf32, #tpu.memory_space<hbm>>
    tpu.enqueue_dma source(%arg9 : memref<16x1024xf32, #tpu.memory_space<vmem>>) target(%dma_start3A_253 : memref<16x1024xf32, #tpu.memory_space<hbm>>) target_semaphore(%arg21 : memref<!tpu.dma_semaphore, #tpu.memory_space<semaphore_mem>>)
    %dma_wait3A_254 = arith.constant 0 : i32
    %dma_wait3A_255 = tpu.memref_slice %arg5[%add3A_249, %dma_wait3A_254] : memref<16384x1024xf32, #tpu.memory_space<hbm>> -> memref<16x1024xf32, #tpu.memory_space<hbm>>
    %dma_wait3A_256 = arith.constant 0 : i32
    %dma_wait3A_257 = tpu.memref_slice %arg5[%add3A_249, %dma_wait3A_256] : memref<16384x1024xf32, #tpu.memory_space<hbm>> -> memref<16x1024xf32, #tpu.memory_space<hbm>>
    tpu.wait_dma2 semaphore(%arg21 : memref<!tpu.dma_semaphore, #tpu.memory_space<semaphore_mem>>) src(%arg9 : memref<16x1024xf32, #tpu.memory_space<vmem>>) dst(%dma_wait3A_257 : memref<16x1024xf32, #tpu.memory_space<hbm>>)
    %add3A_258 = arith.constant 128 : i32
    %add3A_259 = arith.addi %mul3A_2, %add3A_258 : i32
    %dma_start3A_260 = arith.constant 0 : i32
    %dma_start3A_261 = tpu.memref_slice %arg2[%add3A_259, %dma_start3A_260] : memref<16384x1024xf32, #tpu.memory_space<hbm>> -> memref<16x1024xf32, #tpu.memory_space<hbm>>
    %dma_start3A_262 = arith.constant 0 : i32
    %dma_start3A_263 = tpu.memref_slice %arg2[%add3A_259, %dma_start3A_262] : memref<16384x1024xf32, #tpu.memory_space<hbm>> -> memref<16x1024xf32, #tpu.memory_space<hbm>>
    tpu.enqueue_dma source(%dma_start3A_263 : memref<16x1024xf32, #tpu.memory_space<hbm>>) target(%arg9 : memref<16x1024xf32, #tpu.memory_space<vmem>>) target_semaphore(%arg15 : memref<!tpu.dma_semaphore, #tpu.memory_space<semaphore_mem>>)
    %dma_start3A_264 = arith.constant 8 : i32
    %dma_start3A_265 = arith.constant 0 : i32
    %dma_start3A_266 = tpu.memref_slice %arg6[%dma_start3A_264, %dma_start3A_265] : memref<32x16xi32, #tpu.memory_space<vmem>> -> memref<1x16xi32, #tpu.memory_space<vmem>>
    %dma_start3A_267 = tpu.memref_squeeze %dma_start3A_266 : memref<1x16xi32, #tpu.memory_space<vmem>> -> memref<16xi32, #tpu.memory_space<vmem>>
    %dma_start3A_268 = arith.constant 0 : i32
    %dma_start3A_269 = arith.constant 0 : i32
    %dma_start3A_270 = tpu.memref_slice %arg4[%dma_start3A_268, %dma_start3A_269] : memref<8192x1024xf32, #tpu.memory_space<hbm>> -> memref<8192x1024xf32, #tpu.memory_space<hbm>>
    tpu.enqueue_indirect_dma source(%dma_start3A_270 : memref<8192x1024xf32, #tpu.memory_space<hbm>>) target(%arg12 : memref<16x1024xf32, #tpu.memory_space<vmem>>) offsets(%dma_start3A_267 : memref<16xi32, #tpu.memory_space<vmem>>) semaphore(%arg18 : memref<!tpu.dma_semaphore, #tpu.memory_space<semaphore_mem>>)
    %dma_wait3A_271 = arith.constant 0 : i32
    %dma_wait3A_272 = tpu.memref_slice %arg2[%add3A_185, %dma_wait3A_271] : memref<16384x1024xf32, #tpu.memory_space<hbm>> -> memref<16x1024xf32, #tpu.memory_space<hbm>>
    %dma_wait3A_273 = arith.constant 0 : i32
    %dma_wait3A_274 = tpu.memref_slice %arg2[%add3A_185, %dma_wait3A_273] : memref<16384x1024xf32, #tpu.memory_space<hbm>> -> memref<16x1024xf32, #tpu.memory_space<hbm>>
    tpu.wait_dma2 semaphore(%arg13 : memref<!tpu.dma_semaphore, #tpu.memory_space<semaphore_mem>>) src(%dma_wait3A_274 : memref<16x1024xf32, #tpu.memory_space<hbm>>) dst(%arg7 : memref<16x1024xf32, #tpu.memory_space<vmem>>)
    %dma_wait3A_275 = arith.constant 6 : i32
    %dma_wait3A_276 = arith.constant 0 : i32
    %dma_wait3A_277 = tpu.memref_slice %arg6[%dma_wait3A_275, %dma_wait3A_276] : memref<32x16xi32, #tpu.memory_space<vmem>> -> memref<1x16xi32, #tpu.memory_space<vmem>>
    %dma_wait3A_278 = tpu.memref_squeeze %dma_wait3A_277 : memref<1x16xi32, #tpu.memory_space<vmem>> -> memref<16xi32, #tpu.memory_space<vmem>>
    %dma_wait3A_279 = arith.constant 0 : i32
    %dma_wait3A_280 = arith.constant 0 : i32
    %dma_wait3A_281 = tpu.memref_slice %arg4[%dma_wait3A_279, %dma_wait3A_280] : memref<8192x1024xf32, #tpu.memory_space<hbm>> -> memref<8192x1024xf32, #tpu.memory_space<hbm>>
    tpu.wait_indirect_dma semaphore(%arg16 : memref<!tpu.dma_semaphore, #tpu.memory_space<semaphore_mem>>) src(%dma_wait3A_281 : memref<8192x1024xf32, #tpu.memory_space<hbm>>) dst(%arg10 : memref<16x1024xf32, #tpu.memory_space<vmem>>)
    %parallel_loop3A_282 = arith.constant 0 : i32
    %parallel_loop3A_283 = arith.constant 1024 : i32
    %parallel_loop3A_284 = arith.constant 1 : i32
    scf.for %parallel_loop3A_1194 = %parallel_loop3A_282 to %parallel_loop3A_283 step %parallel_loop3A_284  : i32 {
      %parallel_loop3A_1195 = arith.constant 64 : i32
      %parallel_loop3A_1196 = arith.divsi %parallel_loop3A_1194, %parallel_loop3A_1195 : i32
      %parallel_loop3A_1197 = arith.constant 0 : i32
      %parallel_loop3A_1198 = arith.cmpi sgt, %parallel_loop3A_1194, %parallel_loop3A_1197 : i32
      %parallel_loop3A_1199 = arith.extui %parallel_loop3A_1198 : i1 to i32
      %parallel_loop3A_1200 = arith.constant 0 : i32
      %parallel_loop3A_1201 = arith.cmpi slt, %parallel_loop3A_1194, %parallel_loop3A_1200 : i32
      %parallel_loop3A_1202 = arith.extui %parallel_loop3A_1201 : i1 to i32
      %parallel_loop3A_1203 = arith.subi %parallel_loop3A_1199, %parallel_loop3A_1202 : i32
      %parallel_loop3A_1204 = arith.constant 0 : i32
      %parallel_loop3A_1205 = arith.cmpi sgt, %parallel_loop3A_1195, %parallel_loop3A_1204 : i32
      %parallel_loop3A_1206 = arith.extui %parallel_loop3A_1205 : i1 to i32
      %parallel_loop3A_1207 = arith.constant 0 : i32
      %parallel_loop3A_1208 = arith.cmpi slt, %parallel_loop3A_1195, %parallel_loop3A_1207 : i32
      %parallel_loop3A_1209 = arith.extui %parallel_loop3A_1208 : i1 to i32
      %parallel_loop3A_1210 = arith.subi %parallel_loop3A_1206, %parallel_loop3A_1209 : i32
      %parallel_loop3A_1211 = arith.cmpi ne, %parallel_loop3A_1203, %parallel_loop3A_1210 : i32
      %parallel_loop3A_1212 = arith.remsi %parallel_loop3A_1194, %parallel_loop3A_1195 : i32
      %parallel_loop3A_1213 = arith.constant 0 : i32
      %parallel_loop3A_1214 = arith.cmpi ne, %parallel_loop3A_1212, %parallel_loop3A_1213 : i32
      %parallel_loop3A_1215 = arith.andi %parallel_loop3A_1211, %parallel_loop3A_1214 : i1
      %parallel_loop3A_1216 = arith.constant 1 : i32
      %parallel_loop3A_1217 = arith.subi %parallel_loop3A_1196, %parallel_loop3A_1216 : i32
      %parallel_loop3A_1218 = arith.select %parallel_loop3A_1215, %parallel_loop3A_1217, %parallel_loop3A_1196 : i32
      %parallel_loop3A_1219 = arith.constant 64 : i32
      %parallel_loop3A_1220 = arith.constant 0 : i32
      %parallel_loop3A_1221 = arith.cmpi eq, %parallel_loop3A_1219, %parallel_loop3A_1220 : i32
      %parallel_loop3A_1222 = arith.constant 1 : i32
      %parallel_loop3A_1223 = arith.select %parallel_loop3A_1221, %parallel_loop3A_1222, %parallel_loop3A_1219 : i32
      %parallel_loop3A_1224 = arith.remsi %parallel_loop3A_1194, %parallel_loop3A_1223 : i32
      %parallel_loop3A_1225 = arith.constant 0 : i32
      %parallel_loop3A_1226 = arith.cmpi ne, %parallel_loop3A_1224, %parallel_loop3A_1225 : i32
      %parallel_loop3A_1227 = arith.constant 0 : i32
      %parallel_loop3A_1228 = arith.cmpi slt, %parallel_loop3A_1224, %parallel_loop3A_1227 : i32
      %parallel_loop3A_1229 = arith.constant 0 : i32
      %parallel_loop3A_1230 = arith.cmpi slt, %parallel_loop3A_1223, %parallel_loop3A_1229 : i32
      %parallel_loop3A_1231 = arith.xori %parallel_loop3A_1228, %parallel_loop3A_1230 : i1
      %parallel_loop3A_1232 = arith.andi %parallel_loop3A_1231, %parallel_loop3A_1226 : i1
      %parallel_loop3A_1233 = arith.addi %parallel_loop3A_1224, %parallel_loop3A_1223 : i32
      %parallel_loop3A_1234 = arith.select %parallel_loop3A_1232, %parallel_loop3A_1233, %parallel_loop3A_1224 : i32
      %parallel_loop3A_1235 = arith.constant 16 : i32
      %parallel_loop3A_1236 = arith.muli %parallel_loop3A_1234, %parallel_loop3A_1235 : i32
      %parallel_loop3A_1237 = arith.index_cast %parallel_loop3A_1218 : i32 to index
      %parallel_loop3A_1238 = arith.index_cast %parallel_loop3A_1236 : i32 to index
      %parallel_loop3A_1239 = tpu.vector_load %arg10[%parallel_loop3A_1237, %parallel_loop3A_1238] {strides = array<i32>} : memref<16x1024xf32, #tpu.memory_space<vmem>>, vector<1x16xf32>,
      %parallel_loop3A_1240 = vector.shape_cast %parallel_loop3A_1239 : vector<1x16xf32> to vector<16xf32>
      %parallel_loop3A_1241 = arith.index_cast %parallel_loop3A_1218 : i32 to index
      %parallel_loop3A_1242 = arith.index_cast %parallel_loop3A_1236 : i32 to index
      %parallel_loop3A_1243 = tpu.vector_load %arg7[%parallel_loop3A_1241, %parallel_loop3A_1242] {strides = array<i32>} : memref<16x1024xf32, #tpu.memory_space<vmem>>, vector<1x16xf32>,
      %parallel_loop3A_1244 = vector.shape_cast %parallel_loop3A_1243 : vector<1x16xf32> to vector<16xf32>
      %parallel_loop3A_1245 = vector.shape_cast %parallel_loop3A_1240 : vector<16xf32> to vector<1x16xf32>
      tpu.vector_store %arg7[%parallel_loop3A_1241, %parallel_loop3A_1242], %parallel_loop3A_1245 {add = true, strides = array<i32>} : memref<16x1024xf32, #tpu.memory_space<vmem>>, vector<1x16xf32>,
    } {sc.loop_unroll_factor = 8 : i64, sc.parallel_access}
    %add3A_285 = arith.constant 96 : i32
    %add3A_286 = arith.addi %mul3A_2, %add3A_285 : i32
    %dma_start3A_287 = arith.constant 0 : i32
    %dma_start3A_288 = tpu.memref_slice %arg5[%add3A_286, %dma_start3A_287] : memref<16384x1024xf32, #tpu.memory_space<hbm>> -> memref<16x1024xf32, #tpu.memory_space<hbm>>
    %dma_start3A_289 = arith.constant 0 : i32
    %dma_start3A_290 = tpu.memref_slice %arg5[%add3A_286, %dma_start3A_289] : memref<16384x1024xf32, #tpu.memory_space<hbm>> -> memref<16x1024xf32, #tpu.memory_space<hbm>>
    tpu.enqueue_dma source(%arg7 : memref<16x1024xf32, #tpu.memory_space<vmem>>) target(%dma_start3A_290 : memref<16x1024xf32, #tpu.memory_space<hbm>>) target_semaphore(%arg19 : memref<!tpu.dma_semaphore, #tpu.memory_space<semaphore_mem>>)
    %dma_wait3A_291 = arith.constant 0 : i32
    %dma_wait3A_292 = tpu.memref_slice %arg5[%add3A_286, %dma_wait3A_291] : memref<16384x1024xf32, #tpu.memory_space<hbm>> -> memref<16x1024xf32, #tpu.memory_space<hbm>>
    %dma_wait3A_293 = arith.constant 0 : i32
    %dma_wait3A_294 = tpu.memref_slice %arg5[%add3A_286, %dma_wait3A_293] : memref<16384x1024xf32, #tpu.memory_space<hbm>> -> memref<16x1024xf32, #tpu.memory_space<hbm>>
    tpu.wait_dma2 semaphore(%arg19 : memref<!tpu.dma_semaphore, #tpu.memory_space<semaphore_mem>>) src(%arg7 : memref<16x1024xf32, #tpu.memory_space<vmem>>) dst(%dma_wait3A_294 : memref<16x1024xf32, #tpu.memory_space<hbm>>)
    %add3A_295 = arith.constant 144 : i32
    %add3A_296 = arith.addi %mul3A_2, %add3A_295 : i32
    %dma_start3A_297 = arith.constant 0 : i32
    %dma_start3A_298 = tpu.memref_slice %arg2[%add3A_296, %dma_start3A_297] : memref<16384x1024xf32, #tpu.memory_space<hbm>> -> memref<16x1024xf32, #tpu.memory_space<hbm>>
    %dma_start3A_299 = arith.constant 0 : i32
    %dma_start3A_300 = tpu.memref_slice %arg2[%add3A_296, %dma_start3A_299] : memref<16384x1024xf32, #tpu.memory_space<hbm>> -> memref<16x1024xf32, #tpu.memory_space<hbm>>
    tpu.enqueue_dma source(%dma_start3A_300 : memref<16x1024xf32, #tpu.memory_space<hbm>>) target(%arg7 : memref<16x1024xf32, #tpu.memory_space<vmem>>) target_semaphore(%arg13 : memref<!tpu.dma_semaphore, #tpu.memory_space<semaphore_mem>>)
    %dma_start3A_301 = arith.constant 9 : i32
    %dma_start3A_302 = arith.constant 0 : i32
    %dma_start3A_303 = tpu.memref_slice %arg6[%dma_start3A_301, %dma_start3A_302] : memref<32x16xi32, #tpu.memory_space<vmem>> -> memref<1x16xi32, #tpu.memory_space<vmem>>
    %dma_start3A_304 = tpu.memref_squeeze %dma_start3A_303 : memref<1x16xi32, #tpu.memory_space<vmem>> -> memref<16xi32, #tpu.memory_space<vmem>>
    %dma_start3A_305 = arith.constant 0 : i32
    %dma_start3A_306 = arith.constant 0 : i32
    %dma_start3A_307 = tpu.memref_slice %arg4[%dma_start3A_305, %dma_start3A_306] : memref<8192x1024xf32, #tpu.memory_space<hbm>> -> memref<8192x1024xf32, #tpu.memory_space<hbm>>
    tpu.enqueue_indirect_dma source(%dma_start3A_307 : memref<8192x1024xf32, #tpu.memory_space<hbm>>) target(%arg10 : memref<16x1024xf32, #tpu.memory_space<vmem>>) offsets(%dma_start3A_304 : memref<16xi32, #tpu.memory_space<vmem>>) semaphore(%arg16 : memref<!tpu.dma_semaphore, #tpu.memory_space<semaphore_mem>>)
    %dma_wait3A_308 = arith.constant 0 : i32
    %dma_wait3A_309 = tpu.memref_slice %arg2[%add3A_222, %dma_wait3A_308] : memref<16384x1024xf32, #tpu.memory_space<hbm>> -> memref<16x1024xf32, #tpu.memory_space<hbm>>
    %dma_wait3A_310 = arith.constant 0 : i32
    %dma_wait3A_311 = tpu.memref_slice %arg2[%add3A_222, %dma_wait3A_310] : memref<16384x1024xf32, #tpu.memory_space<hbm>> -> memref<16x1024xf32, #tpu.memory_space<hbm>>
    tpu.wait_dma2 semaphore(%arg14 : memref<!tpu.dma_semaphore, #tpu.memory_space<semaphore_mem>>) src(%dma_wait3A_311 : memref<16x1024xf32, #tpu.memory_space<hbm>>) dst(%arg8 : memref<16x1024xf32, #tpu.memory_space<vmem>>)
    %dma_wait3A_312 = arith.constant 7 : i32
    %dma_wait3A_313 = arith.constant 0 : i32
    %dma_wait3A_314 = tpu.memref_slice %arg6[%dma_wait3A_312, %dma_wait3A_313] : memref<32x16xi32, #tpu.memory_space<vmem>> -> memref<1x16xi32, #tpu.memory_space<vmem>>
    %dma_wait3A_315 = tpu.memref_squeeze %dma_wait3A_314 : memref<1x16xi32, #tpu.memory_space<vmem>> -> memref<16xi32, #tpu.memory_space<vmem>>
    %dma_wait3A_316 = arith.constant 0 : i32
    %dma_wait3A_317 = arith.constant 0 : i32
    %dma_wait3A_318 = tpu.memref_slice %arg4[%dma_wait3A_316, %dma_wait3A_317] : memref<8192x1024xf32, #tpu.memory_space<hbm>> -> memref<8192x1024xf32, #tpu.memory_space<hbm>>
    tpu.wait_indirect_dma semaphore(%arg17 : memref<!tpu.dma_semaphore, #tpu.memory_space<semaphore_mem>>) src(%dma_wait3A_318 : memref<8192x1024xf32, #tpu.memory_space<hbm>>) dst(%arg11 : memref<16x1024xf32, #tpu.memory_space<vmem>>)
    %parallel_loop3A_319 = arith.constant 0 : i32
    %parallel_loop3A_320 = arith.constant 1024 : i32
    %parallel_loop3A_321 = arith.constant 1 : i32
    scf.for %parallel_loop3A_1194 = %parallel_loop3A_319 to %parallel_loop3A_320 step %parallel_loop3A_321  : i32 {
      %parallel_loop3A_1195 = arith.constant 64 : i32
      %parallel_loop3A_1196 = arith.divsi %parallel_loop3A_1194, %parallel_loop3A_1195 : i32
      %parallel_loop3A_1197 = arith.constant 0 : i32
      %parallel_loop3A_1198 = arith.cmpi sgt, %parallel_loop3A_1194, %parallel_loop3A_1197 : i32
      %parallel_loop3A_1199 = arith.extui %parallel_loop3A_1198 : i1 to i32
      %parallel_loop3A_1200 = arith.constant 0 : i32
      %parallel_loop3A_1201 = arith.cmpi slt, %parallel_loop3A_1194, %parallel_loop3A_1200 : i32
      %parallel_loop3A_1202 = arith.extui %parallel_loop3A_1201 : i1 to i32
      %parallel_loop3A_1203 = arith.subi %parallel_loop3A_1199, %parallel_loop3A_1202 : i32
      %parallel_loop3A_1204 = arith.constant 0 : i32
      %parallel_loop3A_1205 = arith.cmpi sgt, %parallel_loop3A_1195, %parallel_loop3A_1204 : i32
      %parallel_loop3A_1206 = arith.extui %parallel_loop3A_1205 : i1 to i32
      %parallel_loop3A_1207 = arith.constant 0 : i32
      %parallel_loop3A_1208 = arith.cmpi slt, %parallel_loop3A_1195, %parallel_loop3A_1207 : i32
      %parallel_loop3A_1209 = arith.extui %parallel_loop3A_1208 : i1 to i32
      %parallel_loop3A_1210 = arith.subi %parallel_loop3A_1206, %parallel_loop3A_1209 : i32
      %parallel_loop3A_1211 = arith.cmpi ne, %parallel_loop3A_1203, %parallel_loop3A_1210 : i32
      %parallel_loop3A_1212 = arith.remsi %parallel_loop3A_1194, %parallel_loop3A_1195 : i32
      %parallel_loop3A_1213 = arith.constant 0 : i32
      %parallel_loop3A_1214 = arith.cmpi ne, %parallel_loop3A_1212, %parallel_loop3A_1213 : i32
      %parallel_loop3A_1215 = arith.andi %parallel_loop3A_1211, %parallel_loop3A_1214 : i1
      %parallel_loop3A_1216 = arith.constant 1 : i32
      %parallel_loop3A_1217 = arith.subi %parallel_loop3A_1196, %parallel_loop3A_1216 : i32
      %parallel_loop3A_1218 = arith.select %parallel_loop3A_1215, %parallel_loop3A_1217, %parallel_loop3A_1196 : i32
      %parallel_loop3A_1219 = arith.constant 64 : i32
      %parallel_loop3A_1220 = arith.constant 0 : i32
      %parallel_loop3A_1221 = arith.cmpi eq, %parallel_loop3A_1219, %parallel_loop3A_1220 : i32
      %parallel_loop3A_1222 = arith.constant 1 : i32
      %parallel_loop3A_1223 = arith.select %parallel_loop3A_1221, %parallel_loop3A_1222, %parallel_loop3A_1219 : i32
      %parallel_loop3A_1224 = arith.remsi %parallel_loop3A_1194, %parallel_loop3A_1223 : i32
      %parallel_loop3A_1225 = arith.constant 0 : i32
      %parallel_loop3A_1226 = arith.cmpi ne, %parallel_loop3A_1224, %parallel_loop3A_1225 : i32
      %parallel_loop3A_1227 = arith.constant 0 : i32
      %parallel_loop3A_1228 = arith.cmpi slt, %parallel_loop3A_1224, %parallel_loop3A_1227 : i32
      %parallel_loop3A_1229 = arith.constant 0 : i32
      %parallel_loop3A_1230 = arith.cmpi slt, %parallel_loop3A_1223, %parallel_loop3A_1229 : i32
      %parallel_loop3A_1231 = arith.xori %parallel_loop3A_1228, %parallel_loop3A_1230 : i1
      %parallel_loop3A_1232 = arith.andi %parallel_loop3A_1231, %parallel_loop3A_1226 : i1
      %parallel_loop3A_1233 = arith.addi %parallel_loop3A_1224, %parallel_loop3A_1223 : i32
      %parallel_loop3A_1234 = arith.select %parallel_loop3A_1232, %parallel_loop3A_1233, %parallel_loop3A_1224 : i32
      %parallel_loop3A_1235 = arith.constant 16 : i32
      %parallel_loop3A_1236 = arith.muli %parallel_loop3A_1234, %parallel_loop3A_1235 : i32
      %parallel_loop3A_1237 = arith.index_cast %parallel_loop3A_1218 : i32 to index
      %parallel_loop3A_1238 = arith.index_cast %parallel_loop3A_1236 : i32 to index
      %parallel_loop3A_1239 = tpu.vector_load %arg11[%parallel_loop3A_1237, %parallel_loop3A_1238] {strides = array<i32>} : memref<16x1024xf32, #tpu.memory_space<vmem>>, vector<1x16xf32>,
      %parallel_loop3A_1240 = vector.shape_cast %parallel_loop3A_1239 : vector<1x16xf32> to vector<16xf32>
      %parallel_loop3A_1241 = arith.index_cast %parallel_loop3A_1218 : i32 to index
      %parallel_loop3A_1242 = arith.index_cast %parallel_loop3A_1236 : i32 to index
      %parallel_loop3A_1243 = tpu.vector_load %arg8[%parallel_loop3A_1241, %parallel_loop3A_1242] {strides = array<i32>} : memref<16x1024xf32, #tpu.memory_space<vmem>>, vector<1x16xf32>,
      %parallel_loop3A_1244 = vector.shape_cast %parallel_loop3A_1243 : vector<1x16xf32> to vector<16xf32>
      %parallel_loop3A_1245 = vector.shape_cast %parallel_loop3A_1240 : vector<16xf32> to vector<1x16xf32>
      tpu.vector_store %arg8[%parallel_loop3A_1241, %parallel_loop3A_1242], %parallel_loop3A_1245 {add = true, strides = array<i32>} : memref<16x1024xf32, #tpu.memory_space<vmem>>, vector<1x16xf32>,
    } {sc.loop_unroll_factor = 8 : i64, sc.parallel_access}
    %add3A_322 = arith.constant 112 : i32
    %add3A_323 = arith.addi %mul3A_2, %add3A_322 : i32
    %dma_start3A_324 = arith.constant 0 : i32
    %dma_start3A_325 = tpu.memref_slice %arg5[%add3A_323, %dma_start3A_324] : memref<16384x1024xf32, #tpu.memory_space<hbm>> -> memref<16x1024xf32, #tpu.memory_space<hbm>>
    %dma_start3A_326 = arith.constant 0 : i32
    %dma_start3A_327 = tpu.memref_slice %arg5[%add3A_323, %dma_start3A_326] : memref<16384x1024xf32, #tpu.memory_space<hbm>> -> memref<16x1024xf32, #tpu.memory_space<hbm>>
    tpu.enqueue_dma source(%arg8 : memref<16x1024xf32, #tpu.memory_space<vmem>>) target(%dma_start3A_327 : memref<16x1024xf32, #tpu.memory_space<hbm>>) target_semaphore(%arg20 : memref<!tpu.dma_semaphore, #tpu.memory_space<semaphore_mem>>)
    %dma_wait3A_328 = arith.constant 0 : i32
    %dma_wait3A_329 = tpu.memref_slice %arg5[%add3A_323, %dma_wait3A_328] : memref<16384x1024xf32, #tpu.memory_space<hbm>> -> memref<16x1024xf32, #tpu.memory_space<hbm>>
    %dma_wait3A_330 = arith.constant 0 : i32
    %dma_wait3A_331 = tpu.memref_slice %arg5[%add3A_323, %dma_wait3A_330] : memref<16384x1024xf32, #tpu.memory_space<hbm>> -> memref<16x1024xf32, #tpu.memory_space<hbm>>
    tpu.wait_dma2 semaphore(%arg20 : memref<!tpu.dma_semaphore, #tpu.memory_space<semaphore_mem>>) src(%arg8 : memref<16x1024xf32, #tpu.memory_space<vmem>>) dst(%dma_wait3A_331 : memref<16x1024xf32, #tpu.memory_space<hbm>>)
    %add3A_332 = arith.constant 160 : i32
    %add3A_333 = arith.addi %mul3A_2, %add3A_332 : i32
    %dma_start3A_334 = arith.constant 0 : i32
    %dma_start3A_335 = tpu.memref_slice %arg2[%add3A_333, %dma_start3A_334] : memref<16384x1024xf32, #tpu.memory_space<hbm>> -> memref<16x1024xf32, #tpu.memory_space<hbm>>
    %dma_start3A_336 = arith.constant 0 : i32
    %dma_start3A_337 = tpu.memref_slice %arg2[%add3A_333, %dma_start3A_336] : memref<16384x1024xf32, #tpu.memory_space<hbm>> -> memref<16x1024xf32, #tpu.memory_space<hbm>>
    tpu.enqueue_dma source(%dma_start3A_337 : memref<16x1024xf32, #tpu.memory_space<hbm>>) target(%arg8 : memref<16x1024xf32, #tpu.memory_space<vmem>>) target_semaphore(%arg14 : memref<!tpu.dma_semaphore, #tpu.memory_space<semaphore_mem>>)
    %dma_start3A_338 = arith.constant 10 : i32
    %dma_start3A_339 = arith.constant 0 : i32
    %dma_start3A_340 = tpu.memref_slice %arg6[%dma_start3A_338, %dma_start3A_339] : memref<32x16xi32, #tpu.memory_space<vmem>> -> memref<1x16xi32, #tpu.memory_space<vmem>>
    %dma_start3A_341 = tpu.memref_squeeze %dma_start3A_340 : memref<1x16xi32, #tpu.memory_space<vmem>> -> memref<16xi32, #tpu.memory_space<vmem>>
    %dma_start3A_342 = arith.constant 0 : i32
    %dma_start3A_343 = arith.constant 0 : i32
    %dma_start3A_344 = tpu.memref_slice %arg4[%dma_start3A_342, %dma_start3A_343] : memref<8192x1024xf32, #tpu.memory_space<hbm>> -> memref<8192x1024xf32, #tpu.memory_space<hbm>>
    tpu.enqueue_indirect_dma source(%dma_start3A_344 : memref<8192x1024xf32, #tpu.memory_space<hbm>>) target(%arg11 : memref<16x1024xf32, #tpu.memory_space<vmem>>) offsets(%dma_start3A_341 : memref<16xi32, #tpu.memory_space<vmem>>) semaphore(%arg17 : memref<!tpu.dma_semaphore, #tpu.memory_space<semaphore_mem>>)
    %dma_wait3A_345 = arith.constant 0 : i32
    %dma_wait3A_346 = tpu.memref_slice %arg2[%add3A_259, %dma_wait3A_345] : memref<16384x1024xf32, #tpu.memory_space<hbm>> -> memref<16x1024xf32, #tpu.memory_space<hbm>>
    %dma_wait3A_347 = arith.constant 0 : i32
    %dma_wait3A_348 = tpu.memref_slice %arg2[%add3A_259, %dma_wait3A_347] : memref<16384x1024xf32, #tpu.memory_space<hbm>> -> memref<16x1024xf32, #tpu.memory_space<hbm>>
    tpu.wait_dma2 semaphore(%arg15 : memref<!tpu.dma_semaphore, #tpu.memory_space<semaphore_mem>>) src(%dma_wait3A_348 : memref<16x1024xf32, #tpu.memory_space<hbm>>) dst(%arg9 : memref<16x1024xf32, #tpu.memory_space<vmem>>)
    %dma_wait3A_349 = arith.constant 8 : i32
    %dma_wait3A_350 = arith.constant 0 : i32
    %dma_wait3A_351 = tpu.memref_slice %arg6[%dma_wait3A_349, %dma_wait3A_350] : memref<32x16xi32, #tpu.memory_space<vmem>> -> memref<1x16xi32, #tpu.memory_space<vmem>>
    %dma_wait3A_352 = tpu.memref_squeeze %dma_wait3A_351 : memref<1x16xi32, #tpu.memory_space<vmem>> -> memref<16xi32, #tpu.memory_space<vmem>>
    %dma_wait3A_353 = arith.constant 0 : i32
    %dma_wait3A_354 = arith.constant 0 : i32
    %dma_wait3A_355 = tpu.memref_slice %arg4[%dma_wait3A_353, %dma_wait3A_354] : memref<8192x1024xf32, #tpu.memory_space<hbm>> -> memref<8192x1024xf32, #tpu.memory_space<hbm>>
    tpu.wait_indirect_dma semaphore(%arg18 : memref<!tpu.dma_semaphore, #tpu.memory_space<semaphore_mem>>) src(%dma_wait3A_355 : memref<8192x1024xf32, #tpu.memory_space<hbm>>) dst(%arg12 : memref<16x1024xf32, #tpu.memory_space<vmem>>)
    %parallel_loop3A_356 = arith.constant 0 : i32
    %parallel_loop3A_357 = arith.constant 1024 : i32
    %parallel_loop3A_358 = arith.constant 1 : i32
    scf.for %parallel_loop3A_1194 = %parallel_loop3A_356 to %parallel_loop3A_357 step %parallel_loop3A_358  : i32 {
      %parallel_loop3A_1195 = arith.constant 64 : i32
      %parallel_loop3A_1196 = arith.divsi %parallel_loop3A_1194, %parallel_loop3A_1195 : i32
      %parallel_loop3A_1197 = arith.constant 0 : i32
      %parallel_loop3A_1198 = arith.cmpi sgt, %parallel_loop3A_1194, %parallel_loop3A_1197 : i32
      %parallel_loop3A_1199 = arith.extui %parallel_loop3A_1198 : i1 to i32
      %parallel_loop3A_1200 = arith.constant 0 : i32
      %parallel_loop3A_1201 = arith.cmpi slt, %parallel_loop3A_1194, %parallel_loop3A_1200 : i32
      %parallel_loop3A_1202 = arith.extui %parallel_loop3A_1201 : i1 to i32
      %parallel_loop3A_1203 = arith.subi %parallel_loop3A_1199, %parallel_loop3A_1202 : i32
      %parallel_loop3A_1204 = arith.constant 0 : i32
      %parallel_loop3A_1205 = arith.cmpi sgt, %parallel_loop3A_1195, %parallel_loop3A_1204 : i32
      %parallel_loop3A_1206 = arith.extui %parallel_loop3A_1205 : i1 to i32
      %parallel_loop3A_1207 = arith.constant 0 : i32
      %parallel_loop3A_1208 = arith.cmpi slt, %parallel_loop3A_1195, %parallel_loop3A_1207 : i32
      %parallel_loop3A_1209 = arith.extui %parallel_loop3A_1208 : i1 to i32
      %parallel_loop3A_1210 = arith.subi %parallel_loop3A_1206, %parallel_loop3A_1209 : i32
      %parallel_loop3A_1211 = arith.cmpi ne, %parallel_loop3A_1203, %parallel_loop3A_1210 : i32
      %parallel_loop3A_1212 = arith.remsi %parallel_loop3A_1194, %parallel_loop3A_1195 : i32
      %parallel_loop3A_1213 = arith.constant 0 : i32
      %parallel_loop3A_1214 = arith.cmpi ne, %parallel_loop3A_1212, %parallel_loop3A_1213 : i32
      %parallel_loop3A_1215 = arith.andi %parallel_loop3A_1211, %parallel_loop3A_1214 : i1
      %parallel_loop3A_1216 = arith.constant 1 : i32
      %parallel_loop3A_1217 = arith.subi %parallel_loop3A_1196, %parallel_loop3A_1216 : i32
      %parallel_loop3A_1218 = arith.select %parallel_loop3A_1215, %parallel_loop3A_1217, %parallel_loop3A_1196 : i32
      %parallel_loop3A_1219 = arith.constant 64 : i32
      %parallel_loop3A_1220 = arith.constant 0 : i32
      %parallel_loop3A_1221 = arith.cmpi eq, %parallel_loop3A_1219, %parallel_loop3A_1220 : i32
      %parallel_loop3A_1222 = arith.constant 1 : i32
      %parallel_loop3A_1223 = arith.select %parallel_loop3A_1221, %parallel_loop3A_1222, %parallel_loop3A_1219 : i32
      %parallel_loop3A_1224 = arith.remsi %parallel_loop3A_1194, %parallel_loop3A_1223 : i32
      %parallel_loop3A_1225 = arith.constant 0 : i32
      %parallel_loop3A_1226 = arith.cmpi ne, %parallel_loop3A_1224, %parallel_loop3A_1225 : i32
      %parallel_loop3A_1227 = arith.constant 0 : i32
      %parallel_loop3A_1228 = arith.cmpi slt, %parallel_loop3A_1224, %parallel_loop3A_1227 : i32
      %parallel_loop3A_1229 = arith.constant 0 : i32
      %parallel_loop3A_1230 = arith.cmpi slt, %parallel_loop3A_1223, %parallel_loop3A_1229 : i32
      %parallel_loop3A_1231 = arith.xori %parallel_loop3A_1228, %parallel_loop3A_1230 : i1
      %parallel_loop3A_1232 = arith.andi %parallel_loop3A_1231, %parallel_loop3A_1226 : i1
      %parallel_loop3A_1233 = arith.addi %parallel_loop3A_1224, %parallel_loop3A_1223 : i32
      %parallel_loop3A_1234 = arith.select %parallel_loop3A_1232, %parallel_loop3A_1233, %parallel_loop3A_1224 : i32
      %parallel_loop3A_1235 = arith.constant 16 : i32
      %parallel_loop3A_1236 = arith.muli %parallel_loop3A_1234, %parallel_loop3A_1235 : i32
      %parallel_loop3A_1237 = arith.index_cast %parallel_loop3A_1218 : i32 to index
      %parallel_loop3A_1238 = arith.index_cast %parallel_loop3A_1236 : i32 to index
      %parallel_loop3A_1239 = tpu.vector_load %arg12[%parallel_loop3A_1237, %parallel_loop3A_1238] {strides = array<i32>} : memref<16x1024xf32, #tpu.memory_space<vmem>>, vector<1x16xf32>,
      %parallel_loop3A_1240 = vector.shape_cast %parallel_loop3A_1239 : vector<1x16xf32> to vector<16xf32>
      %parallel_loop3A_1241 = arith.index_cast %parallel_loop3A_1218 : i32 to index
      %parallel_loop3A_1242 = arith.index_cast %parallel_loop3A_1236 : i32 to index
      %parallel_loop3A_1243 = tpu.vector_load %arg9[%parallel_loop3A_1241, %parallel_loop3A_1242] {strides = array<i32>} : memref<16x1024xf32, #tpu.memory_space<vmem>>, vector<1x16xf32>,
      %parallel_loop3A_1244 = vector.shape_cast %parallel_loop3A_1243 : vector<1x16xf32> to vector<16xf32>
      %parallel_loop3A_1245 = vector.shape_cast %parallel_loop3A_1240 : vector<16xf32> to vector<1x16xf32>
      tpu.vector_store %arg9[%parallel_loop3A_1241, %parallel_loop3A_1242], %parallel_loop3A_1245 {add = true, strides = array<i32>} : memref<16x1024xf32, #tpu.memory_space<vmem>>, vector<1x16xf32>,
    } {sc.loop_unroll_factor = 8 : i64, sc.parallel_access}
    %add3A_359 = arith.constant 128 : i32
    %add3A_360 = arith.addi %mul3A_2, %add3A_359 : i32
    %dma_start3A_361 = arith.constant 0 : i32
    %dma_start3A_362 = tpu.memref_slice %arg5[%add3A_360, %dma_start3A_361] : memref<16384x1024xf32, #tpu.memory_space<hbm>> -> memref<16x1024xf32, #tpu.memory_space<hbm>>
    %dma_start3A_363 = arith.constant 0 : i32
    %dma_start3A_364 = tpu.memref_slice %arg5[%add3A_360, %dma_start3A_363] : memref<16384x1024xf32, #tpu.memory_space<hbm>> -> memref<16x1024xf32, #tpu.memory_space<hbm>>
    tpu.enqueue_dma source(%arg9 : memref<16x1024xf32, #tpu.memory_space<vmem>>) target(%dma_start3A_364 : memref<16x1024xf32, #tpu.memory_space<hbm>>) target_semaphore(%arg21 : memref<!tpu.dma_semaphore, #tpu.memory_space<semaphore_mem>>)
    %dma_wait3A_365 = arith.constant 0 : i32
    %dma_wait3A_366 = tpu.memref_slice %arg5[%add3A_360, %dma_wait3A_365] : memref<16384x1024xf32, #tpu.memory_space<hbm>> -> memref<16x1024xf32, #tpu.memory_space<hbm>>
    %dma_wait3A_367 = arith.constant 0 : i32
    %dma_wait3A_368 = tpu.memref_slice %arg5[%add3A_360, %dma_wait3A_367] : memref<16384x1024xf32, #tpu.memory_space<hbm>> -> memref<16x1024xf32, #tpu.memory_space<hbm>>
    tpu.wait_dma2 semaphore(%arg21 : memref<!tpu.dma_semaphore, #tpu.memory_space<semaphore_mem>>) src(%arg9 : memref<16x1024xf32, #tpu.memory_space<vmem>>) dst(%dma_wait3A_368 : memref<16x1024xf32, #tpu.memory_space<hbm>>)
    %add3A_369 = arith.constant 176 : i32
    %add3A_370 = arith.addi %mul3A_2, %add3A_369 : i32
    %dma_start3A_371 = arith.constant 0 : i32
    %dma_start3A_372 = tpu.memref_slice %arg2[%add3A_370, %dma_start3A_371] : memref<16384x1024xf32, #tpu.memory_space<hbm>> -> memref<16x1024xf32, #tpu.memory_space<hbm>>
    %dma_start3A_373 = arith.constant 0 : i32
    %dma_start3A_374 = tpu.memref_slice %arg2[%add3A_370, %dma_start3A_373] : memref<16384x1024xf32, #tpu.memory_space<hbm>> -> memref<16x1024xf32, #tpu.memory_space<hbm>>
    tpu.enqueue_dma source(%dma_start3A_374 : memref<16x1024xf32, #tpu.memory_space<hbm>>) target(%arg9 : memref<16x1024xf32, #tpu.memory_space<vmem>>) target_semaphore(%arg15 : memref<!tpu.dma_semaphore, #tpu.memory_space<semaphore_mem>>)
    %dma_start3A_375 = arith.constant 11 : i32
    %dma_start3A_376 = arith.constant 0 : i32
    %dma_start3A_377 = tpu.memref_slice %arg6[%dma_start3A_375, %dma_start3A_376] : memref<32x16xi32, #tpu.memory_space<vmem>> -> memref<1x16xi32, #tpu.memory_space<vmem>>
    %dma_start3A_378 = tpu.memref_squeeze %dma_start3A_377 : memref<1x16xi32, #tpu.memory_space<vmem>> -> memref<16xi32, #tpu.memory_space<vmem>>
    %dma_start3A_379 = arith.constant 0 : i32
    %dma_start3A_380 = arith.constant 0 : i32
    %dma_start3A_381 = tpu.memref_slice %arg4[%dma_start3A_379, %dma_start3A_380] : memref<8192x1024xf32, #tpu.memory_space<hbm>> -> memref<8192x1024xf32, #tpu.memory_space<hbm>>
    tpu.enqueue_indirect_dma source(%dma_start3A_381 : memref<8192x1024xf32, #tpu.memory_space<hbm>>) target(%arg12 : memref<16x1024xf32, #tpu.memory_space<vmem>>) offsets(%dma_start3A_378 : memref<16xi32, #tpu.memory_space<vmem>>) semaphore(%arg18 : memref<!tpu.dma_semaphore, #tpu.memory_space<semaphore_mem>>)
    %dma_wait3A_382 = arith.constant 0 : i32
    %dma_wait3A_383 = tpu.memref_slice %arg2[%add3A_296, %dma_wait3A_382] : memref<16384x1024xf32, #tpu.memory_space<hbm>> -> memref<16x1024xf32, #tpu.memory_space<hbm>>
    %dma_wait3A_384 = arith.constant 0 : i32
    %dma_wait3A_385 = tpu.memref_slice %arg2[%add3A_296, %dma_wait3A_384] : memref<16384x1024xf32, #tpu.memory_space<hbm>> -> memref<16x1024xf32, #tpu.memory_space<hbm>>
    tpu.wait_dma2 semaphore(%arg13 : memref<!tpu.dma_semaphore, #tpu.memory_space<semaphore_mem>>) src(%dma_wait3A_385 : memref<16x1024xf32, #tpu.memory_space<hbm>>) dst(%arg7 : memref<16x1024xf32, #tpu.memory_space<vmem>>)
    %dma_wait3A_386 = arith.constant 9 : i32
    %dma_wait3A_387 = arith.constant 0 : i32
    %dma_wait3A_388 = tpu.memref_slice %arg6[%dma_wait3A_386, %dma_wait3A_387] : memref<32x16xi32, #tpu.memory_space<vmem>> -> memref<1x16xi32, #tpu.memory_space<vmem>>
    %dma_wait3A_389 = tpu.memref_squeeze %dma_wait3A_388 : memref<1x16xi32, #tpu.memory_space<vmem>> -> memref<16xi32, #tpu.memory_space<vmem>>
    %dma_wait3A_390 = arith.constant 0 : i32
    %dma_wait3A_391 = arith.constant 0 : i32
    %dma_wait3A_392 = tpu.memref_slice %arg4[%dma_wait3A_390, %dma_wait3A_391] : memref<8192x1024xf32, #tpu.memory_space<hbm>> -> memref<8192x1024xf32, #tpu.memory_space<hbm>>
    tpu.wait_indirect_dma semaphore(%arg16 : memref<!tpu.dma_semaphore, #tpu.memory_space<semaphore_mem>>) src(%dma_wait3A_392 : memref<8192x1024xf32, #tpu.memory_space<hbm>>) dst(%arg10 : memref<16x1024xf32, #tpu.memory_space<vmem>>)
    %parallel_loop3A_393 = arith.constant 0 : i32
    %parallel_loop3A_394 = arith.constant 1024 : i32
    %parallel_loop3A_395 = arith.constant 1 : i32
    scf.for %parallel_loop3A_1194 = %parallel_loop3A_393 to %parallel_loop3A_394 step %parallel_loop3A_395  : i32 {
      %parallel_loop3A_1195 = arith.constant 64 : i32
      %parallel_loop3A_1196 = arith.divsi %parallel_loop3A_1194, %parallel_loop3A_1195 : i32
      %parallel_loop3A_1197 = arith.constant 0 : i32
      %parallel_loop3A_1198 = arith.cmpi sgt, %parallel_loop3A_1194, %parallel_loop3A_1197 : i32
      %parallel_loop3A_1199 = arith.extui %parallel_loop3A_1198 : i1 to i32
      %parallel_loop3A_1200 = arith.constant 0 : i32
      %parallel_loop3A_1201 = arith.cmpi slt, %parallel_loop3A_1194, %parallel_loop3A_1200 : i32
      %parallel_loop3A_1202 = arith.extui %parallel_loop3A_1201 : i1 to i32
      %parallel_loop3A_1203 = arith.subi %parallel_loop3A_1199, %parallel_loop3A_1202 : i32
      %parallel_loop3A_1204 = arith.constant 0 : i32
      %parallel_loop3A_1205 = arith.cmpi sgt, %parallel_loop3A_1195, %parallel_loop3A_1204 : i32
      %parallel_loop3A_1206 = arith.extui %parallel_loop3A_1205 : i1 to i32
      %parallel_loop3A_1207 = arith.constant 0 : i32
      %parallel_loop3A_1208 = arith.cmpi slt, %parallel_loop3A_1195, %parallel_loop3A_1207 : i32
      %parallel_loop3A_1209 = arith.extui %parallel_loop3A_1208 : i1 to i32
      %parallel_loop3A_1210 = arith.subi %parallel_loop3A_1206, %parallel_loop3A_1209 : i32
      %parallel_loop3A_1211 = arith.cmpi ne, %parallel_loop3A_1203, %parallel_loop3A_1210 : i32
      %parallel_loop3A_1212 = arith.remsi %parallel_loop3A_1194, %parallel_loop3A_1195 : i32
      %parallel_loop3A_1213 = arith.constant 0 : i32
      %parallel_loop3A_1214 = arith.cmpi ne, %parallel_loop3A_1212, %parallel_loop3A_1213 : i32
      %parallel_loop3A_1215 = arith.andi %parallel_loop3A_1211, %parallel_loop3A_1214 : i1
      %parallel_loop3A_1216 = arith.constant 1 : i32
      %parallel_loop3A_1217 = arith.subi %parallel_loop3A_1196, %parallel_loop3A_1216 : i32
      %parallel_loop3A_1218 = arith.select %parallel_loop3A_1215, %parallel_loop3A_1217, %parallel_loop3A_1196 : i32
      %parallel_loop3A_1219 = arith.constant 64 : i32
      %parallel_loop3A_1220 = arith.constant 0 : i32
      %parallel_loop3A_1221 = arith.cmpi eq, %parallel_loop3A_1219, %parallel_loop3A_1220 : i32
      %parallel_loop3A_1222 = arith.constant 1 : i32
      %parallel_loop3A_1223 = arith.select %parallel_loop3A_1221, %parallel_loop3A_1222, %parallel_loop3A_1219 : i32
      %parallel_loop3A_1224 = arith.remsi %parallel_loop3A_1194, %parallel_loop3A_1223 : i32
      %parallel_loop3A_1225 = arith.constant 0 : i32
      %parallel_loop3A_1226 = arith.cmpi ne, %parallel_loop3A_1224, %parallel_loop3A_1225 : i32
      %parallel_loop3A_1227 = arith.constant 0 : i32
      %parallel_loop3A_1228 = arith.cmpi slt, %parallel_loop3A_1224, %parallel_loop3A_1227 : i32
      %parallel_loop3A_1229 = arith.constant 0 : i32
      %parallel_loop3A_1230 = arith.cmpi slt, %parallel_loop3A_1223, %parallel_loop3A_1229 : i32
      %parallel_loop3A_1231 = arith.xori %parallel_loop3A_1228, %parallel_loop3A_1230 : i1
      %parallel_loop3A_1232 = arith.andi %parallel_loop3A_1231, %parallel_loop3A_1226 : i1
      %parallel_loop3A_1233 = arith.addi %parallel_loop3A_1224, %parallel_loop3A_1223 : i32
      %parallel_loop3A_1234 = arith.select %parallel_loop3A_1232, %parallel_loop3A_1233, %parallel_loop3A_1224 : i32
      %parallel_loop3A_1235 = arith.constant 16 : i32
      %parallel_loop3A_1236 = arith.muli %parallel_loop3A_1234, %parallel_loop3A_1235 : i32
      %parallel_loop3A_1237 = arith.index_cast %parallel_loop3A_1218 : i32 to index
      %parallel_loop3A_1238 = arith.index_cast %parallel_loop3A_1236 : i32 to index
      %parallel_loop3A_1239 = tpu.vector_load %arg10[%parallel_loop3A_1237, %parallel_loop3A_1238] {strides = array<i32>} : memref<16x1024xf32, #tpu.memory_space<vmem>>, vector<1x16xf32>,
      %parallel_loop3A_1240 = vector.shape_cast %parallel_loop3A_1239 : vector<1x16xf32> to vector<16xf32>
      %parallel_loop3A_1241 = arith.index_cast %parallel_loop3A_1218 : i32 to index
      %parallel_loop3A_1242 = arith.index_cast %parallel_loop3A_1236 : i32 to index
      %parallel_loop3A_1243 = tpu.vector_load %arg7[%parallel_loop3A_1241, %parallel_loop3A_1242] {strides = array<i32>} : memref<16x1024xf32, #tpu.memory_space<vmem>>, vector<1x16xf32>,
      %parallel_loop3A_1244 = vector.shape_cast %parallel_loop3A_1243 : vector<1x16xf32> to vector<16xf32>
      %parallel_loop3A_1245 = vector.shape_cast %parallel_loop3A_1240 : vector<16xf32> to vector<1x16xf32>
      tpu.vector_store %arg7[%parallel_loop3A_1241, %parallel_loop3A_1242], %parallel_loop3A_1245 {add = true, strides = array<i32>} : memref<16x1024xf32, #tpu.memory_space<vmem>>, vector<1x16xf32>,
    } {sc.loop_unroll_factor = 8 : i64, sc.parallel_access}
    %add3A_396 = arith.constant 144 : i32
    %add3A_397 = arith.addi %mul3A_2, %add3A_396 : i32
    %dma_start3A_398 = arith.constant 0 : i32
    %dma_start3A_399 = tpu.memref_slice %arg5[%add3A_397, %dma_start3A_398] : memref<16384x1024xf32, #tpu.memory_space<hbm>> -> memref<16x1024xf32, #tpu.memory_space<hbm>>
    %dma_start3A_400 = arith.constant 0 : i32
    %dma_start3A_401 = tpu.memref_slice %arg5[%add3A_397, %dma_start3A_400] : memref<16384x1024xf32, #tpu.memory_space<hbm>> -> memref<16x1024xf32, #tpu.memory_space<hbm>>
    tpu.enqueue_dma source(%arg7 : memref<16x1024xf32, #tpu.memory_space<vmem>>) target(%dma_start3A_401 : memref<16x1024xf32, #tpu.memory_space<hbm>>) target_semaphore(%arg19 : memref<!tpu.dma_semaphore, #tpu.memory_space<semaphore_mem>>)
    %dma_wait3A_402 = arith.constant 0 : i32
    %dma_wait3A_403 = tpu.memref_slice %arg5[%add3A_397, %dma_wait3A_402] : memref<16384x1024xf32, #tpu.memory_space<hbm>> -> memref<16x1024xf32, #tpu.memory_space<hbm>>
    %dma_wait3A_404 = arith.constant 0 : i32
    %dma_wait3A_405 = tpu.memref_slice %arg5[%add3A_397, %dma_wait3A_404] : memref<16384x1024xf32, #tpu.memory_space<hbm>> -> memref<16x1024xf32, #tpu.memory_space<hbm>>
    tpu.wait_dma2 semaphore(%arg19 : memref<!tpu.dma_semaphore, #tpu.memory_space<semaphore_mem>>) src(%arg7 : memref<16x1024xf32, #tpu.memory_space<vmem>>) dst(%dma_wait3A_405 : memref<16x1024xf32, #tpu.memory_space<hbm>>)
    %add3A_406 = arith.constant 192 : i32
    %add3A_407 = arith.addi %mul3A_2, %add3A_406 : i32
    %dma_start3A_408 = arith.constant 0 : i32
    %dma_start3A_409 = tpu.memref_slice %arg2[%add3A_407, %dma_start3A_408] : memref<16384x1024xf32, #tpu.memory_space<hbm>> -> memref<16x1024xf32, #tpu.memory_space<hbm>>
    %dma_start3A_410 = arith.constant 0 : i32
    %dma_start3A_411 = tpu.memref_slice %arg2[%add3A_407, %dma_start3A_410] : memref<16384x1024xf32, #tpu.memory_space<hbm>> -> memref<16x1024xf32, #tpu.memory_space<hbm>>
    tpu.enqueue_dma source(%dma_start3A_411 : memref<16x1024xf32, #tpu.memory_space<hbm>>) target(%arg7 : memref<16x1024xf32, #tpu.memory_space<vmem>>) target_semaphore(%arg13 : memref<!tpu.dma_semaphore, #tpu.memory_space<semaphore_mem>>)
    %dma_start3A_412 = arith.constant 12 : i32
    %dma_start3A_413 = arith.constant 0 : i32
    %dma_start3A_414 = tpu.memref_slice %arg6[%dma_start3A_412, %dma_start3A_413] : memref<32x16xi32, #tpu.memory_space<vmem>> -> memref<1x16xi32, #tpu.memory_space<vmem>>
    %dma_start3A_415 = tpu.memref_squeeze %dma_start3A_414 : memref<1x16xi32, #tpu.memory_space<vmem>> -> memref<16xi32, #tpu.memory_space<vmem>>
    %dma_start3A_416 = arith.constant 0 : i32
    %dma_start3A_417 = arith.constant 0 : i32
    %dma_start3A_418 = tpu.memref_slice %arg4[%dma_start3A_416, %dma_start3A_417] : memref<8192x1024xf32, #tpu.memory_space<hbm>> -> memref<8192x1024xf32, #tpu.memory_space<hbm>>
    tpu.enqueue_indirect_dma source(%dma_start3A_418 : memref<8192x1024xf32, #tpu.memory_space<hbm>>) target(%arg10 : memref<16x1024xf32, #tpu.memory_space<vmem>>) offsets(%dma_start3A_415 : memref<16xi32, #tpu.memory_space<vmem>>) semaphore(%arg16 : memref<!tpu.dma_semaphore, #tpu.memory_space<semaphore_mem>>)
    %dma_wait3A_419 = arith.constant 0 : i32
    %dma_wait3A_420 = tpu.memref_slice %arg2[%add3A_333, %dma_wait3A_419] : memref<16384x1024xf32, #tpu.memory_space<hbm>> -> memref<16x1024xf32, #tpu.memory_space<hbm>>
    %dma_wait3A_421 = arith.constant 0 : i32
    %dma_wait3A_422 = tpu.memref_slice %arg2[%add3A_333, %dma_wait3A_421] : memref<16384x1024xf32, #tpu.memory_space<hbm>> -> memref<16x1024xf32, #tpu.memory_space<hbm>>
    tpu.wait_dma2 semaphore(%arg14 : memref<!tpu.dma_semaphore, #tpu.memory_space<semaphore_mem>>) src(%dma_wait3A_422 : memref<16x1024xf32, #tpu.memory_space<hbm>>) dst(%arg8 : memref<16x1024xf32, #tpu.memory_space<vmem>>)
    %dma_wait3A_423 = arith.constant 10 : i32
    %dma_wait3A_424 = arith.constant 0 : i32
    %dma_wait3A_425 = tpu.memref_slice %arg6[%dma_wait3A_423, %dma_wait3A_424] : memref<32x16xi32, #tpu.memory_space<vmem>> -> memref<1x16xi32, #tpu.memory_space<vmem>>
    %dma_wait3A_426 = tpu.memref_squeeze %dma_wait3A_425 : memref<1x16xi32, #tpu.memory_space<vmem>> -> memref<16xi32, #tpu.memory_space<vmem>>
    %dma_wait3A_427 = arith.constant 0 : i32
    %dma_wait3A_428 = arith.constant 0 : i32
    %dma_wait3A_429 = tpu.memref_slice %arg4[%dma_wait3A_427, %dma_wait3A_428] : memref<8192x1024xf32, #tpu.memory_space<hbm>> -> memref<8192x1024xf32, #tpu.memory_space<hbm>>
    tpu.wait_indirect_dma semaphore(%arg17 : memref<!tpu.dma_semaphore, #tpu.memory_space<semaphore_mem>>) src(%dma_wait3A_429 : memref<8192x1024xf32, #tpu.memory_space<hbm>>) dst(%arg11 : memref<16x1024xf32, #tpu.memory_space<vmem>>)
    %parallel_loop3A_430 = arith.constant 0 : i32
    %parallel_loop3A_431 = arith.constant 1024 : i32
    %parallel_loop3A_432 = arith.constant 1 : i32
    scf.for %parallel_loop3A_1194 = %parallel_loop3A_430 to %parallel_loop3A_431 step %parallel_loop3A_432  : i32 {
      %parallel_loop3A_1195 = arith.constant 64 : i32
      %parallel_loop3A_1196 = arith.divsi %parallel_loop3A_1194, %parallel_loop3A_1195 : i32
      %parallel_loop3A_1197 = arith.constant 0 : i32
      %parallel_loop3A_1198 = arith.cmpi sgt, %parallel_loop3A_1194, %parallel_loop3A_1197 : i32
      %parallel_loop3A_1199 = arith.extui %parallel_loop3A_1198 : i1 to i32
      %parallel_loop3A_1200 = arith.constant 0 : i32
      %parallel_loop3A_1201 = arith.cmpi slt, %parallel_loop3A_1194, %parallel_loop3A_1200 : i32
      %parallel_loop3A_1202 = arith.extui %parallel_loop3A_1201 : i1 to i32
      %parallel_loop3A_1203 = arith.subi %parallel_loop3A_1199, %parallel_loop3A_1202 : i32
      %parallel_loop3A_1204 = arith.constant 0 : i32
      %parallel_loop3A_1205 = arith.cmpi sgt, %parallel_loop3A_1195, %parallel_loop3A_1204 : i32
      %parallel_loop3A_1206 = arith.extui %parallel_loop3A_1205 : i1 to i32
      %parallel_loop3A_1207 = arith.constant 0 : i32
      %parallel_loop3A_1208 = arith.cmpi slt, %parallel_loop3A_1195, %parallel_loop3A_1207 : i32
      %parallel_loop3A_1209 = arith.extui %parallel_loop3A_1208 : i1 to i32
      %parallel_loop3A_1210 = arith.subi %parallel_loop3A_1206, %parallel_loop3A_1209 : i32
      %parallel_loop3A_1211 = arith.cmpi ne, %parallel_loop3A_1203, %parallel_loop3A_1210 : i32
      %parallel_loop3A_1212 = arith.remsi %parallel_loop3A_1194, %parallel_loop3A_1195 : i32
      %parallel_loop3A_1213 = arith.constant 0 : i32
      %parallel_loop3A_1214 = arith.cmpi ne, %parallel_loop3A_1212, %parallel_loop3A_1213 : i32
      %parallel_loop3A_1215 = arith.andi %parallel_loop3A_1211, %parallel_loop3A_1214 : i1
      %parallel_loop3A_1216 = arith.constant 1 : i32
      %parallel_loop3A_1217 = arith.subi %parallel_loop3A_1196, %parallel_loop3A_1216 : i32
      %parallel_loop3A_1218 = arith.select %parallel_loop3A_1215, %parallel_loop3A_1217, %parallel_loop3A_1196 : i32
      %parallel_loop3A_1219 = arith.constant 64 : i32
      %parallel_loop3A_1220 = arith.constant 0 : i32
      %parallel_loop3A_1221 = arith.cmpi eq, %parallel_loop3A_1219, %parallel_loop3A_1220 : i32
      %parallel_loop3A_1222 = arith.constant 1 : i32
      %parallel_loop3A_1223 = arith.select %parallel_loop3A_1221, %parallel_loop3A_1222, %parallel_loop3A_1219 : i32
      %parallel_loop3A_1224 = arith.remsi %parallel_loop3A_1194, %parallel_loop3A_1223 : i32
      %parallel_loop3A_1225 = arith.constant 0 : i32
      %parallel_loop3A_1226 = arith.cmpi ne, %parallel_loop3A_1224, %parallel_loop3A_1225 : i32
      %parallel_loop3A_1227 = arith.constant 0 : i32
      %parallel_loop3A_1228 = arith.cmpi slt, %parallel_loop3A_1224, %parallel_loop3A_1227 : i32
      %parallel_loop3A_1229 = arith.constant 0 : i32
      %parallel_loop3A_1230 = arith.cmpi slt, %parallel_loop3A_1223, %parallel_loop3A_1229 : i32
      %parallel_loop3A_1231 = arith.xori %parallel_loop3A_1228, %parallel_loop3A_1230 : i1
      %parallel_loop3A_1232 = arith.andi %parallel_loop3A_1231, %parallel_loop3A_1226 : i1
      %parallel_loop3A_1233 = arith.addi %parallel_loop3A_1224, %parallel_loop3A_1223 : i32
      %parallel_loop3A_1234 = arith.select %parallel_loop3A_1232, %parallel_loop3A_1233, %parallel_loop3A_1224 : i32
      %parallel_loop3A_1235 = arith.constant 16 : i32
      %parallel_loop3A_1236 = arith.muli %parallel_loop3A_1234, %parallel_loop3A_1235 : i32
      %parallel_loop3A_1237 = arith.index_cast %parallel_loop3A_1218 : i32 to index
      %parallel_loop3A_1238 = arith.index_cast %parallel_loop3A_1236 : i32 to index
      %parallel_loop3A_1239 = tpu.vector_load %arg11[%parallel_loop3A_1237, %parallel_loop3A_1238] {strides = array<i32>} : memref<16x1024xf32, #tpu.memory_space<vmem>>, vector<1x16xf32>,
      %parallel_loop3A_1240 = vector.shape_cast %parallel_loop3A_1239 : vector<1x16xf32> to vector<16xf32>
      %parallel_loop3A_1241 = arith.index_cast %parallel_loop3A_1218 : i32 to index
      %parallel_loop3A_1242 = arith.index_cast %parallel_loop3A_1236 : i32 to index
      %parallel_loop3A_1243 = tpu.vector_load %arg8[%parallel_loop3A_1241, %parallel_loop3A_1242] {strides = array<i32>} : memref<16x1024xf32, #tpu.memory_space<vmem>>, vector<1x16xf32>,
      %parallel_loop3A_1244 = vector.shape_cast %parallel_loop3A_1243 : vector<1x16xf32> to vector<16xf32>
      %parallel_loop3A_1245 = vector.shape_cast %parallel_loop3A_1240 : vector<16xf32> to vector<1x16xf32>
      tpu.vector_store %arg8[%parallel_loop3A_1241, %parallel_loop3A_1242], %parallel_loop3A_1245 {add = true, strides = array<i32>} : memref<16x1024xf32, #tpu.memory_space<vmem>>, vector<1x16xf32>,
    } {sc.loop_unroll_factor = 8 : i64, sc.parallel_access}
    %add3A_433 = arith.constant 160 : i32
    %add3A_434 = arith.addi %mul3A_2, %add3A_433 : i32
    %dma_start3A_435 = arith.constant 0 : i32
    %dma_start3A_436 = tpu.memref_slice %arg5[%add3A_434, %dma_start3A_435] : memref<16384x1024xf32, #tpu.memory_space<hbm>> -> memref<16x1024xf32, #tpu.memory_space<hbm>>
    %dma_start3A_437 = arith.constant 0 : i32
    %dma_start3A_438 = tpu.memref_slice %arg5[%add3A_434, %dma_start3A_437] : memref<16384x1024xf32, #tpu.memory_space<hbm>> -> memref<16x1024xf32, #tpu.memory_space<hbm>>
    tpu.enqueue_dma source(%arg8 : memref<16x1024xf32, #tpu.memory_space<vmem>>) target(%dma_start3A_438 : memref<16x1024xf32, #tpu.memory_space<hbm>>) target_semaphore(%arg20 : memref<!tpu.dma_semaphore, #tpu.memory_space<semaphore_mem>>)
    %dma_wait3A_439 = arith.constant 0 : i32
    %dma_wait3A_440 = tpu.memref_slice %arg5[%add3A_434, %dma_wait3A_439] : memref<16384x1024xf32, #tpu.memory_space<hbm>> -> memref<16x1024xf32, #tpu.memory_space<hbm>>
    %dma_wait3A_441 = arith.constant 0 : i32
    %dma_wait3A_442 = tpu.memref_slice %arg5[%add3A_434, %dma_wait3A_441] : memref<16384x1024xf32, #tpu.memory_space<hbm>> -> memref<16x1024xf32, #tpu.memory_space<hbm>>
    tpu.wait_dma2 semaphore(%arg20 : memref<!tpu.dma_semaphore, #tpu.memory_space<semaphore_mem>>) src(%arg8 : memref<16x1024xf32, #tpu.memory_space<vmem>>) dst(%dma_wait3A_442 : memref<16x1024xf32, #tpu.memory_space<hbm>>)
    %add3A_443 = arith.constant 208 : i32
    %add3A_444 = arith.addi %mul3A_2, %add3A_443 : i32
    %dma_start3A_445 = arith.constant 0 : i32
    %dma_start3A_446 = tpu.memref_slice %arg2[%add3A_444, %dma_start3A_445] : memref<16384x1024xf32, #tpu.memory_space<hbm>> -> memref<16x1024xf32, #tpu.memory_space<hbm>>
    %dma_start3A_447 = arith.constant 0 : i32
    %dma_start3A_448 = tpu.memref_slice %arg2[%add3A_444, %dma_start3A_447] : memref<16384x1024xf32, #tpu.memory_space<hbm>> -> memref<16x1024xf32, #tpu.memory_space<hbm>>
    tpu.enqueue_dma source(%dma_start3A_448 : memref<16x1024xf32, #tpu.memory_space<hbm>>) target(%arg8 : memref<16x1024xf32, #tpu.memory_space<vmem>>) target_semaphore(%arg14 : memref<!tpu.dma_semaphore, #tpu.memory_space<semaphore_mem>>)
    %dma_start3A_449 = arith.constant 13 : i32
    %dma_start3A_450 = arith.constant 0 : i32
    %dma_start3A_451 = tpu.memref_slice %arg6[%dma_start3A_449, %dma_start3A_450] : memref<32x16xi32, #tpu.memory_space<vmem>> -> memref<1x16xi32, #tpu.memory_space<vmem>>
    %dma_start3A_452 = tpu.memref_squeeze %dma_start3A_451 : memref<1x16xi32, #tpu.memory_space<vmem>> -> memref<16xi32, #tpu.memory_space<vmem>>
    %dma_start3A_453 = arith.constant 0 : i32
    %dma_start3A_454 = arith.constant 0 : i32
    %dma_start3A_455 = tpu.memref_slice %arg4[%dma_start3A_453, %dma_start3A_454] : memref<8192x1024xf32, #tpu.memory_space<hbm>> -> memref<8192x1024xf32, #tpu.memory_space<hbm>>
    tpu.enqueue_indirect_dma source(%dma_start3A_455 : memref<8192x1024xf32, #tpu.memory_space<hbm>>) target(%arg11 : memref<16x1024xf32, #tpu.memory_space<vmem>>) offsets(%dma_start3A_452 : memref<16xi32, #tpu.memory_space<vmem>>) semaphore(%arg17 : memref<!tpu.dma_semaphore, #tpu.memory_space<semaphore_mem>>)
    %dma_wait3A_456 = arith.constant 0 : i32
    %dma_wait3A_457 = tpu.memref_slice %arg2[%add3A_370, %dma_wait3A_456] : memref<16384x1024xf32, #tpu.memory_space<hbm>> -> memref<16x1024xf32, #tpu.memory_space<hbm>>
    %dma_wait3A_458 = arith.constant 0 : i32
    %dma_wait3A_459 = tpu.memref_slice %arg2[%add3A_370, %dma_wait3A_458] : memref<16384x1024xf32, #tpu.memory_space<hbm>> -> memref<16x1024xf32, #tpu.memory_space<hbm>>
    tpu.wait_dma2 semaphore(%arg15 : memref<!tpu.dma_semaphore, #tpu.memory_space<semaphore_mem>>) src(%dma_wait3A_459 : memref<16x1024xf32, #tpu.memory_space<hbm>>) dst(%arg9 : memref<16x1024xf32, #tpu.memory_space<vmem>>)
    %dma_wait3A_460 = arith.constant 11 : i32
    %dma_wait3A_461 = arith.constant 0 : i32
    %dma_wait3A_462 = tpu.memref_slice %arg6[%dma_wait3A_460, %dma_wait3A_461] : memref<32x16xi32, #tpu.memory_space<vmem>> -> memref<1x16xi32, #tpu.memory_space<vmem>>
    %dma_wait3A_463 = tpu.memref_squeeze %dma_wait3A_462 : memref<1x16xi32, #tpu.memory_space<vmem>> -> memref<16xi32, #tpu.memory_space<vmem>>
    %dma_wait3A_464 = arith.constant 0 : i32
    %dma_wait3A_465 = arith.constant 0 : i32
    %dma_wait3A_466 = tpu.memref_slice %arg4[%dma_wait3A_464, %dma_wait3A_465] : memref<8192x1024xf32, #tpu.memory_space<hbm>> -> memref<8192x1024xf32, #tpu.memory_space<hbm>>
    tpu.wait_indirect_dma semaphore(%arg18 : memref<!tpu.dma_semaphore, #tpu.memory_space<semaphore_mem>>) src(%dma_wait3A_466 : memref<8192x1024xf32, #tpu.memory_space<hbm>>) dst(%arg12 : memref<16x1024xf32, #tpu.memory_space<vmem>>)
    %parallel_loop3A_467 = arith.constant 0 : i32
    %parallel_loop3A_468 = arith.constant 1024 : i32
    %parallel_loop3A_469 = arith.constant 1 : i32
    scf.for %parallel_loop3A_1194 = %parallel_loop3A_467 to %parallel_loop3A_468 step %parallel_loop3A_469  : i32 {
      %parallel_loop3A_1195 = arith.constant 64 : i32
      %parallel_loop3A_1196 = arith.divsi %parallel_loop3A_1194, %parallel_loop3A_1195 : i32
      %parallel_loop3A_1197 = arith.constant 0 : i32
      %parallel_loop3A_1198 = arith.cmpi sgt, %parallel_loop3A_1194, %parallel_loop3A_1197 : i32
      %parallel_loop3A_1199 = arith.extui %parallel_loop3A_1198 : i1 to i32
      %parallel_loop3A_1200 = arith.constant 0 : i32
      %parallel_loop3A_1201 = arith.cmpi slt, %parallel_loop3A_1194, %parallel_loop3A_1200 : i32
      %parallel_loop3A_1202 = arith.extui %parallel_loop3A_1201 : i1 to i32
      %parallel_loop3A_1203 = arith.subi %parallel_loop3A_1199, %parallel_loop3A_1202 : i32
      %parallel_loop3A_1204 = arith.constant 0 : i32
      %parallel_loop3A_1205 = arith.cmpi sgt, %parallel_loop3A_1195, %parallel_loop3A_1204 : i32
      %parallel_loop3A_1206 = arith.extui %parallel_loop3A_1205 : i1 to i32
      %parallel_loop3A_1207 = arith.constant 0 : i32
      %parallel_loop3A_1208 = arith.cmpi slt, %parallel_loop3A_1195, %parallel_loop3A_1207 : i32
      %parallel_loop3A_1209 = arith.extui %parallel_loop3A_1208 : i1 to i32
      %parallel_loop3A_1210 = arith.subi %parallel_loop3A_1206, %parallel_loop3A_1209 : i32
      %parallel_loop3A_1211 = arith.cmpi ne, %parallel_loop3A_1203, %parallel_loop3A_1210 : i32
      %parallel_loop3A_1212 = arith.remsi %parallel_loop3A_1194, %parallel_loop3A_1195 : i32
      %parallel_loop3A_1213 = arith.constant 0 : i32
      %parallel_loop3A_1214 = arith.cmpi ne, %parallel_loop3A_1212, %parallel_loop3A_1213 : i32
      %parallel_loop3A_1215 = arith.andi %parallel_loop3A_1211, %parallel_loop3A_1214 : i1
      %parallel_loop3A_1216 = arith.constant 1 : i32
      %parallel_loop3A_1217 = arith.subi %parallel_loop3A_1196, %parallel_loop3A_1216 : i32
      %parallel_loop3A_1218 = arith.select %parallel_loop3A_1215, %parallel_loop3A_1217, %parallel_loop3A_1196 : i32
      %parallel_loop3A_1219 = arith.constant 64 : i32
      %parallel_loop3A_1220 = arith.constant 0 : i32
      %parallel_loop3A_1221 = arith.cmpi eq, %parallel_loop3A_1219, %parallel_loop3A_1220 : i32
      %parallel_loop3A_1222 = arith.constant 1 : i32
      %parallel_loop3A_1223 = arith.select %parallel_loop3A_1221, %parallel_loop3A_1222, %parallel_loop3A_1219 : i32
      %parallel_loop3A_1224 = arith.remsi %parallel_loop3A_1194, %parallel_loop3A_1223 : i32
      %parallel_loop3A_1225 = arith.constant 0 : i32
      %parallel_loop3A_1226 = arith.cmpi ne, %parallel_loop3A_1224, %parallel_loop3A_1225 : i32
      %parallel_loop3A_1227 = arith.constant 0 : i32
      %parallel_loop3A_1228 = arith.cmpi slt, %parallel_loop3A_1224, %parallel_loop3A_1227 : i32
      %parallel_loop3A_1229 = arith.constant 0 : i32
      %parallel_loop3A_1230 = arith.cmpi slt, %parallel_loop3A_1223, %parallel_loop3A_1229 : i32
      %parallel_loop3A_1231 = arith.xori %parallel_loop3A_1228, %parallel_loop3A_1230 : i1
      %parallel_loop3A_1232 = arith.andi %parallel_loop3A_1231, %parallel_loop3A_1226 : i1
      %parallel_loop3A_1233 = arith.addi %parallel_loop3A_1224, %parallel_loop3A_1223 : i32
      %parallel_loop3A_1234 = arith.select %parallel_loop3A_1232, %parallel_loop3A_1233, %parallel_loop3A_1224 : i32
      %parallel_loop3A_1235 = arith.constant 16 : i32
      %parallel_loop3A_1236 = arith.muli %parallel_loop3A_1234, %parallel_loop3A_1235 : i32
      %parallel_loop3A_1237 = arith.index_cast %parallel_loop3A_1218 : i32 to index
      %parallel_loop3A_1238 = arith.index_cast %parallel_loop3A_1236 : i32 to index
      %parallel_loop3A_1239 = tpu.vector_load %arg12[%parallel_loop3A_1237, %parallel_loop3A_1238] {strides = array<i32>} : memref<16x1024xf32, #tpu.memory_space<vmem>>, vector<1x16xf32>,
      %parallel_loop3A_1240 = vector.shape_cast %parallel_loop3A_1239 : vector<1x16xf32> to vector<16xf32>
      %parallel_loop3A_1241 = arith.index_cast %parallel_loop3A_1218 : i32 to index
      %parallel_loop3A_1242 = arith.index_cast %parallel_loop3A_1236 : i32 to index
      %parallel_loop3A_1243 = tpu.vector_load %arg9[%parallel_loop3A_1241, %parallel_loop3A_1242] {strides = array<i32>} : memref<16x1024xf32, #tpu.memory_space<vmem>>, vector<1x16xf32>,
      %parallel_loop3A_1244 = vector.shape_cast %parallel_loop3A_1243 : vector<1x16xf32> to vector<16xf32>
      %parallel_loop3A_1245 = vector.shape_cast %parallel_loop3A_1240 : vector<16xf32> to vector<1x16xf32>
      tpu.vector_store %arg9[%parallel_loop3A_1241, %parallel_loop3A_1242], %parallel_loop3A_1245 {add = true, strides = array<i32>} : memref<16x1024xf32, #tpu.memory_space<vmem>>, vector<1x16xf32>,
    } {sc.loop_unroll_factor = 8 : i64, sc.parallel_access}
    %add3A_470 = arith.constant 176 : i32
    %add3A_471 = arith.addi %mul3A_2, %add3A_470 : i32
    %dma_start3A_472 = arith.constant 0 : i32
    %dma_start3A_473 = tpu.memref_slice %arg5[%add3A_471, %dma_start3A_472] : memref<16384x1024xf32, #tpu.memory_space<hbm>> -> memref<16x1024xf32, #tpu.memory_space<hbm>>
    %dma_start3A_474 = arith.constant 0 : i32
    %dma_start3A_475 = tpu.memref_slice %arg5[%add3A_471, %dma_start3A_474] : memref<16384x1024xf32, #tpu.memory_space<hbm>> -> memref<16x1024xf32, #tpu.memory_space<hbm>>
    tpu.enqueue_dma source(%arg9 : memref<16x1024xf32, #tpu.memory_space<vmem>>) target(%dma_start3A_475 : memref<16x1024xf32, #tpu.memory_space<hbm>>) target_semaphore(%arg21 : memref<!tpu.dma_semaphore, #tpu.memory_space<semaphore_mem>>)
    %dma_wait3A_476 = arith.constant 0 : i32
    %dma_wait3A_477 = tpu.memref_slice %arg5[%add3A_471, %dma_wait3A_476] : memref<16384x1024xf32, #tpu.memory_space<hbm>> -> memref<16x1024xf32, #tpu.memory_space<hbm>>
    %dma_wait3A_478 = arith.constant 0 : i32
    %dma_wait3A_479 = tpu.memref_slice %arg5[%add3A_471, %dma_wait3A_478] : memref<16384x1024xf32, #tpu.memory_space<hbm>> -> memref<16x1024xf32, #tpu.memory_space<hbm>>
    tpu.wait_dma2 semaphore(%arg21 : memref<!tpu.dma_semaphore, #tpu.memory_space<semaphore_mem>>) src(%arg9 : memref<16x1024xf32, #tpu.memory_space<vmem>>) dst(%dma_wait3A_479 : memref<16x1024xf32, #tpu.memory_space<hbm>>)
    %add3A_480 = arith.constant 224 : i32
    %add3A_481 = arith.addi %mul3A_2, %add3A_480 : i32
    %dma_start3A_482 = arith.constant 0 : i32
    %dma_start3A_483 = tpu.memref_slice %arg2[%add3A_481, %dma_start3A_482] : memref<16384x1024xf32, #tpu.memory_space<hbm>> -> memref<16x1024xf32, #tpu.memory_space<hbm>>
    %dma_start3A_484 = arith.constant 0 : i32
    %dma_start3A_485 = tpu.memref_slice %arg2[%add3A_481, %dma_start3A_484] : memref<16384x1024xf32, #tpu.memory_space<hbm>> -> memref<16x1024xf32, #tpu.memory_space<hbm>>
    tpu.enqueue_dma source(%dma_start3A_485 : memref<16x1024xf32, #tpu.memory_space<hbm>>) target(%arg9 : memref<16x1024xf32, #tpu.memory_space<vmem>>) target_semaphore(%arg15 : memref<!tpu.dma_semaphore, #tpu.memory_space<semaphore_mem>>)
    %dma_start3A_486 = arith.constant 14 : i32
    %dma_start3A_487 = arith.constant 0 : i32
    %dma_start3A_488 = tpu.memref_slice %arg6[%dma_start3A_486, %dma_start3A_487] : memref<32x16xi32, #tpu.memory_space<vmem>> -> memref<1x16xi32, #tpu.memory_space<vmem>>
    %dma_start3A_489 = tpu.memref_squeeze %dma_start3A_488 : memref<1x16xi32, #tpu.memory_space<vmem>> -> memref<16xi32, #tpu.memory_space<vmem>>
    %dma_start3A_490 = arith.constant 0 : i32
    %dma_start3A_491 = arith.constant 0 : i32
    %dma_start3A_492 = tpu.memref_slice %arg4[%dma_start3A_490, %dma_start3A_491] : memref<8192x1024xf32, #tpu.memory_space<hbm>> -> memref<8192x1024xf32, #tpu.memory_space<hbm>>
    tpu.enqueue_indirect_dma source(%dma_start3A_492 : memref<8192x1024xf32, #tpu.memory_space<hbm>>) target(%arg12 : memref<16x1024xf32, #tpu.memory_space<vmem>>) offsets(%dma_start3A_489 : memref<16xi32, #tpu.memory_space<vmem>>) semaphore(%arg18 : memref<!tpu.dma_semaphore, #tpu.memory_space<semaphore_mem>>)
    %dma_wait3A_493 = arith.constant 0 : i32
    %dma_wait3A_494 = tpu.memref_slice %arg2[%add3A_407, %dma_wait3A_493] : memref<16384x1024xf32, #tpu.memory_space<hbm>> -> memref<16x1024xf32, #tpu.memory_space<hbm>>
    %dma_wait3A_495 = arith.constant 0 : i32
    %dma_wait3A_496 = tpu.memref_slice %arg2[%add3A_407, %dma_wait3A_495] : memref<16384x1024xf32, #tpu.memory_space<hbm>> -> memref<16x1024xf32, #tpu.memory_space<hbm>>
    tpu.wait_dma2 semaphore(%arg13 : memref<!tpu.dma_semaphore, #tpu.memory_space<semaphore_mem>>) src(%dma_wait3A_496 : memref<16x1024xf32, #tpu.memory_space<hbm>>) dst(%arg7 : memref<16x1024xf32, #tpu.memory_space<vmem>>)
    %dma_wait3A_497 = arith.constant 12 : i32
    %dma_wait3A_498 = arith.constant 0 : i32
    %dma_wait3A_499 = tpu.memref_slice %arg6[%dma_wait3A_497, %dma_wait3A_498] : memref<32x16xi32, #tpu.memory_space<vmem>> -> memref<1x16xi32, #tpu.memory_space<vmem>>
    %dma_wait3A_500 = tpu.memref_squeeze %dma_wait3A_499 : memref<1x16xi32, #tpu.memory_space<vmem>> -> memref<16xi32, #tpu.memory_space<vmem>>
    %dma_wait3A_501 = arith.constant 0 : i32
    %dma_wait3A_502 = arith.constant 0 : i32
    %dma_wait3A_503 = tpu.memref_slice %arg4[%dma_wait3A_501, %dma_wait3A_502] : memref<8192x1024xf32, #tpu.memory_space<hbm>> -> memref<8192x1024xf32, #tpu.memory_space<hbm>>
    tpu.wait_indirect_dma semaphore(%arg16 : memref<!tpu.dma_semaphore, #tpu.memory_space<semaphore_mem>>) src(%dma_wait3A_503 : memref<8192x1024xf32, #tpu.memory_space<hbm>>) dst(%arg10 : memref<16x1024xf32, #tpu.memory_space<vmem>>)
    %parallel_loop3A_504 = arith.constant 0 : i32
    %parallel_loop3A_505 = arith.constant 1024 : i32
    %parallel_loop3A_506 = arith.constant 1 : i32
    scf.for %parallel_loop3A_1194 = %parallel_loop3A_504 to %parallel_loop3A_505 step %parallel_loop3A_506  : i32 {
      %parallel_loop3A_1195 = arith.constant 64 : i32
      %parallel_loop3A_1196 = arith.divsi %parallel_loop3A_1194, %parallel_loop3A_1195 : i32
      %parallel_loop3A_1197 = arith.constant 0 : i32
      %parallel_loop3A_1198 = arith.cmpi sgt, %parallel_loop3A_1194, %parallel_loop3A_1197 : i32
      %parallel_loop3A_1199 = arith.extui %parallel_loop3A_1198 : i1 to i32
      %parallel_loop3A_1200 = arith.constant 0 : i32
      %parallel_loop3A_1201 = arith.cmpi slt, %parallel_loop3A_1194, %parallel_loop3A_1200 : i32
      %parallel_loop3A_1202 = arith.extui %parallel_loop3A_1201 : i1 to i32
      %parallel_loop3A_1203 = arith.subi %parallel_loop3A_1199, %parallel_loop3A_1202 : i32
      %parallel_loop3A_1204 = arith.constant 0 : i32
      %parallel_loop3A_1205 = arith.cmpi sgt, %parallel_loop3A_1195, %parallel_loop3A_1204 : i32
      %parallel_loop3A_1206 = arith.extui %parallel_loop3A_1205 : i1 to i32
      %parallel_loop3A_1207 = arith.constant 0 : i32
      %parallel_loop3A_1208 = arith.cmpi slt, %parallel_loop3A_1195, %parallel_loop3A_1207 : i32
      %parallel_loop3A_1209 = arith.extui %parallel_loop3A_1208 : i1 to i32
      %parallel_loop3A_1210 = arith.subi %parallel_loop3A_1206, %parallel_loop3A_1209 : i32
      %parallel_loop3A_1211 = arith.cmpi ne, %parallel_loop3A_1203, %parallel_loop3A_1210 : i32
      %parallel_loop3A_1212 = arith.remsi %parallel_loop3A_1194, %parallel_loop3A_1195 : i32
      %parallel_loop3A_1213 = arith.constant 0 : i32
      %parallel_loop3A_1214 = arith.cmpi ne, %parallel_loop3A_1212, %parallel_loop3A_1213 : i32
      %parallel_loop3A_1215 = arith.andi %parallel_loop3A_1211, %parallel_loop3A_1214 : i1
      %parallel_loop3A_1216 = arith.constant 1 : i32
      %parallel_loop3A_1217 = arith.subi %parallel_loop3A_1196, %parallel_loop3A_1216 : i32
      %parallel_loop3A_1218 = arith.select %parallel_loop3A_1215, %parallel_loop3A_1217, %parallel_loop3A_1196 : i32
      %parallel_loop3A_1219 = arith.constant 64 : i32
      %parallel_loop3A_1220 = arith.constant 0 : i32
      %parallel_loop3A_1221 = arith.cmpi eq, %parallel_loop3A_1219, %parallel_loop3A_1220 : i32
      %parallel_loop3A_1222 = arith.constant 1 : i32
      %parallel_loop3A_1223 = arith.select %parallel_loop3A_1221, %parallel_loop3A_1222, %parallel_loop3A_1219 : i32
      %parallel_loop3A_1224 = arith.remsi %parallel_loop3A_1194, %parallel_loop3A_1223 : i32
      %parallel_loop3A_1225 = arith.constant 0 : i32
      %parallel_loop3A_1226 = arith.cmpi ne, %parallel_loop3A_1224, %parallel_loop3A_1225 : i32
      %parallel_loop3A_1227 = arith.constant 0 : i32
      %parallel_loop3A_1228 = arith.cmpi slt, %parallel_loop3A_1224, %parallel_loop3A_1227 : i32
      %parallel_loop3A_1229 = arith.constant 0 : i32
      %parallel_loop3A_1230 = arith.cmpi slt, %parallel_loop3A_1223, %parallel_loop3A_1229 : i32
      %parallel_loop3A_1231 = arith.xori %parallel_loop3A_1228, %parallel_loop3A_1230 : i1
      %parallel_loop3A_1232 = arith.andi %parallel_loop3A_1231, %parallel_loop3A_1226 : i1
      %parallel_loop3A_1233 = arith.addi %parallel_loop3A_1224, %parallel_loop3A_1223 : i32
      %parallel_loop3A_1234 = arith.select %parallel_loop3A_1232, %parallel_loop3A_1233, %parallel_loop3A_1224 : i32
      %parallel_loop3A_1235 = arith.constant 16 : i32
      %parallel_loop3A_1236 = arith.muli %parallel_loop3A_1234, %parallel_loop3A_1235 : i32
      %parallel_loop3A_1237 = arith.index_cast %parallel_loop3A_1218 : i32 to index
      %parallel_loop3A_1238 = arith.index_cast %parallel_loop3A_1236 : i32 to index
      %parallel_loop3A_1239 = tpu.vector_load %arg10[%parallel_loop3A_1237, %parallel_loop3A_1238] {strides = array<i32>} : memref<16x1024xf32, #tpu.memory_space<vmem>>, vector<1x16xf32>,
      %parallel_loop3A_1240 = vector.shape_cast %parallel_loop3A_1239 : vector<1x16xf32> to vector<16xf32>
      %parallel_loop3A_1241 = arith.index_cast %parallel_loop3A_1218 : i32 to index
      %parallel_loop3A_1242 = arith.index_cast %parallel_loop3A_1236 : i32 to index
      %parallel_loop3A_1243 = tpu.vector_load %arg7[%parallel_loop3A_1241, %parallel_loop3A_1242] {strides = array<i32>} : memref<16x1024xf32, #tpu.memory_space<vmem>>, vector<1x16xf32>,
      %parallel_loop3A_1244 = vector.shape_cast %parallel_loop3A_1243 : vector<1x16xf32> to vector<16xf32>
      %parallel_loop3A_1245 = vector.shape_cast %parallel_loop3A_1240 : vector<16xf32> to vector<1x16xf32>
      tpu.vector_store %arg7[%parallel_loop3A_1241, %parallel_loop3A_1242], %parallel_loop3A_1245 {add = true, strides = array<i32>} : memref<16x1024xf32, #tpu.memory_space<vmem>>, vector<1x16xf32>,
    } {sc.loop_unroll_factor = 8 : i64, sc.parallel_access}
    %add3A_507 = arith.constant 192 : i32
    %add3A_508 = arith.addi %mul3A_2, %add3A_507 : i32
    %dma_start3A_509 = arith.constant 0 : i32
    %dma_start3A_510 = tpu.memref_slice %arg5[%add3A_508, %dma_start3A_509] : memref<16384x1024xf32, #tpu.memory_space<hbm>> -> memref<16x1024xf32, #tpu.memory_space<hbm>>
    %dma_start3A_511 = arith.constant 0 : i32
    %dma_start3A_512 = tpu.memref_slice %arg5[%add3A_508, %dma_start3A_511] : memref<16384x1024xf32, #tpu.memory_space<hbm>> -> memref<16x1024xf32, #tpu.memory_space<hbm>>
    tpu.enqueue_dma source(%arg7 : memref<16x1024xf32, #tpu.memory_space<vmem>>) target(%dma_start3A_512 : memref<16x1024xf32, #tpu.memory_space<hbm>>) target_semaphore(%arg19 : memref<!tpu.dma_semaphore, #tpu.memory_space<semaphore_mem>>)
    %dma_wait3A_513 = arith.constant 0 : i32
    %dma_wait3A_514 = tpu.memref_slice %arg5[%add3A_508, %dma_wait3A_513] : memref<16384x1024xf32, #tpu.memory_space<hbm>> -> memref<16x1024xf32, #tpu.memory_space<hbm>>
    %dma_wait3A_515 = arith.constant 0 : i32
    %dma_wait3A_516 = tpu.memref_slice %arg5[%add3A_508, %dma_wait3A_515] : memref<16384x1024xf32, #tpu.memory_space<hbm>> -> memref<16x1024xf32, #tpu.memory_space<hbm>>
    tpu.wait_dma2 semaphore(%arg19 : memref<!tpu.dma_semaphore, #tpu.memory_space<semaphore_mem>>) src(%arg7 : memref<16x1024xf32, #tpu.memory_space<vmem>>) dst(%dma_wait3A_516 : memref<16x1024xf32, #tpu.memory_space<hbm>>)
    %add3A_517 = arith.constant 240 : i32
    %add3A_518 = arith.addi %mul3A_2, %add3A_517 : i32
    %dma_start3A_519 = arith.constant 0 : i32
    %dma_start3A_520 = tpu.memref_slice %arg2[%add3A_518, %dma_start3A_519] : memref<16384x1024xf32, #tpu.memory_space<hbm>> -> memref<16x1024xf32, #tpu.memory_space<hbm>>
    %dma_start3A_521 = arith.constant 0 : i32
    %dma_start3A_522 = tpu.memref_slice %arg2[%add3A_518, %dma_start3A_521] : memref<16384x1024xf32, #tpu.memory_space<hbm>> -> memref<16x1024xf32, #tpu.memory_space<hbm>>
    tpu.enqueue_dma source(%dma_start3A_522 : memref<16x1024xf32, #tpu.memory_space<hbm>>) target(%arg7 : memref<16x1024xf32, #tpu.memory_space<vmem>>) target_semaphore(%arg13 : memref<!tpu.dma_semaphore, #tpu.memory_space<semaphore_mem>>)
    %dma_start3A_523 = arith.constant 15 : i32
    %dma_start3A_524 = arith.constant 0 : i32
    %dma_start3A_525 = tpu.memref_slice %arg6[%dma_start3A_523, %dma_start3A_524] : memref<32x16xi32, #tpu.memory_space<vmem>> -> memref<1x16xi32, #tpu.memory_space<vmem>>
    %dma_start3A_526 = tpu.memref_squeeze %dma_start3A_525 : memref<1x16xi32, #tpu.memory_space<vmem>> -> memref<16xi32, #tpu.memory_space<vmem>>
    %dma_start3A_527 = arith.constant 0 : i32
    %dma_start3A_528 = arith.constant 0 : i32
    %dma_start3A_529 = tpu.memref_slice %arg4[%dma_start3A_527, %dma_start3A_528] : memref<8192x1024xf32, #tpu.memory_space<hbm>> -> memref<8192x1024xf32, #tpu.memory_space<hbm>>
    tpu.enqueue_indirect_dma source(%dma_start3A_529 : memref<8192x1024xf32, #tpu.memory_space<hbm>>) target(%arg10 : memref<16x1024xf32, #tpu.memory_space<vmem>>) offsets(%dma_start3A_526 : memref<16xi32, #tpu.memory_space<vmem>>) semaphore(%arg16 : memref<!tpu.dma_semaphore, #tpu.memory_space<semaphore_mem>>)
    %dma_wait3A_530 = arith.constant 0 : i32
    %dma_wait3A_531 = tpu.memref_slice %arg2[%add3A_444, %dma_wait3A_530] : memref<16384x1024xf32, #tpu.memory_space<hbm>> -> memref<16x1024xf32, #tpu.memory_space<hbm>>
    %dma_wait3A_532 = arith.constant 0 : i32
    %dma_wait3A_533 = tpu.memref_slice %arg2[%add3A_444, %dma_wait3A_532] : memref<16384x1024xf32, #tpu.memory_space<hbm>> -> memref<16x1024xf32, #tpu.memory_space<hbm>>
    tpu.wait_dma2 semaphore(%arg14 : memref<!tpu.dma_semaphore, #tpu.memory_space<semaphore_mem>>) src(%dma_wait3A_533 : memref<16x1024xf32, #tpu.memory_space<hbm>>) dst(%arg8 : memref<16x1024xf32, #tpu.memory_space<vmem>>)
    %dma_wait3A_534 = arith.constant 13 : i32
    %dma_wait3A_535 = arith.constant 0 : i32
    %dma_wait3A_536 = tpu.memref_slice %arg6[%dma_wait3A_534, %dma_wait3A_535] : memref<32x16xi32, #tpu.memory_space<vmem>> -> memref<1x16xi32, #tpu.memory_space<vmem>>
    %dma_wait3A_537 = tpu.memref_squeeze %dma_wait3A_536 : memref<1x16xi32, #tpu.memory_space<vmem>> -> memref<16xi32, #tpu.memory_space<vmem>>
    %dma_wait3A_538 = arith.constant 0 : i32
    %dma_wait3A_539 = arith.constant 0 : i32
    %dma_wait3A_540 = tpu.memref_slice %arg4[%dma_wait3A_538, %dma_wait3A_539] : memref<8192x1024xf32, #tpu.memory_space<hbm>> -> memref<8192x1024xf32, #tpu.memory_space<hbm>>
    tpu.wait_indirect_dma semaphore(%arg17 : memref<!tpu.dma_semaphore, #tpu.memory_space<semaphore_mem>>) src(%dma_wait3A_540 : memref<8192x1024xf32, #tpu.memory_space<hbm>>) dst(%arg11 : memref<16x1024xf32, #tpu.memory_space<vmem>>)
    %parallel_loop3A_541 = arith.constant 0 : i32
    %parallel_loop3A_542 = arith.constant 1024 : i32
    %parallel_loop3A_543 = arith.constant 1 : i32
    scf.for %parallel_loop3A_1194 = %parallel_loop3A_541 to %parallel_loop3A_542 step %parallel_loop3A_543  : i32 {
      %parallel_loop3A_1195 = arith.constant 64 : i32
      %parallel_loop3A_1196 = arith.divsi %parallel_loop3A_1194, %parallel_loop3A_1195 : i32
      %parallel_loop3A_1197 = arith.constant 0 : i32
      %parallel_loop3A_1198 = arith.cmpi sgt, %parallel_loop3A_1194, %parallel_loop3A_1197 : i32
      %parallel_loop3A_1199 = arith.extui %parallel_loop3A_1198 : i1 to i32
      %parallel_loop3A_1200 = arith.constant 0 : i32
      %parallel_loop3A_1201 = arith.cmpi slt, %parallel_loop3A_1194, %parallel_loop3A_1200 : i32
      %parallel_loop3A_1202 = arith.extui %parallel_loop3A_1201 : i1 to i32
      %parallel_loop3A_1203 = arith.subi %parallel_loop3A_1199, %parallel_loop3A_1202 : i32
      %parallel_loop3A_1204 = arith.constant 0 : i32
      %parallel_loop3A_1205 = arith.cmpi sgt, %parallel_loop3A_1195, %parallel_loop3A_1204 : i32
      %parallel_loop3A_1206 = arith.extui %parallel_loop3A_1205 : i1 to i32
      %parallel_loop3A_1207 = arith.constant 0 : i32
      %parallel_loop3A_1208 = arith.cmpi slt, %parallel_loop3A_1195, %parallel_loop3A_1207 : i32
      %parallel_loop3A_1209 = arith.extui %parallel_loop3A_1208 : i1 to i32
      %parallel_loop3A_1210 = arith.subi %parallel_loop3A_1206, %parallel_loop3A_1209 : i32
      %parallel_loop3A_1211 = arith.cmpi ne, %parallel_loop3A_1203, %parallel_loop3A_1210 : i32
      %parallel_loop3A_1212 = arith.remsi %parallel_loop3A_1194, %parallel_loop3A_1195 : i32
      %parallel_loop3A_1213 = arith.constant 0 : i32
      %parallel_loop3A_1214 = arith.cmpi ne, %parallel_loop3A_1212, %parallel_loop3A_1213 : i32
      %parallel_loop3A_1215 = arith.andi %parallel_loop3A_1211, %parallel_loop3A_1214 : i1
      %parallel_loop3A_1216 = arith.constant 1 : i32
      %parallel_loop3A_1217 = arith.subi %parallel_loop3A_1196, %parallel_loop3A_1216 : i32
      %parallel_loop3A_1218 = arith.select %parallel_loop3A_1215, %parallel_loop3A_1217, %parallel_loop3A_1196 : i32
      %parallel_loop3A_1219 = arith.constant 64 : i32
      %parallel_loop3A_1220 = arith.constant 0 : i32
      %parallel_loop3A_1221 = arith.cmpi eq, %parallel_loop3A_1219, %parallel_loop3A_1220 : i32
      %parallel_loop3A_1222 = arith.constant 1 : i32
      %parallel_loop3A_1223 = arith.select %parallel_loop3A_1221, %parallel_loop3A_1222, %parallel_loop3A_1219 : i32
      %parallel_loop3A_1224 = arith.remsi %parallel_loop3A_1194, %parallel_loop3A_1223 : i32
      %parallel_loop3A_1225 = arith.constant 0 : i32
      %parallel_loop3A_1226 = arith.cmpi ne, %parallel_loop3A_1224, %parallel_loop3A_1225 : i32
      %parallel_loop3A_1227 = arith.constant 0 : i32
      %parallel_loop3A_1228 = arith.cmpi slt, %parallel_loop3A_1224, %parallel_loop3A_1227 : i32
      %parallel_loop3A_1229 = arith.constant 0 : i32
      %parallel_loop3A_1230 = arith.cmpi slt, %parallel_loop3A_1223, %parallel_loop3A_1229 : i32
      %parallel_loop3A_1231 = arith.xori %parallel_loop3A_1228, %parallel_loop3A_1230 : i1
      %parallel_loop3A_1232 = arith.andi %parallel_loop3A_1231, %parallel_loop3A_1226 : i1
      %parallel_loop3A_1233 = arith.addi %parallel_loop3A_1224, %parallel_loop3A_1223 : i32
      %parallel_loop3A_1234 = arith.select %parallel_loop3A_1232, %parallel_loop3A_1233, %parallel_loop3A_1224 : i32
      %parallel_loop3A_1235 = arith.constant 16 : i32
      %parallel_loop3A_1236 = arith.muli %parallel_loop3A_1234, %parallel_loop3A_1235 : i32
      %parallel_loop3A_1237 = arith.index_cast %parallel_loop3A_1218 : i32 to index
      %parallel_loop3A_1238 = arith.index_cast %parallel_loop3A_1236 : i32 to index
      %parallel_loop3A_1239 = tpu.vector_load %arg11[%parallel_loop3A_1237, %parallel_loop3A_1238] {strides = array<i32>} : memref<16x1024xf32, #tpu.memory_space<vmem>>, vector<1x16xf32>,
      %parallel_loop3A_1240 = vector.shape_cast %parallel_loop3A_1239 : vector<1x16xf32> to vector<16xf32>
      %parallel_loop3A_1241 = arith.index_cast %parallel_loop3A_1218 : i32 to index
      %parallel_loop3A_1242 = arith.index_cast %parallel_loop3A_1236 : i32 to index
      %parallel_loop3A_1243 = tpu.vector_load %arg8[%parallel_loop3A_1241, %parallel_loop3A_1242] {strides = array<i32>} : memref<16x1024xf32, #tpu.memory_space<vmem>>, vector<1x16xf32>,
      %parallel_loop3A_1244 = vector.shape_cast %parallel_loop3A_1243 : vector<1x16xf32> to vector<16xf32>
      %parallel_loop3A_1245 = vector.shape_cast %parallel_loop3A_1240 : vector<16xf32> to vector<1x16xf32>
      tpu.vector_store %arg8[%parallel_loop3A_1241, %parallel_loop3A_1242], %parallel_loop3A_1245 {add = true, strides = array<i32>} : memref<16x1024xf32, #tpu.memory_space<vmem>>, vector<1x16xf32>,
    } {sc.loop_unroll_factor = 8 : i64, sc.parallel_access}
    %add3A_544 = arith.constant 208 : i32
    %add3A_545 = arith.addi %mul3A_2, %add3A_544 : i32
    %dma_start3A_546 = arith.constant 0 : i32
    %dma_start3A_547 = tpu.memref_slice %arg5[%add3A_545, %dma_start3A_546] : memref<16384x1024xf32, #tpu.memory_space<hbm>> -> memref<16x1024xf32, #tpu.memory_space<hbm>>
    %dma_start3A_548 = arith.constant 0 : i32
    %dma_start3A_549 = tpu.memref_slice %arg5[%add3A_545, %dma_start3A_548] : memref<16384x1024xf32, #tpu.memory_space<hbm>> -> memref<16x1024xf32, #tpu.memory_space<hbm>>
    tpu.enqueue_dma source(%arg8 : memref<16x1024xf32, #tpu.memory_space<vmem>>) target(%dma_start3A_549 : memref<16x1024xf32, #tpu.memory_space<hbm>>) target_semaphore(%arg20 : memref<!tpu.dma_semaphore, #tpu.memory_space<semaphore_mem>>)
    %dma_wait3A_550 = arith.constant 0 : i32
    %dma_wait3A_551 = tpu.memref_slice %arg5[%add3A_545, %dma_wait3A_550] : memref<16384x1024xf32, #tpu.memory_space<hbm>> -> memref<16x1024xf32, #tpu.memory_space<hbm>>
    %dma_wait3A_552 = arith.constant 0 : i32
    %dma_wait3A_553 = tpu.memref_slice %arg5[%add3A_545, %dma_wait3A_552] : memref<16384x1024xf32, #tpu.memory_space<hbm>> -> memref<16x1024xf32, #tpu.memory_space<hbm>>
    tpu.wait_dma2 semaphore(%arg20 : memref<!tpu.dma_semaphore, #tpu.memory_space<semaphore_mem>>) src(%arg8 : memref<16x1024xf32, #tpu.memory_space<vmem>>) dst(%dma_wait3A_553 : memref<16x1024xf32, #tpu.memory_space<hbm>>)
    %add3A_554 = arith.constant 256 : i32
    %add3A_555 = arith.addi %mul3A_2, %add3A_554 : i32
    %dma_start3A_556 = arith.constant 0 : i32
    %dma_start3A_557 = tpu.memref_slice %arg2[%add3A_555, %dma_start3A_556] : memref<16384x1024xf32, #tpu.memory_space<hbm>> -> memref<16x1024xf32, #tpu.memory_space<hbm>>
    %dma_start3A_558 = arith.constant 0 : i32
    %dma_start3A_559 = tpu.memref_slice %arg2[%add3A_555, %dma_start3A_558] : memref<16384x1024xf32, #tpu.memory_space<hbm>> -> memref<16x1024xf32, #tpu.memory_space<hbm>>
    tpu.enqueue_dma source(%dma_start3A_559 : memref<16x1024xf32, #tpu.memory_space<hbm>>) target(%arg8 : memref<16x1024xf32, #tpu.memory_space<vmem>>) target_semaphore(%arg14 : memref<!tpu.dma_semaphore, #tpu.memory_space<semaphore_mem>>)
    %dma_start3A_560 = arith.constant 16 : i32
    %dma_start3A_561 = arith.constant 0 : i32
    %dma_start3A_562 = tpu.memref_slice %arg6[%dma_start3A_560, %dma_start3A_561] : memref<32x16xi32, #tpu.memory_space<vmem>> -> memref<1x16xi32, #tpu.memory_space<vmem>>
    %dma_start3A_563 = tpu.memref_squeeze %dma_start3A_562 : memref<1x16xi32, #tpu.memory_space<vmem>> -> memref<16xi32, #tpu.memory_space<vmem>>
    %dma_start3A_564 = arith.constant 0 : i32
    %dma_start3A_565 = arith.constant 0 : i32
    %dma_start3A_566 = tpu.memref_slice %arg4[%dma_start3A_564, %dma_start3A_565] : memref<8192x1024xf32, #tpu.memory_space<hbm>> -> memref<8192x1024xf32, #tpu.memory_space<hbm>>
    tpu.enqueue_indirect_dma source(%dma_start3A_566 : memref<8192x1024xf32, #tpu.memory_space<hbm>>) target(%arg11 : memref<16x1024xf32, #tpu.memory_space<vmem>>) offsets(%dma_start3A_563 : memref<16xi32, #tpu.memory_space<vmem>>) semaphore(%arg17 : memref<!tpu.dma_semaphore, #tpu.memory_space<semaphore_mem>>)
    %dma_wait3A_567 = arith.constant 0 : i32
    %dma_wait3A_568 = tpu.memref_slice %arg2[%add3A_481, %dma_wait3A_567] : memref<16384x1024xf32, #tpu.memory_space<hbm>> -> memref<16x1024xf32, #tpu.memory_space<hbm>>
    %dma_wait3A_569 = arith.constant 0 : i32
    %dma_wait3A_570 = tpu.memref_slice %arg2[%add3A_481, %dma_wait3A_569] : memref<16384x1024xf32, #tpu.memory_space<hbm>> -> memref<16x1024xf32, #tpu.memory_space<hbm>>
    tpu.wait_dma2 semaphore(%arg15 : memref<!tpu.dma_semaphore, #tpu.memory_space<semaphore_mem>>) src(%dma_wait3A_570 : memref<16x1024xf32, #tpu.memory_space<hbm>>) dst(%arg9 : memref<16x1024xf32, #tpu.memory_space<vmem>>)
    %dma_wait3A_571 = arith.constant 14 : i32
    %dma_wait3A_572 = arith.constant 0 : i32
    %dma_wait3A_573 = tpu.memref_slice %arg6[%dma_wait3A_571, %dma_wait3A_572] : memref<32x16xi32, #tpu.memory_space<vmem>> -> memref<1x16xi32, #tpu.memory_space<vmem>>
    %dma_wait3A_574 = tpu.memref_squeeze %dma_wait3A_573 : memref<1x16xi32, #tpu.memory_space<vmem>> -> memref<16xi32, #tpu.memory_space<vmem>>
    %dma_wait3A_575 = arith.constant 0 : i32
    %dma_wait3A_576 = arith.constant 0 : i32
    %dma_wait3A_577 = tpu.memref_slice %arg4[%dma_wait3A_575, %dma_wait3A_576] : memref<8192x1024xf32, #tpu.memory_space<hbm>> -> memref<8192x1024xf32, #tpu.memory_space<hbm>>
    tpu.wait_indirect_dma semaphore(%arg18 : memref<!tpu.dma_semaphore, #tpu.memory_space<semaphore_mem>>) src(%dma_wait3A_577 : memref<8192x1024xf32, #tpu.memory_space<hbm>>) dst(%arg12 : memref<16x1024xf32, #tpu.memory_space<vmem>>)
    %parallel_loop3A_578 = arith.constant 0 : i32
    %parallel_loop3A_579 = arith.constant 1024 : i32
    %parallel_loop3A_580 = arith.constant 1 : i32
    scf.for %parallel_loop3A_1194 = %parallel_loop3A_578 to %parallel_loop3A_579 step %parallel_loop3A_580  : i32 {
      %parallel_loop3A_1195 = arith.constant 64 : i32
      %parallel_loop3A_1196 = arith.divsi %parallel_loop3A_1194, %parallel_loop3A_1195 : i32
      %parallel_loop3A_1197 = arith.constant 0 : i32
      %parallel_loop3A_1198 = arith.cmpi sgt, %parallel_loop3A_1194, %parallel_loop3A_1197 : i32
      %parallel_loop3A_1199 = arith.extui %parallel_loop3A_1198 : i1 to i32
      %parallel_loop3A_1200 = arith.constant 0 : i32
      %parallel_loop3A_1201 = arith.cmpi slt, %parallel_loop3A_1194, %parallel_loop3A_1200 : i32
      %parallel_loop3A_1202 = arith.extui %parallel_loop3A_1201 : i1 to i32
      %parallel_loop3A_1203 = arith.subi %parallel_loop3A_1199, %parallel_loop3A_1202 : i32
      %parallel_loop3A_1204 = arith.constant 0 : i32
      %parallel_loop3A_1205 = arith.cmpi sgt, %parallel_loop3A_1195, %parallel_loop3A_1204 : i32
      %parallel_loop3A_1206 = arith.extui %parallel_loop3A_1205 : i1 to i32
      %parallel_loop3A_1207 = arith.constant 0 : i32
      %parallel_loop3A_1208 = arith.cmpi slt, %parallel_loop3A_1195, %parallel_loop3A_1207 : i32
      %parallel_loop3A_1209 = arith.extui %parallel_loop3A_1208 : i1 to i32
      %parallel_loop3A_1210 = arith.subi %parallel_loop3A_1206, %parallel_loop3A_1209 : i32
      %parallel_loop3A_1211 = arith.cmpi ne, %parallel_loop3A_1203, %parallel_loop3A_1210 : i32
      %parallel_loop3A_1212 = arith.remsi %parallel_loop3A_1194, %parallel_loop3A_1195 : i32
      %parallel_loop3A_1213 = arith.constant 0 : i32
      %parallel_loop3A_1214 = arith.cmpi ne, %parallel_loop3A_1212, %parallel_loop3A_1213 : i32
      %parallel_loop3A_1215 = arith.andi %parallel_loop3A_1211, %parallel_loop3A_1214 : i1
      %parallel_loop3A_1216 = arith.constant 1 : i32
      %parallel_loop3A_1217 = arith.subi %parallel_loop3A_1196, %parallel_loop3A_1216 : i32
      %parallel_loop3A_1218 = arith.select %parallel_loop3A_1215, %parallel_loop3A_1217, %parallel_loop3A_1196 : i32
      %parallel_loop3A_1219 = arith.constant 64 : i32
      %parallel_loop3A_1220 = arith.constant 0 : i32
      %parallel_loop3A_1221 = arith.cmpi eq, %parallel_loop3A_1219, %parallel_loop3A_1220 : i32
      %parallel_loop3A_1222 = arith.constant 1 : i32
      %parallel_loop3A_1223 = arith.select %parallel_loop3A_1221, %parallel_loop3A_1222, %parallel_loop3A_1219 : i32
      %parallel_loop3A_1224 = arith.remsi %parallel_loop3A_1194, %parallel_loop3A_1223 : i32
      %parallel_loop3A_1225 = arith.constant 0 : i32
      %parallel_loop3A_1226 = arith.cmpi ne, %parallel_loop3A_1224, %parallel_loop3A_1225 : i32
      %parallel_loop3A_1227 = arith.constant 0 : i32
      %parallel_loop3A_1228 = arith.cmpi slt, %parallel_loop3A_1224, %parallel_loop3A_1227 : i32
      %parallel_loop3A_1229 = arith.constant 0 : i32
      %parallel_loop3A_1230 = arith.cmpi slt, %parallel_loop3A_1223, %parallel_loop3A_1229 : i32
      %parallel_loop3A_1231 = arith.xori %parallel_loop3A_1228, %parallel_loop3A_1230 : i1
      %parallel_loop3A_1232 = arith.andi %parallel_loop3A_1231, %parallel_loop3A_1226 : i1
      %parallel_loop3A_1233 = arith.addi %parallel_loop3A_1224, %parallel_loop3A_1223 : i32
      %parallel_loop3A_1234 = arith.select %parallel_loop3A_1232, %parallel_loop3A_1233, %parallel_loop3A_1224 : i32
      %parallel_loop3A_1235 = arith.constant 16 : i32
      %parallel_loop3A_1236 = arith.muli %parallel_loop3A_1234, %parallel_loop3A_1235 : i32
      %parallel_loop3A_1237 = arith.index_cast %parallel_loop3A_1218 : i32 to index
      %parallel_loop3A_1238 = arith.index_cast %parallel_loop3A_1236 : i32 to index
      %parallel_loop3A_1239 = tpu.vector_load %arg12[%parallel_loop3A_1237, %parallel_loop3A_1238] {strides = array<i32>} : memref<16x1024xf32, #tpu.memory_space<vmem>>, vector<1x16xf32>,
      %parallel_loop3A_1240 = vector.shape_cast %parallel_loop3A_1239 : vector<1x16xf32> to vector<16xf32>
      %parallel_loop3A_1241 = arith.index_cast %parallel_loop3A_1218 : i32 to index
      %parallel_loop3A_1242 = arith.index_cast %parallel_loop3A_1236 : i32 to index
      %parallel_loop3A_1243 = tpu.vector_load %arg9[%parallel_loop3A_1241, %parallel_loop3A_1242] {strides = array<i32>} : memref<16x1024xf32, #tpu.memory_space<vmem>>, vector<1x16xf32>,
      %parallel_loop3A_1244 = vector.shape_cast %parallel_loop3A_1243 : vector<1x16xf32> to vector<16xf32>
      %parallel_loop3A_1245 = vector.shape_cast %parallel_loop3A_1240 : vector<16xf32> to vector<1x16xf32>
      tpu.vector_store %arg9[%parallel_loop3A_1241, %parallel_loop3A_1242], %parallel_loop3A_1245 {add = true, strides = array<i32>} : memref<16x1024xf32, #tpu.memory_space<vmem>>, vector<1x16xf32>,
    } {sc.loop_unroll_factor = 8 : i64, sc.parallel_access}
    %add3A_581 = arith.constant 224 : i32
    %add3A_582 = arith.addi %mul3A_2, %add3A_581 : i32
    %dma_start3A_583 = arith.constant 0 : i32
    %dma_start3A_584 = tpu.memref_slice %arg5[%add3A_582, %dma_start3A_583] : memref<16384x1024xf32, #tpu.memory_space<hbm>> -> memref<16x1024xf32, #tpu.memory_space<hbm>>
    %dma_start3A_585 = arith.constant 0 : i32
    %dma_start3A_586 = tpu.memref_slice %arg5[%add3A_582, %dma_start3A_585] : memref<16384x1024xf32, #tpu.memory_space<hbm>> -> memref<16x1024xf32, #tpu.memory_space<hbm>>
    tpu.enqueue_dma source(%arg9 : memref<16x1024xf32, #tpu.memory_space<vmem>>) target(%dma_start3A_586 : memref<16x1024xf32, #tpu.memory_space<hbm>>) target_semaphore(%arg21 : memref<!tpu.dma_semaphore, #tpu.memory_space<semaphore_mem>>)
    %dma_wait3A_587 = arith.constant 0 : i32
    %dma_wait3A_588 = tpu.memref_slice %arg5[%add3A_582, %dma_wait3A_587] : memref<16384x1024xf32, #tpu.memory_space<hbm>> -> memref<16x1024xf32, #tpu.memory_space<hbm>>
    %dma_wait3A_589 = arith.constant 0 : i32
    %dma_wait3A_590 = tpu.memref_slice %arg5[%add3A_582, %dma_wait3A_589] : memref<16384x1024xf32, #tpu.memory_space<hbm>> -> memref<16x1024xf32, #tpu.memory_space<hbm>>
    tpu.wait_dma2 semaphore(%arg21 : memref<!tpu.dma_semaphore, #tpu.memory_space<semaphore_mem>>) src(%arg9 : memref<16x1024xf32, #tpu.memory_space<vmem>>) dst(%dma_wait3A_590 : memref<16x1024xf32, #tpu.memory_space<hbm>>)
    %add3A_591 = arith.constant 272 : i32
    %add3A_592 = arith.addi %mul3A_2, %add3A_591 : i32
    %dma_start3A_593 = arith.constant 0 : i32
    %dma_start3A_594 = tpu.memref_slice %arg2[%add3A_592, %dma_start3A_593] : memref<16384x1024xf32, #tpu.memory_space<hbm>> -> memref<16x1024xf32, #tpu.memory_space<hbm>>
    %dma_start3A_595 = arith.constant 0 : i32
    %dma_start3A_596 = tpu.memref_slice %arg2[%add3A_592, %dma_start3A_595] : memref<16384x1024xf32, #tpu.memory_space<hbm>> -> memref<16x1024xf32, #tpu.memory_space<hbm>>
    tpu.enqueue_dma source(%dma_start3A_596 : memref<16x1024xf32, #tpu.memory_space<hbm>>) target(%arg9 : memref<16x1024xf32, #tpu.memory_space<vmem>>) target_semaphore(%arg15 : memref<!tpu.dma_semaphore, #tpu.memory_space<semaphore_mem>>)
    %dma_start3A_597 = arith.constant 17 : i32
    %dma_start3A_598 = arith.constant 0 : i32
    %dma_start3A_599 = tpu.memref_slice %arg6[%dma_start3A_597, %dma_start3A_598] : memref<32x16xi32, #tpu.memory_space<vmem>> -> memref<1x16xi32, #tpu.memory_space<vmem>>
    %dma_start3A_600 = tpu.memref_squeeze %dma_start3A_599 : memref<1x16xi32, #tpu.memory_space<vmem>> -> memref<16xi32, #tpu.memory_space<vmem>>
    %dma_start3A_601 = arith.constant 0 : i32
    %dma_start3A_602 = arith.constant 0 : i32
    %dma_start3A_603 = tpu.memref_slice %arg4[%dma_start3A_601, %dma_start3A_602] : memref<8192x1024xf32, #tpu.memory_space<hbm>> -> memref<8192x1024xf32, #tpu.memory_space<hbm>>
    tpu.enqueue_indirect_dma source(%dma_start3A_603 : memref<8192x1024xf32, #tpu.memory_space<hbm>>) target(%arg12 : memref<16x1024xf32, #tpu.memory_space<vmem>>) offsets(%dma_start3A_600 : memref<16xi32, #tpu.memory_space<vmem>>) semaphore(%arg18 : memref<!tpu.dma_semaphore, #tpu.memory_space<semaphore_mem>>)
    %dma_wait3A_604 = arith.constant 0 : i32
    %dma_wait3A_605 = tpu.memref_slice %arg2[%add3A_518, %dma_wait3A_604] : memref<16384x1024xf32, #tpu.memory_space<hbm>> -> memref<16x1024xf32, #tpu.memory_space<hbm>>
    %dma_wait3A_606 = arith.constant 0 : i32
    %dma_wait3A_607 = tpu.memref_slice %arg2[%add3A_518, %dma_wait3A_606] : memref<16384x1024xf32, #tpu.memory_space<hbm>> -> memref<16x1024xf32, #tpu.memory_space<hbm>>
    tpu.wait_dma2 semaphore(%arg13 : memref<!tpu.dma_semaphore, #tpu.memory_space<semaphore_mem>>) src(%dma_wait3A_607 : memref<16x1024xf32, #tpu.memory_space<hbm>>) dst(%arg7 : memref<16x1024xf32, #tpu.memory_space<vmem>>)
    %dma_wait3A_608 = arith.constant 15 : i32
    %dma_wait3A_609 = arith.constant 0 : i32
    %dma_wait3A_610 = tpu.memref_slice %arg6[%dma_wait3A_608, %dma_wait3A_609] : memref<32x16xi32, #tpu.memory_space<vmem>> -> memref<1x16xi32, #tpu.memory_space<vmem>>
    %dma_wait3A_611 = tpu.memref_squeeze %dma_wait3A_610 : memref<1x16xi32, #tpu.memory_space<vmem>> -> memref<16xi32, #tpu.memory_space<vmem>>
    %dma_wait3A_612 = arith.constant 0 : i32
    %dma_wait3A_613 = arith.constant 0 : i32
    %dma_wait3A_614 = tpu.memref_slice %arg4[%dma_wait3A_612, %dma_wait3A_613] : memref<8192x1024xf32, #tpu.memory_space<hbm>> -> memref<8192x1024xf32, #tpu.memory_space<hbm>>
    tpu.wait_indirect_dma semaphore(%arg16 : memref<!tpu.dma_semaphore, #tpu.memory_space<semaphore_mem>>) src(%dma_wait3A_614 : memref<8192x1024xf32, #tpu.memory_space<hbm>>) dst(%arg10 : memref<16x1024xf32, #tpu.memory_space<vmem>>)
    %parallel_loop3A_615 = arith.constant 0 : i32
    %parallel_loop3A_616 = arith.constant 1024 : i32
    %parallel_loop3A_617 = arith.constant 1 : i32
    scf.for %parallel_loop3A_1194 = %parallel_loop3A_615 to %parallel_loop3A_616 step %parallel_loop3A_617  : i32 {
      %parallel_loop3A_1195 = arith.constant 64 : i32
      %parallel_loop3A_1196 = arith.divsi %parallel_loop3A_1194, %parallel_loop3A_1195 : i32
      %parallel_loop3A_1197 = arith.constant 0 : i32
      %parallel_loop3A_1198 = arith.cmpi sgt, %parallel_loop3A_1194, %parallel_loop3A_1197 : i32
      %parallel_loop3A_1199 = arith.extui %parallel_loop3A_1198 : i1 to i32
      %parallel_loop3A_1200 = arith.constant 0 : i32
      %parallel_loop3A_1201 = arith.cmpi slt, %parallel_loop3A_1194, %parallel_loop3A_1200 : i32
      %parallel_loop3A_1202 = arith.extui %parallel_loop3A_1201 : i1 to i32
      %parallel_loop3A_1203 = arith.subi %parallel_loop3A_1199, %parallel_loop3A_1202 : i32
      %parallel_loop3A_1204 = arith.constant 0 : i32
      %parallel_loop3A_1205 = arith.cmpi sgt, %parallel_loop3A_1195, %parallel_loop3A_1204 : i32
      %parallel_loop3A_1206 = arith.extui %parallel_loop3A_1205 : i1 to i32
      %parallel_loop3A_1207 = arith.constant 0 : i32
      %parallel_loop3A_1208 = arith.cmpi slt, %parallel_loop3A_1195, %parallel_loop3A_1207 : i32
      %parallel_loop3A_1209 = arith.extui %parallel_loop3A_1208 : i1 to i32
      %parallel_loop3A_1210 = arith.subi %parallel_loop3A_1206, %parallel_loop3A_1209 : i32
      %parallel_loop3A_1211 = arith.cmpi ne, %parallel_loop3A_1203, %parallel_loop3A_1210 : i32
      %parallel_loop3A_1212 = arith.remsi %parallel_loop3A_1194, %parallel_loop3A_1195 : i32
      %parallel_loop3A_1213 = arith.constant 0 : i32
      %parallel_loop3A_1214 = arith.cmpi ne, %parallel_loop3A_1212, %parallel_loop3A_1213 : i32
      %parallel_loop3A_1215 = arith.andi %parallel_loop3A_1211, %parallel_loop3A_1214 : i1
      %parallel_loop3A_1216 = arith.constant 1 : i32
      %parallel_loop3A_1217 = arith.subi %parallel_loop3A_1196, %parallel_loop3A_1216 : i32
      %parallel_loop3A_1218 = arith.select %parallel_loop3A_1215, %parallel_loop3A_1217, %parallel_loop3A_1196 : i32
      %parallel_loop3A_1219 = arith.constant 64 : i32
      %parallel_loop3A_1220 = arith.constant 0 : i32
      %parallel_loop3A_1221 = arith.cmpi eq, %parallel_loop3A_1219, %parallel_loop3A_1220 : i32
      %parallel_loop3A_1222 = arith.constant 1 : i32
      %parallel_loop3A_1223 = arith.select %parallel_loop3A_1221, %parallel_loop3A_1222, %parallel_loop3A_1219 : i32
      %parallel_loop3A_1224 = arith.remsi %parallel_loop3A_1194, %parallel_loop3A_1223 : i32
      %parallel_loop3A_1225 = arith.constant 0 : i32
      %parallel_loop3A_1226 = arith.cmpi ne, %parallel_loop3A_1224, %parallel_loop3A_1225 : i32
      %parallel_loop3A_1227 = arith.constant 0 : i32
      %parallel_loop3A_1228 = arith.cmpi slt, %parallel_loop3A_1224, %parallel_loop3A_1227 : i32
      %parallel_loop3A_1229 = arith.constant 0 : i32
      %parallel_loop3A_1230 = arith.cmpi slt, %parallel_loop3A_1223, %parallel_loop3A_1229 : i32
      %parallel_loop3A_1231 = arith.xori %parallel_loop3A_1228, %parallel_loop3A_1230 : i1
      %parallel_loop3A_1232 = arith.andi %parallel_loop3A_1231, %parallel_loop3A_1226 : i1
      %parallel_loop3A_1233 = arith.addi %parallel_loop3A_1224, %parallel_loop3A_1223 : i32
      %parallel_loop3A_1234 = arith.select %parallel_loop3A_1232, %parallel_loop3A_1233, %parallel_loop3A_1224 : i32
      %parallel_loop3A_1235 = arith.constant 16 : i32
      %parallel_loop3A_1236 = arith.muli %parallel_loop3A_1234, %parallel_loop3A_1235 : i32
      %parallel_loop3A_1237 = arith.index_cast %parallel_loop3A_1218 : i32 to index
      %parallel_loop3A_1238 = arith.index_cast %parallel_loop3A_1236 : i32 to index
      %parallel_loop3A_1239 = tpu.vector_load %arg10[%parallel_loop3A_1237, %parallel_loop3A_1238] {strides = array<i32>} : memref<16x1024xf32, #tpu.memory_space<vmem>>, vector<1x16xf32>,
      %parallel_loop3A_1240 = vector.shape_cast %parallel_loop3A_1239 : vector<1x16xf32> to vector<16xf32>
      %parallel_loop3A_1241 = arith.index_cast %parallel_loop3A_1218 : i32 to index
      %parallel_loop3A_1242 = arith.index_cast %parallel_loop3A_1236 : i32 to index
      %parallel_loop3A_1243 = tpu.vector_load %arg7[%parallel_loop3A_1241, %parallel_loop3A_1242] {strides = array<i32>} : memref<16x1024xf32, #tpu.memory_space<vmem>>, vector<1x16xf32>,
      %parallel_loop3A_1244 = vector.shape_cast %parallel_loop3A_1243 : vector<1x16xf32> to vector<16xf32>
      %parallel_loop3A_1245 = vector.shape_cast %parallel_loop3A_1240 : vector<16xf32> to vector<1x16xf32>
      tpu.vector_store %arg7[%parallel_loop3A_1241, %parallel_loop3A_1242], %parallel_loop3A_1245 {add = true, strides = array<i32>} : memref<16x1024xf32, #tpu.memory_space<vmem>>, vector<1x16xf32>,
    } {sc.loop_unroll_factor = 8 : i64, sc.parallel_access}
    %add3A_618 = arith.constant 240 : i32
    %add3A_619 = arith.addi %mul3A_2, %add3A_618 : i32
    %dma_start3A_620 = arith.constant 0 : i32
    %dma_start3A_621 = tpu.memref_slice %arg5[%add3A_619, %dma_start3A_620] : memref<16384x1024xf32, #tpu.memory_space<hbm>> -> memref<16x1024xf32, #tpu.memory_space<hbm>>
    %dma_start3A_622 = arith.constant 0 : i32
    %dma_start3A_623 = tpu.memref_slice %arg5[%add3A_619, %dma_start3A_622] : memref<16384x1024xf32, #tpu.memory_space<hbm>> -> memref<16x1024xf32, #tpu.memory_space<hbm>>
    tpu.enqueue_dma source(%arg7 : memref<16x1024xf32, #tpu.memory_space<vmem>>) target(%dma_start3A_623 : memref<16x1024xf32, #tpu.memory_space<hbm>>) target_semaphore(%arg19 : memref<!tpu.dma_semaphore, #tpu.memory_space<semaphore_mem>>)
    %dma_wait3A_624 = arith.constant 0 : i32
    %dma_wait3A_625 = tpu.memref_slice %arg5[%add3A_619, %dma_wait3A_624] : memref<16384x1024xf32, #tpu.memory_space<hbm>> -> memref<16x1024xf32, #tpu.memory_space<hbm>>
    %dma_wait3A_626 = arith.constant 0 : i32
    %dma_wait3A_627 = tpu.memref_slice %arg5[%add3A_619, %dma_wait3A_626] : memref<16384x1024xf32, #tpu.memory_space<hbm>> -> memref<16x1024xf32, #tpu.memory_space<hbm>>
    tpu.wait_dma2 semaphore(%arg19 : memref<!tpu.dma_semaphore, #tpu.memory_space<semaphore_mem>>) src(%arg7 : memref<16x1024xf32, #tpu.memory_space<vmem>>) dst(%dma_wait3A_627 : memref<16x1024xf32, #tpu.memory_space<hbm>>)
    %add3A_628 = arith.constant 288 : i32
    %add3A_629 = arith.addi %mul3A_2, %add3A_628 : i32
    %dma_start3A_630 = arith.constant 0 : i32
    %dma_start3A_631 = tpu.memref_slice %arg2[%add3A_629, %dma_start3A_630] : memref<16384x1024xf32, #tpu.memory_space<hbm>> -> memref<16x1024xf32, #tpu.memory_space<hbm>>
    %dma_start3A_632 = arith.constant 0 : i32
    %dma_start3A_633 = tpu.memref_slice %arg2[%add3A_629, %dma_start3A_632] : memref<16384x1024xf32, #tpu.memory_space<hbm>> -> memref<16x1024xf32, #tpu.memory_space<hbm>>
    tpu.enqueue_dma source(%dma_start3A_633 : memref<16x1024xf32, #tpu.memory_space<hbm>>) target(%arg7 : memref<16x1024xf32, #tpu.memory_space<vmem>>) target_semaphore(%arg13 : memref<!tpu.dma_semaphore, #tpu.memory_space<semaphore_mem>>)
    %dma_start3A_634 = arith.constant 18 : i32
    %dma_start3A_635 = arith.constant 0 : i32
    %dma_start3A_636 = tpu.memref_slice %arg6[%dma_start3A_634, %dma_start3A_635] : memref<32x16xi32, #tpu.memory_space<vmem>> -> memref<1x16xi32, #tpu.memory_space<vmem>>
    %dma_start3A_637 = tpu.memref_squeeze %dma_start3A_636 : memref<1x16xi32, #tpu.memory_space<vmem>> -> memref<16xi32, #tpu.memory_space<vmem>>
    %dma_start3A_638 = arith.constant 0 : i32
    %dma_start3A_639 = arith.constant 0 : i32
    %dma_start3A_640 = tpu.memref_slice %arg4[%dma_start3A_638, %dma_start3A_639] : memref<8192x1024xf32, #tpu.memory_space<hbm>> -> memref<8192x1024xf32, #tpu.memory_space<hbm>>
    tpu.enqueue_indirect_dma source(%dma_start3A_640 : memref<8192x1024xf32, #tpu.memory_space<hbm>>) target(%arg10 : memref<16x1024xf32, #tpu.memory_space<vmem>>) offsets(%dma_start3A_637 : memref<16xi32, #tpu.memory_space<vmem>>) semaphore(%arg16 : memref<!tpu.dma_semaphore, #tpu.memory_space<semaphore_mem>>)
    %dma_wait3A_641 = arith.constant 0 : i32
    %dma_wait3A_642 = tpu.memref_slice %arg2[%add3A_555, %dma_wait3A_641] : memref<16384x1024xf32, #tpu.memory_space<hbm>> -> memref<16x1024xf32, #tpu.memory_space<hbm>>
    %dma_wait3A_643 = arith.constant 0 : i32
    %dma_wait3A_644 = tpu.memref_slice %arg2[%add3A_555, %dma_wait3A_643] : memref<16384x1024xf32, #tpu.memory_space<hbm>> -> memref<16x1024xf32, #tpu.memory_space<hbm>>
    tpu.wait_dma2 semaphore(%arg14 : memref<!tpu.dma_semaphore, #tpu.memory_space<semaphore_mem>>) src(%dma_wait3A_644 : memref<16x1024xf32, #tpu.memory_space<hbm>>) dst(%arg8 : memref<16x1024xf32, #tpu.memory_space<vmem>>)
    %dma_wait3A_645 = arith.constant 16 : i32
    %dma_wait3A_646 = arith.constant 0 : i32
    %dma_wait3A_647 = tpu.memref_slice %arg6[%dma_wait3A_645, %dma_wait3A_646] : memref<32x16xi32, #tpu.memory_space<vmem>> -> memref<1x16xi32, #tpu.memory_space<vmem>>
    %dma_wait3A_648 = tpu.memref_squeeze %dma_wait3A_647 : memref<1x16xi32, #tpu.memory_space<vmem>> -> memref<16xi32, #tpu.memory_space<vmem>>
    %dma_wait3A_649 = arith.constant 0 : i32
    %dma_wait3A_650 = arith.constant 0 : i32
    %dma_wait3A_651 = tpu.memref_slice %arg4[%dma_wait3A_649, %dma_wait3A_650] : memref<8192x1024xf32, #tpu.memory_space<hbm>> -> memref<8192x1024xf32, #tpu.memory_space<hbm>>
    tpu.wait_indirect_dma semaphore(%arg17 : memref<!tpu.dma_semaphore, #tpu.memory_space<semaphore_mem>>) src(%dma_wait3A_651 : memref<8192x1024xf32, #tpu.memory_space<hbm>>) dst(%arg11 : memref<16x1024xf32, #tpu.memory_space<vmem>>)
    %parallel_loop3A_652 = arith.constant 0 : i32
    %parallel_loop3A_653 = arith.constant 1024 : i32
    %parallel_loop3A_654 = arith.constant 1 : i32
    scf.for %parallel_loop3A_1194 = %parallel_loop3A_652 to %parallel_loop3A_653 step %parallel_loop3A_654  : i32 {
      %parallel_loop3A_1195 = arith.constant 64 : i32
      %parallel_loop3A_1196 = arith.divsi %parallel_loop3A_1194, %parallel_loop3A_1195 : i32
      %parallel_loop3A_1197 = arith.constant 0 : i32
      %parallel_loop3A_1198 = arith.cmpi sgt, %parallel_loop3A_1194, %parallel_loop3A_1197 : i32
      %parallel_loop3A_1199 = arith.extui %parallel_loop3A_1198 : i1 to i32
      %parallel_loop3A_1200 = arith.constant 0 : i32
      %parallel_loop3A_1201 = arith.cmpi slt, %parallel_loop3A_1194, %parallel_loop3A_1200 : i32
      %parallel_loop3A_1202 = arith.extui %parallel_loop3A_1201 : i1 to i32
      %parallel_loop3A_1203 = arith.subi %parallel_loop3A_1199, %parallel_loop3A_1202 : i32
      %parallel_loop3A_1204 = arith.constant 0 : i32
      %parallel_loop3A_1205 = arith.cmpi sgt, %parallel_loop3A_1195, %parallel_loop3A_1204 : i32
      %parallel_loop3A_1206 = arith.extui %parallel_loop3A_1205 : i1 to i32
      %parallel_loop3A_1207 = arith.constant 0 : i32
      %parallel_loop3A_1208 = arith.cmpi slt, %parallel_loop3A_1195, %parallel_loop3A_1207 : i32
      %parallel_loop3A_1209 = arith.extui %parallel_loop3A_1208 : i1 to i32
      %parallel_loop3A_1210 = arith.subi %parallel_loop3A_1206, %parallel_loop3A_1209 : i32
      %parallel_loop3A_1211 = arith.cmpi ne, %parallel_loop3A_1203, %parallel_loop3A_1210 : i32
      %parallel_loop3A_1212 = arith.remsi %parallel_loop3A_1194, %parallel_loop3A_1195 : i32
      %parallel_loop3A_1213 = arith.constant 0 : i32
      %parallel_loop3A_1214 = arith.cmpi ne, %parallel_loop3A_1212, %parallel_loop3A_1213 : i32
      %parallel_loop3A_1215 = arith.andi %parallel_loop3A_1211, %parallel_loop3A_1214 : i1
      %parallel_loop3A_1216 = arith.constant 1 : i32
      %parallel_loop3A_1217 = arith.subi %parallel_loop3A_1196, %parallel_loop3A_1216 : i32
      %parallel_loop3A_1218 = arith.select %parallel_loop3A_1215, %parallel_loop3A_1217, %parallel_loop3A_1196 : i32
      %parallel_loop3A_1219 = arith.constant 64 : i32
      %parallel_loop3A_1220 = arith.constant 0 : i32
      %parallel_loop3A_1221 = arith.cmpi eq, %parallel_loop3A_1219, %parallel_loop3A_1220 : i32
      %parallel_loop3A_1222 = arith.constant 1 : i32
      %parallel_loop3A_1223 = arith.select %parallel_loop3A_1221, %parallel_loop3A_1222, %parallel_loop3A_1219 : i32
      %parallel_loop3A_1224 = arith.remsi %parallel_loop3A_1194, %parallel_loop3A_1223 : i32
      %parallel_loop3A_1225 = arith.constant 0 : i32
      %parallel_loop3A_1226 = arith.cmpi ne, %parallel_loop3A_1224, %parallel_loop3A_1225 : i32
      %parallel_loop3A_1227 = arith.constant 0 : i32
      %parallel_loop3A_1228 = arith.cmpi slt, %parallel_loop3A_1224, %parallel_loop3A_1227 : i32
      %parallel_loop3A_1229 = arith.constant 0 : i32
      %parallel_loop3A_1230 = arith.cmpi slt, %parallel_loop3A_1223, %parallel_loop3A_1229 : i32
      %parallel_loop3A_1231 = arith.xori %parallel_loop3A_1228, %parallel_loop3A_1230 : i1
      %parallel_loop3A_1232 = arith.andi %parallel_loop3A_1231, %parallel_loop3A_1226 : i1
      %parallel_loop3A_1233 = arith.addi %parallel_loop3A_1224, %parallel_loop3A_1223 : i32
      %parallel_loop3A_1234 = arith.select %parallel_loop3A_1232, %parallel_loop3A_1233, %parallel_loop3A_1224 : i32
      %parallel_loop3A_1235 = arith.constant 16 : i32
      %parallel_loop3A_1236 = arith.muli %parallel_loop3A_1234, %parallel_loop3A_1235 : i32
      %parallel_loop3A_1237 = arith.index_cast %parallel_loop3A_1218 : i32 to index
      %parallel_loop3A_1238 = arith.index_cast %parallel_loop3A_1236 : i32 to index
      %parallel_loop3A_1239 = tpu.vector_load %arg11[%parallel_loop3A_1237, %parallel_loop3A_1238] {strides = array<i32>} : memref<16x1024xf32, #tpu.memory_space<vmem>>, vector<1x16xf32>,
      %parallel_loop3A_1240 = vector.shape_cast %parallel_loop3A_1239 : vector<1x16xf32> to vector<16xf32>
      %parallel_loop3A_1241 = arith.index_cast %parallel_loop3A_1218 : i32 to index
      %parallel_loop3A_1242 = arith.index_cast %parallel_loop3A_1236 : i32 to index
      %parallel_loop3A_1243 = tpu.vector_load %arg8[%parallel_loop3A_1241, %parallel_loop3A_1242] {strides = array<i32>} : memref<16x1024xf32, #tpu.memory_space<vmem>>, vector<1x16xf32>,
      %parallel_loop3A_1244 = vector.shape_cast %parallel_loop3A_1243 : vector<1x16xf32> to vector<16xf32>
      %parallel_loop3A_1245 = vector.shape_cast %parallel_loop3A_1240 : vector<16xf32> to vector<1x16xf32>
      tpu.vector_store %arg8[%parallel_loop3A_1241, %parallel_loop3A_1242], %parallel_loop3A_1245 {add = true, strides = array<i32>} : memref<16x1024xf32, #tpu.memory_space<vmem>>, vector<1x16xf32>,
    } {sc.loop_unroll_factor = 8 : i64, sc.parallel_access}
    %add3A_655 = arith.constant 256 : i32
    %add3A_656 = arith.addi %mul3A_2, %add3A_655 : i32
    %dma_start3A_657 = arith.constant 0 : i32
    %dma_start3A_658 = tpu.memref_slice %arg5[%add3A_656, %dma_start3A_657] : memref<16384x1024xf32, #tpu.memory_space<hbm>> -> memref<16x1024xf32, #tpu.memory_space<hbm>>
    %dma_start3A_659 = arith.constant 0 : i32
    %dma_start3A_660 = tpu.memref_slice %arg5[%add3A_656, %dma_start3A_659] : memref<16384x1024xf32, #tpu.memory_space<hbm>> -> memref<16x1024xf32, #tpu.memory_space<hbm>>
    tpu.enqueue_dma source(%arg8 : memref<16x1024xf32, #tpu.memory_space<vmem>>) target(%dma_start3A_660 : memref<16x1024xf32, #tpu.memory_space<hbm>>) target_semaphore(%arg20 : memref<!tpu.dma_semaphore, #tpu.memory_space<semaphore_mem>>)
    %dma_wait3A_661 = arith.constant 0 : i32
    %dma_wait3A_662 = tpu.memref_slice %arg5[%add3A_656, %dma_wait3A_661] : memref<16384x1024xf32, #tpu.memory_space<hbm>> -> memref<16x1024xf32, #tpu.memory_space<hbm>>
    %dma_wait3A_663 = arith.constant 0 : i32
    %dma_wait3A_664 = tpu.memref_slice %arg5[%add3A_656, %dma_wait3A_663] : memref<16384x1024xf32, #tpu.memory_space<hbm>> -> memref<16x1024xf32, #tpu.memory_space<hbm>>
    tpu.wait_dma2 semaphore(%arg20 : memref<!tpu.dma_semaphore, #tpu.memory_space<semaphore_mem>>) src(%arg8 : memref<16x1024xf32, #tpu.memory_space<vmem>>) dst(%dma_wait3A_664 : memref<16x1024xf32, #tpu.memory_space<hbm>>)
    %add3A_665 = arith.constant 304 : i32
    %add3A_666 = arith.addi %mul3A_2, %add3A_665 : i32
    %dma_start3A_667 = arith.constant 0 : i32
    %dma_start3A_668 = tpu.memref_slice %arg2[%add3A_666, %dma_start3A_667] : memref<16384x1024xf32, #tpu.memory_space<hbm>> -> memref<16x1024xf32, #tpu.memory_space<hbm>>
    %dma_start3A_669 = arith.constant 0 : i32
    %dma_start3A_670 = tpu.memref_slice %arg2[%add3A_666, %dma_start3A_669] : memref<16384x1024xf32, #tpu.memory_space<hbm>> -> memref<16x1024xf32, #tpu.memory_space<hbm>>
    tpu.enqueue_dma source(%dma_start3A_670 : memref<16x1024xf32, #tpu.memory_space<hbm>>) target(%arg8 : memref<16x1024xf32, #tpu.memory_space<vmem>>) target_semaphore(%arg14 : memref<!tpu.dma_semaphore, #tpu.memory_space<semaphore_mem>>)
    %dma_start3A_671 = arith.constant 19 : i32
    %dma_start3A_672 = arith.constant 0 : i32
    %dma_start3A_673 = tpu.memref_slice %arg6[%dma_start3A_671, %dma_start3A_672] : memref<32x16xi32, #tpu.memory_space<vmem>> -> memref<1x16xi32, #tpu.memory_space<vmem>>
    %dma_start3A_674 = tpu.memref_squeeze %dma_start3A_673 : memref<1x16xi32, #tpu.memory_space<vmem>> -> memref<16xi32, #tpu.memory_space<vmem>>
    %dma_start3A_675 = arith.constant 0 : i32
    %dma_start3A_676 = arith.constant 0 : i32
    %dma_start3A_677 = tpu.memref_slice %arg4[%dma_start3A_675, %dma_start3A_676] : memref<8192x1024xf32, #tpu.memory_space<hbm>> -> memref<8192x1024xf32, #tpu.memory_space<hbm>>
    tpu.enqueue_indirect_dma source(%dma_start3A_677 : memref<8192x1024xf32, #tpu.memory_space<hbm>>) target(%arg11 : memref<16x1024xf32, #tpu.memory_space<vmem>>) offsets(%dma_start3A_674 : memref<16xi32, #tpu.memory_space<vmem>>) semaphore(%arg17 : memref<!tpu.dma_semaphore, #tpu.memory_space<semaphore_mem>>)
    %dma_wait3A_678 = arith.constant 0 : i32
    %dma_wait3A_679 = tpu.memref_slice %arg2[%add3A_592, %dma_wait3A_678] : memref<16384x1024xf32, #tpu.memory_space<hbm>> -> memref<16x1024xf32, #tpu.memory_space<hbm>>
    %dma_wait3A_680 = arith.constant 0 : i32
    %dma_wait3A_681 = tpu.memref_slice %arg2[%add3A_592, %dma_wait3A_680] : memref<16384x1024xf32, #tpu.memory_space<hbm>> -> memref<16x1024xf32, #tpu.memory_space<hbm>>
    tpu.wait_dma2 semaphore(%arg15 : memref<!tpu.dma_semaphore, #tpu.memory_space<semaphore_mem>>) src(%dma_wait3A_681 : memref<16x1024xf32, #tpu.memory_space<hbm>>) dst(%arg9 : memref<16x1024xf32, #tpu.memory_space<vmem>>)
    %dma_wait3A_682 = arith.constant 17 : i32
    %dma_wait3A_683 = arith.constant 0 : i32
    %dma_wait3A_684 = tpu.memref_slice %arg6[%dma_wait3A_682, %dma_wait3A_683] : memref<32x16xi32, #tpu.memory_space<vmem>> -> memref<1x16xi32, #tpu.memory_space<vmem>>
    %dma_wait3A_685 = tpu.memref_squeeze %dma_wait3A_684 : memref<1x16xi32, #tpu.memory_space<vmem>> -> memref<16xi32, #tpu.memory_space<vmem>>
    %dma_wait3A_686 = arith.constant 0 : i32
    %dma_wait3A_687 = arith.constant 0 : i32
    %dma_wait3A_688 = tpu.memref_slice %arg4[%dma_wait3A_686, %dma_wait3A_687] : memref<8192x1024xf32, #tpu.memory_space<hbm>> -> memref<8192x1024xf32, #tpu.memory_space<hbm>>
    tpu.wait_indirect_dma semaphore(%arg18 : memref<!tpu.dma_semaphore, #tpu.memory_space<semaphore_mem>>) src(%dma_wait3A_688 : memref<8192x1024xf32, #tpu.memory_space<hbm>>) dst(%arg12 : memref<16x1024xf32, #tpu.memory_space<vmem>>)
    %parallel_loop3A_689 = arith.constant 0 : i32
    %parallel_loop3A_690 = arith.constant 1024 : i32
    %parallel_loop3A_691 = arith.constant 1 : i32
    scf.for %parallel_loop3A_1194 = %parallel_loop3A_689 to %parallel_loop3A_690 step %parallel_loop3A_691  : i32 {
      %parallel_loop3A_1195 = arith.constant 64 : i32
      %parallel_loop3A_1196 = arith.divsi %parallel_loop3A_1194, %parallel_loop3A_1195 : i32
      %parallel_loop3A_1197 = arith.constant 0 : i32
      %parallel_loop3A_1198 = arith.cmpi sgt, %parallel_loop3A_1194, %parallel_loop3A_1197 : i32
      %parallel_loop3A_1199 = arith.extui %parallel_loop3A_1198 : i1 to i32
      %parallel_loop3A_1200 = arith.constant 0 : i32
      %parallel_loop3A_1201 = arith.cmpi slt, %parallel_loop3A_1194, %parallel_loop3A_1200 : i32
      %parallel_loop3A_1202 = arith.extui %parallel_loop3A_1201 : i1 to i32
      %parallel_loop3A_1203 = arith.subi %parallel_loop3A_1199, %parallel_loop3A_1202 : i32
      %parallel_loop3A_1204 = arith.constant 0 : i32
      %parallel_loop3A_1205 = arith.cmpi sgt, %parallel_loop3A_1195, %parallel_loop3A_1204 : i32
      %parallel_loop3A_1206 = arith.extui %parallel_loop3A_1205 : i1 to i32
      %parallel_loop3A_1207 = arith.constant 0 : i32
      %parallel_loop3A_1208 = arith.cmpi slt, %parallel_loop3A_1195, %parallel_loop3A_1207 : i32
      %parallel_loop3A_1209 = arith.extui %parallel_loop3A_1208 : i1 to i32
      %parallel_loop3A_1210 = arith.subi %parallel_loop3A_1206, %parallel_loop3A_1209 : i32
      %parallel_loop3A_1211 = arith.cmpi ne, %parallel_loop3A_1203, %parallel_loop3A_1210 : i32
      %parallel_loop3A_1212 = arith.remsi %parallel_loop3A_1194, %parallel_loop3A_1195 : i32
      %parallel_loop3A_1213 = arith.constant 0 : i32
      %parallel_loop3A_1214 = arith.cmpi ne, %parallel_loop3A_1212, %parallel_loop3A_1213 : i32
      %parallel_loop3A_1215 = arith.andi %parallel_loop3A_1211, %parallel_loop3A_1214 : i1
      %parallel_loop3A_1216 = arith.constant 1 : i32
      %parallel_loop3A_1217 = arith.subi %parallel_loop3A_1196, %parallel_loop3A_1216 : i32
      %parallel_loop3A_1218 = arith.select %parallel_loop3A_1215, %parallel_loop3A_1217, %parallel_loop3A_1196 : i32
      %parallel_loop3A_1219 = arith.constant 64 : i32
      %parallel_loop3A_1220 = arith.constant 0 : i32
      %parallel_loop3A_1221 = arith.cmpi eq, %parallel_loop3A_1219, %parallel_loop3A_1220 : i32
      %parallel_loop3A_1222 = arith.constant 1 : i32
      %parallel_loop3A_1223 = arith.select %parallel_loop3A_1221, %parallel_loop3A_1222, %parallel_loop3A_1219 : i32
      %parallel_loop3A_1224 = arith.remsi %parallel_loop3A_1194, %parallel_loop3A_1223 : i32
      %parallel_loop3A_1225 = arith.constant 0 : i32
      %parallel_loop3A_1226 = arith.cmpi ne, %parallel_loop3A_1224, %parallel_loop3A_1225 : i32
      %parallel_loop3A_1227 = arith.constant 0 : i32
      %parallel_loop3A_1228 = arith.cmpi slt, %parallel_loop3A_1224, %parallel_loop3A_1227 : i32
      %parallel_loop3A_1229 = arith.constant 0 : i32
      %parallel_loop3A_1230 = arith.cmpi slt, %parallel_loop3A_1223, %parallel_loop3A_1229 : i32
      %parallel_loop3A_1231 = arith.xori %parallel_loop3A_1228, %parallel_loop3A_1230 : i1
      %parallel_loop3A_1232 = arith.andi %parallel_loop3A_1231, %parallel_loop3A_1226 : i1
      %parallel_loop3A_1233 = arith.addi %parallel_loop3A_1224, %parallel_loop3A_1223 : i32
      %parallel_loop3A_1234 = arith.select %parallel_loop3A_1232, %parallel_loop3A_1233, %parallel_loop3A_1224 : i32
      %parallel_loop3A_1235 = arith.constant 16 : i32
      %parallel_loop3A_1236 = arith.muli %parallel_loop3A_1234, %parallel_loop3A_1235 : i32
      %parallel_loop3A_1237 = arith.index_cast %parallel_loop3A_1218 : i32 to index
      %parallel_loop3A_1238 = arith.index_cast %parallel_loop3A_1236 : i32 to index
      %parallel_loop3A_1239 = tpu.vector_load %arg12[%parallel_loop3A_1237, %parallel_loop3A_1238] {strides = array<i32>} : memref<16x1024xf32, #tpu.memory_space<vmem>>, vector<1x16xf32>,
      %parallel_loop3A_1240 = vector.shape_cast %parallel_loop3A_1239 : vector<1x16xf32> to vector<16xf32>
      %parallel_loop3A_1241 = arith.index_cast %parallel_loop3A_1218 : i32 to index
      %parallel_loop3A_1242 = arith.index_cast %parallel_loop3A_1236 : i32 to index
      %parallel_loop3A_1243 = tpu.vector_load %arg9[%parallel_loop3A_1241, %parallel_loop3A_1242] {strides = array<i32>} : memref<16x1024xf32, #tpu.memory_space<vmem>>, vector<1x16xf32>,
      %parallel_loop3A_1244 = vector.shape_cast %parallel_loop3A_1243 : vector<1x16xf32> to vector<16xf32>
      %parallel_loop3A_1245 = vector.shape_cast %parallel_loop3A_1240 : vector<16xf32> to vector<1x16xf32>
      tpu.vector_store %arg9[%parallel_loop3A_1241, %parallel_loop3A_1242], %parallel_loop3A_1245 {add = true, strides = array<i32>} : memref<16x1024xf32, #tpu.memory_space<vmem>>, vector<1x16xf32>,
    } {sc.loop_unroll_factor = 8 : i64, sc.parallel_access}
    %add3A_692 = arith.constant 272 : i32
    %add3A_693 = arith.addi %mul3A_2, %add3A_692 : i32
    %dma_start3A_694 = arith.constant 0 : i32
    %dma_start3A_695 = tpu.memref_slice %arg5[%add3A_693, %dma_start3A_694] : memref<16384x1024xf32, #tpu.memory_space<hbm>> -> memref<16x1024xf32, #tpu.memory_space<hbm>>
    %dma_start3A_696 = arith.constant 0 : i32
    %dma_start3A_697 = tpu.memref_slice %arg5[%add3A_693, %dma_start3A_696] : memref<16384x1024xf32, #tpu.memory_space<hbm>> -> memref<16x1024xf32, #tpu.memory_space<hbm>>
    tpu.enqueue_dma source(%arg9 : memref<16x1024xf32, #tpu.memory_space<vmem>>) target(%dma_start3A_697 : memref<16x1024xf32, #tpu.memory_space<hbm>>) target_semaphore(%arg21 : memref<!tpu.dma_semaphore, #tpu.memory_space<semaphore_mem>>)
    %dma_wait3A_698 = arith.constant 0 : i32
    %dma_wait3A_699 = tpu.memref_slice %arg5[%add3A_693, %dma_wait3A_698] : memref<16384x1024xf32, #tpu.memory_space<hbm>> -> memref<16x1024xf32, #tpu.memory_space<hbm>>
    %dma_wait3A_700 = arith.constant 0 : i32
    %dma_wait3A_701 = tpu.memref_slice %arg5[%add3A_693, %dma_wait3A_700] : memref<16384x1024xf32, #tpu.memory_space<hbm>> -> memref<16x1024xf32, #tpu.memory_space<hbm>>
    tpu.wait_dma2 semaphore(%arg21 : memref<!tpu.dma_semaphore, #tpu.memory_space<semaphore_mem>>) src(%arg9 : memref<16x1024xf32, #tpu.memory_space<vmem>>) dst(%dma_wait3A_701 : memref<16x1024xf32, #tpu.memory_space<hbm>>)
    %add3A_702 = arith.constant 320 : i32
    %add3A_703 = arith.addi %mul3A_2, %add3A_702 : i32
    %dma_start3A_704 = arith.constant 0 : i32
    %dma_start3A_705 = tpu.memref_slice %arg2[%add3A_703, %dma_start3A_704] : memref<16384x1024xf32, #tpu.memory_space<hbm>> -> memref<16x1024xf32, #tpu.memory_space<hbm>>
    %dma_start3A_706 = arith.constant 0 : i32
    %dma_start3A_707 = tpu.memref_slice %arg2[%add3A_703, %dma_start3A_706] : memref<16384x1024xf32, #tpu.memory_space<hbm>> -> memref<16x1024xf32, #tpu.memory_space<hbm>>
    tpu.enqueue_dma source(%dma_start3A_707 : memref<16x1024xf32, #tpu.memory_space<hbm>>) target(%arg9 : memref<16x1024xf32, #tpu.memory_space<vmem>>) target_semaphore(%arg15 : memref<!tpu.dma_semaphore, #tpu.memory_space<semaphore_mem>>)
    %dma_start3A_708 = arith.constant 20 : i32
    %dma_start3A_709 = arith.constant 0 : i32
    %dma_start3A_710 = tpu.memref_slice %arg6[%dma_start3A_708, %dma_start3A_709] : memref<32x16xi32, #tpu.memory_space<vmem>> -> memref<1x16xi32, #tpu.memory_space<vmem>>
    %dma_start3A_711 = tpu.memref_squeeze %dma_start3A_710 : memref<1x16xi32, #tpu.memory_space<vmem>> -> memref<16xi32, #tpu.memory_space<vmem>>
    %dma_start3A_712 = arith.constant 0 : i32
    %dma_start3A_713 = arith.constant 0 : i32
    %dma_start3A_714 = tpu.memref_slice %arg4[%dma_start3A_712, %dma_start3A_713] : memref<8192x1024xf32, #tpu.memory_space<hbm>> -> memref<8192x1024xf32, #tpu.memory_space<hbm>>
    tpu.enqueue_indirect_dma source(%dma_start3A_714 : memref<8192x1024xf32, #tpu.memory_space<hbm>>) target(%arg12 : memref<16x1024xf32, #tpu.memory_space<vmem>>) offsets(%dma_start3A_711 : memref<16xi32, #tpu.memory_space<vmem>>) semaphore(%arg18 : memref<!tpu.dma_semaphore, #tpu.memory_space<semaphore_mem>>)
    %dma_wait3A_715 = arith.constant 0 : i32
    %dma_wait3A_716 = tpu.memref_slice %arg2[%add3A_629, %dma_wait3A_715] : memref<16384x1024xf32, #tpu.memory_space<hbm>> -> memref<16x1024xf32, #tpu.memory_space<hbm>>
    %dma_wait3A_717 = arith.constant 0 : i32
    %dma_wait3A_718 = tpu.memref_slice %arg2[%add3A_629, %dma_wait3A_717] : memref<16384x1024xf32, #tpu.memory_space<hbm>> -> memref<16x1024xf32, #tpu.memory_space<hbm>>
    tpu.wait_dma2 semaphore(%arg13 : memref<!tpu.dma_semaphore, #tpu.memory_space<semaphore_mem>>) src(%dma_wait3A_718 : memref<16x1024xf32, #tpu.memory_space<hbm>>) dst(%arg7 : memref<16x1024xf32, #tpu.memory_space<vmem>>)
    %dma_wait3A_719 = arith.constant 18 : i32
    %dma_wait3A_720 = arith.constant 0 : i32
    %dma_wait3A_721 = tpu.memref_slice %arg6[%dma_wait3A_719, %dma_wait3A_720] : memref<32x16xi32, #tpu.memory_space<vmem>> -> memref<1x16xi32, #tpu.memory_space<vmem>>
    %dma_wait3A_722 = tpu.memref_squeeze %dma_wait3A_721 : memref<1x16xi32, #tpu.memory_space<vmem>> -> memref<16xi32, #tpu.memory_space<vmem>>
    %dma_wait3A_723 = arith.constant 0 : i32
    %dma_wait3A_724 = arith.constant 0 : i32
    %dma_wait3A_725 = tpu.memref_slice %arg4[%dma_wait3A_723, %dma_wait3A_724] : memref<8192x1024xf32, #tpu.memory_space<hbm>> -> memref<8192x1024xf32, #tpu.memory_space<hbm>>
    tpu.wait_indirect_dma semaphore(%arg16 : memref<!tpu.dma_semaphore, #tpu.memory_space<semaphore_mem>>) src(%dma_wait3A_725 : memref<8192x1024xf32, #tpu.memory_space<hbm>>) dst(%arg10 : memref<16x1024xf32, #tpu.memory_space<vmem>>)
    %parallel_loop3A_726 = arith.constant 0 : i32
    %parallel_loop3A_727 = arith.constant 1024 : i32
    %parallel_loop3A_728 = arith.constant 1 : i32
    scf.for %parallel_loop3A_1194 = %parallel_loop3A_726 to %parallel_loop3A_727 step %parallel_loop3A_728  : i32 {
      %parallel_loop3A_1195 = arith.constant 64 : i32
      %parallel_loop3A_1196 = arith.divsi %parallel_loop3A_1194, %parallel_loop3A_1195 : i32
      %parallel_loop3A_1197 = arith.constant 0 : i32
      %parallel_loop3A_1198 = arith.cmpi sgt, %parallel_loop3A_1194, %parallel_loop3A_1197 : i32
      %parallel_loop3A_1199 = arith.extui %parallel_loop3A_1198 : i1 to i32
      %parallel_loop3A_1200 = arith.constant 0 : i32
      %parallel_loop3A_1201 = arith.cmpi slt, %parallel_loop3A_1194, %parallel_loop3A_1200 : i32
      %parallel_loop3A_1202 = arith.extui %parallel_loop3A_1201 : i1 to i32
      %parallel_loop3A_1203 = arith.subi %parallel_loop3A_1199, %parallel_loop3A_1202 : i32
      %parallel_loop3A_1204 = arith.constant 0 : i32
      %parallel_loop3A_1205 = arith.cmpi sgt, %parallel_loop3A_1195, %parallel_loop3A_1204 : i32
      %parallel_loop3A_1206 = arith.extui %parallel_loop3A_1205 : i1 to i32
      %parallel_loop3A_1207 = arith.constant 0 : i32
      %parallel_loop3A_1208 = arith.cmpi slt, %parallel_loop3A_1195, %parallel_loop3A_1207 : i32
      %parallel_loop3A_1209 = arith.extui %parallel_loop3A_1208 : i1 to i32
      %parallel_loop3A_1210 = arith.subi %parallel_loop3A_1206, %parallel_loop3A_1209 : i32
      %parallel_loop3A_1211 = arith.cmpi ne, %parallel_loop3A_1203, %parallel_loop3A_1210 : i32
      %parallel_loop3A_1212 = arith.remsi %parallel_loop3A_1194, %parallel_loop3A_1195 : i32
      %parallel_loop3A_1213 = arith.constant 0 : i32
      %parallel_loop3A_1214 = arith.cmpi ne, %parallel_loop3A_1212, %parallel_loop3A_1213 : i32
      %parallel_loop3A_1215 = arith.andi %parallel_loop3A_1211, %parallel_loop3A_1214 : i1
      %parallel_loop3A_1216 = arith.constant 1 : i32
      %parallel_loop3A_1217 = arith.subi %parallel_loop3A_1196, %parallel_loop3A_1216 : i32
      %parallel_loop3A_1218 = arith.select %parallel_loop3A_1215, %parallel_loop3A_1217, %parallel_loop3A_1196 : i32
      %parallel_loop3A_1219 = arith.constant 64 : i32
      %parallel_loop3A_1220 = arith.constant 0 : i32
      %parallel_loop3A_1221 = arith.cmpi eq, %parallel_loop3A_1219, %parallel_loop3A_1220 : i32
      %parallel_loop3A_1222 = arith.constant 1 : i32
      %parallel_loop3A_1223 = arith.select %parallel_loop3A_1221, %parallel_loop3A_1222, %parallel_loop3A_1219 : i32
      %parallel_loop3A_1224 = arith.remsi %parallel_loop3A_1194, %parallel_loop3A_1223 : i32
      %parallel_loop3A_1225 = arith.constant 0 : i32
      %parallel_loop3A_1226 = arith.cmpi ne, %parallel_loop3A_1224, %parallel_loop3A_1225 : i32
      %parallel_loop3A_1227 = arith.constant 0 : i32
      %parallel_loop3A_1228 = arith.cmpi slt, %parallel_loop3A_1224, %parallel_loop3A_1227 : i32
      %parallel_loop3A_1229 = arith.constant 0 : i32
      %parallel_loop3A_1230 = arith.cmpi slt, %parallel_loop3A_1223, %parallel_loop3A_1229 : i32
      %parallel_loop3A_1231 = arith.xori %parallel_loop3A_1228, %parallel_loop3A_1230 : i1
      %parallel_loop3A_1232 = arith.andi %parallel_loop3A_1231, %parallel_loop3A_1226 : i1
      %parallel_loop3A_1233 = arith.addi %parallel_loop3A_1224, %parallel_loop3A_1223 : i32
      %parallel_loop3A_1234 = arith.select %parallel_loop3A_1232, %parallel_loop3A_1233, %parallel_loop3A_1224 : i32
      %parallel_loop3A_1235 = arith.constant 16 : i32
      %parallel_loop3A_1236 = arith.muli %parallel_loop3A_1234, %parallel_loop3A_1235 : i32
      %parallel_loop3A_1237 = arith.index_cast %parallel_loop3A_1218 : i32 to index
      %parallel_loop3A_1238 = arith.index_cast %parallel_loop3A_1236 : i32 to index
      %parallel_loop3A_1239 = tpu.vector_load %arg10[%parallel_loop3A_1237, %parallel_loop3A_1238] {strides = array<i32>} : memref<16x1024xf32, #tpu.memory_space<vmem>>, vector<1x16xf32>,
      %parallel_loop3A_1240 = vector.shape_cast %parallel_loop3A_1239 : vector<1x16xf32> to vector<16xf32>
      %parallel_loop3A_1241 = arith.index_cast %parallel_loop3A_1218 : i32 to index
      %parallel_loop3A_1242 = arith.index_cast %parallel_loop3A_1236 : i32 to index
      %parallel_loop3A_1243 = tpu.vector_load %arg7[%parallel_loop3A_1241, %parallel_loop3A_1242] {strides = array<i32>} : memref<16x1024xf32, #tpu.memory_space<vmem>>, vector<1x16xf32>,
      %parallel_loop3A_1244 = vector.shape_cast %parallel_loop3A_1243 : vector<1x16xf32> to vector<16xf32>
      %parallel_loop3A_1245 = vector.shape_cast %parallel_loop3A_1240 : vector<16xf32> to vector<1x16xf32>
      tpu.vector_store %arg7[%parallel_loop3A_1241, %parallel_loop3A_1242], %parallel_loop3A_1245 {add = true, strides = array<i32>} : memref<16x1024xf32, #tpu.memory_space<vmem>>, vector<1x16xf32>,
    } {sc.loop_unroll_factor = 8 : i64, sc.parallel_access}
    %add3A_729 = arith.constant 288 : i32
    %add3A_730 = arith.addi %mul3A_2, %add3A_729 : i32
    %dma_start3A_731 = arith.constant 0 : i32
    %dma_start3A_732 = tpu.memref_slice %arg5[%add3A_730, %dma_start3A_731] : memref<16384x1024xf32, #tpu.memory_space<hbm>> -> memref<16x1024xf32, #tpu.memory_space<hbm>>
    %dma_start3A_733 = arith.constant 0 : i32
    %dma_start3A_734 = tpu.memref_slice %arg5[%add3A_730, %dma_start3A_733] : memref<16384x1024xf32, #tpu.memory_space<hbm>> -> memref<16x1024xf32, #tpu.memory_space<hbm>>
    tpu.enqueue_dma source(%arg7 : memref<16x1024xf32, #tpu.memory_space<vmem>>) target(%dma_start3A_734 : memref<16x1024xf32, #tpu.memory_space<hbm>>) target_semaphore(%arg19 : memref<!tpu.dma_semaphore, #tpu.memory_space<semaphore_mem>>)
    %dma_wait3A_735 = arith.constant 0 : i32
    %dma_wait3A_736 = tpu.memref_slice %arg5[%add3A_730, %dma_wait3A_735] : memref<16384x1024xf32, #tpu.memory_space<hbm>> -> memref<16x1024xf32, #tpu.memory_space<hbm>>
    %dma_wait3A_737 = arith.constant 0 : i32
    %dma_wait3A_738 = tpu.memref_slice %arg5[%add3A_730, %dma_wait3A_737] : memref<16384x1024xf32, #tpu.memory_space<hbm>> -> memref<16x1024xf32, #tpu.memory_space<hbm>>
    tpu.wait_dma2 semaphore(%arg19 : memref<!tpu.dma_semaphore, #tpu.memory_space<semaphore_mem>>) src(%arg7 : memref<16x1024xf32, #tpu.memory_space<vmem>>) dst(%dma_wait3A_738 : memref<16x1024xf32, #tpu.memory_space<hbm>>)
    %add3A_739 = arith.constant 336 : i32
    %add3A_740 = arith.addi %mul3A_2, %add3A_739 : i32
    %dma_start3A_741 = arith.constant 0 : i32
    %dma_start3A_742 = tpu.memref_slice %arg2[%add3A_740, %dma_start3A_741] : memref<16384x1024xf32, #tpu.memory_space<hbm>> -> memref<16x1024xf32, #tpu.memory_space<hbm>>
    %dma_start3A_743 = arith.constant 0 : i32
    %dma_start3A_744 = tpu.memref_slice %arg2[%add3A_740, %dma_start3A_743] : memref<16384x1024xf32, #tpu.memory_space<hbm>> -> memref<16x1024xf32, #tpu.memory_space<hbm>>
    tpu.enqueue_dma source(%dma_start3A_744 : memref<16x1024xf32, #tpu.memory_space<hbm>>) target(%arg7 : memref<16x1024xf32, #tpu.memory_space<vmem>>) target_semaphore(%arg13 : memref<!tpu.dma_semaphore, #tpu.memory_space<semaphore_mem>>)
    %dma_start3A_745 = arith.constant 21 : i32
    %dma_start3A_746 = arith.constant 0 : i32
    %dma_start3A_747 = tpu.memref_slice %arg6[%dma_start3A_745, %dma_start3A_746] : memref<32x16xi32, #tpu.memory_space<vmem>> -> memref<1x16xi32, #tpu.memory_space<vmem>>
    %dma_start3A_748 = tpu.memref_squeeze %dma_start3A_747 : memref<1x16xi32, #tpu.memory_space<vmem>> -> memref<16xi32, #tpu.memory_space<vmem>>
    %dma_start3A_749 = arith.constant 0 : i32
    %dma_start3A_750 = arith.constant 0 : i32
    %dma_start3A_751 = tpu.memref_slice %arg4[%dma_start3A_749, %dma_start3A_750] : memref<8192x1024xf32, #tpu.memory_space<hbm>> -> memref<8192x1024xf32, #tpu.memory_space<hbm>>
    tpu.enqueue_indirect_dma source(%dma_start3A_751 : memref<8192x1024xf32, #tpu.memory_space<hbm>>) target(%arg10 : memref<16x1024xf32, #tpu.memory_space<vmem>>) offsets(%dma_start3A_748 : memref<16xi32, #tpu.memory_space<vmem>>) semaphore(%arg16 : memref<!tpu.dma_semaphore, #tpu.memory_space<semaphore_mem>>)
    %dma_wait3A_752 = arith.constant 0 : i32
    %dma_wait3A_753 = tpu.memref_slice %arg2[%add3A_666, %dma_wait3A_752] : memref<16384x1024xf32, #tpu.memory_space<hbm>> -> memref<16x1024xf32, #tpu.memory_space<hbm>>
    %dma_wait3A_754 = arith.constant 0 : i32
    %dma_wait3A_755 = tpu.memref_slice %arg2[%add3A_666, %dma_wait3A_754] : memref<16384x1024xf32, #tpu.memory_space<hbm>> -> memref<16x1024xf32, #tpu.memory_space<hbm>>
    tpu.wait_dma2 semaphore(%arg14 : memref<!tpu.dma_semaphore, #tpu.memory_space<semaphore_mem>>) src(%dma_wait3A_755 : memref<16x1024xf32, #tpu.memory_space<hbm>>) dst(%arg8 : memref<16x1024xf32, #tpu.memory_space<vmem>>)
    %dma_wait3A_756 = arith.constant 19 : i32
    %dma_wait3A_757 = arith.constant 0 : i32
    %dma_wait3A_758 = tpu.memref_slice %arg6[%dma_wait3A_756, %dma_wait3A_757] : memref<32x16xi32, #tpu.memory_space<vmem>> -> memref<1x16xi32, #tpu.memory_space<vmem>>
    %dma_wait3A_759 = tpu.memref_squeeze %dma_wait3A_758 : memref<1x16xi32, #tpu.memory_space<vmem>> -> memref<16xi32, #tpu.memory_space<vmem>>
    %dma_wait3A_760 = arith.constant 0 : i32
    %dma_wait3A_761 = arith.constant 0 : i32
    %dma_wait3A_762 = tpu.memref_slice %arg4[%dma_wait3A_760, %dma_wait3A_761] : memref<8192x1024xf32, #tpu.memory_space<hbm>> -> memref<8192x1024xf32, #tpu.memory_space<hbm>>
    tpu.wait_indirect_dma semaphore(%arg17 : memref<!tpu.dma_semaphore, #tpu.memory_space<semaphore_mem>>) src(%dma_wait3A_762 : memref<8192x1024xf32, #tpu.memory_space<hbm>>) dst(%arg11 : memref<16x1024xf32, #tpu.memory_space<vmem>>)
    %parallel_loop3A_763 = arith.constant 0 : i32
    %parallel_loop3A_764 = arith.constant 1024 : i32
    %parallel_loop3A_765 = arith.constant 1 : i32
    scf.for %parallel_loop3A_1194 = %parallel_loop3A_763 to %parallel_loop3A_764 step %parallel_loop3A_765  : i32 {
      %parallel_loop3A_1195 = arith.constant 64 : i32
      %parallel_loop3A_1196 = arith.divsi %parallel_loop3A_1194, %parallel_loop3A_1195 : i32
      %parallel_loop3A_1197 = arith.constant 0 : i32
      %parallel_loop3A_1198 = arith.cmpi sgt, %parallel_loop3A_1194, %parallel_loop3A_1197 : i32
      %parallel_loop3A_1199 = arith.extui %parallel_loop3A_1198 : i1 to i32
      %parallel_loop3A_1200 = arith.constant 0 : i32
      %parallel_loop3A_1201 = arith.cmpi slt, %parallel_loop3A_1194, %parallel_loop3A_1200 : i32
      %parallel_loop3A_1202 = arith.extui %parallel_loop3A_1201 : i1 to i32
      %parallel_loop3A_1203 = arith.subi %parallel_loop3A_1199, %parallel_loop3A_1202 : i32
      %parallel_loop3A_1204 = arith.constant 0 : i32
      %parallel_loop3A_1205 = arith.cmpi sgt, %parallel_loop3A_1195, %parallel_loop3A_1204 : i32
      %parallel_loop3A_1206 = arith.extui %parallel_loop3A_1205 : i1 to i32
      %parallel_loop3A_1207 = arith.constant 0 : i32
      %parallel_loop3A_1208 = arith.cmpi slt, %parallel_loop3A_1195, %parallel_loop3A_1207 : i32
      %parallel_loop3A_1209 = arith.extui %parallel_loop3A_1208 : i1 to i32
      %parallel_loop3A_1210 = arith.subi %parallel_loop3A_1206, %parallel_loop3A_1209 : i32
      %parallel_loop3A_1211 = arith.cmpi ne, %parallel_loop3A_1203, %parallel_loop3A_1210 : i32
      %parallel_loop3A_1212 = arith.remsi %parallel_loop3A_1194, %parallel_loop3A_1195 : i32
      %parallel_loop3A_1213 = arith.constant 0 : i32
      %parallel_loop3A_1214 = arith.cmpi ne, %parallel_loop3A_1212, %parallel_loop3A_1213 : i32
      %parallel_loop3A_1215 = arith.andi %parallel_loop3A_1211, %parallel_loop3A_1214 : i1
      %parallel_loop3A_1216 = arith.constant 1 : i32
      %parallel_loop3A_1217 = arith.subi %parallel_loop3A_1196, %parallel_loop3A_1216 : i32
      %parallel_loop3A_1218 = arith.select %parallel_loop3A_1215, %parallel_loop3A_1217, %parallel_loop3A_1196 : i32
      %parallel_loop3A_1219 = arith.constant 64 : i32
      %parallel_loop3A_1220 = arith.constant 0 : i32
      %parallel_loop3A_1221 = arith.cmpi eq, %parallel_loop3A_1219, %parallel_loop3A_1220 : i32
      %parallel_loop3A_1222 = arith.constant 1 : i32
      %parallel_loop3A_1223 = arith.select %parallel_loop3A_1221, %parallel_loop3A_1222, %parallel_loop3A_1219 : i32
      %parallel_loop3A_1224 = arith.remsi %parallel_loop3A_1194, %parallel_loop3A_1223 : i32
      %parallel_loop3A_1225 = arith.constant 0 : i32
      %parallel_loop3A_1226 = arith.cmpi ne, %parallel_loop3A_1224, %parallel_loop3A_1225 : i32
      %parallel_loop3A_1227 = arith.constant 0 : i32
      %parallel_loop3A_1228 = arith.cmpi slt, %parallel_loop3A_1224, %parallel_loop3A_1227 : i32
      %parallel_loop3A_1229 = arith.constant 0 : i32
      %parallel_loop3A_1230 = arith.cmpi slt, %parallel_loop3A_1223, %parallel_loop3A_1229 : i32
      %parallel_loop3A_1231 = arith.xori %parallel_loop3A_1228, %parallel_loop3A_1230 : i1
      %parallel_loop3A_1232 = arith.andi %parallel_loop3A_1231, %parallel_loop3A_1226 : i1
      %parallel_loop3A_1233 = arith.addi %parallel_loop3A_1224, %parallel_loop3A_1223 : i32
      %parallel_loop3A_1234 = arith.select %parallel_loop3A_1232, %parallel_loop3A_1233, %parallel_loop3A_1224 : i32
      %parallel_loop3A_1235 = arith.constant 16 : i32
      %parallel_loop3A_1236 = arith.muli %parallel_loop3A_1234, %parallel_loop3A_1235 : i32
      %parallel_loop3A_1237 = arith.index_cast %parallel_loop3A_1218 : i32 to index
      %parallel_loop3A_1238 = arith.index_cast %parallel_loop3A_1236 : i32 to index
      %parallel_loop3A_1239 = tpu.vector_load %arg11[%parallel_loop3A_1237, %parallel_loop3A_1238] {strides = array<i32>} : memref<16x1024xf32, #tpu.memory_space<vmem>>, vector<1x16xf32>,
      %parallel_loop3A_1240 = vector.shape_cast %parallel_loop3A_1239 : vector<1x16xf32> to vector<16xf32>
      %parallel_loop3A_1241 = arith.index_cast %parallel_loop3A_1218 : i32 to index
      %parallel_loop3A_1242 = arith.index_cast %parallel_loop3A_1236 : i32 to index
      %parallel_loop3A_1243 = tpu.vector_load %arg8[%parallel_loop3A_1241, %parallel_loop3A_1242] {strides = array<i32>} : memref<16x1024xf32, #tpu.memory_space<vmem>>, vector<1x16xf32>,
      %parallel_loop3A_1244 = vector.shape_cast %parallel_loop3A_1243 : vector<1x16xf32> to vector<16xf32>
      %parallel_loop3A_1245 = vector.shape_cast %parallel_loop3A_1240 : vector<16xf32> to vector<1x16xf32>
      tpu.vector_store %arg8[%parallel_loop3A_1241, %parallel_loop3A_1242], %parallel_loop3A_1245 {add = true, strides = array<i32>} : memref<16x1024xf32, #tpu.memory_space<vmem>>, vector<1x16xf32>,
    } {sc.loop_unroll_factor = 8 : i64, sc.parallel_access}
    %add3A_766 = arith.constant 304 : i32
    %add3A_767 = arith.addi %mul3A_2, %add3A_766 : i32
    %dma_start3A_768 = arith.constant 0 : i32
    %dma_start3A_769 = tpu.memref_slice %arg5[%add3A_767, %dma_start3A_768] : memref<16384x1024xf32, #tpu.memory_space<hbm>> -> memref<16x1024xf32, #tpu.memory_space<hbm>>
    %dma_start3A_770 = arith.constant 0 : i32
    %dma_start3A_771 = tpu.memref_slice %arg5[%add3A_767, %dma_start3A_770] : memref<16384x1024xf32, #tpu.memory_space<hbm>> -> memref<16x1024xf32, #tpu.memory_space<hbm>>
    tpu.enqueue_dma source(%arg8 : memref<16x1024xf32, #tpu.memory_space<vmem>>) target(%dma_start3A_771 : memref<16x1024xf32, #tpu.memory_space<hbm>>) target_semaphore(%arg20 : memref<!tpu.dma_semaphore, #tpu.memory_space<semaphore_mem>>)
    %dma_wait3A_772 = arith.constant 0 : i32
    %dma_wait3A_773 = tpu.memref_slice %arg5[%add3A_767, %dma_wait3A_772] : memref<16384x1024xf32, #tpu.memory_space<hbm>> -> memref<16x1024xf32, #tpu.memory_space<hbm>>
    %dma_wait3A_774 = arith.constant 0 : i32
    %dma_wait3A_775 = tpu.memref_slice %arg5[%add3A_767, %dma_wait3A_774] : memref<16384x1024xf32, #tpu.memory_space<hbm>> -> memref<16x1024xf32, #tpu.memory_space<hbm>>
    tpu.wait_dma2 semaphore(%arg20 : memref<!tpu.dma_semaphore, #tpu.memory_space<semaphore_mem>>) src(%arg8 : memref<16x1024xf32, #tpu.memory_space<vmem>>) dst(%dma_wait3A_775 : memref<16x1024xf32, #tpu.memory_space<hbm>>)
    %add3A_776 = arith.constant 352 : i32
    %add3A_777 = arith.addi %mul3A_2, %add3A_776 : i32
    %dma_start3A_778 = arith.constant 0 : i32
    %dma_start3A_779 = tpu.memref_slice %arg2[%add3A_777, %dma_start3A_778] : memref<16384x1024xf32, #tpu.memory_space<hbm>> -> memref<16x1024xf32, #tpu.memory_space<hbm>>
    %dma_start3A_780 = arith.constant 0 : i32
    %dma_start3A_781 = tpu.memref_slice %arg2[%add3A_777, %dma_start3A_780] : memref<16384x1024xf32, #tpu.memory_space<hbm>> -> memref<16x1024xf32, #tpu.memory_space<hbm>>
    tpu.enqueue_dma source(%dma_start3A_781 : memref<16x1024xf32, #tpu.memory_space<hbm>>) target(%arg8 : memref<16x1024xf32, #tpu.memory_space<vmem>>) target_semaphore(%arg14 : memref<!tpu.dma_semaphore, #tpu.memory_space<semaphore_mem>>)
    %dma_start3A_782 = arith.constant 22 : i32
    %dma_start3A_783 = arith.constant 0 : i32
    %dma_start3A_784 = tpu.memref_slice %arg6[%dma_start3A_782, %dma_start3A_783] : memref<32x16xi32, #tpu.memory_space<vmem>> -> memref<1x16xi32, #tpu.memory_space<vmem>>
    %dma_start3A_785 = tpu.memref_squeeze %dma_start3A_784 : memref<1x16xi32, #tpu.memory_space<vmem>> -> memref<16xi32, #tpu.memory_space<vmem>>
    %dma_start3A_786 = arith.constant 0 : i32
    %dma_start3A_787 = arith.constant 0 : i32
    %dma_start3A_788 = tpu.memref_slice %arg4[%dma_start3A_786, %dma_start3A_787] : memref<8192x1024xf32, #tpu.memory_space<hbm>> -> memref<8192x1024xf32, #tpu.memory_space<hbm>>
    tpu.enqueue_indirect_dma source(%dma_start3A_788 : memref<8192x1024xf32, #tpu.memory_space<hbm>>) target(%arg11 : memref<16x1024xf32, #tpu.memory_space<vmem>>) offsets(%dma_start3A_785 : memref<16xi32, #tpu.memory_space<vmem>>) semaphore(%arg17 : memref<!tpu.dma_semaphore, #tpu.memory_space<semaphore_mem>>)
    %dma_wait3A_789 = arith.constant 0 : i32
    %dma_wait3A_790 = tpu.memref_slice %arg2[%add3A_703, %dma_wait3A_789] : memref<16384x1024xf32, #tpu.memory_space<hbm>> -> memref<16x1024xf32, #tpu.memory_space<hbm>>
    %dma_wait3A_791 = arith.constant 0 : i32
    %dma_wait3A_792 = tpu.memref_slice %arg2[%add3A_703, %dma_wait3A_791] : memref<16384x1024xf32, #tpu.memory_space<hbm>> -> memref<16x1024xf32, #tpu.memory_space<hbm>>
    tpu.wait_dma2 semaphore(%arg15 : memref<!tpu.dma_semaphore, #tpu.memory_space<semaphore_mem>>) src(%dma_wait3A_792 : memref<16x1024xf32, #tpu.memory_space<hbm>>) dst(%arg9 : memref<16x1024xf32, #tpu.memory_space<vmem>>)
    %dma_wait3A_793 = arith.constant 20 : i32
    %dma_wait3A_794 = arith.constant 0 : i32
    %dma_wait3A_795 = tpu.memref_slice %arg6[%dma_wait3A_793, %dma_wait3A_794] : memref<32x16xi32, #tpu.memory_space<vmem>> -> memref<1x16xi32, #tpu.memory_space<vmem>>
    %dma_wait3A_796 = tpu.memref_squeeze %dma_wait3A_795 : memref<1x16xi32, #tpu.memory_space<vmem>> -> memref<16xi32, #tpu.memory_space<vmem>>
    %dma_wait3A_797 = arith.constant 0 : i32
    %dma_wait3A_798 = arith.constant 0 : i32
    %dma_wait3A_799 = tpu.memref_slice %arg4[%dma_wait3A_797, %dma_wait3A_798] : memref<8192x1024xf32, #tpu.memory_space<hbm>> -> memref<8192x1024xf32, #tpu.memory_space<hbm>>
    tpu.wait_indirect_dma semaphore(%arg18 : memref<!tpu.dma_semaphore, #tpu.memory_space<semaphore_mem>>) src(%dma_wait3A_799 : memref<8192x1024xf32, #tpu.memory_space<hbm>>) dst(%arg12 : memref<16x1024xf32, #tpu.memory_space<vmem>>)
    %parallel_loop3A_800 = arith.constant 0 : i32
    %parallel_loop3A_801 = arith.constant 1024 : i32
    %parallel_loop3A_802 = arith.constant 1 : i32
    scf.for %parallel_loop3A_1194 = %parallel_loop3A_800 to %parallel_loop3A_801 step %parallel_loop3A_802  : i32 {
      %parallel_loop3A_1195 = arith.constant 64 : i32
      %parallel_loop3A_1196 = arith.divsi %parallel_loop3A_1194, %parallel_loop3A_1195 : i32
      %parallel_loop3A_1197 = arith.constant 0 : i32
      %parallel_loop3A_1198 = arith.cmpi sgt, %parallel_loop3A_1194, %parallel_loop3A_1197 : i32
      %parallel_loop3A_1199 = arith.extui %parallel_loop3A_1198 : i1 to i32
      %parallel_loop3A_1200 = arith.constant 0 : i32
      %parallel_loop3A_1201 = arith.cmpi slt, %parallel_loop3A_1194, %parallel_loop3A_1200 : i32
      %parallel_loop3A_1202 = arith.extui %parallel_loop3A_1201 : i1 to i32
      %parallel_loop3A_1203 = arith.subi %parallel_loop3A_1199, %parallel_loop3A_1202 : i32
      %parallel_loop3A_1204 = arith.constant 0 : i32
      %parallel_loop3A_1205 = arith.cmpi sgt, %parallel_loop3A_1195, %parallel_loop3A_1204 : i32
      %parallel_loop3A_1206 = arith.extui %parallel_loop3A_1205 : i1 to i32
      %parallel_loop3A_1207 = arith.constant 0 : i32
      %parallel_loop3A_1208 = arith.cmpi slt, %parallel_loop3A_1195, %parallel_loop3A_1207 : i32
      %parallel_loop3A_1209 = arith.extui %parallel_loop3A_1208 : i1 to i32
      %parallel_loop3A_1210 = arith.subi %parallel_loop3A_1206, %parallel_loop3A_1209 : i32
      %parallel_loop3A_1211 = arith.cmpi ne, %parallel_loop3A_1203, %parallel_loop3A_1210 : i32
      %parallel_loop3A_1212 = arith.remsi %parallel_loop3A_1194, %parallel_loop3A_1195 : i32
      %parallel_loop3A_1213 = arith.constant 0 : i32
      %parallel_loop3A_1214 = arith.cmpi ne, %parallel_loop3A_1212, %parallel_loop3A_1213 : i32
      %parallel_loop3A_1215 = arith.andi %parallel_loop3A_1211, %parallel_loop3A_1214 : i1
      %parallel_loop3A_1216 = arith.constant 1 : i32
      %parallel_loop3A_1217 = arith.subi %parallel_loop3A_1196, %parallel_loop3A_1216 : i32
      %parallel_loop3A_1218 = arith.select %parallel_loop3A_1215, %parallel_loop3A_1217, %parallel_loop3A_1196 : i32
      %parallel_loop3A_1219 = arith.constant 64 : i32
      %parallel_loop3A_1220 = arith.constant 0 : i32
      %parallel_loop3A_1221 = arith.cmpi eq, %parallel_loop3A_1219, %parallel_loop3A_1220 : i32
      %parallel_loop3A_1222 = arith.constant 1 : i32
      %parallel_loop3A_1223 = arith.select %parallel_loop3A_1221, %parallel_loop3A_1222, %parallel_loop3A_1219 : i32
      %parallel_loop3A_1224 = arith.remsi %parallel_loop3A_1194, %parallel_loop3A_1223 : i32
      %parallel_loop3A_1225 = arith.constant 0 : i32
      %parallel_loop3A_1226 = arith.cmpi ne, %parallel_loop3A_1224, %parallel_loop3A_1225 : i32
      %parallel_loop3A_1227 = arith.constant 0 : i32
      %parallel_loop3A_1228 = arith.cmpi slt, %parallel_loop3A_1224, %parallel_loop3A_1227 : i32
      %parallel_loop3A_1229 = arith.constant 0 : i32
      %parallel_loop3A_1230 = arith.cmpi slt, %parallel_loop3A_1223, %parallel_loop3A_1229 : i32
      %parallel_loop3A_1231 = arith.xori %parallel_loop3A_1228, %parallel_loop3A_1230 : i1
      %parallel_loop3A_1232 = arith.andi %parallel_loop3A_1231, %parallel_loop3A_1226 : i1
      %parallel_loop3A_1233 = arith.addi %parallel_loop3A_1224, %parallel_loop3A_1223 : i32
      %parallel_loop3A_1234 = arith.select %parallel_loop3A_1232, %parallel_loop3A_1233, %parallel_loop3A_1224 : i32
      %parallel_loop3A_1235 = arith.constant 16 : i32
      %parallel_loop3A_1236 = arith.muli %parallel_loop3A_1234, %parallel_loop3A_1235 : i32
      %parallel_loop3A_1237 = arith.index_cast %parallel_loop3A_1218 : i32 to index
      %parallel_loop3A_1238 = arith.index_cast %parallel_loop3A_1236 : i32 to index
      %parallel_loop3A_1239 = tpu.vector_load %arg12[%parallel_loop3A_1237, %parallel_loop3A_1238] {strides = array<i32>} : memref<16x1024xf32, #tpu.memory_space<vmem>>, vector<1x16xf32>,
      %parallel_loop3A_1240 = vector.shape_cast %parallel_loop3A_1239 : vector<1x16xf32> to vector<16xf32>
      %parallel_loop3A_1241 = arith.index_cast %parallel_loop3A_1218 : i32 to index
      %parallel_loop3A_1242 = arith.index_cast %parallel_loop3A_1236 : i32 to index
      %parallel_loop3A_1243 = tpu.vector_load %arg9[%parallel_loop3A_1241, %parallel_loop3A_1242] {strides = array<i32>} : memref<16x1024xf32, #tpu.memory_space<vmem>>, vector<1x16xf32>,
      %parallel_loop3A_1244 = vector.shape_cast %parallel_loop3A_1243 : vector<1x16xf32> to vector<16xf32>
      %parallel_loop3A_1245 = vector.shape_cast %parallel_loop3A_1240 : vector<16xf32> to vector<1x16xf32>
      tpu.vector_store %arg9[%parallel_loop3A_1241, %parallel_loop3A_1242], %parallel_loop3A_1245 {add = true, strides = array<i32>} : memref<16x1024xf32, #tpu.memory_space<vmem>>, vector<1x16xf32>,
    } {sc.loop_unroll_factor = 8 : i64, sc.parallel_access}
    %add3A_803 = arith.constant 320 : i32
    %add3A_804 = arith.addi %mul3A_2, %add3A_803 : i32
    %dma_start3A_805 = arith.constant 0 : i32
    %dma_start3A_806 = tpu.memref_slice %arg5[%add3A_804, %dma_start3A_805] : memref<16384x1024xf32, #tpu.memory_space<hbm>> -> memref<16x1024xf32, #tpu.memory_space<hbm>>
    %dma_start3A_807 = arith.constant 0 : i32
    %dma_start3A_808 = tpu.memref_slice %arg5[%add3A_804, %dma_start3A_807] : memref<16384x1024xf32, #tpu.memory_space<hbm>> -> memref<16x1024xf32, #tpu.memory_space<hbm>>
    tpu.enqueue_dma source(%arg9 : memref<16x1024xf32, #tpu.memory_space<vmem>>) target(%dma_start3A_808 : memref<16x1024xf32, #tpu.memory_space<hbm>>) target_semaphore(%arg21 : memref<!tpu.dma_semaphore, #tpu.memory_space<semaphore_mem>>)
    %dma_wait3A_809 = arith.constant 0 : i32
    %dma_wait3A_810 = tpu.memref_slice %arg5[%add3A_804, %dma_wait3A_809] : memref<16384x1024xf32, #tpu.memory_space<hbm>> -> memref<16x1024xf32, #tpu.memory_space<hbm>>
    %dma_wait3A_811 = arith.constant 0 : i32
    %dma_wait3A_812 = tpu.memref_slice %arg5[%add3A_804, %dma_wait3A_811] : memref<16384x1024xf32, #tpu.memory_space<hbm>> -> memref<16x1024xf32, #tpu.memory_space<hbm>>
    tpu.wait_dma2 semaphore(%arg21 : memref<!tpu.dma_semaphore, #tpu.memory_space<semaphore_mem>>) src(%arg9 : memref<16x1024xf32, #tpu.memory_space<vmem>>) dst(%dma_wait3A_812 : memref<16x1024xf32, #tpu.memory_space<hbm>>)
    %add3A_813 = arith.constant 368 : i32
    %add3A_814 = arith.addi %mul3A_2, %add3A_813 : i32
    %dma_start3A_815 = arith.constant 0 : i32
    %dma_start3A_816 = tpu.memref_slice %arg2[%add3A_814, %dma_start3A_815] : memref<16384x1024xf32, #tpu.memory_space<hbm>> -> memref<16x1024xf32, #tpu.memory_space<hbm>>
    %dma_start3A_817 = arith.constant 0 : i32
    %dma_start3A_818 = tpu.memref_slice %arg2[%add3A_814, %dma_start3A_817] : memref<16384x1024xf32, #tpu.memory_space<hbm>> -> memref<16x1024xf32, #tpu.memory_space<hbm>>
    tpu.enqueue_dma source(%dma_start3A_818 : memref<16x1024xf32, #tpu.memory_space<hbm>>) target(%arg9 : memref<16x1024xf32, #tpu.memory_space<vmem>>) target_semaphore(%arg15 : memref<!tpu.dma_semaphore, #tpu.memory_space<semaphore_mem>>)
    %dma_start3A_819 = arith.constant 23 : i32
    %dma_start3A_820 = arith.constant 0 : i32
    %dma_start3A_821 = tpu.memref_slice %arg6[%dma_start3A_819, %dma_start3A_820] : memref<32x16xi32, #tpu.memory_space<vmem>> -> memref<1x16xi32, #tpu.memory_space<vmem>>
    %dma_start3A_822 = tpu.memref_squeeze %dma_start3A_821 : memref<1x16xi32, #tpu.memory_space<vmem>> -> memref<16xi32, #tpu.memory_space<vmem>>
    %dma_start3A_823 = arith.constant 0 : i32
    %dma_start3A_824 = arith.constant 0 : i32
    %dma_start3A_825 = tpu.memref_slice %arg4[%dma_start3A_823, %dma_start3A_824] : memref<8192x1024xf32, #tpu.memory_space<hbm>> -> memref<8192x1024xf32, #tpu.memory_space<hbm>>
    tpu.enqueue_indirect_dma source(%dma_start3A_825 : memref<8192x1024xf32, #tpu.memory_space<hbm>>) target(%arg12 : memref<16x1024xf32, #tpu.memory_space<vmem>>) offsets(%dma_start3A_822 : memref<16xi32, #tpu.memory_space<vmem>>) semaphore(%arg18 : memref<!tpu.dma_semaphore, #tpu.memory_space<semaphore_mem>>)
    %dma_wait3A_826 = arith.constant 0 : i32
    %dma_wait3A_827 = tpu.memref_slice %arg2[%add3A_740, %dma_wait3A_826] : memref<16384x1024xf32, #tpu.memory_space<hbm>> -> memref<16x1024xf32, #tpu.memory_space<hbm>>
    %dma_wait3A_828 = arith.constant 0 : i32
    %dma_wait3A_829 = tpu.memref_slice %arg2[%add3A_740, %dma_wait3A_828] : memref<16384x1024xf32, #tpu.memory_space<hbm>> -> memref<16x1024xf32, #tpu.memory_space<hbm>>
    tpu.wait_dma2 semaphore(%arg13 : memref<!tpu.dma_semaphore, #tpu.memory_space<semaphore_mem>>) src(%dma_wait3A_829 : memref<16x1024xf32, #tpu.memory_space<hbm>>) dst(%arg7 : memref<16x1024xf32, #tpu.memory_space<vmem>>)
    %dma_wait3A_830 = arith.constant 21 : i32
    %dma_wait3A_831 = arith.constant 0 : i32
    %dma_wait3A_832 = tpu.memref_slice %arg6[%dma_wait3A_830, %dma_wait3A_831] : memref<32x16xi32, #tpu.memory_space<vmem>> -> memref<1x16xi32, #tpu.memory_space<vmem>>
    %dma_wait3A_833 = tpu.memref_squeeze %dma_wait3A_832 : memref<1x16xi32, #tpu.memory_space<vmem>> -> memref<16xi32, #tpu.memory_space<vmem>>
    %dma_wait3A_834 = arith.constant 0 : i32
    %dma_wait3A_835 = arith.constant 0 : i32
    %dma_wait3A_836 = tpu.memref_slice %arg4[%dma_wait3A_834, %dma_wait3A_835] : memref<8192x1024xf32, #tpu.memory_space<hbm>> -> memref<8192x1024xf32, #tpu.memory_space<hbm>>
    tpu.wait_indirect_dma semaphore(%arg16 : memref<!tpu.dma_semaphore, #tpu.memory_space<semaphore_mem>>) src(%dma_wait3A_836 : memref<8192x1024xf32, #tpu.memory_space<hbm>>) dst(%arg10 : memref<16x1024xf32, #tpu.memory_space<vmem>>)
    %parallel_loop3A_837 = arith.constant 0 : i32
    %parallel_loop3A_838 = arith.constant 1024 : i32
    %parallel_loop3A_839 = arith.constant 1 : i32
    scf.for %parallel_loop3A_1194 = %parallel_loop3A_837 to %parallel_loop3A_838 step %parallel_loop3A_839  : i32 {
      %parallel_loop3A_1195 = arith.constant 64 : i32
      %parallel_loop3A_1196 = arith.divsi %parallel_loop3A_1194, %parallel_loop3A_1195 : i32
      %parallel_loop3A_1197 = arith.constant 0 : i32
      %parallel_loop3A_1198 = arith.cmpi sgt, %parallel_loop3A_1194, %parallel_loop3A_1197 : i32
      %parallel_loop3A_1199 = arith.extui %parallel_loop3A_1198 : i1 to i32
      %parallel_loop3A_1200 = arith.constant 0 : i32
      %parallel_loop3A_1201 = arith.cmpi slt, %parallel_loop3A_1194, %parallel_loop3A_1200 : i32
      %parallel_loop3A_1202 = arith.extui %parallel_loop3A_1201 : i1 to i32
      %parallel_loop3A_1203 = arith.subi %parallel_loop3A_1199, %parallel_loop3A_1202 : i32
      %parallel_loop3A_1204 = arith.constant 0 : i32
      %parallel_loop3A_1205 = arith.cmpi sgt, %parallel_loop3A_1195, %parallel_loop3A_1204 : i32
      %parallel_loop3A_1206 = arith.extui %parallel_loop3A_1205 : i1 to i32
      %parallel_loop3A_1207 = arith.constant 0 : i32
      %parallel_loop3A_1208 = arith.cmpi slt, %parallel_loop3A_1195, %parallel_loop3A_1207 : i32
      %parallel_loop3A_1209 = arith.extui %parallel_loop3A_1208 : i1 to i32
      %parallel_loop3A_1210 = arith.subi %parallel_loop3A_1206, %parallel_loop3A_1209 : i32
      %parallel_loop3A_1211 = arith.cmpi ne, %parallel_loop3A_1203, %parallel_loop3A_1210 : i32
      %parallel_loop3A_1212 = arith.remsi %parallel_loop3A_1194, %parallel_loop3A_1195 : i32
      %parallel_loop3A_1213 = arith.constant 0 : i32
      %parallel_loop3A_1214 = arith.cmpi ne, %parallel_loop3A_1212, %parallel_loop3A_1213 : i32
      %parallel_loop3A_1215 = arith.andi %parallel_loop3A_1211, %parallel_loop3A_1214 : i1
      %parallel_loop3A_1216 = arith.constant 1 : i32
      %parallel_loop3A_1217 = arith.subi %parallel_loop3A_1196, %parallel_loop3A_1216 : i32
      %parallel_loop3A_1218 = arith.select %parallel_loop3A_1215, %parallel_loop3A_1217, %parallel_loop3A_1196 : i32
      %parallel_loop3A_1219 = arith.constant 64 : i32
      %parallel_loop3A_1220 = arith.constant 0 : i32
      %parallel_loop3A_1221 = arith.cmpi eq, %parallel_loop3A_1219, %parallel_loop3A_1220 : i32
      %parallel_loop3A_1222 = arith.constant 1 : i32
      %parallel_loop3A_1223 = arith.select %parallel_loop3A_1221, %parallel_loop3A_1222, %parallel_loop3A_1219 : i32
      %parallel_loop3A_1224 = arith.remsi %parallel_loop3A_1194, %parallel_loop3A_1223 : i32
      %parallel_loop3A_1225 = arith.constant 0 : i32
      %parallel_loop3A_1226 = arith.cmpi ne, %parallel_loop3A_1224, %parallel_loop3A_1225 : i32
      %parallel_loop3A_1227 = arith.constant 0 : i32
      %parallel_loop3A_1228 = arith.cmpi slt, %parallel_loop3A_1224, %parallel_loop3A_1227 : i32
      %parallel_loop3A_1229 = arith.constant 0 : i32
      %parallel_loop3A_1230 = arith.cmpi slt, %parallel_loop3A_1223, %parallel_loop3A_1229 : i32
      %parallel_loop3A_1231 = arith.xori %parallel_loop3A_1228, %parallel_loop3A_1230 : i1
      %parallel_loop3A_1232 = arith.andi %parallel_loop3A_1231, %parallel_loop3A_1226 : i1
      %parallel_loop3A_1233 = arith.addi %parallel_loop3A_1224, %parallel_loop3A_1223 : i32
      %parallel_loop3A_1234 = arith.select %parallel_loop3A_1232, %parallel_loop3A_1233, %parallel_loop3A_1224 : i32
      %parallel_loop3A_1235 = arith.constant 16 : i32
      %parallel_loop3A_1236 = arith.muli %parallel_loop3A_1234, %parallel_loop3A_1235 : i32
      %parallel_loop3A_1237 = arith.index_cast %parallel_loop3A_1218 : i32 to index
      %parallel_loop3A_1238 = arith.index_cast %parallel_loop3A_1236 : i32 to index
      %parallel_loop3A_1239 = tpu.vector_load %arg10[%parallel_loop3A_1237, %parallel_loop3A_1238] {strides = array<i32>} : memref<16x1024xf32, #tpu.memory_space<vmem>>, vector<1x16xf32>,
      %parallel_loop3A_1240 = vector.shape_cast %parallel_loop3A_1239 : vector<1x16xf32> to vector<16xf32>
      %parallel_loop3A_1241 = arith.index_cast %parallel_loop3A_1218 : i32 to index
      %parallel_loop3A_1242 = arith.index_cast %parallel_loop3A_1236 : i32 to index
      %parallel_loop3A_1243 = tpu.vector_load %arg7[%parallel_loop3A_1241, %parallel_loop3A_1242] {strides = array<i32>} : memref<16x1024xf32, #tpu.memory_space<vmem>>, vector<1x16xf32>,
      %parallel_loop3A_1244 = vector.shape_cast %parallel_loop3A_1243 : vector<1x16xf32> to vector<16xf32>
      %parallel_loop3A_1245 = vector.shape_cast %parallel_loop3A_1240 : vector<16xf32> to vector<1x16xf32>
      tpu.vector_store %arg7[%parallel_loop3A_1241, %parallel_loop3A_1242], %parallel_loop3A_1245 {add = true, strides = array<i32>} : memref<16x1024xf32, #tpu.memory_space<vmem>>, vector<1x16xf32>,
    } {sc.loop_unroll_factor = 8 : i64, sc.parallel_access}
    %add3A_840 = arith.constant 336 : i32
    %add3A_841 = arith.addi %mul3A_2, %add3A_840 : i32
    %dma_start3A_842 = arith.constant 0 : i32
    %dma_start3A_843 = tpu.memref_slice %arg5[%add3A_841, %dma_start3A_842] : memref<16384x1024xf32, #tpu.memory_space<hbm>> -> memref<16x1024xf32, #tpu.memory_space<hbm>>
    %dma_start3A_844 = arith.constant 0 : i32
    %dma_start3A_845 = tpu.memref_slice %arg5[%add3A_841, %dma_start3A_844] : memref<16384x1024xf32, #tpu.memory_space<hbm>> -> memref<16x1024xf32, #tpu.memory_space<hbm>>
    tpu.enqueue_dma source(%arg7 : memref<16x1024xf32, #tpu.memory_space<vmem>>) target(%dma_start3A_845 : memref<16x1024xf32, #tpu.memory_space<hbm>>) target_semaphore(%arg19 : memref<!tpu.dma_semaphore, #tpu.memory_space<semaphore_mem>>)
    %dma_wait3A_846 = arith.constant 0 : i32
    %dma_wait3A_847 = tpu.memref_slice %arg5[%add3A_841, %dma_wait3A_846] : memref<16384x1024xf32, #tpu.memory_space<hbm>> -> memref<16x1024xf32, #tpu.memory_space<hbm>>
    %dma_wait3A_848 = arith.constant 0 : i32
    %dma_wait3A_849 = tpu.memref_slice %arg5[%add3A_841, %dma_wait3A_848] : memref<16384x1024xf32, #tpu.memory_space<hbm>> -> memref<16x1024xf32, #tpu.memory_space<hbm>>
    tpu.wait_dma2 semaphore(%arg19 : memref<!tpu.dma_semaphore, #tpu.memory_space<semaphore_mem>>) src(%arg7 : memref<16x1024xf32, #tpu.memory_space<vmem>>) dst(%dma_wait3A_849 : memref<16x1024xf32, #tpu.memory_space<hbm>>)
    %add3A_850 = arith.constant 384 : i32
    %add3A_851 = arith.addi %mul3A_2, %add3A_850 : i32
    %dma_start3A_852 = arith.constant 0 : i32
    %dma_start3A_853 = tpu.memref_slice %arg2[%add3A_851, %dma_start3A_852] : memref<16384x1024xf32, #tpu.memory_space<hbm>> -> memref<16x1024xf32, #tpu.memory_space<hbm>>
    %dma_start3A_854 = arith.constant 0 : i32
    %dma_start3A_855 = tpu.memref_slice %arg2[%add3A_851, %dma_start3A_854] : memref<16384x1024xf32, #tpu.memory_space<hbm>> -> memref<16x1024xf32, #tpu.memory_space<hbm>>
    tpu.enqueue_dma source(%dma_start3A_855 : memref<16x1024xf32, #tpu.memory_space<hbm>>) target(%arg7 : memref<16x1024xf32, #tpu.memory_space<vmem>>) target_semaphore(%arg13 : memref<!tpu.dma_semaphore, #tpu.memory_space<semaphore_mem>>)
    %dma_start3A_856 = arith.constant 24 : i32
    %dma_start3A_857 = arith.constant 0 : i32
    %dma_start3A_858 = tpu.memref_slice %arg6[%dma_start3A_856, %dma_start3A_857] : memref<32x16xi32, #tpu.memory_space<vmem>> -> memref<1x16xi32, #tpu.memory_space<vmem>>
    %dma_start3A_859 = tpu.memref_squeeze %dma_start3A_858 : memref<1x16xi32, #tpu.memory_space<vmem>> -> memref<16xi32, #tpu.memory_space<vmem>>
    %dma_start3A_860 = arith.constant 0 : i32
    %dma_start3A_861 = arith.constant 0 : i32
    %dma_start3A_862 = tpu.memref_slice %arg4[%dma_start3A_860, %dma_start3A_861] : memref<8192x1024xf32, #tpu.memory_space<hbm>> -> memref<8192x1024xf32, #tpu.memory_space<hbm>>
    tpu.enqueue_indirect_dma source(%dma_start3A_862 : memref<8192x1024xf32, #tpu.memory_space<hbm>>) target(%arg10 : memref<16x1024xf32, #tpu.memory_space<vmem>>) offsets(%dma_start3A_859 : memref<16xi32, #tpu.memory_space<vmem>>) semaphore(%arg16 : memref<!tpu.dma_semaphore, #tpu.memory_space<semaphore_mem>>)
    %dma_wait3A_863 = arith.constant 0 : i32
    %dma_wait3A_864 = tpu.memref_slice %arg2[%add3A_777, %dma_wait3A_863] : memref<16384x1024xf32, #tpu.memory_space<hbm>> -> memref<16x1024xf32, #tpu.memory_space<hbm>>
    %dma_wait3A_865 = arith.constant 0 : i32
    %dma_wait3A_866 = tpu.memref_slice %arg2[%add3A_777, %dma_wait3A_865] : memref<16384x1024xf32, #tpu.memory_space<hbm>> -> memref<16x1024xf32, #tpu.memory_space<hbm>>
    tpu.wait_dma2 semaphore(%arg14 : memref<!tpu.dma_semaphore, #tpu.memory_space<semaphore_mem>>) src(%dma_wait3A_866 : memref<16x1024xf32, #tpu.memory_space<hbm>>) dst(%arg8 : memref<16x1024xf32, #tpu.memory_space<vmem>>)
    %dma_wait3A_867 = arith.constant 22 : i32
    %dma_wait3A_868 = arith.constant 0 : i32
    %dma_wait3A_869 = tpu.memref_slice %arg6[%dma_wait3A_867, %dma_wait3A_868] : memref<32x16xi32, #tpu.memory_space<vmem>> -> memref<1x16xi32, #tpu.memory_space<vmem>>
    %dma_wait3A_870 = tpu.memref_squeeze %dma_wait3A_869 : memref<1x16xi32, #tpu.memory_space<vmem>> -> memref<16xi32, #tpu.memory_space<vmem>>
    %dma_wait3A_871 = arith.constant 0 : i32
    %dma_wait3A_872 = arith.constant 0 : i32
    %dma_wait3A_873 = tpu.memref_slice %arg4[%dma_wait3A_871, %dma_wait3A_872] : memref<8192x1024xf32, #tpu.memory_space<hbm>> -> memref<8192x1024xf32, #tpu.memory_space<hbm>>
    tpu.wait_indirect_dma semaphore(%arg17 : memref<!tpu.dma_semaphore, #tpu.memory_space<semaphore_mem>>) src(%dma_wait3A_873 : memref<8192x1024xf32, #tpu.memory_space<hbm>>) dst(%arg11 : memref<16x1024xf32, #tpu.memory_space<vmem>>)
    %parallel_loop3A_874 = arith.constant 0 : i32
    %parallel_loop3A_875 = arith.constant 1024 : i32
    %parallel_loop3A_876 = arith.constant 1 : i32
    scf.for %parallel_loop3A_1194 = %parallel_loop3A_874 to %parallel_loop3A_875 step %parallel_loop3A_876  : i32 {
      %parallel_loop3A_1195 = arith.constant 64 : i32
      %parallel_loop3A_1196 = arith.divsi %parallel_loop3A_1194, %parallel_loop3A_1195 : i32
      %parallel_loop3A_1197 = arith.constant 0 : i32
      %parallel_loop3A_1198 = arith.cmpi sgt, %parallel_loop3A_1194, %parallel_loop3A_1197 : i32
      %parallel_loop3A_1199 = arith.extui %parallel_loop3A_1198 : i1 to i32
      %parallel_loop3A_1200 = arith.constant 0 : i32
      %parallel_loop3A_1201 = arith.cmpi slt, %parallel_loop3A_1194, %parallel_loop3A_1200 : i32
      %parallel_loop3A_1202 = arith.extui %parallel_loop3A_1201 : i1 to i32
      %parallel_loop3A_1203 = arith.subi %parallel_loop3A_1199, %parallel_loop3A_1202 : i32
      %parallel_loop3A_1204 = arith.constant 0 : i32
      %parallel_loop3A_1205 = arith.cmpi sgt, %parallel_loop3A_1195, %parallel_loop3A_1204 : i32
      %parallel_loop3A_1206 = arith.extui %parallel_loop3A_1205 : i1 to i32
      %parallel_loop3A_1207 = arith.constant 0 : i32
      %parallel_loop3A_1208 = arith.cmpi slt, %parallel_loop3A_1195, %parallel_loop3A_1207 : i32
      %parallel_loop3A_1209 = arith.extui %parallel_loop3A_1208 : i1 to i32
      %parallel_loop3A_1210 = arith.subi %parallel_loop3A_1206, %parallel_loop3A_1209 : i32
      %parallel_loop3A_1211 = arith.cmpi ne, %parallel_loop3A_1203, %parallel_loop3A_1210 : i32
      %parallel_loop3A_1212 = arith.remsi %parallel_loop3A_1194, %parallel_loop3A_1195 : i32
      %parallel_loop3A_1213 = arith.constant 0 : i32
      %parallel_loop3A_1214 = arith.cmpi ne, %parallel_loop3A_1212, %parallel_loop3A_1213 : i32
      %parallel_loop3A_1215 = arith.andi %parallel_loop3A_1211, %parallel_loop3A_1214 : i1
      %parallel_loop3A_1216 = arith.constant 1 : i32
      %parallel_loop3A_1217 = arith.subi %parallel_loop3A_1196, %parallel_loop3A_1216 : i32
      %parallel_loop3A_1218 = arith.select %parallel_loop3A_1215, %parallel_loop3A_1217, %parallel_loop3A_1196 : i32
      %parallel_loop3A_1219 = arith.constant 64 : i32
      %parallel_loop3A_1220 = arith.constant 0 : i32
      %parallel_loop3A_1221 = arith.cmpi eq, %parallel_loop3A_1219, %parallel_loop3A_1220 : i32
      %parallel_loop3A_1222 = arith.constant 1 : i32
      %parallel_loop3A_1223 = arith.select %parallel_loop3A_1221, %parallel_loop3A_1222, %parallel_loop3A_1219 : i32
      %parallel_loop3A_1224 = arith.remsi %parallel_loop3A_1194, %parallel_loop3A_1223 : i32
      %parallel_loop3A_1225 = arith.constant 0 : i32
      %parallel_loop3A_1226 = arith.cmpi ne, %parallel_loop3A_1224, %parallel_loop3A_1225 : i32
      %parallel_loop3A_1227 = arith.constant 0 : i32
      %parallel_loop3A_1228 = arith.cmpi slt, %parallel_loop3A_1224, %parallel_loop3A_1227 : i32
      %parallel_loop3A_1229 = arith.constant 0 : i32
      %parallel_loop3A_1230 = arith.cmpi slt, %parallel_loop3A_1223, %parallel_loop3A_1229 : i32
      %parallel_loop3A_1231 = arith.xori %parallel_loop3A_1228, %parallel_loop3A_1230 : i1
      %parallel_loop3A_1232 = arith.andi %parallel_loop3A_1231, %parallel_loop3A_1226 : i1
      %parallel_loop3A_1233 = arith.addi %parallel_loop3A_1224, %parallel_loop3A_1223 : i32
      %parallel_loop3A_1234 = arith.select %parallel_loop3A_1232, %parallel_loop3A_1233, %parallel_loop3A_1224 : i32
      %parallel_loop3A_1235 = arith.constant 16 : i32
      %parallel_loop3A_1236 = arith.muli %parallel_loop3A_1234, %parallel_loop3A_1235 : i32
      %parallel_loop3A_1237 = arith.index_cast %parallel_loop3A_1218 : i32 to index
      %parallel_loop3A_1238 = arith.index_cast %parallel_loop3A_1236 : i32 to index
      %parallel_loop3A_1239 = tpu.vector_load %arg11[%parallel_loop3A_1237, %parallel_loop3A_1238] {strides = array<i32>} : memref<16x1024xf32, #tpu.memory_space<vmem>>, vector<1x16xf32>,
      %parallel_loop3A_1240 = vector.shape_cast %parallel_loop3A_1239 : vector<1x16xf32> to vector<16xf32>
      %parallel_loop3A_1241 = arith.index_cast %parallel_loop3A_1218 : i32 to index
      %parallel_loop3A_1242 = arith.index_cast %parallel_loop3A_1236 : i32 to index
      %parallel_loop3A_1243 = tpu.vector_load %arg8[%parallel_loop3A_1241, %parallel_loop3A_1242] {strides = array<i32>} : memref<16x1024xf32, #tpu.memory_space<vmem>>, vector<1x16xf32>,
      %parallel_loop3A_1244 = vector.shape_cast %parallel_loop3A_1243 : vector<1x16xf32> to vector<16xf32>
      %parallel_loop3A_1245 = vector.shape_cast %parallel_loop3A_1240 : vector<16xf32> to vector<1x16xf32>
      tpu.vector_store %arg8[%parallel_loop3A_1241, %parallel_loop3A_1242], %parallel_loop3A_1245 {add = true, strides = array<i32>} : memref<16x1024xf32, #tpu.memory_space<vmem>>, vector<1x16xf32>,
    } {sc.loop_unroll_factor = 8 : i64, sc.parallel_access}
    %add3A_877 = arith.constant 352 : i32
    %add3A_878 = arith.addi %mul3A_2, %add3A_877 : i32
    %dma_start3A_879 = arith.constant 0 : i32
    %dma_start3A_880 = tpu.memref_slice %arg5[%add3A_878, %dma_start3A_879] : memref<16384x1024xf32, #tpu.memory_space<hbm>> -> memref<16x1024xf32, #tpu.memory_space<hbm>>
    %dma_start3A_881 = arith.constant 0 : i32
    %dma_start3A_882 = tpu.memref_slice %arg5[%add3A_878, %dma_start3A_881] : memref<16384x1024xf32, #tpu.memory_space<hbm>> -> memref<16x1024xf32, #tpu.memory_space<hbm>>
    tpu.enqueue_dma source(%arg8 : memref<16x1024xf32, #tpu.memory_space<vmem>>) target(%dma_start3A_882 : memref<16x1024xf32, #tpu.memory_space<hbm>>) target_semaphore(%arg20 : memref<!tpu.dma_semaphore, #tpu.memory_space<semaphore_mem>>)
    %dma_wait3A_883 = arith.constant 0 : i32
    %dma_wait3A_884 = tpu.memref_slice %arg5[%add3A_878, %dma_wait3A_883] : memref<16384x1024xf32, #tpu.memory_space<hbm>> -> memref<16x1024xf32, #tpu.memory_space<hbm>>
    %dma_wait3A_885 = arith.constant 0 : i32
    %dma_wait3A_886 = tpu.memref_slice %arg5[%add3A_878, %dma_wait3A_885] : memref<16384x1024xf32, #tpu.memory_space<hbm>> -> memref<16x1024xf32, #tpu.memory_space<hbm>>
    tpu.wait_dma2 semaphore(%arg20 : memref<!tpu.dma_semaphore, #tpu.memory_space<semaphore_mem>>) src(%arg8 : memref<16x1024xf32, #tpu.memory_space<vmem>>) dst(%dma_wait3A_886 : memref<16x1024xf32, #tpu.memory_space<hbm>>)
    %add3A_887 = arith.constant 400 : i32
    %add3A_888 = arith.addi %mul3A_2, %add3A_887 : i32
    %dma_start3A_889 = arith.constant 0 : i32
    %dma_start3A_890 = tpu.memref_slice %arg2[%add3A_888, %dma_start3A_889] : memref<16384x1024xf32, #tpu.memory_space<hbm>> -> memref<16x1024xf32, #tpu.memory_space<hbm>>
    %dma_start3A_891 = arith.constant 0 : i32
    %dma_start3A_892 = tpu.memref_slice %arg2[%add3A_888, %dma_start3A_891] : memref<16384x1024xf32, #tpu.memory_space<hbm>> -> memref<16x1024xf32, #tpu.memory_space<hbm>>
    tpu.enqueue_dma source(%dma_start3A_892 : memref<16x1024xf32, #tpu.memory_space<hbm>>) target(%arg8 : memref<16x1024xf32, #tpu.memory_space<vmem>>) target_semaphore(%arg14 : memref<!tpu.dma_semaphore, #tpu.memory_space<semaphore_mem>>)
    %dma_start3A_893 = arith.constant 25 : i32
    %dma_start3A_894 = arith.constant 0 : i32
    %dma_start3A_895 = tpu.memref_slice %arg6[%dma_start3A_893, %dma_start3A_894] : memref<32x16xi32, #tpu.memory_space<vmem>> -> memref<1x16xi32, #tpu.memory_space<vmem>>
    %dma_start3A_896 = tpu.memref_squeeze %dma_start3A_895 : memref<1x16xi32, #tpu.memory_space<vmem>> -> memref<16xi32, #tpu.memory_space<vmem>>
    %dma_start3A_897 = arith.constant 0 : i32
    %dma_start3A_898 = arith.constant 0 : i32
    %dma_start3A_899 = tpu.memref_slice %arg4[%dma_start3A_897, %dma_start3A_898] : memref<8192x1024xf32, #tpu.memory_space<hbm>> -> memref<8192x1024xf32, #tpu.memory_space<hbm>>
    tpu.enqueue_indirect_dma source(%dma_start3A_899 : memref<8192x1024xf32, #tpu.memory_space<hbm>>) target(%arg11 : memref<16x1024xf32, #tpu.memory_space<vmem>>) offsets(%dma_start3A_896 : memref<16xi32, #tpu.memory_space<vmem>>) semaphore(%arg17 : memref<!tpu.dma_semaphore, #tpu.memory_space<semaphore_mem>>)
    %dma_wait3A_900 = arith.constant 0 : i32
    %dma_wait3A_901 = tpu.memref_slice %arg2[%add3A_814, %dma_wait3A_900] : memref<16384x1024xf32, #tpu.memory_space<hbm>> -> memref<16x1024xf32, #tpu.memory_space<hbm>>
    %dma_wait3A_902 = arith.constant 0 : i32
    %dma_wait3A_903 = tpu.memref_slice %arg2[%add3A_814, %dma_wait3A_902] : memref<16384x1024xf32, #tpu.memory_space<hbm>> -> memref<16x1024xf32, #tpu.memory_space<hbm>>
    tpu.wait_dma2 semaphore(%arg15 : memref<!tpu.dma_semaphore, #tpu.memory_space<semaphore_mem>>) src(%dma_wait3A_903 : memref<16x1024xf32, #tpu.memory_space<hbm>>) dst(%arg9 : memref<16x1024xf32, #tpu.memory_space<vmem>>)
    %dma_wait3A_904 = arith.constant 23 : i32
    %dma_wait3A_905 = arith.constant 0 : i32
    %dma_wait3A_906 = tpu.memref_slice %arg6[%dma_wait3A_904, %dma_wait3A_905] : memref<32x16xi32, #tpu.memory_space<vmem>> -> memref<1x16xi32, #tpu.memory_space<vmem>>
    %dma_wait3A_907 = tpu.memref_squeeze %dma_wait3A_906 : memref<1x16xi32, #tpu.memory_space<vmem>> -> memref<16xi32, #tpu.memory_space<vmem>>
    %dma_wait3A_908 = arith.constant 0 : i32
    %dma_wait3A_909 = arith.constant 0 : i32
    %dma_wait3A_910 = tpu.memref_slice %arg4[%dma_wait3A_908, %dma_wait3A_909] : memref<8192x1024xf32, #tpu.memory_space<hbm>> -> memref<8192x1024xf32, #tpu.memory_space<hbm>>
    tpu.wait_indirect_dma semaphore(%arg18 : memref<!tpu.dma_semaphore, #tpu.memory_space<semaphore_mem>>) src(%dma_wait3A_910 : memref<8192x1024xf32, #tpu.memory_space<hbm>>) dst(%arg12 : memref<16x1024xf32, #tpu.memory_space<vmem>>)
    %parallel_loop3A_911 = arith.constant 0 : i32
    %parallel_loop3A_912 = arith.constant 1024 : i32
    %parallel_loop3A_913 = arith.constant 1 : i32
    scf.for %parallel_loop3A_1194 = %parallel_loop3A_911 to %parallel_loop3A_912 step %parallel_loop3A_913  : i32 {
      %parallel_loop3A_1195 = arith.constant 64 : i32
      %parallel_loop3A_1196 = arith.divsi %parallel_loop3A_1194, %parallel_loop3A_1195 : i32
      %parallel_loop3A_1197 = arith.constant 0 : i32
      %parallel_loop3A_1198 = arith.cmpi sgt, %parallel_loop3A_1194, %parallel_loop3A_1197 : i32
      %parallel_loop3A_1199 = arith.extui %parallel_loop3A_1198 : i1 to i32
      %parallel_loop3A_1200 = arith.constant 0 : i32
      %parallel_loop3A_1201 = arith.cmpi slt, %parallel_loop3A_1194, %parallel_loop3A_1200 : i32
      %parallel_loop3A_1202 = arith.extui %parallel_loop3A_1201 : i1 to i32
      %parallel_loop3A_1203 = arith.subi %parallel_loop3A_1199, %parallel_loop3A_1202 : i32
      %parallel_loop3A_1204 = arith.constant 0 : i32
      %parallel_loop3A_1205 = arith.cmpi sgt, %parallel_loop3A_1195, %parallel_loop3A_1204 : i32
      %parallel_loop3A_1206 = arith.extui %parallel_loop3A_1205 : i1 to i32
      %parallel_loop3A_1207 = arith.constant 0 : i32
      %parallel_loop3A_1208 = arith.cmpi slt, %parallel_loop3A_1195, %parallel_loop3A_1207 : i32
      %parallel_loop3A_1209 = arith.extui %parallel_loop3A_1208 : i1 to i32
      %parallel_loop3A_1210 = arith.subi %parallel_loop3A_1206, %parallel_loop3A_1209 : i32
      %parallel_loop3A_1211 = arith.cmpi ne, %parallel_loop3A_1203, %parallel_loop3A_1210 : i32
      %parallel_loop3A_1212 = arith.remsi %parallel_loop3A_1194, %parallel_loop3A_1195 : i32
      %parallel_loop3A_1213 = arith.constant 0 : i32
      %parallel_loop3A_1214 = arith.cmpi ne, %parallel_loop3A_1212, %parallel_loop3A_1213 : i32
      %parallel_loop3A_1215 = arith.andi %parallel_loop3A_1211, %parallel_loop3A_1214 : i1
      %parallel_loop3A_1216 = arith.constant 1 : i32
      %parallel_loop3A_1217 = arith.subi %parallel_loop3A_1196, %parallel_loop3A_1216 : i32
      %parallel_loop3A_1218 = arith.select %parallel_loop3A_1215, %parallel_loop3A_1217, %parallel_loop3A_1196 : i32
      %parallel_loop3A_1219 = arith.constant 64 : i32
      %parallel_loop3A_1220 = arith.constant 0 : i32
      %parallel_loop3A_1221 = arith.cmpi eq, %parallel_loop3A_1219, %parallel_loop3A_1220 : i32
      %parallel_loop3A_1222 = arith.constant 1 : i32
      %parallel_loop3A_1223 = arith.select %parallel_loop3A_1221, %parallel_loop3A_1222, %parallel_loop3A_1219 : i32
      %parallel_loop3A_1224 = arith.remsi %parallel_loop3A_1194, %parallel_loop3A_1223 : i32
      %parallel_loop3A_1225 = arith.constant 0 : i32
      %parallel_loop3A_1226 = arith.cmpi ne, %parallel_loop3A_1224, %parallel_loop3A_1225 : i32
      %parallel_loop3A_1227 = arith.constant 0 : i32
      %parallel_loop3A_1228 = arith.cmpi slt, %parallel_loop3A_1224, %parallel_loop3A_1227 : i32
      %parallel_loop3A_1229 = arith.constant 0 : i32
      %parallel_loop3A_1230 = arith.cmpi slt, %parallel_loop3A_1223, %parallel_loop3A_1229 : i32
      %parallel_loop3A_1231 = arith.xori %parallel_loop3A_1228, %parallel_loop3A_1230 : i1
      %parallel_loop3A_1232 = arith.andi %parallel_loop3A_1231, %parallel_loop3A_1226 : i1
      %parallel_loop3A_1233 = arith.addi %parallel_loop3A_1224, %parallel_loop3A_1223 : i32
      %parallel_loop3A_1234 = arith.select %parallel_loop3A_1232, %parallel_loop3A_1233, %parallel_loop3A_1224 : i32
      %parallel_loop3A_1235 = arith.constant 16 : i32
      %parallel_loop3A_1236 = arith.muli %parallel_loop3A_1234, %parallel_loop3A_1235 : i32
      %parallel_loop3A_1237 = arith.index_cast %parallel_loop3A_1218 : i32 to index
      %parallel_loop3A_1238 = arith.index_cast %parallel_loop3A_1236 : i32 to index
      %parallel_loop3A_1239 = tpu.vector_load %arg12[%parallel_loop3A_1237, %parallel_loop3A_1238] {strides = array<i32>} : memref<16x1024xf32, #tpu.memory_space<vmem>>, vector<1x16xf32>,
      %parallel_loop3A_1240 = vector.shape_cast %parallel_loop3A_1239 : vector<1x16xf32> to vector<16xf32>
      %parallel_loop3A_1241 = arith.index_cast %parallel_loop3A_1218 : i32 to index
      %parallel_loop3A_1242 = arith.index_cast %parallel_loop3A_1236 : i32 to index
      %parallel_loop3A_1243 = tpu.vector_load %arg9[%parallel_loop3A_1241, %parallel_loop3A_1242] {strides = array<i32>} : memref<16x1024xf32, #tpu.memory_space<vmem>>, vector<1x16xf32>,
      %parallel_loop3A_1244 = vector.shape_cast %parallel_loop3A_1243 : vector<1x16xf32> to vector<16xf32>
      %parallel_loop3A_1245 = vector.shape_cast %parallel_loop3A_1240 : vector<16xf32> to vector<1x16xf32>
      tpu.vector_store %arg9[%parallel_loop3A_1241, %parallel_loop3A_1242], %parallel_loop3A_1245 {add = true, strides = array<i32>} : memref<16x1024xf32, #tpu.memory_space<vmem>>, vector<1x16xf32>,
    } {sc.loop_unroll_factor = 8 : i64, sc.parallel_access}
    %add3A_914 = arith.constant 368 : i32
    %add3A_915 = arith.addi %mul3A_2, %add3A_914 : i32
    %dma_start3A_916 = arith.constant 0 : i32
    %dma_start3A_917 = tpu.memref_slice %arg5[%add3A_915, %dma_start3A_916] : memref<16384x1024xf32, #tpu.memory_space<hbm>> -> memref<16x1024xf32, #tpu.memory_space<hbm>>
    %dma_start3A_918 = arith.constant 0 : i32
    %dma_start3A_919 = tpu.memref_slice %arg5[%add3A_915, %dma_start3A_918] : memref<16384x1024xf32, #tpu.memory_space<hbm>> -> memref<16x1024xf32, #tpu.memory_space<hbm>>
    tpu.enqueue_dma source(%arg9 : memref<16x1024xf32, #tpu.memory_space<vmem>>) target(%dma_start3A_919 : memref<16x1024xf32, #tpu.memory_space<hbm>>) target_semaphore(%arg21 : memref<!tpu.dma_semaphore, #tpu.memory_space<semaphore_mem>>)
    %dma_wait3A_920 = arith.constant 0 : i32
    %dma_wait3A_921 = tpu.memref_slice %arg5[%add3A_915, %dma_wait3A_920] : memref<16384x1024xf32, #tpu.memory_space<hbm>> -> memref<16x1024xf32, #tpu.memory_space<hbm>>
    %dma_wait3A_922 = arith.constant 0 : i32
    %dma_wait3A_923 = tpu.memref_slice %arg5[%add3A_915, %dma_wait3A_922] : memref<16384x1024xf32, #tpu.memory_space<hbm>> -> memref<16x1024xf32, #tpu.memory_space<hbm>>
    tpu.wait_dma2 semaphore(%arg21 : memref<!tpu.dma_semaphore, #tpu.memory_space<semaphore_mem>>) src(%arg9 : memref<16x1024xf32, #tpu.memory_space<vmem>>) dst(%dma_wait3A_923 : memref<16x1024xf32, #tpu.memory_space<hbm>>)
    %add3A_924 = arith.constant 416 : i32
    %add3A_925 = arith.addi %mul3A_2, %add3A_924 : i32
    %dma_start3A_926 = arith.constant 0 : i32
    %dma_start3A_927 = tpu.memref_slice %arg2[%add3A_925, %dma_start3A_926] : memref<16384x1024xf32, #tpu.memory_space<hbm>> -> memref<16x1024xf32, #tpu.memory_space<hbm>>
    %dma_start3A_928 = arith.constant 0 : i32
    %dma_start3A_929 = tpu.memref_slice %arg2[%add3A_925, %dma_start3A_928] : memref<16384x1024xf32, #tpu.memory_space<hbm>> -> memref<16x1024xf32, #tpu.memory_space<hbm>>
    tpu.enqueue_dma source(%dma_start3A_929 : memref<16x1024xf32, #tpu.memory_space<hbm>>) target(%arg9 : memref<16x1024xf32, #tpu.memory_space<vmem>>) target_semaphore(%arg15 : memref<!tpu.dma_semaphore, #tpu.memory_space<semaphore_mem>>)
    %dma_start3A_930 = arith.constant 26 : i32
    %dma_start3A_931 = arith.constant 0 : i32
    %dma_start3A_932 = tpu.memref_slice %arg6[%dma_start3A_930, %dma_start3A_931] : memref<32x16xi32, #tpu.memory_space<vmem>> -> memref<1x16xi32, #tpu.memory_space<vmem>>
    %dma_start3A_933 = tpu.memref_squeeze %dma_start3A_932 : memref<1x16xi32, #tpu.memory_space<vmem>> -> memref<16xi32, #tpu.memory_space<vmem>>
    %dma_start3A_934 = arith.constant 0 : i32
    %dma_start3A_935 = arith.constant 0 : i32
    %dma_start3A_936 = tpu.memref_slice %arg4[%dma_start3A_934, %dma_start3A_935] : memref<8192x1024xf32, #tpu.memory_space<hbm>> -> memref<8192x1024xf32, #tpu.memory_space<hbm>>
    tpu.enqueue_indirect_dma source(%dma_start3A_936 : memref<8192x1024xf32, #tpu.memory_space<hbm>>) target(%arg12 : memref<16x1024xf32, #tpu.memory_space<vmem>>) offsets(%dma_start3A_933 : memref<16xi32, #tpu.memory_space<vmem>>) semaphore(%arg18 : memref<!tpu.dma_semaphore, #tpu.memory_space<semaphore_mem>>)
    %dma_wait3A_937 = arith.constant 0 : i32
    %dma_wait3A_938 = tpu.memref_slice %arg2[%add3A_851, %dma_wait3A_937] : memref<16384x1024xf32, #tpu.memory_space<hbm>> -> memref<16x1024xf32, #tpu.memory_space<hbm>>
    %dma_wait3A_939 = arith.constant 0 : i32
    %dma_wait3A_940 = tpu.memref_slice %arg2[%add3A_851, %dma_wait3A_939] : memref<16384x1024xf32, #tpu.memory_space<hbm>> -> memref<16x1024xf32, #tpu.memory_space<hbm>>
    tpu.wait_dma2 semaphore(%arg13 : memref<!tpu.dma_semaphore, #tpu.memory_space<semaphore_mem>>) src(%dma_wait3A_940 : memref<16x1024xf32, #tpu.memory_space<hbm>>) dst(%arg7 : memref<16x1024xf32, #tpu.memory_space<vmem>>)
    %dma_wait3A_941 = arith.constant 24 : i32
    %dma_wait3A_942 = arith.constant 0 : i32
    %dma_wait3A_943 = tpu.memref_slice %arg6[%dma_wait3A_941, %dma_wait3A_942] : memref<32x16xi32, #tpu.memory_space<vmem>> -> memref<1x16xi32, #tpu.memory_space<vmem>>
    %dma_wait3A_944 = tpu.memref_squeeze %dma_wait3A_943 : memref<1x16xi32, #tpu.memory_space<vmem>> -> memref<16xi32, #tpu.memory_space<vmem>>
    %dma_wait3A_945 = arith.constant 0 : i32
    %dma_wait3A_946 = arith.constant 0 : i32
    %dma_wait3A_947 = tpu.memref_slice %arg4[%dma_wait3A_945, %dma_wait3A_946] : memref<8192x1024xf32, #tpu.memory_space<hbm>> -> memref<8192x1024xf32, #tpu.memory_space<hbm>>
    tpu.wait_indirect_dma semaphore(%arg16 : memref<!tpu.dma_semaphore, #tpu.memory_space<semaphore_mem>>) src(%dma_wait3A_947 : memref<8192x1024xf32, #tpu.memory_space<hbm>>) dst(%arg10 : memref<16x1024xf32, #tpu.memory_space<vmem>>)
    %parallel_loop3A_948 = arith.constant 0 : i32
    %parallel_loop3A_949 = arith.constant 1024 : i32
    %parallel_loop3A_950 = arith.constant 1 : i32
    scf.for %parallel_loop3A_1194 = %parallel_loop3A_948 to %parallel_loop3A_949 step %parallel_loop3A_950  : i32 {
      %parallel_loop3A_1195 = arith.constant 64 : i32
      %parallel_loop3A_1196 = arith.divsi %parallel_loop3A_1194, %parallel_loop3A_1195 : i32
      %parallel_loop3A_1197 = arith.constant 0 : i32
      %parallel_loop3A_1198 = arith.cmpi sgt, %parallel_loop3A_1194, %parallel_loop3A_1197 : i32
      %parallel_loop3A_1199 = arith.extui %parallel_loop3A_1198 : i1 to i32
      %parallel_loop3A_1200 = arith.constant 0 : i32
      %parallel_loop3A_1201 = arith.cmpi slt, %parallel_loop3A_1194, %parallel_loop3A_1200 : i32
      %parallel_loop3A_1202 = arith.extui %parallel_loop3A_1201 : i1 to i32
      %parallel_loop3A_1203 = arith.subi %parallel_loop3A_1199, %parallel_loop3A_1202 : i32
      %parallel_loop3A_1204 = arith.constant 0 : i32
      %parallel_loop3A_1205 = arith.cmpi sgt, %parallel_loop3A_1195, %parallel_loop3A_1204 : i32
      %parallel_loop3A_1206 = arith.extui %parallel_loop3A_1205 : i1 to i32
      %parallel_loop3A_1207 = arith.constant 0 : i32
      %parallel_loop3A_1208 = arith.cmpi slt, %parallel_loop3A_1195, %parallel_loop3A_1207 : i32
      %parallel_loop3A_1209 = arith.extui %parallel_loop3A_1208 : i1 to i32
      %parallel_loop3A_1210 = arith.subi %parallel_loop3A_1206, %parallel_loop3A_1209 : i32
      %parallel_loop3A_1211 = arith.cmpi ne, %parallel_loop3A_1203, %parallel_loop3A_1210 : i32
      %parallel_loop3A_1212 = arith.remsi %parallel_loop3A_1194, %parallel_loop3A_1195 : i32
      %parallel_loop3A_1213 = arith.constant 0 : i32
      %parallel_loop3A_1214 = arith.cmpi ne, %parallel_loop3A_1212, %parallel_loop3A_1213 : i32
      %parallel_loop3A_1215 = arith.andi %parallel_loop3A_1211, %parallel_loop3A_1214 : i1
      %parallel_loop3A_1216 = arith.constant 1 : i32
      %parallel_loop3A_1217 = arith.subi %parallel_loop3A_1196, %parallel_loop3A_1216 : i32
      %parallel_loop3A_1218 = arith.select %parallel_loop3A_1215, %parallel_loop3A_1217, %parallel_loop3A_1196 : i32
      %parallel_loop3A_1219 = arith.constant 64 : i32
      %parallel_loop3A_1220 = arith.constant 0 : i32
      %parallel_loop3A_1221 = arith.cmpi eq, %parallel_loop3A_1219, %parallel_loop3A_1220 : i32
      %parallel_loop3A_1222 = arith.constant 1 : i32
      %parallel_loop3A_1223 = arith.select %parallel_loop3A_1221, %parallel_loop3A_1222, %parallel_loop3A_1219 : i32
      %parallel_loop3A_1224 = arith.remsi %parallel_loop3A_1194, %parallel_loop3A_1223 : i32
      %parallel_loop3A_1225 = arith.constant 0 : i32
      %parallel_loop3A_1226 = arith.cmpi ne, %parallel_loop3A_1224, %parallel_loop3A_1225 : i32
      %parallel_loop3A_1227 = arith.constant 0 : i32
      %parallel_loop3A_1228 = arith.cmpi slt, %parallel_loop3A_1224, %parallel_loop3A_1227 : i32
      %parallel_loop3A_1229 = arith.constant 0 : i32
      %parallel_loop3A_1230 = arith.cmpi slt, %parallel_loop3A_1223, %parallel_loop3A_1229 : i32
      %parallel_loop3A_1231 = arith.xori %parallel_loop3A_1228, %parallel_loop3A_1230 : i1
      %parallel_loop3A_1232 = arith.andi %parallel_loop3A_1231, %parallel_loop3A_1226 : i1
      %parallel_loop3A_1233 = arith.addi %parallel_loop3A_1224, %parallel_loop3A_1223 : i32
      %parallel_loop3A_1234 = arith.select %parallel_loop3A_1232, %parallel_loop3A_1233, %parallel_loop3A_1224 : i32
      %parallel_loop3A_1235 = arith.constant 16 : i32
      %parallel_loop3A_1236 = arith.muli %parallel_loop3A_1234, %parallel_loop3A_1235 : i32
      %parallel_loop3A_1237 = arith.index_cast %parallel_loop3A_1218 : i32 to index
      %parallel_loop3A_1238 = arith.index_cast %parallel_loop3A_1236 : i32 to index
      %parallel_loop3A_1239 = tpu.vector_load %arg10[%parallel_loop3A_1237, %parallel_loop3A_1238] {strides = array<i32>} : memref<16x1024xf32, #tpu.memory_space<vmem>>, vector<1x16xf32>,
      %parallel_loop3A_1240 = vector.shape_cast %parallel_loop3A_1239 : vector<1x16xf32> to vector<16xf32>
      %parallel_loop3A_1241 = arith.index_cast %parallel_loop3A_1218 : i32 to index
      %parallel_loop3A_1242 = arith.index_cast %parallel_loop3A_1236 : i32 to index
      %parallel_loop3A_1243 = tpu.vector_load %arg7[%parallel_loop3A_1241, %parallel_loop3A_1242] {strides = array<i32>} : memref<16x1024xf32, #tpu.memory_space<vmem>>, vector<1x16xf32>,
      %parallel_loop3A_1244 = vector.shape_cast %parallel_loop3A_1243 : vector<1x16xf32> to vector<16xf32>
      %parallel_loop3A_1245 = vector.shape_cast %parallel_loop3A_1240 : vector<16xf32> to vector<1x16xf32>
      tpu.vector_store %arg7[%parallel_loop3A_1241, %parallel_loop3A_1242], %parallel_loop3A_1245 {add = true, strides = array<i32>} : memref<16x1024xf32, #tpu.memory_space<vmem>>, vector<1x16xf32>,
    } {sc.loop_unroll_factor = 8 : i64, sc.parallel_access}
    %add3A_951 = arith.constant 384 : i32
    %add3A_952 = arith.addi %mul3A_2, %add3A_951 : i32
    %dma_start3A_953 = arith.constant 0 : i32
    %dma_start3A_954 = tpu.memref_slice %arg5[%add3A_952, %dma_start3A_953] : memref<16384x1024xf32, #tpu.memory_space<hbm>> -> memref<16x1024xf32, #tpu.memory_space<hbm>>
    %dma_start3A_955 = arith.constant 0 : i32
    %dma_start3A_956 = tpu.memref_slice %arg5[%add3A_952, %dma_start3A_955] : memref<16384x1024xf32, #tpu.memory_space<hbm>> -> memref<16x1024xf32, #tpu.memory_space<hbm>>
    tpu.enqueue_dma source(%arg7 : memref<16x1024xf32, #tpu.memory_space<vmem>>) target(%dma_start3A_956 : memref<16x1024xf32, #tpu.memory_space<hbm>>) target_semaphore(%arg19 : memref<!tpu.dma_semaphore, #tpu.memory_space<semaphore_mem>>)
    %dma_wait3A_957 = arith.constant 0 : i32
    %dma_wait3A_958 = tpu.memref_slice %arg5[%add3A_952, %dma_wait3A_957] : memref<16384x1024xf32, #tpu.memory_space<hbm>> -> memref<16x1024xf32, #tpu.memory_space<hbm>>
    %dma_wait3A_959 = arith.constant 0 : i32
    %dma_wait3A_960 = tpu.memref_slice %arg5[%add3A_952, %dma_wait3A_959] : memref<16384x1024xf32, #tpu.memory_space<hbm>> -> memref<16x1024xf32, #tpu.memory_space<hbm>>
    tpu.wait_dma2 semaphore(%arg19 : memref<!tpu.dma_semaphore, #tpu.memory_space<semaphore_mem>>) src(%arg7 : memref<16x1024xf32, #tpu.memory_space<vmem>>) dst(%dma_wait3A_960 : memref<16x1024xf32, #tpu.memory_space<hbm>>)
    %add3A_961 = arith.constant 432 : i32
    %add3A_962 = arith.addi %mul3A_2, %add3A_961 : i32
    %dma_start3A_963 = arith.constant 0 : i32
    %dma_start3A_964 = tpu.memref_slice %arg2[%add3A_962, %dma_start3A_963] : memref<16384x1024xf32, #tpu.memory_space<hbm>> -> memref<16x1024xf32, #tpu.memory_space<hbm>>
    %dma_start3A_965 = arith.constant 0 : i32
    %dma_start3A_966 = tpu.memref_slice %arg2[%add3A_962, %dma_start3A_965] : memref<16384x1024xf32, #tpu.memory_space<hbm>> -> memref<16x1024xf32, #tpu.memory_space<hbm>>
    tpu.enqueue_dma source(%dma_start3A_966 : memref<16x1024xf32, #tpu.memory_space<hbm>>) target(%arg7 : memref<16x1024xf32, #tpu.memory_space<vmem>>) target_semaphore(%arg13 : memref<!tpu.dma_semaphore, #tpu.memory_space<semaphore_mem>>)
    %dma_start3A_967 = arith.constant 27 : i32
    %dma_start3A_968 = arith.constant 0 : i32
    %dma_start3A_969 = tpu.memref_slice %arg6[%dma_start3A_967, %dma_start3A_968] : memref<32x16xi32, #tpu.memory_space<vmem>> -> memref<1x16xi32, #tpu.memory_space<vmem>>
    %dma_start3A_970 = tpu.memref_squeeze %dma_start3A_969 : memref<1x16xi32, #tpu.memory_space<vmem>> -> memref<16xi32, #tpu.memory_space<vmem>>
    %dma_start3A_971 = arith.constant 0 : i32
    %dma_start3A_972 = arith.constant 0 : i32
    %dma_start3A_973 = tpu.memref_slice %arg4[%dma_start3A_971, %dma_start3A_972] : memref<8192x1024xf32, #tpu.memory_space<hbm>> -> memref<8192x1024xf32, #tpu.memory_space<hbm>>
    tpu.enqueue_indirect_dma source(%dma_start3A_973 : memref<8192x1024xf32, #tpu.memory_space<hbm>>) target(%arg10 : memref<16x1024xf32, #tpu.memory_space<vmem>>) offsets(%dma_start3A_970 : memref<16xi32, #tpu.memory_space<vmem>>) semaphore(%arg16 : memref<!tpu.dma_semaphore, #tpu.memory_space<semaphore_mem>>)
    %dma_wait3A_974 = arith.constant 0 : i32
    %dma_wait3A_975 = tpu.memref_slice %arg2[%add3A_888, %dma_wait3A_974] : memref<16384x1024xf32, #tpu.memory_space<hbm>> -> memref<16x1024xf32, #tpu.memory_space<hbm>>
    %dma_wait3A_976 = arith.constant 0 : i32
    %dma_wait3A_977 = tpu.memref_slice %arg2[%add3A_888, %dma_wait3A_976] : memref<16384x1024xf32, #tpu.memory_space<hbm>> -> memref<16x1024xf32, #tpu.memory_space<hbm>>
    tpu.wait_dma2 semaphore(%arg14 : memref<!tpu.dma_semaphore, #tpu.memory_space<semaphore_mem>>) src(%dma_wait3A_977 : memref<16x1024xf32, #tpu.memory_space<hbm>>) dst(%arg8 : memref<16x1024xf32, #tpu.memory_space<vmem>>)
    %dma_wait3A_978 = arith.constant 25 : i32
    %dma_wait3A_979 = arith.constant 0 : i32
    %dma_wait3A_980 = tpu.memref_slice %arg6[%dma_wait3A_978, %dma_wait3A_979] : memref<32x16xi32, #tpu.memory_space<vmem>> -> memref<1x16xi32, #tpu.memory_space<vmem>>
    %dma_wait3A_981 = tpu.memref_squeeze %dma_wait3A_980 : memref<1x16xi32, #tpu.memory_space<vmem>> -> memref<16xi32, #tpu.memory_space<vmem>>
    %dma_wait3A_982 = arith.constant 0 : i32
    %dma_wait3A_983 = arith.constant 0 : i32
    %dma_wait3A_984 = tpu.memref_slice %arg4[%dma_wait3A_982, %dma_wait3A_983] : memref<8192x1024xf32, #tpu.memory_space<hbm>> -> memref<8192x1024xf32, #tpu.memory_space<hbm>>
    tpu.wait_indirect_dma semaphore(%arg17 : memref<!tpu.dma_semaphore, #tpu.memory_space<semaphore_mem>>) src(%dma_wait3A_984 : memref<8192x1024xf32, #tpu.memory_space<hbm>>) dst(%arg11 : memref<16x1024xf32, #tpu.memory_space<vmem>>)
    %parallel_loop3A_985 = arith.constant 0 : i32
    %parallel_loop3A_986 = arith.constant 1024 : i32
    %parallel_loop3A_987 = arith.constant 1 : i32
    scf.for %parallel_loop3A_1194 = %parallel_loop3A_985 to %parallel_loop3A_986 step %parallel_loop3A_987  : i32 {
      %parallel_loop3A_1195 = arith.constant 64 : i32
      %parallel_loop3A_1196 = arith.divsi %parallel_loop3A_1194, %parallel_loop3A_1195 : i32
      %parallel_loop3A_1197 = arith.constant 0 : i32
      %parallel_loop3A_1198 = arith.cmpi sgt, %parallel_loop3A_1194, %parallel_loop3A_1197 : i32
      %parallel_loop3A_1199 = arith.extui %parallel_loop3A_1198 : i1 to i32
      %parallel_loop3A_1200 = arith.constant 0 : i32
      %parallel_loop3A_1201 = arith.cmpi slt, %parallel_loop3A_1194, %parallel_loop3A_1200 : i32
      %parallel_loop3A_1202 = arith.extui %parallel_loop3A_1201 : i1 to i32
      %parallel_loop3A_1203 = arith.subi %parallel_loop3A_1199, %parallel_loop3A_1202 : i32
      %parallel_loop3A_1204 = arith.constant 0 : i32
      %parallel_loop3A_1205 = arith.cmpi sgt, %parallel_loop3A_1195, %parallel_loop3A_1204 : i32
      %parallel_loop3A_1206 = arith.extui %parallel_loop3A_1205 : i1 to i32
      %parallel_loop3A_1207 = arith.constant 0 : i32
      %parallel_loop3A_1208 = arith.cmpi slt, %parallel_loop3A_1195, %parallel_loop3A_1207 : i32
      %parallel_loop3A_1209 = arith.extui %parallel_loop3A_1208 : i1 to i32
      %parallel_loop3A_1210 = arith.subi %parallel_loop3A_1206, %parallel_loop3A_1209 : i32
      %parallel_loop3A_1211 = arith.cmpi ne, %parallel_loop3A_1203, %parallel_loop3A_1210 : i32
      %parallel_loop3A_1212 = arith.remsi %parallel_loop3A_1194, %parallel_loop3A_1195 : i32
      %parallel_loop3A_1213 = arith.constant 0 : i32
      %parallel_loop3A_1214 = arith.cmpi ne, %parallel_loop3A_1212, %parallel_loop3A_1213 : i32
      %parallel_loop3A_1215 = arith.andi %parallel_loop3A_1211, %parallel_loop3A_1214 : i1
      %parallel_loop3A_1216 = arith.constant 1 : i32
      %parallel_loop3A_1217 = arith.subi %parallel_loop3A_1196, %parallel_loop3A_1216 : i32
      %parallel_loop3A_1218 = arith.select %parallel_loop3A_1215, %parallel_loop3A_1217, %parallel_loop3A_1196 : i32
      %parallel_loop3A_1219 = arith.constant 64 : i32
      %parallel_loop3A_1220 = arith.constant 0 : i32
      %parallel_loop3A_1221 = arith.cmpi eq, %parallel_loop3A_1219, %parallel_loop3A_1220 : i32
      %parallel_loop3A_1222 = arith.constant 1 : i32
      %parallel_loop3A_1223 = arith.select %parallel_loop3A_1221, %parallel_loop3A_1222, %parallel_loop3A_1219 : i32
      %parallel_loop3A_1224 = arith.remsi %parallel_loop3A_1194, %parallel_loop3A_1223 : i32
      %parallel_loop3A_1225 = arith.constant 0 : i32
      %parallel_loop3A_1226 = arith.cmpi ne, %parallel_loop3A_1224, %parallel_loop3A_1225 : i32
      %parallel_loop3A_1227 = arith.constant 0 : i32
      %parallel_loop3A_1228 = arith.cmpi slt, %parallel_loop3A_1224, %parallel_loop3A_1227 : i32
      %parallel_loop3A_1229 = arith.constant 0 : i32
      %parallel_loop3A_1230 = arith.cmpi slt, %parallel_loop3A_1223, %parallel_loop3A_1229 : i32
      %parallel_loop3A_1231 = arith.xori %parallel_loop3A_1228, %parallel_loop3A_1230 : i1
      %parallel_loop3A_1232 = arith.andi %parallel_loop3A_1231, %parallel_loop3A_1226 : i1
      %parallel_loop3A_1233 = arith.addi %parallel_loop3A_1224, %parallel_loop3A_1223 : i32
      %parallel_loop3A_1234 = arith.select %parallel_loop3A_1232, %parallel_loop3A_1233, %parallel_loop3A_1224 : i32
      %parallel_loop3A_1235 = arith.constant 16 : i32
      %parallel_loop3A_1236 = arith.muli %parallel_loop3A_1234, %parallel_loop3A_1235 : i32
      %parallel_loop3A_1237 = arith.index_cast %parallel_loop3A_1218 : i32 to index
      %parallel_loop3A_1238 = arith.index_cast %parallel_loop3A_1236 : i32 to index
      %parallel_loop3A_1239 = tpu.vector_load %arg11[%parallel_loop3A_1237, %parallel_loop3A_1238] {strides = array<i32>} : memref<16x1024xf32, #tpu.memory_space<vmem>>, vector<1x16xf32>,
      %parallel_loop3A_1240 = vector.shape_cast %parallel_loop3A_1239 : vector<1x16xf32> to vector<16xf32>
      %parallel_loop3A_1241 = arith.index_cast %parallel_loop3A_1218 : i32 to index
      %parallel_loop3A_1242 = arith.index_cast %parallel_loop3A_1236 : i32 to index
      %parallel_loop3A_1243 = tpu.vector_load %arg8[%parallel_loop3A_1241, %parallel_loop3A_1242] {strides = array<i32>} : memref<16x1024xf32, #tpu.memory_space<vmem>>, vector<1x16xf32>,
      %parallel_loop3A_1244 = vector.shape_cast %parallel_loop3A_1243 : vector<1x16xf32> to vector<16xf32>
      %parallel_loop3A_1245 = vector.shape_cast %parallel_loop3A_1240 : vector<16xf32> to vector<1x16xf32>
      tpu.vector_store %arg8[%parallel_loop3A_1241, %parallel_loop3A_1242], %parallel_loop3A_1245 {add = true, strides = array<i32>} : memref<16x1024xf32, #tpu.memory_space<vmem>>, vector<1x16xf32>,
    } {sc.loop_unroll_factor = 8 : i64, sc.parallel_access}
    %add3A_988 = arith.constant 400 : i32
    %add3A_989 = arith.addi %mul3A_2, %add3A_988 : i32
    %dma_start3A_990 = arith.constant 0 : i32
    %dma_start3A_991 = tpu.memref_slice %arg5[%add3A_989, %dma_start3A_990] : memref<16384x1024xf32, #tpu.memory_space<hbm>> -> memref<16x1024xf32, #tpu.memory_space<hbm>>
    %dma_start3A_992 = arith.constant 0 : i32
    %dma_start3A_993 = tpu.memref_slice %arg5[%add3A_989, %dma_start3A_992] : memref<16384x1024xf32, #tpu.memory_space<hbm>> -> memref<16x1024xf32, #tpu.memory_space<hbm>>
    tpu.enqueue_dma source(%arg8 : memref<16x1024xf32, #tpu.memory_space<vmem>>) target(%dma_start3A_993 : memref<16x1024xf32, #tpu.memory_space<hbm>>) target_semaphore(%arg20 : memref<!tpu.dma_semaphore, #tpu.memory_space<semaphore_mem>>)
    %dma_wait3A_994 = arith.constant 0 : i32
    %dma_wait3A_995 = tpu.memref_slice %arg5[%add3A_989, %dma_wait3A_994] : memref<16384x1024xf32, #tpu.memory_space<hbm>> -> memref<16x1024xf32, #tpu.memory_space<hbm>>
    %dma_wait3A_996 = arith.constant 0 : i32
    %dma_wait3A_997 = tpu.memref_slice %arg5[%add3A_989, %dma_wait3A_996] : memref<16384x1024xf32, #tpu.memory_space<hbm>> -> memref<16x1024xf32, #tpu.memory_space<hbm>>
    tpu.wait_dma2 semaphore(%arg20 : memref<!tpu.dma_semaphore, #tpu.memory_space<semaphore_mem>>) src(%arg8 : memref<16x1024xf32, #tpu.memory_space<vmem>>) dst(%dma_wait3A_997 : memref<16x1024xf32, #tpu.memory_space<hbm>>)
    %add3A_998 = arith.constant 448 : i32
    %add3A_999 = arith.addi %mul3A_2, %add3A_998 : i32
    %dma_start3A_1000 = arith.constant 0 : i32
    %dma_start3A_1001 = tpu.memref_slice %arg2[%add3A_999, %dma_start3A_1000] : memref<16384x1024xf32, #tpu.memory_space<hbm>> -> memref<16x1024xf32, #tpu.memory_space<hbm>>
    %dma_start3A_1002 = arith.constant 0 : i32
    %dma_start3A_1003 = tpu.memref_slice %arg2[%add3A_999, %dma_start3A_1002] : memref<16384x1024xf32, #tpu.memory_space<hbm>> -> memref<16x1024xf32, #tpu.memory_space<hbm>>
    tpu.enqueue_dma source(%dma_start3A_1003 : memref<16x1024xf32, #tpu.memory_space<hbm>>) target(%arg8 : memref<16x1024xf32, #tpu.memory_space<vmem>>) target_semaphore(%arg14 : memref<!tpu.dma_semaphore, #tpu.memory_space<semaphore_mem>>)
    %dma_start3A_1004 = arith.constant 28 : i32
    %dma_start3A_1005 = arith.constant 0 : i32
    %dma_start3A_1006 = tpu.memref_slice %arg6[%dma_start3A_1004, %dma_start3A_1005] : memref<32x16xi32, #tpu.memory_space<vmem>> -> memref<1x16xi32, #tpu.memory_space<vmem>>
    %dma_start3A_1007 = tpu.memref_squeeze %dma_start3A_1006 : memref<1x16xi32, #tpu.memory_space<vmem>> -> memref<16xi32, #tpu.memory_space<vmem>>
    %dma_start3A_1008 = arith.constant 0 : i32
    %dma_start3A_1009 = arith.constant 0 : i32
    %dma_start3A_1010 = tpu.memref_slice %arg4[%dma_start3A_1008, %dma_start3A_1009] : memref<8192x1024xf32, #tpu.memory_space<hbm>> -> memref<8192x1024xf32, #tpu.memory_space<hbm>>
    tpu.enqueue_indirect_dma source(%dma_start3A_1010 : memref<8192x1024xf32, #tpu.memory_space<hbm>>) target(%arg11 : memref<16x1024xf32, #tpu.memory_space<vmem>>) offsets(%dma_start3A_1007 : memref<16xi32, #tpu.memory_space<vmem>>) semaphore(%arg17 : memref<!tpu.dma_semaphore, #tpu.memory_space<semaphore_mem>>)
    %dma_wait3A_1011 = arith.constant 0 : i32
    %dma_wait3A_1012 = tpu.memref_slice %arg2[%add3A_925, %dma_wait3A_1011] : memref<16384x1024xf32, #tpu.memory_space<hbm>> -> memref<16x1024xf32, #tpu.memory_space<hbm>>
    %dma_wait3A_1013 = arith.constant 0 : i32
    %dma_wait3A_1014 = tpu.memref_slice %arg2[%add3A_925, %dma_wait3A_1013] : memref<16384x1024xf32, #tpu.memory_space<hbm>> -> memref<16x1024xf32, #tpu.memory_space<hbm>>
    tpu.wait_dma2 semaphore(%arg15 : memref<!tpu.dma_semaphore, #tpu.memory_space<semaphore_mem>>) src(%dma_wait3A_1014 : memref<16x1024xf32, #tpu.memory_space<hbm>>) dst(%arg9 : memref<16x1024xf32, #tpu.memory_space<vmem>>)
    %dma_wait3A_1015 = arith.constant 26 : i32
    %dma_wait3A_1016 = arith.constant 0 : i32
    %dma_wait3A_1017 = tpu.memref_slice %arg6[%dma_wait3A_1015, %dma_wait3A_1016] : memref<32x16xi32, #tpu.memory_space<vmem>> -> memref<1x16xi32, #tpu.memory_space<vmem>>
    %dma_wait3A_1018 = tpu.memref_squeeze %dma_wait3A_1017 : memref<1x16xi32, #tpu.memory_space<vmem>> -> memref<16xi32, #tpu.memory_space<vmem>>
    %dma_wait3A_1019 = arith.constant 0 : i32
    %dma_wait3A_1020 = arith.constant 0 : i32
    %dma_wait3A_1021 = tpu.memref_slice %arg4[%dma_wait3A_1019, %dma_wait3A_1020] : memref<8192x1024xf32, #tpu.memory_space<hbm>> -> memref<8192x1024xf32, #tpu.memory_space<hbm>>
    tpu.wait_indirect_dma semaphore(%arg18 : memref<!tpu.dma_semaphore, #tpu.memory_space<semaphore_mem>>) src(%dma_wait3A_1021 : memref<8192x1024xf32, #tpu.memory_space<hbm>>) dst(%arg12 : memref<16x1024xf32, #tpu.memory_space<vmem>>)
    %parallel_loop3A_1022 = arith.constant 0 : i32
    %parallel_loop3A_1023 = arith.constant 1024 : i32
    %parallel_loop3A_1024 = arith.constant 1 : i32
    scf.for %parallel_loop3A_1194 = %parallel_loop3A_1022 to %parallel_loop3A_1023 step %parallel_loop3A_1024  : i32 {
      %parallel_loop3A_1195 = arith.constant 64 : i32
      %parallel_loop3A_1196 = arith.divsi %parallel_loop3A_1194, %parallel_loop3A_1195 : i32
      %parallel_loop3A_1197 = arith.constant 0 : i32
      %parallel_loop3A_1198 = arith.cmpi sgt, %parallel_loop3A_1194, %parallel_loop3A_1197 : i32
      %parallel_loop3A_1199 = arith.extui %parallel_loop3A_1198 : i1 to i32
      %parallel_loop3A_1200 = arith.constant 0 : i32
      %parallel_loop3A_1201 = arith.cmpi slt, %parallel_loop3A_1194, %parallel_loop3A_1200 : i32
      %parallel_loop3A_1202 = arith.extui %parallel_loop3A_1201 : i1 to i32
      %parallel_loop3A_1203 = arith.subi %parallel_loop3A_1199, %parallel_loop3A_1202 : i32
      %parallel_loop3A_1204 = arith.constant 0 : i32
      %parallel_loop3A_1205 = arith.cmpi sgt, %parallel_loop3A_1195, %parallel_loop3A_1204 : i32
      %parallel_loop3A_1206 = arith.extui %parallel_loop3A_1205 : i1 to i32
      %parallel_loop3A_1207 = arith.constant 0 : i32
      %parallel_loop3A_1208 = arith.cmpi slt, %parallel_loop3A_1195, %parallel_loop3A_1207 : i32
      %parallel_loop3A_1209 = arith.extui %parallel_loop3A_1208 : i1 to i32
      %parallel_loop3A_1210 = arith.subi %parallel_loop3A_1206, %parallel_loop3A_1209 : i32
      %parallel_loop3A_1211 = arith.cmpi ne, %parallel_loop3A_1203, %parallel_loop3A_1210 : i32
      %parallel_loop3A_1212 = arith.remsi %parallel_loop3A_1194, %parallel_loop3A_1195 : i32
      %parallel_loop3A_1213 = arith.constant 0 : i32
      %parallel_loop3A_1214 = arith.cmpi ne, %parallel_loop3A_1212, %parallel_loop3A_1213 : i32
      %parallel_loop3A_1215 = arith.andi %parallel_loop3A_1211, %parallel_loop3A_1214 : i1
      %parallel_loop3A_1216 = arith.constant 1 : i32
      %parallel_loop3A_1217 = arith.subi %parallel_loop3A_1196, %parallel_loop3A_1216 : i32
      %parallel_loop3A_1218 = arith.select %parallel_loop3A_1215, %parallel_loop3A_1217, %parallel_loop3A_1196 : i32
      %parallel_loop3A_1219 = arith.constant 64 : i32
      %parallel_loop3A_1220 = arith.constant 0 : i32
      %parallel_loop3A_1221 = arith.cmpi eq, %parallel_loop3A_1219, %parallel_loop3A_1220 : i32
      %parallel_loop3A_1222 = arith.constant 1 : i32
      %parallel_loop3A_1223 = arith.select %parallel_loop3A_1221, %parallel_loop3A_1222, %parallel_loop3A_1219 : i32
      %parallel_loop3A_1224 = arith.remsi %parallel_loop3A_1194, %parallel_loop3A_1223 : i32
      %parallel_loop3A_1225 = arith.constant 0 : i32
      %parallel_loop3A_1226 = arith.cmpi ne, %parallel_loop3A_1224, %parallel_loop3A_1225 : i32
      %parallel_loop3A_1227 = arith.constant 0 : i32
      %parallel_loop3A_1228 = arith.cmpi slt, %parallel_loop3A_1224, %parallel_loop3A_1227 : i32
      %parallel_loop3A_1229 = arith.constant 0 : i32
      %parallel_loop3A_1230 = arith.cmpi slt, %parallel_loop3A_1223, %parallel_loop3A_1229 : i32
      %parallel_loop3A_1231 = arith.xori %parallel_loop3A_1228, %parallel_loop3A_1230 : i1
      %parallel_loop3A_1232 = arith.andi %parallel_loop3A_1231, %parallel_loop3A_1226 : i1
      %parallel_loop3A_1233 = arith.addi %parallel_loop3A_1224, %parallel_loop3A_1223 : i32
      %parallel_loop3A_1234 = arith.select %parallel_loop3A_1232, %parallel_loop3A_1233, %parallel_loop3A_1224 : i32
      %parallel_loop3A_1235 = arith.constant 16 : i32
      %parallel_loop3A_1236 = arith.muli %parallel_loop3A_1234, %parallel_loop3A_1235 : i32
      %parallel_loop3A_1237 = arith.index_cast %parallel_loop3A_1218 : i32 to index
      %parallel_loop3A_1238 = arith.index_cast %parallel_loop3A_1236 : i32 to index
      %parallel_loop3A_1239 = tpu.vector_load %arg12[%parallel_loop3A_1237, %parallel_loop3A_1238] {strides = array<i32>} : memref<16x1024xf32, #tpu.memory_space<vmem>>, vector<1x16xf32>,
      %parallel_loop3A_1240 = vector.shape_cast %parallel_loop3A_1239 : vector<1x16xf32> to vector<16xf32>
      %parallel_loop3A_1241 = arith.index_cast %parallel_loop3A_1218 : i32 to index
      %parallel_loop3A_1242 = arith.index_cast %parallel_loop3A_1236 : i32 to index
      %parallel_loop3A_1243 = tpu.vector_load %arg9[%parallel_loop3A_1241, %parallel_loop3A_1242] {strides = array<i32>} : memref<16x1024xf32, #tpu.memory_space<vmem>>, vector<1x16xf32>,
      %parallel_loop3A_1244 = vector.shape_cast %parallel_loop3A_1243 : vector<1x16xf32> to vector<16xf32>
      %parallel_loop3A_1245 = vector.shape_cast %parallel_loop3A_1240 : vector<16xf32> to vector<1x16xf32>
      tpu.vector_store %arg9[%parallel_loop3A_1241, %parallel_loop3A_1242], %parallel_loop3A_1245 {add = true, strides = array<i32>} : memref<16x1024xf32, #tpu.memory_space<vmem>>, vector<1x16xf32>,
    } {sc.loop_unroll_factor = 8 : i64, sc.parallel_access}
    %add3A_1025 = arith.constant 416 : i32
    %add3A_1026 = arith.addi %mul3A_2, %add3A_1025 : i32
    %dma_start3A_1027 = arith.constant 0 : i32
    %dma_start3A_1028 = tpu.memref_slice %arg5[%add3A_1026, %dma_start3A_1027] : memref<16384x1024xf32, #tpu.memory_space<hbm>> -> memref<16x1024xf32, #tpu.memory_space<hbm>>
    %dma_start3A_1029 = arith.constant 0 : i32
    %dma_start3A_1030 = tpu.memref_slice %arg5[%add3A_1026, %dma_start3A_1029] : memref<16384x1024xf32, #tpu.memory_space<hbm>> -> memref<16x1024xf32, #tpu.memory_space<hbm>>
    tpu.enqueue_dma source(%arg9 : memref<16x1024xf32, #tpu.memory_space<vmem>>) target(%dma_start3A_1030 : memref<16x1024xf32, #tpu.memory_space<hbm>>) target_semaphore(%arg21 : memref<!tpu.dma_semaphore, #tpu.memory_space<semaphore_mem>>)
    %dma_wait3A_1031 = arith.constant 0 : i32
    %dma_wait3A_1032 = tpu.memref_slice %arg5[%add3A_1026, %dma_wait3A_1031] : memref<16384x1024xf32, #tpu.memory_space<hbm>> -> memref<16x1024xf32, #tpu.memory_space<hbm>>
    %dma_wait3A_1033 = arith.constant 0 : i32
    %dma_wait3A_1034 = tpu.memref_slice %arg5[%add3A_1026, %dma_wait3A_1033] : memref<16384x1024xf32, #tpu.memory_space<hbm>> -> memref<16x1024xf32, #tpu.memory_space<hbm>>
    tpu.wait_dma2 semaphore(%arg21 : memref<!tpu.dma_semaphore, #tpu.memory_space<semaphore_mem>>) src(%arg9 : memref<16x1024xf32, #tpu.memory_space<vmem>>) dst(%dma_wait3A_1034 : memref<16x1024xf32, #tpu.memory_space<hbm>>)
    %add3A_1035 = arith.constant 464 : i32
    %add3A_1036 = arith.addi %mul3A_2, %add3A_1035 : i32
    %dma_start3A_1037 = arith.constant 0 : i32
    %dma_start3A_1038 = tpu.memref_slice %arg2[%add3A_1036, %dma_start3A_1037] : memref<16384x1024xf32, #tpu.memory_space<hbm>> -> memref<16x1024xf32, #tpu.memory_space<hbm>>
    %dma_start3A_1039 = arith.constant 0 : i32
    %dma_start3A_1040 = tpu.memref_slice %arg2[%add3A_1036, %dma_start3A_1039] : memref<16384x1024xf32, #tpu.memory_space<hbm>> -> memref<16x1024xf32, #tpu.memory_space<hbm>>
    tpu.enqueue_dma source(%dma_start3A_1040 : memref<16x1024xf32, #tpu.memory_space<hbm>>) target(%arg9 : memref<16x1024xf32, #tpu.memory_space<vmem>>) target_semaphore(%arg15 : memref<!tpu.dma_semaphore, #tpu.memory_space<semaphore_mem>>)
    %dma_start3A_1041 = arith.constant 29 : i32
    %dma_start3A_1042 = arith.constant 0 : i32
    %dma_start3A_1043 = tpu.memref_slice %arg6[%dma_start3A_1041, %dma_start3A_1042] : memref<32x16xi32, #tpu.memory_space<vmem>> -> memref<1x16xi32, #tpu.memory_space<vmem>>
    %dma_start3A_1044 = tpu.memref_squeeze %dma_start3A_1043 : memref<1x16xi32, #tpu.memory_space<vmem>> -> memref<16xi32, #tpu.memory_space<vmem>>
    %dma_start3A_1045 = arith.constant 0 : i32
    %dma_start3A_1046 = arith.constant 0 : i32
    %dma_start3A_1047 = tpu.memref_slice %arg4[%dma_start3A_1045, %dma_start3A_1046] : memref<8192x1024xf32, #tpu.memory_space<hbm>> -> memref<8192x1024xf32, #tpu.memory_space<hbm>>
    tpu.enqueue_indirect_dma source(%dma_start3A_1047 : memref<8192x1024xf32, #tpu.memory_space<hbm>>) target(%arg12 : memref<16x1024xf32, #tpu.memory_space<vmem>>) offsets(%dma_start3A_1044 : memref<16xi32, #tpu.memory_space<vmem>>) semaphore(%arg18 : memref<!tpu.dma_semaphore, #tpu.memory_space<semaphore_mem>>)
    %dma_wait3A_1048 = arith.constant 0 : i32
    %dma_wait3A_1049 = tpu.memref_slice %arg2[%add3A_962, %dma_wait3A_1048] : memref<16384x1024xf32, #tpu.memory_space<hbm>> -> memref<16x1024xf32, #tpu.memory_space<hbm>>
    %dma_wait3A_1050 = arith.constant 0 : i32
    %dma_wait3A_1051 = tpu.memref_slice %arg2[%add3A_962, %dma_wait3A_1050] : memref<16384x1024xf32, #tpu.memory_space<hbm>> -> memref<16x1024xf32, #tpu.memory_space<hbm>>
    tpu.wait_dma2 semaphore(%arg13 : memref<!tpu.dma_semaphore, #tpu.memory_space<semaphore_mem>>) src(%dma_wait3A_1051 : memref<16x1024xf32, #tpu.memory_space<hbm>>) dst(%arg7 : memref<16x1024xf32, #tpu.memory_space<vmem>>)
    %dma_wait3A_1052 = arith.constant 27 : i32
    %dma_wait3A_1053 = arith.constant 0 : i32
    %dma_wait3A_1054 = tpu.memref_slice %arg6[%dma_wait3A_1052, %dma_wait3A_1053] : memref<32x16xi32, #tpu.memory_space<vmem>> -> memref<1x16xi32, #tpu.memory_space<vmem>>
    %dma_wait3A_1055 = tpu.memref_squeeze %dma_wait3A_1054 : memref<1x16xi32, #tpu.memory_space<vmem>> -> memref<16xi32, #tpu.memory_space<vmem>>
    %dma_wait3A_1056 = arith.constant 0 : i32
    %dma_wait3A_1057 = arith.constant 0 : i32
    %dma_wait3A_1058 = tpu.memref_slice %arg4[%dma_wait3A_1056, %dma_wait3A_1057] : memref<8192x1024xf32, #tpu.memory_space<hbm>> -> memref<8192x1024xf32, #tpu.memory_space<hbm>>
    tpu.wait_indirect_dma semaphore(%arg16 : memref<!tpu.dma_semaphore, #tpu.memory_space<semaphore_mem>>) src(%dma_wait3A_1058 : memref<8192x1024xf32, #tpu.memory_space<hbm>>) dst(%arg10 : memref<16x1024xf32, #tpu.memory_space<vmem>>)
    %parallel_loop3A_1059 = arith.constant 0 : i32
    %parallel_loop3A_1060 = arith.constant 1024 : i32
    %parallel_loop3A_1061 = arith.constant 1 : i32
    scf.for %parallel_loop3A_1194 = %parallel_loop3A_1059 to %parallel_loop3A_1060 step %parallel_loop3A_1061  : i32 {
      %parallel_loop3A_1195 = arith.constant 64 : i32
      %parallel_loop3A_1196 = arith.divsi %parallel_loop3A_1194, %parallel_loop3A_1195 : i32
      %parallel_loop3A_1197 = arith.constant 0 : i32
      %parallel_loop3A_1198 = arith.cmpi sgt, %parallel_loop3A_1194, %parallel_loop3A_1197 : i32
      %parallel_loop3A_1199 = arith.extui %parallel_loop3A_1198 : i1 to i32
      %parallel_loop3A_1200 = arith.constant 0 : i32
      %parallel_loop3A_1201 = arith.cmpi slt, %parallel_loop3A_1194, %parallel_loop3A_1200 : i32
      %parallel_loop3A_1202 = arith.extui %parallel_loop3A_1201 : i1 to i32
      %parallel_loop3A_1203 = arith.subi %parallel_loop3A_1199, %parallel_loop3A_1202 : i32
      %parallel_loop3A_1204 = arith.constant 0 : i32
      %parallel_loop3A_1205 = arith.cmpi sgt, %parallel_loop3A_1195, %parallel_loop3A_1204 : i32
      %parallel_loop3A_1206 = arith.extui %parallel_loop3A_1205 : i1 to i32
      %parallel_loop3A_1207 = arith.constant 0 : i32
      %parallel_loop3A_1208 = arith.cmpi slt, %parallel_loop3A_1195, %parallel_loop3A_1207 : i32
      %parallel_loop3A_1209 = arith.extui %parallel_loop3A_1208 : i1 to i32
      %parallel_loop3A_1210 = arith.subi %parallel_loop3A_1206, %parallel_loop3A_1209 : i32
      %parallel_loop3A_1211 = arith.cmpi ne, %parallel_loop3A_1203, %parallel_loop3A_1210 : i32
      %parallel_loop3A_1212 = arith.remsi %parallel_loop3A_1194, %parallel_loop3A_1195 : i32
      %parallel_loop3A_1213 = arith.constant 0 : i32
      %parallel_loop3A_1214 = arith.cmpi ne, %parallel_loop3A_1212, %parallel_loop3A_1213 : i32
      %parallel_loop3A_1215 = arith.andi %parallel_loop3A_1211, %parallel_loop3A_1214 : i1
      %parallel_loop3A_1216 = arith.constant 1 : i32
      %parallel_loop3A_1217 = arith.subi %parallel_loop3A_1196, %parallel_loop3A_1216 : i32
      %parallel_loop3A_1218 = arith.select %parallel_loop3A_1215, %parallel_loop3A_1217, %parallel_loop3A_1196 : i32
      %parallel_loop3A_1219 = arith.constant 64 : i32
      %parallel_loop3A_1220 = arith.constant 0 : i32
      %parallel_loop3A_1221 = arith.cmpi eq, %parallel_loop3A_1219, %parallel_loop3A_1220 : i32
      %parallel_loop3A_1222 = arith.constant 1 : i32
      %parallel_loop3A_1223 = arith.select %parallel_loop3A_1221, %parallel_loop3A_1222, %parallel_loop3A_1219 : i32
      %parallel_loop3A_1224 = arith.remsi %parallel_loop3A_1194, %parallel_loop3A_1223 : i32
      %parallel_loop3A_1225 = arith.constant 0 : i32
      %parallel_loop3A_1226 = arith.cmpi ne, %parallel_loop3A_1224, %parallel_loop3A_1225 : i32
      %parallel_loop3A_1227 = arith.constant 0 : i32
      %parallel_loop3A_1228 = arith.cmpi slt, %parallel_loop3A_1224, %parallel_loop3A_1227 : i32
      %parallel_loop3A_1229 = arith.constant 0 : i32
      %parallel_loop3A_1230 = arith.cmpi slt, %parallel_loop3A_1223, %parallel_loop3A_1229 : i32
      %parallel_loop3A_1231 = arith.xori %parallel_loop3A_1228, %parallel_loop3A_1230 : i1
      %parallel_loop3A_1232 = arith.andi %parallel_loop3A_1231, %parallel_loop3A_1226 : i1
      %parallel_loop3A_1233 = arith.addi %parallel_loop3A_1224, %parallel_loop3A_1223 : i32
      %parallel_loop3A_1234 = arith.select %parallel_loop3A_1232, %parallel_loop3A_1233, %parallel_loop3A_1224 : i32
      %parallel_loop3A_1235 = arith.constant 16 : i32
      %parallel_loop3A_1236 = arith.muli %parallel_loop3A_1234, %parallel_loop3A_1235 : i32
      %parallel_loop3A_1237 = arith.index_cast %parallel_loop3A_1218 : i32 to index
      %parallel_loop3A_1238 = arith.index_cast %parallel_loop3A_1236 : i32 to index
      %parallel_loop3A_1239 = tpu.vector_load %arg10[%parallel_loop3A_1237, %parallel_loop3A_1238] {strides = array<i32>} : memref<16x1024xf32, #tpu.memory_space<vmem>>, vector<1x16xf32>,
      %parallel_loop3A_1240 = vector.shape_cast %parallel_loop3A_1239 : vector<1x16xf32> to vector<16xf32>
      %parallel_loop3A_1241 = arith.index_cast %parallel_loop3A_1218 : i32 to index
      %parallel_loop3A_1242 = arith.index_cast %parallel_loop3A_1236 : i32 to index
      %parallel_loop3A_1243 = tpu.vector_load %arg7[%parallel_loop3A_1241, %parallel_loop3A_1242] {strides = array<i32>} : memref<16x1024xf32, #tpu.memory_space<vmem>>, vector<1x16xf32>,
      %parallel_loop3A_1244 = vector.shape_cast %parallel_loop3A_1243 : vector<1x16xf32> to vector<16xf32>
      %parallel_loop3A_1245 = vector.shape_cast %parallel_loop3A_1240 : vector<16xf32> to vector<1x16xf32>
      tpu.vector_store %arg7[%parallel_loop3A_1241, %parallel_loop3A_1242], %parallel_loop3A_1245 {add = true, strides = array<i32>} : memref<16x1024xf32, #tpu.memory_space<vmem>>, vector<1x16xf32>,
    } {sc.loop_unroll_factor = 8 : i64, sc.parallel_access}
    %add3A_1062 = arith.constant 432 : i32
    %add3A_1063 = arith.addi %mul3A_2, %add3A_1062 : i32
    %dma_start3A_1064 = arith.constant 0 : i32
    %dma_start3A_1065 = tpu.memref_slice %arg5[%add3A_1063, %dma_start3A_1064] : memref<16384x1024xf32, #tpu.memory_space<hbm>> -> memref<16x1024xf32, #tpu.memory_space<hbm>>
    %dma_start3A_1066 = arith.constant 0 : i32
    %dma_start3A_1067 = tpu.memref_slice %arg5[%add3A_1063, %dma_start3A_1066] : memref<16384x1024xf32, #tpu.memory_space<hbm>> -> memref<16x1024xf32, #tpu.memory_space<hbm>>
    tpu.enqueue_dma source(%arg7 : memref<16x1024xf32, #tpu.memory_space<vmem>>) target(%dma_start3A_1067 : memref<16x1024xf32, #tpu.memory_space<hbm>>) target_semaphore(%arg19 : memref<!tpu.dma_semaphore, #tpu.memory_space<semaphore_mem>>)
    %dma_wait3A_1068 = arith.constant 0 : i32
    %dma_wait3A_1069 = tpu.memref_slice %arg5[%add3A_1063, %dma_wait3A_1068] : memref<16384x1024xf32, #tpu.memory_space<hbm>> -> memref<16x1024xf32, #tpu.memory_space<hbm>>
    %dma_wait3A_1070 = arith.constant 0 : i32
    %dma_wait3A_1071 = tpu.memref_slice %arg5[%add3A_1063, %dma_wait3A_1070] : memref<16384x1024xf32, #tpu.memory_space<hbm>> -> memref<16x1024xf32, #tpu.memory_space<hbm>>
    tpu.wait_dma2 semaphore(%arg19 : memref<!tpu.dma_semaphore, #tpu.memory_space<semaphore_mem>>) src(%arg7 : memref<16x1024xf32, #tpu.memory_space<vmem>>) dst(%dma_wait3A_1071 : memref<16x1024xf32, #tpu.memory_space<hbm>>)
    %add3A_1072 = arith.constant 480 : i32
    %add3A_1073 = arith.addi %mul3A_2, %add3A_1072 : i32
    %dma_start3A_1074 = arith.constant 0 : i32
    %dma_start3A_1075 = tpu.memref_slice %arg2[%add3A_1073, %dma_start3A_1074] : memref<16384x1024xf32, #tpu.memory_space<hbm>> -> memref<16x1024xf32, #tpu.memory_space<hbm>>
    %dma_start3A_1076 = arith.constant 0 : i32
    %dma_start3A_1077 = tpu.memref_slice %arg2[%add3A_1073, %dma_start3A_1076] : memref<16384x1024xf32, #tpu.memory_space<hbm>> -> memref<16x1024xf32, #tpu.memory_space<hbm>>
    tpu.enqueue_dma source(%dma_start3A_1077 : memref<16x1024xf32, #tpu.memory_space<hbm>>) target(%arg7 : memref<16x1024xf32, #tpu.memory_space<vmem>>) target_semaphore(%arg13 : memref<!tpu.dma_semaphore, #tpu.memory_space<semaphore_mem>>)
    %dma_start3A_1078 = arith.constant 30 : i32
    %dma_start3A_1079 = arith.constant 0 : i32
    %dma_start3A_1080 = tpu.memref_slice %arg6[%dma_start3A_1078, %dma_start3A_1079] : memref<32x16xi32, #tpu.memory_space<vmem>> -> memref<1x16xi32, #tpu.memory_space<vmem>>
    %dma_start3A_1081 = tpu.memref_squeeze %dma_start3A_1080 : memref<1x16xi32, #tpu.memory_space<vmem>> -> memref<16xi32, #tpu.memory_space<vmem>>
    %dma_start3A_1082 = arith.constant 0 : i32
    %dma_start3A_1083 = arith.constant 0 : i32
    %dma_start3A_1084 = tpu.memref_slice %arg4[%dma_start3A_1082, %dma_start3A_1083] : memref<8192x1024xf32, #tpu.memory_space<hbm>> -> memref<8192x1024xf32, #tpu.memory_space<hbm>>
    tpu.enqueue_indirect_dma source(%dma_start3A_1084 : memref<8192x1024xf32, #tpu.memory_space<hbm>>) target(%arg10 : memref<16x1024xf32, #tpu.memory_space<vmem>>) offsets(%dma_start3A_1081 : memref<16xi32, #tpu.memory_space<vmem>>) semaphore(%arg16 : memref<!tpu.dma_semaphore, #tpu.memory_space<semaphore_mem>>)
    %dma_wait3A_1085 = arith.constant 0 : i32
    %dma_wait3A_1086 = tpu.memref_slice %arg2[%add3A_999, %dma_wait3A_1085] : memref<16384x1024xf32, #tpu.memory_space<hbm>> -> memref<16x1024xf32, #tpu.memory_space<hbm>>
    %dma_wait3A_1087 = arith.constant 0 : i32
    %dma_wait3A_1088 = tpu.memref_slice %arg2[%add3A_999, %dma_wait3A_1087] : memref<16384x1024xf32, #tpu.memory_space<hbm>> -> memref<16x1024xf32, #tpu.memory_space<hbm>>
    tpu.wait_dma2 semaphore(%arg14 : memref<!tpu.dma_semaphore, #tpu.memory_space<semaphore_mem>>) src(%dma_wait3A_1088 : memref<16x1024xf32, #tpu.memory_space<hbm>>) dst(%arg8 : memref<16x1024xf32, #tpu.memory_space<vmem>>)
    %dma_wait3A_1089 = arith.constant 28 : i32
    %dma_wait3A_1090 = arith.constant 0 : i32
    %dma_wait3A_1091 = tpu.memref_slice %arg6[%dma_wait3A_1089, %dma_wait3A_1090] : memref<32x16xi32, #tpu.memory_space<vmem>> -> memref<1x16xi32, #tpu.memory_space<vmem>>
    %dma_wait3A_1092 = tpu.memref_squeeze %dma_wait3A_1091 : memref<1x16xi32, #tpu.memory_space<vmem>> -> memref<16xi32, #tpu.memory_space<vmem>>
    %dma_wait3A_1093 = arith.constant 0 : i32
    %dma_wait3A_1094 = arith.constant 0 : i32
    %dma_wait3A_1095 = tpu.memref_slice %arg4[%dma_wait3A_1093, %dma_wait3A_1094] : memref<8192x1024xf32, #tpu.memory_space<hbm>> -> memref<8192x1024xf32, #tpu.memory_space<hbm>>
    tpu.wait_indirect_dma semaphore(%arg17 : memref<!tpu.dma_semaphore, #tpu.memory_space<semaphore_mem>>) src(%dma_wait3A_1095 : memref<8192x1024xf32, #tpu.memory_space<hbm>>) dst(%arg11 : memref<16x1024xf32, #tpu.memory_space<vmem>>)
    %parallel_loop3A_1096 = arith.constant 0 : i32
    %parallel_loop3A_1097 = arith.constant 1024 : i32
    %parallel_loop3A_1098 = arith.constant 1 : i32
    scf.for %parallel_loop3A_1194 = %parallel_loop3A_1096 to %parallel_loop3A_1097 step %parallel_loop3A_1098  : i32 {
      %parallel_loop3A_1195 = arith.constant 64 : i32
      %parallel_loop3A_1196 = arith.divsi %parallel_loop3A_1194, %parallel_loop3A_1195 : i32
      %parallel_loop3A_1197 = arith.constant 0 : i32
      %parallel_loop3A_1198 = arith.cmpi sgt, %parallel_loop3A_1194, %parallel_loop3A_1197 : i32
      %parallel_loop3A_1199 = arith.extui %parallel_loop3A_1198 : i1 to i32
      %parallel_loop3A_1200 = arith.constant 0 : i32
      %parallel_loop3A_1201 = arith.cmpi slt, %parallel_loop3A_1194, %parallel_loop3A_1200 : i32
      %parallel_loop3A_1202 = arith.extui %parallel_loop3A_1201 : i1 to i32
      %parallel_loop3A_1203 = arith.subi %parallel_loop3A_1199, %parallel_loop3A_1202 : i32
      %parallel_loop3A_1204 = arith.constant 0 : i32
      %parallel_loop3A_1205 = arith.cmpi sgt, %parallel_loop3A_1195, %parallel_loop3A_1204 : i32
      %parallel_loop3A_1206 = arith.extui %parallel_loop3A_1205 : i1 to i32
      %parallel_loop3A_1207 = arith.constant 0 : i32
      %parallel_loop3A_1208 = arith.cmpi slt, %parallel_loop3A_1195, %parallel_loop3A_1207 : i32
      %parallel_loop3A_1209 = arith.extui %parallel_loop3A_1208 : i1 to i32
      %parallel_loop3A_1210 = arith.subi %parallel_loop3A_1206, %parallel_loop3A_1209 : i32
      %parallel_loop3A_1211 = arith.cmpi ne, %parallel_loop3A_1203, %parallel_loop3A_1210 : i32
      %parallel_loop3A_1212 = arith.remsi %parallel_loop3A_1194, %parallel_loop3A_1195 : i32
      %parallel_loop3A_1213 = arith.constant 0 : i32
      %parallel_loop3A_1214 = arith.cmpi ne, %parallel_loop3A_1212, %parallel_loop3A_1213 : i32
      %parallel_loop3A_1215 = arith.andi %parallel_loop3A_1211, %parallel_loop3A_1214 : i1
      %parallel_loop3A_1216 = arith.constant 1 : i32
      %parallel_loop3A_1217 = arith.subi %parallel_loop3A_1196, %parallel_loop3A_1216 : i32
      %parallel_loop3A_1218 = arith.select %parallel_loop3A_1215, %parallel_loop3A_1217, %parallel_loop3A_1196 : i32
      %parallel_loop3A_1219 = arith.constant 64 : i32
      %parallel_loop3A_1220 = arith.constant 0 : i32
      %parallel_loop3A_1221 = arith.cmpi eq, %parallel_loop3A_1219, %parallel_loop3A_1220 : i32
      %parallel_loop3A_1222 = arith.constant 1 : i32
      %parallel_loop3A_1223 = arith.select %parallel_loop3A_1221, %parallel_loop3A_1222, %parallel_loop3A_1219 : i32
      %parallel_loop3A_1224 = arith.remsi %parallel_loop3A_1194, %parallel_loop3A_1223 : i32
      %parallel_loop3A_1225 = arith.constant 0 : i32
      %parallel_loop3A_1226 = arith.cmpi ne, %parallel_loop3A_1224, %parallel_loop3A_1225 : i32
      %parallel_loop3A_1227 = arith.constant 0 : i32
      %parallel_loop3A_1228 = arith.cmpi slt, %parallel_loop3A_1224, %parallel_loop3A_1227 : i32
      %parallel_loop3A_1229 = arith.constant 0 : i32
      %parallel_loop3A_1230 = arith.cmpi slt, %parallel_loop3A_1223, %parallel_loop3A_1229 : i32
      %parallel_loop3A_1231 = arith.xori %parallel_loop3A_1228, %parallel_loop3A_1230 : i1
      %parallel_loop3A_1232 = arith.andi %parallel_loop3A_1231, %parallel_loop3A_1226 : i1
      %parallel_loop3A_1233 = arith.addi %parallel_loop3A_1224, %parallel_loop3A_1223 : i32
      %parallel_loop3A_1234 = arith.select %parallel_loop3A_1232, %parallel_loop3A_1233, %parallel_loop3A_1224 : i32
      %parallel_loop3A_1235 = arith.constant 16 : i32
      %parallel_loop3A_1236 = arith.muli %parallel_loop3A_1234, %parallel_loop3A_1235 : i32
      %parallel_loop3A_1237 = arith.index_cast %parallel_loop3A_1218 : i32 to index
      %parallel_loop3A_1238 = arith.index_cast %parallel_loop3A_1236 : i32 to index
      %parallel_loop3A_1239 = tpu.vector_load %arg11[%parallel_loop3A_1237, %parallel_loop3A_1238] {strides = array<i32>} : memref<16x1024xf32, #tpu.memory_space<vmem>>, vector<1x16xf32>,
      %parallel_loop3A_1240 = vector.shape_cast %parallel_loop3A_1239 : vector<1x16xf32> to vector<16xf32>
      %parallel_loop3A_1241 = arith.index_cast %parallel_loop3A_1218 : i32 to index
      %parallel_loop3A_1242 = arith.index_cast %parallel_loop3A_1236 : i32 to index
      %parallel_loop3A_1243 = tpu.vector_load %arg8[%parallel_loop3A_1241, %parallel_loop3A_1242] {strides = array<i32>} : memref<16x1024xf32, #tpu.memory_space<vmem>>, vector<1x16xf32>,
      %parallel_loop3A_1244 = vector.shape_cast %parallel_loop3A_1243 : vector<1x16xf32> to vector<16xf32>
      %parallel_loop3A_1245 = vector.shape_cast %parallel_loop3A_1240 : vector<16xf32> to vector<1x16xf32>
      tpu.vector_store %arg8[%parallel_loop3A_1241, %parallel_loop3A_1242], %parallel_loop3A_1245 {add = true, strides = array<i32>} : memref<16x1024xf32, #tpu.memory_space<vmem>>, vector<1x16xf32>,
    } {sc.loop_unroll_factor = 8 : i64, sc.parallel_access}
    %add3A_1099 = arith.constant 448 : i32
    %add3A_1100 = arith.addi %mul3A_2, %add3A_1099 : i32
    %dma_start3A_1101 = arith.constant 0 : i32
    %dma_start3A_1102 = tpu.memref_slice %arg5[%add3A_1100, %dma_start3A_1101] : memref<16384x1024xf32, #tpu.memory_space<hbm>> -> memref<16x1024xf32, #tpu.memory_space<hbm>>
    %dma_start3A_1103 = arith.constant 0 : i32
    %dma_start3A_1104 = tpu.memref_slice %arg5[%add3A_1100, %dma_start3A_1103] : memref<16384x1024xf32, #tpu.memory_space<hbm>> -> memref<16x1024xf32, #tpu.memory_space<hbm>>
    tpu.enqueue_dma source(%arg8 : memref<16x1024xf32, #tpu.memory_space<vmem>>) target(%dma_start3A_1104 : memref<16x1024xf32, #tpu.memory_space<hbm>>) target_semaphore(%arg20 : memref<!tpu.dma_semaphore, #tpu.memory_space<semaphore_mem>>)
    %dma_wait3A_1105 = arith.constant 0 : i32
    %dma_wait3A_1106 = tpu.memref_slice %arg5[%add3A_1100, %dma_wait3A_1105] : memref<16384x1024xf32, #tpu.memory_space<hbm>> -> memref<16x1024xf32, #tpu.memory_space<hbm>>
    %dma_wait3A_1107 = arith.constant 0 : i32
    %dma_wait3A_1108 = tpu.memref_slice %arg5[%add3A_1100, %dma_wait3A_1107] : memref<16384x1024xf32, #tpu.memory_space<hbm>> -> memref<16x1024xf32, #tpu.memory_space<hbm>>
    tpu.wait_dma2 semaphore(%arg20 : memref<!tpu.dma_semaphore, #tpu.memory_space<semaphore_mem>>) src(%arg8 : memref<16x1024xf32, #tpu.memory_space<vmem>>) dst(%dma_wait3A_1108 : memref<16x1024xf32, #tpu.memory_space<hbm>>)
    %add3A_1109 = arith.constant 496 : i32
    %add3A_1110 = arith.addi %mul3A_2, %add3A_1109 : i32
    %dma_start3A_1111 = arith.constant 0 : i32
    %dma_start3A_1112 = tpu.memref_slice %arg2[%add3A_1110, %dma_start3A_1111] : memref<16384x1024xf32, #tpu.memory_space<hbm>> -> memref<16x1024xf32, #tpu.memory_space<hbm>>
    %dma_start3A_1113 = arith.constant 0 : i32
    %dma_start3A_1114 = tpu.memref_slice %arg2[%add3A_1110, %dma_start3A_1113] : memref<16384x1024xf32, #tpu.memory_space<hbm>> -> memref<16x1024xf32, #tpu.memory_space<hbm>>
    tpu.enqueue_dma source(%dma_start3A_1114 : memref<16x1024xf32, #tpu.memory_space<hbm>>) target(%arg8 : memref<16x1024xf32, #tpu.memory_space<vmem>>) target_semaphore(%arg14 : memref<!tpu.dma_semaphore, #tpu.memory_space<semaphore_mem>>)
    %dma_start3A_1115 = arith.constant 31 : i32
    %dma_start3A_1116 = arith.constant 0 : i32
    %dma_start3A_1117 = tpu.memref_slice %arg6[%dma_start3A_1115, %dma_start3A_1116] : memref<32x16xi32, #tpu.memory_space<vmem>> -> memref<1x16xi32, #tpu.memory_space<vmem>>
    %dma_start3A_1118 = tpu.memref_squeeze %dma_start3A_1117 : memref<1x16xi32, #tpu.memory_space<vmem>> -> memref<16xi32, #tpu.memory_space<vmem>>
    %dma_start3A_1119 = arith.constant 0 : i32
    %dma_start3A_1120 = arith.constant 0 : i32
    %dma_start3A_1121 = tpu.memref_slice %arg4[%dma_start3A_1119, %dma_start3A_1120] : memref<8192x1024xf32, #tpu.memory_space<hbm>> -> memref<8192x1024xf32, #tpu.memory_space<hbm>>
    tpu.enqueue_indirect_dma source(%dma_start3A_1121 : memref<8192x1024xf32, #tpu.memory_space<hbm>>) target(%arg11 : memref<16x1024xf32, #tpu.memory_space<vmem>>) offsets(%dma_start3A_1118 : memref<16xi32, #tpu.memory_space<vmem>>) semaphore(%arg17 : memref<!tpu.dma_semaphore, #tpu.memory_space<semaphore_mem>>)
    %dma_wait3A_1122 = arith.constant 0 : i32
    %dma_wait3A_1123 = tpu.memref_slice %arg2[%add3A_1036, %dma_wait3A_1122] : memref<16384x1024xf32, #tpu.memory_space<hbm>> -> memref<16x1024xf32, #tpu.memory_space<hbm>>
    %dma_wait3A_1124 = arith.constant 0 : i32
    %dma_wait3A_1125 = tpu.memref_slice %arg2[%add3A_1036, %dma_wait3A_1124] : memref<16384x1024xf32, #tpu.memory_space<hbm>> -> memref<16x1024xf32, #tpu.memory_space<hbm>>
    tpu.wait_dma2 semaphore(%arg15 : memref<!tpu.dma_semaphore, #tpu.memory_space<semaphore_mem>>) src(%dma_wait3A_1125 : memref<16x1024xf32, #tpu.memory_space<hbm>>) dst(%arg9 : memref<16x1024xf32, #tpu.memory_space<vmem>>)
    %dma_wait3A_1126 = arith.constant 29 : i32
    %dma_wait3A_1127 = arith.constant 0 : i32
    %dma_wait3A_1128 = tpu.memref_slice %arg6[%dma_wait3A_1126, %dma_wait3A_1127] : memref<32x16xi32, #tpu.memory_space<vmem>> -> memref<1x16xi32, #tpu.memory_space<vmem>>
    %dma_wait3A_1129 = tpu.memref_squeeze %dma_wait3A_1128 : memref<1x16xi32, #tpu.memory_space<vmem>> -> memref<16xi32, #tpu.memory_space<vmem>>
    %dma_wait3A_1130 = arith.constant 0 : i32
    %dma_wait3A_1131 = arith.constant 0 : i32
    %dma_wait3A_1132 = tpu.memref_slice %arg4[%dma_wait3A_1130, %dma_wait3A_1131] : memref<8192x1024xf32, #tpu.memory_space<hbm>> -> memref<8192x1024xf32, #tpu.memory_space<hbm>>
    tpu.wait_indirect_dma semaphore(%arg18 : memref<!tpu.dma_semaphore, #tpu.memory_space<semaphore_mem>>) src(%dma_wait3A_1132 : memref<8192x1024xf32, #tpu.memory_space<hbm>>) dst(%arg12 : memref<16x1024xf32, #tpu.memory_space<vmem>>)
    %parallel_loop3A_1133 = arith.constant 0 : i32
    %parallel_loop3A_1134 = arith.constant 1024 : i32
    %parallel_loop3A_1135 = arith.constant 1 : i32
    scf.for %parallel_loop3A_1194 = %parallel_loop3A_1133 to %parallel_loop3A_1134 step %parallel_loop3A_1135  : i32 {
      %parallel_loop3A_1195 = arith.constant 64 : i32
      %parallel_loop3A_1196 = arith.divsi %parallel_loop3A_1194, %parallel_loop3A_1195 : i32
      %parallel_loop3A_1197 = arith.constant 0 : i32
      %parallel_loop3A_1198 = arith.cmpi sgt, %parallel_loop3A_1194, %parallel_loop3A_1197 : i32
      %parallel_loop3A_1199 = arith.extui %parallel_loop3A_1198 : i1 to i32
      %parallel_loop3A_1200 = arith.constant 0 : i32
      %parallel_loop3A_1201 = arith.cmpi slt, %parallel_loop3A_1194, %parallel_loop3A_1200 : i32
      %parallel_loop3A_1202 = arith.extui %parallel_loop3A_1201 : i1 to i32
      %parallel_loop3A_1203 = arith.subi %parallel_loop3A_1199, %parallel_loop3A_1202 : i32
      %parallel_loop3A_1204 = arith.constant 0 : i32
      %parallel_loop3A_1205 = arith.cmpi sgt, %parallel_loop3A_1195, %parallel_loop3A_1204 : i32
      %parallel_loop3A_1206 = arith.extui %parallel_loop3A_1205 : i1 to i32
      %parallel_loop3A_1207 = arith.constant 0 : i32
      %parallel_loop3A_1208 = arith.cmpi slt, %parallel_loop3A_1195, %parallel_loop3A_1207 : i32
      %parallel_loop3A_1209 = arith.extui %parallel_loop3A_1208 : i1 to i32
      %parallel_loop3A_1210 = arith.subi %parallel_loop3A_1206, %parallel_loop3A_1209 : i32
      %parallel_loop3A_1211 = arith.cmpi ne, %parallel_loop3A_1203, %parallel_loop3A_1210 : i32
      %parallel_loop3A_1212 = arith.remsi %parallel_loop3A_1194, %parallel_loop3A_1195 : i32
      %parallel_loop3A_1213 = arith.constant 0 : i32
      %parallel_loop3A_1214 = arith.cmpi ne, %parallel_loop3A_1212, %parallel_loop3A_1213 : i32
      %parallel_loop3A_1215 = arith.andi %parallel_loop3A_1211, %parallel_loop3A_1214 : i1
      %parallel_loop3A_1216 = arith.constant 1 : i32
      %parallel_loop3A_1217 = arith.subi %parallel_loop3A_1196, %parallel_loop3A_1216 : i32
      %parallel_loop3A_1218 = arith.select %parallel_loop3A_1215, %parallel_loop3A_1217, %parallel_loop3A_1196 : i32
      %parallel_loop3A_1219 = arith.constant 64 : i32
      %parallel_loop3A_1220 = arith.constant 0 : i32
      %parallel_loop3A_1221 = arith.cmpi eq, %parallel_loop3A_1219, %parallel_loop3A_1220 : i32
      %parallel_loop3A_1222 = arith.constant 1 : i32
      %parallel_loop3A_1223 = arith.select %parallel_loop3A_1221, %parallel_loop3A_1222, %parallel_loop3A_1219 : i32
      %parallel_loop3A_1224 = arith.remsi %parallel_loop3A_1194, %parallel_loop3A_1223 : i32
      %parallel_loop3A_1225 = arith.constant 0 : i32
      %parallel_loop3A_1226 = arith.cmpi ne, %parallel_loop3A_1224, %parallel_loop3A_1225 : i32
      %parallel_loop3A_1227 = arith.constant 0 : i32
      %parallel_loop3A_1228 = arith.cmpi slt, %parallel_loop3A_1224, %parallel_loop3A_1227 : i32
      %parallel_loop3A_1229 = arith.constant 0 : i32
      %parallel_loop3A_1230 = arith.cmpi slt, %parallel_loop3A_1223, %parallel_loop3A_1229 : i32
      %parallel_loop3A_1231 = arith.xori %parallel_loop3A_1228, %parallel_loop3A_1230 : i1
      %parallel_loop3A_1232 = arith.andi %parallel_loop3A_1231, %parallel_loop3A_1226 : i1
      %parallel_loop3A_1233 = arith.addi %parallel_loop3A_1224, %parallel_loop3A_1223 : i32
      %parallel_loop3A_1234 = arith.select %parallel_loop3A_1232, %parallel_loop3A_1233, %parallel_loop3A_1224 : i32
      %parallel_loop3A_1235 = arith.constant 16 : i32
      %parallel_loop3A_1236 = arith.muli %parallel_loop3A_1234, %parallel_loop3A_1235 : i32
      %parallel_loop3A_1237 = arith.index_cast %parallel_loop3A_1218 : i32 to index
      %parallel_loop3A_1238 = arith.index_cast %parallel_loop3A_1236 : i32 to index
      %parallel_loop3A_1239 = tpu.vector_load %arg12[%parallel_loop3A_1237, %parallel_loop3A_1238] {strides = array<i32>} : memref<16x1024xf32, #tpu.memory_space<vmem>>, vector<1x16xf32>,
      %parallel_loop3A_1240 = vector.shape_cast %parallel_loop3A_1239 : vector<1x16xf32> to vector<16xf32>
      %parallel_loop3A_1241 = arith.index_cast %parallel_loop3A_1218 : i32 to index
      %parallel_loop3A_1242 = arith.index_cast %parallel_loop3A_1236 : i32 to index
      %parallel_loop3A_1243 = tpu.vector_load %arg9[%parallel_loop3A_1241, %parallel_loop3A_1242] {strides = array<i32>} : memref<16x1024xf32, #tpu.memory_space<vmem>>, vector<1x16xf32>,
      %parallel_loop3A_1244 = vector.shape_cast %parallel_loop3A_1243 : vector<1x16xf32> to vector<16xf32>
      %parallel_loop3A_1245 = vector.shape_cast %parallel_loop3A_1240 : vector<16xf32> to vector<1x16xf32>
      tpu.vector_store %arg9[%parallel_loop3A_1241, %parallel_loop3A_1242], %parallel_loop3A_1245 {add = true, strides = array<i32>} : memref<16x1024xf32, #tpu.memory_space<vmem>>, vector<1x16xf32>,
    } {sc.loop_unroll_factor = 8 : i64, sc.parallel_access}
    %add3A_1136 = arith.constant 464 : i32
    %add3A_1137 = arith.addi %mul3A_2, %add3A_1136 : i32
    %dma_start3A_1138 = arith.constant 0 : i32
    %dma_start3A_1139 = tpu.memref_slice %arg5[%add3A_1137, %dma_start3A_1138] : memref<16384x1024xf32, #tpu.memory_space<hbm>> -> memref<16x1024xf32, #tpu.memory_space<hbm>>
    %dma_start3A_1140 = arith.constant 0 : i32
    %dma_start3A_1141 = tpu.memref_slice %arg5[%add3A_1137, %dma_start3A_1140] : memref<16384x1024xf32, #tpu.memory_space<hbm>> -> memref<16x1024xf32, #tpu.memory_space<hbm>>
    tpu.enqueue_dma source(%arg9 : memref<16x1024xf32, #tpu.memory_space<vmem>>) target(%dma_start3A_1141 : memref<16x1024xf32, #tpu.memory_space<hbm>>) target_semaphore(%arg21 : memref<!tpu.dma_semaphore, #tpu.memory_space<semaphore_mem>>)
    %dma_wait3A_1142 = arith.constant 0 : i32
    %dma_wait3A_1143 = tpu.memref_slice %arg2[%add3A_1073, %dma_wait3A_1142] : memref<16384x1024xf32, #tpu.memory_space<hbm>> -> memref<16x1024xf32, #tpu.memory_space<hbm>>
    %dma_wait3A_1144 = arith.constant 0 : i32
    %dma_wait3A_1145 = tpu.memref_slice %arg2[%add3A_1073, %dma_wait3A_1144] : memref<16384x1024xf32, #tpu.memory_space<hbm>> -> memref<16x1024xf32, #tpu.memory_space<hbm>>
    tpu.wait_dma2 semaphore(%arg13 : memref<!tpu.dma_semaphore, #tpu.memory_space<semaphore_mem>>) src(%dma_wait3A_1145 : memref<16x1024xf32, #tpu.memory_space<hbm>>) dst(%arg7 : memref<16x1024xf32, #tpu.memory_space<vmem>>)
    %dma_wait3A_1146 = arith.constant 30 : i32
    %dma_wait3A_1147 = arith.constant 0 : i32
    %dma_wait3A_1148 = tpu.memref_slice %arg6[%dma_wait3A_1146, %dma_wait3A_1147] : memref<32x16xi32, #tpu.memory_space<vmem>> -> memref<1x16xi32, #tpu.memory_space<vmem>>
    %dma_wait3A_1149 = tpu.memref_squeeze %dma_wait3A_1148 : memref<1x16xi32, #tpu.memory_space<vmem>> -> memref<16xi32, #tpu.memory_space<vmem>>
    %dma_wait3A_1150 = arith.constant 0 : i32
    %dma_wait3A_1151 = arith.constant 0 : i32
    %dma_wait3A_1152 = tpu.memref_slice %arg4[%dma_wait3A_1150, %dma_wait3A_1151] : memref<8192x1024xf32, #tpu.memory_space<hbm>> -> memref<8192x1024xf32, #tpu.memory_space<hbm>>
    tpu.wait_indirect_dma semaphore(%arg16 : memref<!tpu.dma_semaphore, #tpu.memory_space<semaphore_mem>>) src(%dma_wait3A_1152 : memref<8192x1024xf32, #tpu.memory_space<hbm>>) dst(%arg10 : memref<16x1024xf32, #tpu.memory_space<vmem>>)
    %parallel_loop3A_1153 = arith.constant 0 : i32
    %parallel_loop3A_1154 = arith.constant 1024 : i32
    %parallel_loop3A_1155 = arith.constant 1 : i32
    scf.for %parallel_loop3A_1194 = %parallel_loop3A_1153 to %parallel_loop3A_1154 step %parallel_loop3A_1155  : i32 {
      %parallel_loop3A_1195 = arith.constant 64 : i32
      %parallel_loop3A_1196 = arith.divsi %parallel_loop3A_1194, %parallel_loop3A_1195 : i32
      %parallel_loop3A_1197 = arith.constant 0 : i32
      %parallel_loop3A_1198 = arith.cmpi sgt, %parallel_loop3A_1194, %parallel_loop3A_1197 : i32
      %parallel_loop3A_1199 = arith.extui %parallel_loop3A_1198 : i1 to i32
      %parallel_loop3A_1200 = arith.constant 0 : i32
      %parallel_loop3A_1201 = arith.cmpi slt, %parallel_loop3A_1194, %parallel_loop3A_1200 : i32
      %parallel_loop3A_1202 = arith.extui %parallel_loop3A_1201 : i1 to i32
      %parallel_loop3A_1203 = arith.subi %parallel_loop3A_1199, %parallel_loop3A_1202 : i32
      %parallel_loop3A_1204 = arith.constant 0 : i32
      %parallel_loop3A_1205 = arith.cmpi sgt, %parallel_loop3A_1195, %parallel_loop3A_1204 : i32
      %parallel_loop3A_1206 = arith.extui %parallel_loop3A_1205 : i1 to i32
      %parallel_loop3A_1207 = arith.constant 0 : i32
      %parallel_loop3A_1208 = arith.cmpi slt, %parallel_loop3A_1195, %parallel_loop3A_1207 : i32
      %parallel_loop3A_1209 = arith.extui %parallel_loop3A_1208 : i1 to i32
      %parallel_loop3A_1210 = arith.subi %parallel_loop3A_1206, %parallel_loop3A_1209 : i32
      %parallel_loop3A_1211 = arith.cmpi ne, %parallel_loop3A_1203, %parallel_loop3A_1210 : i32
      %parallel_loop3A_1212 = arith.remsi %parallel_loop3A_1194, %parallel_loop3A_1195 : i32
      %parallel_loop3A_1213 = arith.constant 0 : i32
      %parallel_loop3A_1214 = arith.cmpi ne, %parallel_loop3A_1212, %parallel_loop3A_1213 : i32
      %parallel_loop3A_1215 = arith.andi %parallel_loop3A_1211, %parallel_loop3A_1214 : i1
      %parallel_loop3A_1216 = arith.constant 1 : i32
      %parallel_loop3A_1217 = arith.subi %parallel_loop3A_1196, %parallel_loop3A_1216 : i32
      %parallel_loop3A_1218 = arith.select %parallel_loop3A_1215, %parallel_loop3A_1217, %parallel_loop3A_1196 : i32
      %parallel_loop3A_1219 = arith.constant 64 : i32
      %parallel_loop3A_1220 = arith.constant 0 : i32
      %parallel_loop3A_1221 = arith.cmpi eq, %parallel_loop3A_1219, %parallel_loop3A_1220 : i32
      %parallel_loop3A_1222 = arith.constant 1 : i32
      %parallel_loop3A_1223 = arith.select %parallel_loop3A_1221, %parallel_loop3A_1222, %parallel_loop3A_1219 : i32
      %parallel_loop3A_1224 = arith.remsi %parallel_loop3A_1194, %parallel_loop3A_1223 : i32
      %parallel_loop3A_1225 = arith.constant 0 : i32
      %parallel_loop3A_1226 = arith.cmpi ne, %parallel_loop3A_1224, %parallel_loop3A_1225 : i32
      %parallel_loop3A_1227 = arith.constant 0 : i32
      %parallel_loop3A_1228 = arith.cmpi slt, %parallel_loop3A_1224, %parallel_loop3A_1227 : i32
      %parallel_loop3A_1229 = arith.constant 0 : i32
      %parallel_loop3A_1230 = arith.cmpi slt, %parallel_loop3A_1223, %parallel_loop3A_1229 : i32
      %parallel_loop3A_1231 = arith.xori %parallel_loop3A_1228, %parallel_loop3A_1230 : i1
      %parallel_loop3A_1232 = arith.andi %parallel_loop3A_1231, %parallel_loop3A_1226 : i1
      %parallel_loop3A_1233 = arith.addi %parallel_loop3A_1224, %parallel_loop3A_1223 : i32
      %parallel_loop3A_1234 = arith.select %parallel_loop3A_1232, %parallel_loop3A_1233, %parallel_loop3A_1224 : i32
      %parallel_loop3A_1235 = arith.constant 16 : i32
      %parallel_loop3A_1236 = arith.muli %parallel_loop3A_1234, %parallel_loop3A_1235 : i32
      %parallel_loop3A_1237 = arith.index_cast %parallel_loop3A_1218 : i32 to index
      %parallel_loop3A_1238 = arith.index_cast %parallel_loop3A_1236 : i32 to index
      %parallel_loop3A_1239 = tpu.vector_load %arg10[%parallel_loop3A_1237, %parallel_loop3A_1238] {strides = array<i32>} : memref<16x1024xf32, #tpu.memory_space<vmem>>, vector<1x16xf32>,
      %parallel_loop3A_1240 = vector.shape_cast %parallel_loop3A_1239 : vector<1x16xf32> to vector<16xf32>
      %parallel_loop3A_1241 = arith.index_cast %parallel_loop3A_1218 : i32 to index
      %parallel_loop3A_1242 = arith.index_cast %parallel_loop3A_1236 : i32 to index
      %parallel_loop3A_1243 = tpu.vector_load %arg7[%parallel_loop3A_1241, %parallel_loop3A_1242] {strides = array<i32>} : memref<16x1024xf32, #tpu.memory_space<vmem>>, vector<1x16xf32>,
      %parallel_loop3A_1244 = vector.shape_cast %parallel_loop3A_1243 : vector<1x16xf32> to vector<16xf32>
      %parallel_loop3A_1245 = vector.shape_cast %parallel_loop3A_1240 : vector<16xf32> to vector<1x16xf32>
      tpu.vector_store %arg7[%parallel_loop3A_1241, %parallel_loop3A_1242], %parallel_loop3A_1245 {add = true, strides = array<i32>} : memref<16x1024xf32, #tpu.memory_space<vmem>>, vector<1x16xf32>,
    } {sc.loop_unroll_factor = 8 : i64, sc.parallel_access}
    %add3A_1156 = arith.constant 480 : i32
    %add3A_1157 = arith.addi %mul3A_2, %add3A_1156 : i32
    %dma_start3A_1158 = arith.constant 0 : i32
    %dma_start3A_1159 = tpu.memref_slice %arg5[%add3A_1157, %dma_start3A_1158] : memref<16384x1024xf32, #tpu.memory_space<hbm>> -> memref<16x1024xf32, #tpu.memory_space<hbm>>
    %dma_start3A_1160 = arith.constant 0 : i32
    %dma_start3A_1161 = tpu.memref_slice %arg5[%add3A_1157, %dma_start3A_1160] : memref<16384x1024xf32, #tpu.memory_space<hbm>> -> memref<16x1024xf32, #tpu.memory_space<hbm>>
    tpu.enqueue_dma source(%arg7 : memref<16x1024xf32, #tpu.memory_space<vmem>>) target(%dma_start3A_1161 : memref<16x1024xf32, #tpu.memory_space<hbm>>) target_semaphore(%arg19 : memref<!tpu.dma_semaphore, #tpu.memory_space<semaphore_mem>>)
    %dma_wait3A_1162 = arith.constant 0 : i32
    %dma_wait3A_1163 = tpu.memref_slice %arg2[%add3A_1110, %dma_wait3A_1162] : memref<16384x1024xf32, #tpu.memory_space<hbm>> -> memref<16x1024xf32, #tpu.memory_space<hbm>>
    %dma_wait3A_1164 = arith.constant 0 : i32
    %dma_wait3A_1165 = tpu.memref_slice %arg2[%add3A_1110, %dma_wait3A_1164] : memref<16384x1024xf32, #tpu.memory_space<hbm>> -> memref<16x1024xf32, #tpu.memory_space<hbm>>
    tpu.wait_dma2 semaphore(%arg14 : memref<!tpu.dma_semaphore, #tpu.memory_space<semaphore_mem>>) src(%dma_wait3A_1165 : memref<16x1024xf32, #tpu.memory_space<hbm>>) dst(%arg8 : memref<16x1024xf32, #tpu.memory_space<vmem>>)
    %dma_wait3A_1166 = arith.constant 31 : i32
    %dma_wait3A_1167 = arith.constant 0 : i32
    %dma_wait3A_1168 = tpu.memref_slice %arg6[%dma_wait3A_1166, %dma_wait3A_1167] : memref<32x16xi32, #tpu.memory_space<vmem>> -> memref<1x16xi32, #tpu.memory_space<vmem>>
    %dma_wait3A_1169 = tpu.memref_squeeze %dma_wait3A_1168 : memref<1x16xi32, #tpu.memory_space<vmem>> -> memref<16xi32, #tpu.memory_space<vmem>>
    %dma_wait3A_1170 = arith.constant 0 : i32
    %dma_wait3A_1171 = arith.constant 0 : i32
    %dma_wait3A_1172 = tpu.memref_slice %arg4[%dma_wait3A_1170, %dma_wait3A_1171] : memref<8192x1024xf32, #tpu.memory_space<hbm>> -> memref<8192x1024xf32, #tpu.memory_space<hbm>>
    tpu.wait_indirect_dma semaphore(%arg17 : memref<!tpu.dma_semaphore, #tpu.memory_space<semaphore_mem>>) src(%dma_wait3A_1172 : memref<8192x1024xf32, #tpu.memory_space<hbm>>) dst(%arg11 : memref<16x1024xf32, #tpu.memory_space<vmem>>)
    %parallel_loop3A_1173 = arith.constant 0 : i32
    %parallel_loop3A_1174 = arith.constant 1024 : i32
    %parallel_loop3A_1175 = arith.constant 1 : i32
    scf.for %parallel_loop3A_1194 = %parallel_loop3A_1173 to %parallel_loop3A_1174 step %parallel_loop3A_1175  : i32 {
      %parallel_loop3A_1195 = arith.constant 64 : i32
      %parallel_loop3A_1196 = arith.divsi %parallel_loop3A_1194, %parallel_loop3A_1195 : i32
      %parallel_loop3A_1197 = arith.constant 0 : i32
      %parallel_loop3A_1198 = arith.cmpi sgt, %parallel_loop3A_1194, %parallel_loop3A_1197 : i32
      %parallel_loop3A_1199 = arith.extui %parallel_loop3A_1198 : i1 to i32
      %parallel_loop3A_1200 = arith.constant 0 : i32
      %parallel_loop3A_1201 = arith.cmpi slt, %parallel_loop3A_1194, %parallel_loop3A_1200 : i32
      %parallel_loop3A_1202 = arith.extui %parallel_loop3A_1201 : i1 to i32
      %parallel_loop3A_1203 = arith.subi %parallel_loop3A_1199, %parallel_loop3A_1202 : i32
      %parallel_loop3A_1204 = arith.constant 0 : i32
      %parallel_loop3A_1205 = arith.cmpi sgt, %parallel_loop3A_1195, %parallel_loop3A_1204 : i32
      %parallel_loop3A_1206 = arith.extui %parallel_loop3A_1205 : i1 to i32
      %parallel_loop3A_1207 = arith.constant 0 : i32
      %parallel_loop3A_1208 = arith.cmpi slt, %parallel_loop3A_1195, %parallel_loop3A_1207 : i32
      %parallel_loop3A_1209 = arith.extui %parallel_loop3A_1208 : i1 to i32
      %parallel_loop3A_1210 = arith.subi %parallel_loop3A_1206, %parallel_loop3A_1209 : i32
      %parallel_loop3A_1211 = arith.cmpi ne, %parallel_loop3A_1203, %parallel_loop3A_1210 : i32
      %parallel_loop3A_1212 = arith.remsi %parallel_loop3A_1194, %parallel_loop3A_1195 : i32
      %parallel_loop3A_1213 = arith.constant 0 : i32
      %parallel_loop3A_1214 = arith.cmpi ne, %parallel_loop3A_1212, %parallel_loop3A_1213 : i32
      %parallel_loop3A_1215 = arith.andi %parallel_loop3A_1211, %parallel_loop3A_1214 : i1
      %parallel_loop3A_1216 = arith.constant 1 : i32
      %parallel_loop3A_1217 = arith.subi %parallel_loop3A_1196, %parallel_loop3A_1216 : i32
      %parallel_loop3A_1218 = arith.select %parallel_loop3A_1215, %parallel_loop3A_1217, %parallel_loop3A_1196 : i32
      %parallel_loop3A_1219 = arith.constant 64 : i32
      %parallel_loop3A_1220 = arith.constant 0 : i32
      %parallel_loop3A_1221 = arith.cmpi eq, %parallel_loop3A_1219, %parallel_loop3A_1220 : i32
      %parallel_loop3A_1222 = arith.constant 1 : i32
      %parallel_loop3A_1223 = arith.select %parallel_loop3A_1221, %parallel_loop3A_1222, %parallel_loop3A_1219 : i32
      %parallel_loop3A_1224 = arith.remsi %parallel_loop3A_1194, %parallel_loop3A_1223 : i32
      %parallel_loop3A_1225 = arith.constant 0 : i32
      %parallel_loop3A_1226 = arith.cmpi ne, %parallel_loop3A_1224, %parallel_loop3A_1225 : i32
      %parallel_loop3A_1227 = arith.constant 0 : i32
      %parallel_loop3A_1228 = arith.cmpi slt, %parallel_loop3A_1224, %parallel_loop3A_1227 : i32
      %parallel_loop3A_1229 = arith.constant 0 : i32
      %parallel_loop3A_1230 = arith.cmpi slt, %parallel_loop3A_1223, %parallel_loop3A_1229 : i32
      %parallel_loop3A_1231 = arith.xori %parallel_loop3A_1228, %parallel_loop3A_1230 : i1
      %parallel_loop3A_1232 = arith.andi %parallel_loop3A_1231, %parallel_loop3A_1226 : i1
      %parallel_loop3A_1233 = arith.addi %parallel_loop3A_1224, %parallel_loop3A_1223 : i32
      %parallel_loop3A_1234 = arith.select %parallel_loop3A_1232, %parallel_loop3A_1233, %parallel_loop3A_1224 : i32
      %parallel_loop3A_1235 = arith.constant 16 : i32
      %parallel_loop3A_1236 = arith.muli %parallel_loop3A_1234, %parallel_loop3A_1235 : i32
      %parallel_loop3A_1237 = arith.index_cast %parallel_loop3A_1218 : i32 to index
      %parallel_loop3A_1238 = arith.index_cast %parallel_loop3A_1236 : i32 to index
      %parallel_loop3A_1239 = tpu.vector_load %arg11[%parallel_loop3A_1237, %parallel_loop3A_1238] {strides = array<i32>} : memref<16x1024xf32, #tpu.memory_space<vmem>>, vector<1x16xf32>,
      %parallel_loop3A_1240 = vector.shape_cast %parallel_loop3A_1239 : vector<1x16xf32> to vector<16xf32>
      %parallel_loop3A_1241 = arith.index_cast %parallel_loop3A_1218 : i32 to index
      %parallel_loop3A_1242 = arith.index_cast %parallel_loop3A_1236 : i32 to index
      %parallel_loop3A_1243 = tpu.vector_load %arg8[%parallel_loop3A_1241, %parallel_loop3A_1242] {strides = array<i32>} : memref<16x1024xf32, #tpu.memory_space<vmem>>, vector<1x16xf32>,
      %parallel_loop3A_1244 = vector.shape_cast %parallel_loop3A_1243 : vector<1x16xf32> to vector<16xf32>
      %parallel_loop3A_1245 = vector.shape_cast %parallel_loop3A_1240 : vector<16xf32> to vector<1x16xf32>
      tpu.vector_store %arg8[%parallel_loop3A_1241, %parallel_loop3A_1242], %parallel_loop3A_1245 {add = true, strides = array<i32>} : memref<16x1024xf32, #tpu.memory_space<vmem>>, vector<1x16xf32>,
    } {sc.loop_unroll_factor = 8 : i64, sc.parallel_access}
    %add3A_1176 = arith.constant 496 : i32
    %add3A_1177 = arith.addi %mul3A_2, %add3A_1176 : i32
    %dma_start3A_1178 = arith.constant 0 : i32
    %dma_start3A_1179 = tpu.memref_slice %arg5[%add3A_1177, %dma_start3A_1178] : memref<16384x1024xf32, #tpu.memory_space<hbm>> -> memref<16x1024xf32, #tpu.memory_space<hbm>>
    %dma_start3A_1180 = arith.constant 0 : i32
    %dma_start3A_1181 = tpu.memref_slice %arg5[%add3A_1177, %dma_start3A_1180] : memref<16384x1024xf32, #tpu.memory_space<hbm>> -> memref<16x1024xf32, #tpu.memory_space<hbm>>
    tpu.enqueue_dma source(%arg8 : memref<16x1024xf32, #tpu.memory_space<vmem>>) target(%dma_start3A_1181 : memref<16x1024xf32, #tpu.memory_space<hbm>>) target_semaphore(%arg20 : memref<!tpu.dma_semaphore, #tpu.memory_space<semaphore_mem>>)
    %dma_wait3A_1182 = arith.constant 0 : i32
    %dma_wait3A_1183 = tpu.memref_slice %arg5[%add3A_1157, %dma_wait3A_1182] : memref<16384x1024xf32, #tpu.memory_space<hbm>> -> memref<16x1024xf32, #tpu.memory_space<hbm>>
    %dma_wait3A_1184 = arith.constant 0 : i32
    %dma_wait3A_1185 = tpu.memref_slice %arg5[%add3A_1157, %dma_wait3A_1184] : memref<16384x1024xf32, #tpu.memory_space<hbm>> -> memref<16x1024xf32, #tpu.memory_space<hbm>>
    tpu.wait_dma2 semaphore(%arg19 : memref<!tpu.dma_semaphore, #tpu.memory_space<semaphore_mem>>) src(%arg7 : memref<16x1024xf32, #tpu.memory_space<vmem>>) dst(%dma_wait3A_1185 : memref<16x1024xf32, #tpu.memory_space<hbm>>)
    %dma_wait3A_1186 = arith.constant 0 : i32
    %dma_wait3A_1187 = tpu.memref_slice %arg5[%add3A_1177, %dma_wait3A_1186] : memref<16384x1024xf32, #tpu.memory_space<hbm>> -> memref<16x1024xf32, #tpu.memory_space<hbm>>
    %dma_wait3A_1188 = arith.constant 0 : i32
    %dma_wait3A_1189 = tpu.memref_slice %arg5[%add3A_1177, %dma_wait3A_1188] : memref<16384x1024xf32, #tpu.memory_space<hbm>> -> memref<16x1024xf32, #tpu.memory_space<hbm>>
    tpu.wait_dma2 semaphore(%arg20 : memref<!tpu.dma_semaphore, #tpu.memory_space<semaphore_mem>>) src(%arg8 : memref<16x1024xf32, #tpu.memory_space<vmem>>) dst(%dma_wait3A_1189 : memref<16x1024xf32, #tpu.memory_space<hbm>>)
    %dma_wait3A_1190 = arith.constant 0 : i32
    %dma_wait3A_1191 = tpu.memref_slice %arg5[%add3A_1137, %dma_wait3A_1190] : memref<16384x1024xf32, #tpu.memory_space<hbm>> -> memref<16x1024xf32, #tpu.memory_space<hbm>>
    %dma_wait3A_1192 = arith.constant 0 : i32
    %dma_wait3A_1193 = tpu.memref_slice %arg5[%add3A_1137, %dma_wait3A_1192] : memref<16384x1024xf32, #tpu.memory_space<hbm>> -> memref<16x1024xf32, #tpu.memory_space<hbm>>
    tpu.wait_dma2 semaphore(%arg21 : memref<!tpu.dma_semaphore, #tpu.memory_space<semaphore_mem>>) src(%arg9 : memref<16x1024xf32, #tpu.memory_space<vmem>>) dst(%dma_wait3A_1193 : memref<16x1024xf32, #tpu.memory_space<hbm>>)
    return
  }
}

</mosaic_0001>

<sc_bundles>
// kernel: kernel.3.cloned.1.call-start
scs
__scs_entry_jumppad:
0x0: {  	(pc) =	sbr.rel $0x88, $3  }
0x1: {  	(tag) =	ssettag $0x0;
	lr =	simm.s32 $0x1  }
0x2: {  	[smem:$0x3F9E] =	sst lr;
	_ =	strace $0xD0000000  }
0x3: {  	_ = 	snop  }
0x4: {  	_ = 	snop  }
0x5: {  	_ = 	snop  }
0x6: {  	_ = 	snop  }
0x7: {  	_ = 	snop  }
__scs_overlays_trampoline_lowered:
0x8: {  	[smem:$0x3FAD] =	sst s0  }
0x9: {  	[smem:$0x3FAE] =	sst s1  }
0xa: {  	[smem:$0x3FAF] =	sst s2  }
0xb: {  	[smem:$0x3FB0] =	sst s3  }
0xc: {  	[smem:$0x3FB1] =	sst s4  }
0xd: {  	[smem:$0x3FB2] =	sst s5  }
0xe: {  	[smem:$0x3FB3] =	sst s6  }
0xf: {  	[smem:$0x3FB4] =	sst s7  }
0x10: {  	[smem:$0x3FB5] =	sst s8  }
0x11: {  	[smem:$0x3FB6] =	sst s9;
	s0 =	simm.s32 @!p0 $0x0  }
0x12: {  	s1 =	sld [smem:$0x3F9C];
	s0 =	simm.s32 @p0 $0x1  }
0x13: {  	[smem:$0x3FB7] =	sst s0;
	s0 =	simm.s32 @!p1 $0x0  }
0x14: {  	s2 =	sld [smem:$0x3F9B];
	s0 =	simm.s32 @p1 $0x1  }
0x15: {  	[smem:$0x3FB8] =	sst s0;
	s0 =	simm.s32 @!p2 $0x0  }
0x16: {  	s3 =	sld [smem:$0x3FDB];
	s0 =	simm.s32 @p2 $0x1  }
0x17: {  	s4 =	simm.s32 $0x1BF5;
	[smem:$0x3FBA] =	sst s0  }
0x18: {  	s0 =	sld [smem:$0x3F9D];
	_ =	swait.ge [sflag:s4], $0x0  }
0x19: {  	s7 =	sld [smem:$0x3F9E]  }
0x1a: {  	s8 =	sadd.s32 $0xFFFFE003, lr  }
0x1b: {  	s9 =	sadd.s32 $0xFFFFFEF7, lr;
	s5 =	simm.s32 $0xFFFFFFFF;
	p2 =	slt.u32 s8, $0xFFFFF086  }
0x1c: {  	p1 =	slt.u32 s9, $0xF7A;
	s5 =	simm.s32 @!p2 $0x0  }
0x1d: {  	s5 =	simm.s32 @p1 $0x1;
	p0 =	seq.s32 s7, s2  }
0x1e: {  	s7 =	smul.u32 @!p0 $0xF7A, s2;
	p2 =	seq.s32 @!p0 s5, $0x0  }
0x1f: {  	s9 =	smul.u32 $0xF7A, s1;
	s8 =	simm.s32 @!p0 $0x1BF5;
	p2 =	por !p2, p0  }
0x20: {  	[sflag:s8] =	ssyncset.s32 @!p0 $0xFFFFF086;
	s6 =	sadd.s32 @!p0 s3, s7;
	s7 =	simm.s32 @!p0 $0x108  }
0x21: {  	s3 =	sadd.s32 s3, s9;
	s6 =	sadd.s32 @!p0 $0x88, s6;
	s7 =	simm.s32 @p2 $0x1082  }
0x22: {  	[simem:s7], [sflag:s8] =	dma.local @!p0 [hbm:s6], $0xF7A  }
0x23: {  	s9 =	sor.u32 $0xD0000000, s2;
	s6 =	simm.s32 $0x108;
	_ =	swait.ge @!p0 [sflag:s8], $0x0  }
0x24: {  	s3 =	sadd.s32 $0x88, s3;
	s6 =	simm.s32 @!p1 $0x1082;
	[sflag:s4] =	ssyncset.s32 $0xFFFFF086  }
0x25: {  	[simem:s6], [sflag:s4] =	dma.local [hbm:s3], $0xF7A  }
0x26: {  	[smem:$0x3F9E] =	sst s1;
	(tag) =	ssettag s2;
	_ =	strace s9  }
0x27: {  	s1 =	sld [smem:$0x3FAE]  }
0x28: {  	s2 =	sld [smem:$0x3FAF]  }
0x29: {  	s4 =	sld [smem:$0x3FB1]  }
0x2a: {  	p0 =	seq.s32 s5, $0x0;
	s5 =	sld [smem:$0x3FB2]  }
0x2b: {  	s6 =	sld [smem:$0x3FB3]  }
0x2c: {  	s7 =	sld [smem:$0x3FB4]  }
0x2d: {  	s3 =	simm.s32 $0x108;
	s8 =	sld [smem:$0x3FB5]  }
0x2e: {  	s3 =	simm.s32 @!p0 $0x1082;
	s9 =	sld [smem:$0x3FB6]  }
0x2f: {  	lr =	sadd.s32 s0, s3;
	s0 =	sld [smem:$0x3FAD]  }
0x30: {  	s3 =	sld [smem:$0x3FB0]  }
0x31: {  	[smem:$0x3FB9] =	sst s10  }
0x32: {  	s10 =	sld [smem:$0x3FB7];
	_ =	sdelay $0x3  }
0x33: {  	p0 =	seq.s32 s10, $0x1;
	s10 =	sld [smem:$0x3FB9];
	_ =	sdelay $0x3  }
0x34: {  	[smem:$0x3FB9] =	sst s10  }
0x35: {  	s10 =	sld [smem:$0x3FB8];
	_ =	sdelay $0x3  }
0x36: {  	p1 =	seq.s32 s10, $0x1;
	s10 =	sld [smem:$0x3FB9];
	_ =	sdelay $0x3  }
0x37: {  	[smem:$0x3FB9] =	sst s10  }
0x38: {  	s10 =	sld [smem:$0x3FBA]  }
0x39: {  	_ = 	snop;
	(pc) =	sbr.ind lr, $3  }
0x3a: {  	_ = 	snop  }
0x3b: {  	_ = 	snop  }
0x3c: {  	p2 =	seq.s32 s10, $0x1;
	s10 =	sld [smem:$0x3FB9]  }
0x3d: {  	_ =	shalt  }
0x3e: {  	_ =	shalt  }
0x3f: {  	_ =	shalt  }
0x40: {  	_ =	shalt  }
0x41: {  	_ =	shalt  }
0x42: {  	_ =	shalt  }
0x43: {  	_ =	shalt  }
0x44: {  	_ =	shalt  }
0x45: {  	_ =	shalt  }
0x46: {  	_ =	shalt  }
0x47: {  	_ =	shalt  }
0x48: {  	_ =	shalt  }
0x49: {  	_ =	shalt  }
0x4a: {  	_ =	shalt  }
0x4b: {  	_ =	shalt  }
0x4c: {  	_ =	shalt  }
0x4d: {  	_ =	shalt  }
0x4e: {  	_ =	shalt  }
0x4f: {  	_ =	shalt  }
0x50: {  	_ =	shalt  }
0x51: {  	_ =	shalt  }
0x52: {  	_ =	shalt  }
0x53: {  	_ =	shalt  }
0x54: {  	_ =	shalt  }
0x55: {  	_ =	shalt  }
0x56: {  	_ =	shalt  }
0x57: {  	_ =	shalt  }
0x58: {  	_ =	shalt  }
0x59: {  	_ =	shalt  }
0x5a: {  	_ =	shalt  }
0x5b: {  	_ =	shalt  }
0x5c: {  	_ =	shalt  }
0x5d: {  	_ =	shalt  }
0x5e: {  	_ =	shalt  }
0x5f: {  	_ =	shalt  }
0x60: {  	_ =	shalt  }
0x61: {  	_ =	shalt  }
0x62: {  	_ =	shalt  }
0x63: {  	_ =	shalt  }
0x64: {  	_ =	shalt  }
0x65: {  	_ =	shalt  }
0x66: {  	_ =	shalt  }
0x67: {  	_ =	shalt  }
0x68: {  	_ =	shalt  }
0x69: {  	_ =	shalt  }
0x6a: {  	_ =	shalt  }
0x6b: {  	_ =	shalt  }
0x6c: {  	_ =	shalt  }
0x6d: {  	_ =	shalt  }
0x6e: {  	_ =	shalt  }
0x6f: {  	_ =	shalt  }
0x70: {  	_ =	shalt  }
0x71: {  	_ =	shalt  }
0x72: {  	_ =	shalt  }
0x73: {  	_ =	shalt  }
0x74: {  	_ =	shalt  }
0x75: {  	_ =	shalt  }
0x76: {  	_ =	shalt  }
0x77: {  	_ =	shalt  }
0x78: {  	_ =	shalt  }
0x79: {  	_ =	shalt  }
0x7a: {  	_ =	shalt  }
0x7b: {  	_ =	shalt  }
0x7c: {  	_ =	shalt  }
0x7d: {  	_ =	shalt  }
0x7e: {  	_ =	shalt  }
0x7f: {  	_ =	shalt  }
0x80: {  	_ =	shalt  }
0x81: {  	_ =	shalt  }
0x82: {  	_ =	shalt  }
0x83: {  	_ =	shalt  }
0x84: {  	_ =	shalt  }
0x85: {  	_ =	shalt  }
0x86: {  	_ =	shalt  }
0x87: {  	_ =	shalt  }
.Lfunc_end0:
.L_simem_size_0:
called_computation_lowered:
.L_overlay_start_0:
0x88: {  	s2 =	sld [smem:$0x3FD9]  }
0x89: {  	s3 =	sld [smem:$0x3FFE];
	_ =	sdelay $0x1  }
0x8a: {  	s1 =	srdreg.scid  }
0x8b: {  	s0 =	sand.u32 $0x1, s1  }
0x8c: {  	s17 =	sshll.u32 s0, $0xA;
	s2 =	sadd.s32 s3, s2  }
0x8d: {  	s2 =	sadd.s32 s2, s17  }
0x8e: {  	[smem:$0x3FC5] =	sst s2  }
0x8f: {  	_ = 	snop  }
0x90: {  	s2 =	sld [smem:$0x3FC9]  }
0x91: {  	s18 =	sld [smem:$0x3FC7]  }
0x92: {  	s4 =	sld [smem:$0x3FD0];
	(tm) =	ssettm $0x1  }
0x93: {  	s5 =	sld [smem:$0x3FFB];
	_ =	sdelay $0x3  }
0x94: {  	_ =	strace s5  }
0x95: {  	s5 =	sld [smem:$0x3FFC];
	_ =	sdelay $0x3  }
0x96: {  	_ =	strace s5  }
0x97: {  	s5 =	sld [smem:$0x3FFD];
	_ =	sdelay $0x3  }
0x98: {  	_ =	strace s5  }
0x99: {  	_ =	strace $0x8FFFFFFF  }
0x9a: {  	s19 =	sld [smem:$0x3FDB];
	_ =	sdelay $0x1  }
0x9b: {  	s6 =	simm.s32 $_scs_section_size  }
0x9c: {  	s7 =	simm.s32 $_size__tile_overlayer_lowered;
	s8 =	simm.s32 $_tile_overlayer_lowered  }
0x9d: {  	s22 =	simm.s32 $0x1BFF;
	s21 =	sshll.u32 s8, $0x1;
	s5 =	sadd.s32 s6, s19  }
0x9e: {  	s9 =	simm.s32 $0x0;
	s20 =	sshll.u32 s7, $0x1;
	s7 =	sadd.s32 s21, s5  }
0x9f: {  	[timem:s9], [sflag:s22] =	dma.local [hbm:s7], s20  }
0xa0: {  	_ =	swait.ge [sflag:s22], s20  }
0xa1: {  	s6 =	ssub.s32 $0x0, s20;
	[sflag:s22] =	ssyncset.done $0x0  }
0xa2: {  	[sflag:s22] =	ssyncadd.s32 s6;
	_ =	sdelay $0x1  }
0xa3: {  	s23 =	simm.s32 $0x1B8B  }
0xa4: {  	_ =	swait.ge [sflag:s23], $0x1  }
0xa5: {  	[sflag:s23] =	ssyncset.done $0x0  }
0xa6: {  	s25 =	simm.s32 $0x1B8E;
	s24 =	sld [smem:$0x3FFE];
	[sflag:s23] =	ssyncadd.s32 $0xFFFFFFFF  }
0xa7: {  	s26 =	simm.s32 $execute0_lowered;
	[smem:$0x3FD2] =	sst s25  }
0xa8: {  	s7 =	sshll.u32 s26, $0x1;
	_ =	strace $0x80000046;
	[dreg:$0x1] =	wrdreg $0xFFFFFFFF  }
0xa9: {  	s28 =	simm.s32 $_size_execute0_lowered;
	s5 =	sadd.s32 s5, s7;
	[dreg:$0x0] =	wrdreg $0x0  }
0xaa: {  	s7 =	sshll.u32 s28, $0x1;
	[dreg:$0x2] =	wrdreg s5  }
0xab: {  	[dreg:$0x3] =	wrdreg s7  }
0xac: {  	[dreg:$0x4] =	wrdreg $0xC0  }
0xad: {  	_ =	task [dreg:s9], $0x5FFFF  }
0xae: {  	[dreg:$0x1] =	wrdreg $0xFFFFFFFF  }
0xaf: {  	[dreg:$0x0] =	wrdreg $0x60  }
0xb0: {  	[dreg:$0x2] =	wrdreg s2  }
0xb1: {  	[dreg:$0x3] =	wrdreg s24  }
0xb2: {  	[dreg:$0x4] =	wrdreg s18  }
0xb3: {  	[dreg:$0x5] =	wrdreg s4  }
0xb4: {  	[dreg:$0x6] =	wrdreg $0x9  }
0xb5: {  	_ =	task.clear_ibuf [dreg:s9], $0x7FFFF;
	_ =	strace $0x90000046  }
0xb6: {  	s29 =	simm.s32 $0x9;
	_ =	strace $0x80000048  }
0xb7: {  	_ =	swait.ge [sflag:s29], $0x1  }
0xb8: {  	[sflag:s29] =	ssyncadd.s32 $0xFFFFFFFF  }
0xb9: {  	_ =	strace $0x90000048  }
0xba: {  	_ =	sfence  }
0xbb: {  	s30 =	sld [smem:$0x0];
	_ =	sdelay $0x2  }
0xbc: {  	s31 =	sshll.u32 s1, $0xD;
	s1 =	sshrl.u32 s1, $0x2  }
0xbd: {  	s3 =	sand.u32 $0x4000, s31;
	s1 =	sadd.s32 s1, s30  }
0xbe: {  	s0 =	sor.u32 s3, s0;
	s1 =	sshll.u32 s1, $0x11  }
0xbf: {  	s0 =	sor.u32 s1, s0  }
0xc0: {  	s0 =	sadd.s32 $0x8F2B, s0  }
0xc1: {  	[sflag:s0] =	ssyncadd.remote.s32 $0x1  }
0xc2: {  	_ =	sfence.sel $0xFFFF  }
0xc3: {  	[dreg:$0x0] =	wrdreg $0xFFFFFFFF;
	(pc) =	sbr.abs _section_cstart, $3  }
0xc4: {  	[dreg:$0x1] =	wrdreg $0xFFFFFFFF  }
0xc5: {  	_ =	task.clear_ibuf [dreg:s9], $0x2FFFF;
	_ =	strace $0x9FFFFFFF  }
0xc6: {  	(tm) =	ssettm $0x7FFFFFFF  }
0xc7: {  	_ =	shalt  }
tec
execute0_lowered:
.L_overlay_start_1:
0x0: {  	(tag) =	ssettag $0x1  }
0x1: {  	s1 =	srdreg.scid;
	s5 =	stileid.u32  }
0x2: {  	s4 =	sand.u32 $0x1, s1;
	s5 =	sshll.u32 s5, $0x1  }
0x3: {  	s2 =	rddreg [dreg:$0x0];
	s6 =	sor.u32 s4, s5  }
0x4: {  	s3 =	rddreg [dreg:$0x1];
	s12 =	sshll.u32 s6, $0x9  }
0x5: {  	s11 =	ssub.s32 $0x2, s4;
	s4 =	sadd.s32 s12, s3;
	s3 =	sshll.u32 s6, $0x10  }
0x6: {  	s0 =	rddreg [dreg:$0x3];
	s1 =	simm.s32 $0x0;
	s6 =	sor.u32 $0x800, s3  }
0x7: {  	[smem:$0x7FF] =	sst s1;
	s13 =	sor.u32 $0x1000, s3;
	s9 =	sadd.s32 s2, s6  }
0x8: {  	s8 =	sor.u32 $0x1800, s3;
	s14 =	sadd.s32 s2, s13;
	[dreg:$0x5] =	wrdreg s9  }
0x9: {  	s7 =	sshrl.u32 s11, $0x1;
	s15 =	sadd.s32 s2, s8;
	[dreg:$0x6] =	wrdreg s14  }
0xa: {  	s16 =	sor.u32 $0x2000, s3;
	s6 =	sadd.s32 s0, s6;
	[dreg:$0x7] =	wrdreg s15  }
0xb: {  	s5 =	ssub.s32 s11, s7;
	s10 =	sadd.s32 s2, s16;
	[dreg:$0x8] =	wrdreg s6  }
0xc: {  	s17 =	sor.u32 $0x2800, s3;
	s7 =	sadd.s32 s0, s13;
	[dreg:$0x9] =	wrdreg s10  }
0xd: {  	s18 =	sadd.s32 s2, s17;
	[dreg:$0xa] =	wrdreg s7  }
0xe: {  	s20 =	sor.u32 $0x3000, s3;
	s19 =	sadd.s32 s0, s8;
	[dreg:$0xb] =	wrdreg s18  }
0xf: {  	s21 =	sor.u32 $0x3800, s3;
	s22 =	sadd.s32 s2, s20;
	[dreg:$0xc] =	wrdreg s19  }
0x10: {  	s23 =	sadd.s32 s2, s21;
	[dreg:$0xd] =	wrdreg s22  }
0x11: {  	s25 =	sor.u32 $0x4000, s3;
	s24 =	sadd.s32 s0, s17;
	[dreg:$0xf] =	wrdreg s23  }
0x12: {  	s26 =	sor.u32 $0x4800, s3;
	s11 =	sadd.s32 s2, s25;
	[dreg:$0x10] =	wrdreg s24  }
0x13: {  	s12 =	sadd.s32 s2, s26;
	[dreg:$0x11] =	wrdreg s11  }
0x14: {  	s13 =	sadd.s32 s0, s21;
	[dreg:$0x13] =	wrdreg s12  }
0x15: {  	s6 =	sadd.s32 s0, s16;
	[dreg:$0x14] =	wrdreg s13  }
0x16: {  	s7 =	sadd.s32 s0, s20;
	[dreg:$0xe] =	wrdreg s6  }
0x17: {  	s17 =	sor.u32 $0x5800, s3;
	s15 =	sadd.s32 s0, s26;
	[dreg:$0x12] =	wrdreg s7  }
0x18: {  	s21 =	sor.u32 $0x6800, s3;
	s18 =	sadd.s32 s2, s17;
	[dreg:$0x16] =	wrdreg s15  }
0x19: {  	s8 =	sor.u32 $0x8000, s3;
	s22 =	sadd.s32 s2, s21;
	[dreg:$0x19] =	wrdreg s18  }
0x1a: {  	s9 =	sadd.s32 s2, s8;
	[dreg:$0x1d] =	wrdreg s22  }
0x1b: {  	s14 =	sor.u32 $0x5000, s3;
	s6 =	sadd.s32 s0, s25;
	[smem:$0x7DA] =	sst s9  }
0x1c: {  	s16 =	sadd.s32 s2, s14;
	[dreg:$0x15] =	wrdreg s6  }
0x1d: {  	s19 =	sor.u32 $0x6000, s3;
	s7 =	sadd.s32 s0, s14;
	[dreg:$0x17] =	wrdreg s16  }
0x1e: {  	s23 =	sor.u32 $0x7000, s3;
	s20 =	sadd.s32 s2, s19;
	[dreg:$0x18] =	wrdreg s7  }
0x1f: {  	s10 =	sor.u32 $0x8800, s3;
	s24 =	sadd.s32 s2, s23;
	[dreg:$0x1b] =	wrdreg s20  }
0x20: {  	s12 =	sor.u32 $0x9000, s3;
	s11 =	sadd.s32 s2, s10;
	[dreg:$0x1f] =	wrdreg s24  }
0x21: {  	s13 =	sadd.s32 s2, s12;
	[smem:$0x7DC] =	sst s11  }
0x22: {  	s6 =	sadd.s32 s0, s17;
	[smem:$0x7DE] =	sst s13  }
0x23: {  	s25 =	sor.u32 $0x7800, s3;
	s7 =	sadd.s32 s0, s19;
	[dreg:$0x1a] =	wrdreg s6  }
0x24: {  	s14 =	sor.u32 $0x9800, s3;
	s26 =	sadd.s32 s2, s25;
	[dreg:$0x1c] =	wrdreg s7  }
0x25: {  	s18 =	sor.u32 $0xA800, s3;
	s15 =	sadd.s32 s2, s14;
	[smem:$0x7D8] =	sst s26  }
0x26: {  	s19 =	sadd.s32 s2, s18;
	[smem:$0x7E0] =	sst s15  }
0x27: {  	s6 =	sadd.s32 s0, s21;
	[smem:$0x7E4] =	sst s19  }
0x28: {  	s16 =	sor.u32 $0xA000, s3;
	s7 =	sadd.s32 s0, s23;
	[dreg:$0x1e] =	wrdreg s6  }
0x29: {  	s20 =	sor.u32 $0xB000, s3;
	s17 =	sadd.s32 s2, s16;
	[smem:$0x7D7] =	sst s7  }
0x2a: {  	s22 =	sor.u32 $0xB800, s3;
	s21 =	sadd.s32 s2, s20;
	[smem:$0x7E2] =	sst s17  }
0x2b: {  	s13 =	sor.u32 $0xE000, s3;
	s23 =	sadd.s32 s2, s22;
	[smem:$0x7E6] =	sst s21  }
0x2c: {  	s15 =	sadd.s32 s0, s13;
	[smem:$0x7E8] =	sst s23  }
0x2d: {  	s6 =	sadd.s32 s0, s25;
	[smem:$0x7F3] =	sst s15  }
0x2e: {  	s24 =	sor.u32 $0xC000, s3;
	s7 =	sadd.s32 s0, s8;
	[smem:$0x7D9] =	sst s6  }
0x2f: {  	s26 =	sor.u32 $0xC800, s3;
	s25 =	sadd.s32 s2, s24;
	[smem:$0x7DB] =	sst s7  }
0x30: {  	s28 =	simm.s32 $0x13000;
	s8 =	sadd.s32 s2, s26;
	[smem:$0x7EA] =	sst s25  }
0x31: {  	s29 =	simm.s32 $0x13800;
	s17 =	sadd.s32 s0, s3;
	[smem:$0x7EC] =	sst s8  }
0x32: {  	s30 =	simm.s32 $0x14000;
	s6 =	sadd.s32 s0, s10;
	[smem:$0x7F5] =	sst s17  }
0x33: {  	s9 =	sor.u32 $0xD000, s3;
	s7 =	sadd.s32 s0, s12;
	[smem:$0x7DD] =	sst s6  }
0x34: {  	s11 =	sor.u32 $0xD800, s3;
	s10 =	sadd.s32 s2, s9;
	[smem:$0x7DF] =	sst s7  }
0x35: {  	s31 =	simm.s32 $0x14800;
	s12 =	sadd.s32 s2, s11;
	[smem:$0x7EE] =	sst s10  }
0x36: {  	s19 =	sor.u32 $0xF000, s3;
	s6 =	sadd.s32 s0, s14;
	[smem:$0x7F0] =	sst s12  }
0x37: {  	s15 =	simm.s32 $0x6;
	s7 =	sadd.s32 s0, s16;
	[smem:$0x7E1] =	sst s6  }
0x38: {  	s25 =	sadd.s32 $0x400, s4;
	s14 =	sadd.s32 s2, s13;
	[smem:$0x7E3] =	sst s7  }
0x39: {  	s4 =	simm.s32 $0x1;
	s16 =	sadd.s32 s2, s3;
	[smem:$0x7F2] =	sst s14  }
0x3a: {  	s6 =	sadd.s32 s0, s18;
	s7 =	sadd.s32 s0, s20;
	[smem:$0x7F4] =	sst s16  }
0x3b: {  	s18 =	sor.u32 $0xE800, s3;
	s20 =	sor.u32 $0xF800, s3;
	s3 =	rddreg [dreg:$0x2]  }
0x3c: {  	s8 =	simm.s32 $0x5;
	s17 =	simm.s32 $0x0;
	[smem:$0x7E5] =	sst s6  }
0x3d: {  	s12 =	simm.s32 $0x1000;
	[smem:$0x7E7] =	sst s7;
	s6 =	sadd.s32 s0, s22  }
0x3e: {  	s13 =	simm.s32 $0x5000;
	s7 =	sadd.s32 s0, s24;
	[smem:$0x7E9] =	sst s6  }
0x3f: {  	s14 =	simm.s32 $0x8;
	s21 =	sadd.s32 s2, s18;
	[smem:$0x7EB] =	sst s7  }
0x40: {  	s16 =	simm.s32 $0x9;
	s22 =	sadd.s32 s2, s19;
	[smem:$0x7F6] =	sst s21  }
0x41: {  	s2 =	sadd.s32 s2, s20;
	s23 =	sadd.s32 s0, s18;
	[smem:$0x7F7] =	sst s22  }
0x42: {  	s24 =	sadd.s32 s0, s19;
	s10 =	sadd.s32 $0x200, s3;
	[smem:$0x7F8] =	sst s2  }
0x43: {  	s6 =	sadd.s32 s0, s26;
	s7 =	sadd.s32 s0, s9;
	[smem:$0x7F9] =	sst s23  }
0x44: {  	[smem:$0x7FA] =	sst s24;
	s26 =	smax.u32 s5, $0x1;
	s9 =	sadd.s32 $0x100, s3  }
0x45: {  	s24 =	simm.s32 $0x11800;
	s5 =	simm.s32 $0x4;
	[smem:$0x7ED] =	sst s6  }
0x46: {  	s2 =	simm.s32 $0x3;
	[smem:$0x7EF] =	sst s7;
	s6 =	sadd.s32 s0, s11  }
0x47: {  	s0 =	sadd.s32 s0, s20;
	s11 =	sadd.s32 $0x300, s3;
	[smem:$0x7F1] =	sst s6  }
0x48: {  	v2 =	vlaneseq.u32;
	s7 =	simm.s32 $0x2;
	[smem:$0x7FB] =	sst s0;
	s0 =	simm.s32 $0x9000  }
0x49: {  	vm0 =	vmmov $0xffff;
	v1 =	vshrl.u32 v2, $0x3;
	s6 =	simm.s32 $0x7;
	_ =	strace $0x80000047;
	[smem:$0x7FC] =	sst s25  }
0x4a: {  	v0 =	vand.u32 $0x7, v2;
	v2 =	vor.u32 $0x8, v2;
	v1 =	vmul.u32 $0x8, v1;
	[smem:$0x7FD] =	sst s26;
	s25 =	simm.s32 $0x12000;
	s26 =	simm.s32 $0x12800  }
.LBB2_1:
0x4b: {  	s18 =	sld [smem:$0x7FC];
	_ =	sdelay $0x1  }
0x4c: {  	s21 =	sld [smem:$0x7F4]  }
0x4d: {  	[tilespmem:s1], [sflag:$0xA] =	stream.linear.gather [hbm4b:s18+s1], $0x1000, $0x38;
	[tilespmem:$0x19000] =	vst v63  }
0x4e: {  	_ = 	snop  }
0x4f: {  	[tilespmem:s12], [sflag:$0x1] =	stream.linear.gather [hbm4b:s21+s1], $0x4000, $0x38;
	[tilespmem:$0x19000] =	vst v63  }
0x50: {  	s22 =	rddreg [dreg:$0x5];
	s23 =	simm.s32 $0xA  }
0x51: {  	[tilespmem:s13], [sflag:$0x2] =	stream.linear.gather [hbm4b:s22+s1], $0x4000, $0x38;
	[tilespmem:$0x19000] =	vst v63  }
0x52: {  	_ =	swait.ge [sflag:s23], $0x1000  }
0x53: {  	[sflag:s23] =	ssyncset.done $0x0  }
0x54: {  	[sflag:s23] =	ssyncadd.s32 $0xFFFFF000  }
0x55: {  	v3 =	vld [tilespmem:$0x0];
	_ =	sdelay $0x4  }
0x56: {  	v4 =	vshll.u32 v3, $0x3  }
0x57: {  	v3 =	vand.u32 $0x7, v3;
	v4 =	vand.u32 $0xFFFFFFC0, v4  }
0x58: {  	v3 =	vor.u32 v3, v4  }
0x59: {  	v4 =	vperm.xlane v3, v0;
	_ =	sdelay $0x1  }
0x5a: {  	v4 =	vadd.s32 v1, v4;
	_ =	sdelay $0x3  }
0x5b: {  	s19 =	simm.s32 $0xD000  }
0x5c: {  	[tilespmem:s19], [sflag:$0x4] =	stream.indirect_vreg.gather [hbm4b:s3+s1], $0x80, v4, vm0, $0xb8;
	[tilespmem:$0x19000] =	vst v63  }
0x5d: {  	s20 =	simm.s32 $0xD800;
	v3 =	vperm.xlane v3, v2  }
0x5e: {  	[tilespmem:s20], [sflag:$0x4] =	stream.indirect_vreg.gather [hbm4b:s9+s1], $0x80, v4, vm0, $0xb8;
	[tilespmem:$0x19000] =	vst v63  }
0x5f: {  	s21 =	simm.s32 $0xE000;
	v3 =	vadd.s32 v1, v3  }
0x60: {  	[tilespmem:s21], [sflag:$0x4] =	stream.indirect_vreg.gather [hbm4b:s10+s1], $0x80, v4, vm0, $0xb8;
	[tilespmem:$0x19000] =	vst v63  }
0x61: {  	s22 =	simm.s32 $0xE800  }
0x62: {  	[tilespmem:s22], [sflag:$0x4] =	stream.indirect_vreg.gather [hbm4b:s11+s1], $0x80, v4, vm0, $0xb8;
	[tilespmem:$0x19000] =	vst v63  }
0x63: {  	s23 =	simm.s32 $0xF000  }
0x64: {  	[tilespmem:s23], [sflag:$0x4] =	stream.indirect_vreg.gather [hbm4b:s3+s1], $0x80, v3, vm0, $0xb8;
	[tilespmem:$0x19000] =	vst v63  }
0x65: {  	s19 =	simm.s32 $0xF800  }
0x66: {  	[tilespmem:s19], [sflag:$0x4] =	stream.indirect_vreg.gather [hbm4b:s9+s1], $0x80, v3, vm0, $0xb8;
	[tilespmem:$0x19000] =	vst v63  }
0x67: {  	s20 =	simm.s32 $0x10000  }
0x68: {  	[tilespmem:s20], [sflag:$0x4] =	stream.indirect_vreg.gather [hbm4b:s10+s1], $0x80, v3, vm0, $0xb8;
	[tilespmem:$0x19000] =	vst v63  }
0x69: {  	s21 =	simm.s32 $0x10800  }
0x6a: {  	[tilespmem:s21], [sflag:$0x4] =	stream.indirect_vreg.gather [hbm4b:s11+s1], $0x80, v3, vm0, $0xb8;
	[tilespmem:$0x19000] =	vst v63  }
0x6b: {  	v3 =	vld [tilespmem:$0x80];
	_ =	sdelay $0x4  }
0x6c: {  	v4 =	vshll.u32 v3, $0x3  }
0x6d: {  	v3 =	vand.u32 $0x7, v3;
	v4 =	vand.u32 $0xFFFFFFC0, v4  }
0x6e: {  	v3 =	vor.u32 v3, v4  }
0x6f: {  	v4 =	vperm.xlane v3, v0;
	_ =	sdelay $0x1  }
0x70: {  	v4 =	vadd.s32 v1, v4;
	_ =	sdelay $0x3  }
0x71: {  	s22 =	simm.s32 $0x11000  }
0x72: {  	[tilespmem:s22], [sflag:$0x5] =	stream.indirect_vreg.gather [hbm4b:s3+s1], $0x80, v4, vm0, $0xb8;
	[tilespmem:$0x19000] =	vst v63  }
0x73: {  	v3 =	vperm.xlane v3, v2  }
0x74: {  	[tilespmem:s24], [sflag:$0x5] =	stream.indirect_vreg.gather [hbm4b:s9+s1], $0x80, v4, vm0, $0xb8;
	[tilespmem:$0x19000] =	vst v63  }
0x75: {  	v3 =	vadd.s32 v1, v3  }
0x76: {  	[tilespmem:s25], [sflag:$0x5] =	stream.indirect_vreg.gather [hbm4b:s10+s1], $0x80, v4, vm0, $0xb8;
	[tilespmem:$0x19000] =	vst v63  }
0x77: {  	_ = 	snop  }
0x78: {  	[tilespmem:s26], [sflag:$0x5] =	stream.indirect_vreg.gather [hbm4b:s11+s1], $0x80, v4, vm0, $0xb8;
	[tilespmem:$0x19000] =	vst v63  }
0x79: {  	_ = 	snop  }
0x7a: {  	[tilespmem:s28], [sflag:$0x5] =	stream.indirect_vreg.gather [hbm4b:s3+s1], $0x80, v3, vm0, $0xb8;
	[tilespmem:$0x19000] =	vst v63  }
0x7b: {  	_ = 	snop  }
0x7c: {  	[tilespmem:s29], [sflag:$0x5] =	stream.indirect_vreg.gather [hbm4b:s9+s1], $0x80, v3, vm0, $0xb8;
	[tilespmem:$0x19000] =	vst v63  }
0x7d: {  	_ = 	snop  }
0x7e: {  	[tilespmem:s30], [sflag:$0x5] =	stream.indirect_vreg.gather [hbm4b:s10+s1], $0x80, v3, vm0, $0xb8;
	[tilespmem:$0x19000] =	vst v63  }
0x7f: {  	_ = 	snop  }
0x80: {  	[tilespmem:s31], [sflag:$0x5] =	stream.indirect_vreg.gather [hbm4b:s11+s1], $0x80, v3, vm0, $0xb8;
	[tilespmem:$0x19000] =	vst v63  }
0x81: {  	s23 =	rddreg [dreg:$0x6]  }
0x82: {  	[tilespmem:s0], [sflag:$0x3] =	stream.linear.gather [hbm4b:s23+s1], $0x4000, $0x38;
	[tilespmem:$0x19000] =	vst v63  }
0x83: {  	v3 =	vld [tilespmem:$0x100];
	_ =	sdelay $0x4  }
0x84: {  	v4 =	vshll.u32 v3, $0x3  }
0x85: {  	v3 =	vand.u32 $0x7, v3;
	v4 =	vand.u32 $0xFFFFFFC0, v4  }
0x86: {  	v3 =	vor.u32 v3, v4  }
0x87: {  	v4 =	vperm.xlane v3, v0;
	_ =	sdelay $0x1  }
0x88: {  	v4 =	vadd.s32 v1, v4;
	_ =	sdelay $0x3  }
0x89: {  	s19 =	simm.s32 $0x15000  }
0x8a: {  	[tilespmem:s19], [sflag:$0x6] =	stream.indirect_vreg.gather [hbm4b:s3+s1], $0x80, v4, vm0, $0xb8;
	[tilespmem:$0x19000] =	vst v63  }
0x8b: {  	s20 =	simm.s32 $0x15800;
	v3 =	vperm.xlane v3, v2  }
0x8c: {  	[tilespmem:s20], [sflag:$0x6] =	stream.indirect_vreg.gather [hbm4b:s9+s1], $0x80, v4, vm0, $0xb8;
	[tilespmem:$0x19000] =	vst v63  }
0x8d: {  	s21 =	simm.s32 $0x16000;
	v3 =	vadd.s32 v1, v3  }
0x8e: {  	[tilespmem:s21], [sflag:$0x6] =	stream.indirect_vreg.gather [hbm4b:s10+s1], $0x80, v4, vm0, $0xb8;
	[tilespmem:$0x19000] =	vst v63  }
0x8f: {  	s22 =	simm.s32 $0x16800  }
0x90: {  	[tilespmem:s22], [sflag:$0x6] =	stream.indirect_vreg.gather [hbm4b:s11+s1], $0x80, v4, vm0, $0xb8;
	[tilespmem:$0x19000] =	vst v63  }
0x91: {  	s23 =	simm.s32 $0x17000  }
0x92: {  	[tilespmem:s23], [sflag:$0x6] =	stream.indirect_vreg.gather [hbm4b:s3+s1], $0x80, v3, vm0, $0xb8;
	[tilespmem:$0x19000] =	vst v63  }
0x93: {  	s19 =	simm.s32 $0x17800  }
0x94: {  	[tilespmem:s19], [sflag:$0x6] =	stream.indirect_vreg.gather [hbm4b:s9+s1], $0x80, v3, vm0, $0xb8;
	[tilespmem:$0x19000] =	vst v63  }
0x95: {  	s20 =	simm.s32 $0x18000  }
0x96: {  	[tilespmem:s20], [sflag:$0x6] =	stream.indirect_vreg.gather [hbm4b:s10+s1], $0x80, v3, vm0, $0xb8;
	[tilespmem:$0x19000] =	vst v63  }
0x97: {  	s21 =	simm.s32 $0x18800  }
0x98: {  	[tilespmem:s21], [sflag:$0x6] =	stream.indirect_vreg.gather [hbm4b:s11+s1], $0x80, v3, vm0, $0xb8;
	[tilespmem:$0x19000] =	vst v63  }
0x99: {  	_ =	swait.ge [sflag:s4], $0x4000  }
0x9a: {  	s22 =	simm.s32 $0x0;
	[sflag:s4] =	ssyncset.done $0x0  }
0x9b: {  	s18 =	sand.u32 $0x2000, s22;
	[sflag:s4] =	ssyncadd.s32 $0xFFFFC000  }
0x9c: {  	s19 =	sand.u32 $0x1C00, s1;
	s20 =	simm.s32 $0x0;
	_ =	swait.ge [sflag:s5], $0x4000  }
0x9d: {  	s18 =	sor.u32 s19, s18;
	s23 =	sand.u32 $0x380, s20;
	[sflag:s5] =	ssyncset.done $0x0  }
0x9e: {  	s18 =	sor.u32 s23, s18;
	[sflag:s5] =	ssyncadd.s32 $0xFFFFC000  }
0x9f: {  	v3 =	vld [tilespmem:s18+$0xD070]  }
0xa0: {  	v8 =	vld [tilespmem:s18+$0xD000]  }
0xa1: {  	v9 =	vld [tilespmem:s18+$0xD010]  }
0xa2: {  	v7 =	vld [tilespmem:s18+$0xD020]  }
0xa3: {  	v6 =	vld [tilespmem:s18+$0xD030]  }
0xa4: {  	v5 =	vld [tilespmem:s18+$0xD040]  }
0xa5: {  	v4 =	vld [tilespmem:s18+$0xD060]  }
0xa6: {  	[tilespmem:s18+$0x1070] =	vst.add.f32.msk $0xffff, v3  }
0xa7: {  	v3 =	vld [tilespmem:s18+$0xD050]  }
0xa8: {  	[tilespmem:s18+$0x1000] =	vst.add.f32.msk $0xffff, v8  }
0xa9: {  	s19 =	simm.s32 $0x0;
	s20 =	simm.s32 $0x0;
	[tilespmem:s18+$0x1010] =	vst.add.f32.msk $0xffff, v9  }
.LBB2_2:
0xaa: {  	s19 =	sadd.s32 $0x8, s19;
	[tilespmem:s18+$0x1020] =	vst.add.f32.msk $0xffff, v7  }
0xab: {  	s20 =	sadd.s32 $0x400, s20;
	s21 =	sshll.u32 s19, $0x4;
	p0 =	slt.u32 s19, $0x3F8;
	[tilespmem:s18+$0x1030] =	vst.add.f32.msk $0xffff, v6  }
0xac: {  	s22 =	sand.u32 $0x1C00, s20;
	s23 =	sshll.u32 s19, $0x1;
	s21 =	sand.u32 $0x2000, s21;
	[tilespmem:s18+$0x1040] =	vst.add.f32.msk $0xffff, v5  }
0xad: {  	s21 =	sor.u32 s22, s21;
	s22 =	sand.u32 $0x380, s23;
	[tilespmem:s18+$0x1050] =	vst.add.f32.msk $0xffff, v3  }
0xae: {  	[tilespmem:s18+$0x1060] =	vst.add.f32.msk $0xffff, v4;
	s18 =	sor.u32 s22, s21  }
0xaf: {  	v3 =	vld [tilespmem:s18+$0xD070]  }
0xb0: {  	v8 =	vld [tilespmem:s18+$0xD000]  }
0xb1: {  	v9 =	vld [tilespmem:s18+$0xD010]  }
0xb2: {  	v7 =	vld [tilespmem:s18+$0xD020]  }
0xb3: {  	v6 =	vld [tilespmem:s18+$0xD030]  }
0xb4: {  	[tilespmem:s18+$0x1070] =	vst.add.f32.msk $0xffff, v3  }
.Ltmp0:
0xb5: {  	v5 =	vld [tilespmem:s18+$0xD040];
	(pc) =	sbr.rel @p0 .LBB2_2-.Ltmp0, $4  }
0xb6: {  	v3 =	vld [tilespmem:s18+$0xD050]  }
0xb7: {  	v4 =	vld [tilespmem:s18+$0xD060]  }
0xb8: {  	[tilespmem:s18+$0x1000] =	vst.add.f32.msk $0xffff, v8  }
0xb9: {  	[tilespmem:s18+$0x1010] =	vst.add.f32.msk $0xffff, v9  }
0xba: {  	[tilespmem:s18+$0x1020] =	vst.add.f32.msk $0xffff, v7  }
0xbb: {  	[tilespmem:s18+$0x1030] =	vst.add.f32.msk $0xffff, v6  }
0xbc: {  	[tilespmem:s18+$0x1040] =	vst.add.f32.msk $0xffff, v5  }
0xbd: {  	[tilespmem:s18+$0x1050] =	vst.add.f32.msk $0xffff, v3  }
0xbe: {  	[tilespmem:s18+$0x1060] =	vst.add.f32.msk $0xffff, v4  }
0xbf: {  	s19 =	sld [smem:$0x7F5];
	_ =	sdelay $0x1  }
0xc0: {  	s18 =	simm.s32 $0x0  }
0xc1: {  	[hbm4b:s19+s18] =	stream.linear.scatter [tilespmem:s12], [sflag:$0x7], $0x4000, $0x38;
	[tilespmem:$0x19000] =	vst v63  }
0xc2: {  	_ =	swait.ge [sflag:s6], $0x4000  }
0xc3: {  	[sflag:s6] =	ssyncset.done $0x0  }
0xc4: {  	s21 =	rddreg [dreg:$0x7];
	[sflag:s6] =	ssyncadd.s32 $0xFFFFC000  }
0xc5: {  	[tilespmem:s12], [sflag:$0x1] =	stream.linear.gather [hbm4b:s21+s18], $0x4000, $0x38;
	[tilespmem:$0x19000] =	vst v63  }
0xc6: {  	v3 =	vld [tilespmem:$0x180];
	_ =	sdelay $0x4  }
0xc7: {  	v4 =	vshll.u32 v3, $0x3  }
0xc8: {  	v3 =	vand.u32 $0x7, v3;
	v4 =	vand.u32 $0xFFFFFFC0, v4  }
0xc9: {  	v3 =	vor.u32 v3, v4  }
0xca: {  	v4 =	vperm.xlane v3, v0;
	_ =	sdelay $0x1  }
0xcb: {  	v4 =	vadd.s32 v1, v4;
	_ =	sdelay $0x3  }
0xcc: {  	s22 =	simm.s32 $0xD000  }
0xcd: {  	[tilespmem:s22], [sflag:$0x4] =	stream.indirect_vreg.gather [hbm4b:s3+s18], $0x80, v4, vm0, $0xb8;
	[tilespmem:$0x19000] =	vst v63  }
0xce: {  	s23 =	simm.s32 $0xD800;
	v3 =	vperm.xlane v3, v2  }
0xcf: {  	[tilespmem:s23], [sflag:$0x4] =	stream.indirect_vreg.gather [hbm4b:s9+s18], $0x80, v4, vm0, $0xb8;
	[tilespmem:$0x19000] =	vst v63  }
0xd0: {  	s20 =	simm.s32 $0xE000;
	v3 =	vadd.s32 v1, v3  }
0xd1: {  	[tilespmem:s20], [sflag:$0x4] =	stream.indirect_vreg.gather [hbm4b:s10+s18], $0x80, v4, vm0, $0xb8;
	[tilespmem:$0x19000] =	vst v63  }
0xd2: {  	s21 =	simm.s32 $0xE800  }
0xd3: {  	[tilespmem:s21], [sflag:$0x4] =	stream.indirect_vreg.gather [hbm4b:s11+s18], $0x80, v4, vm0, $0xb8;
	[tilespmem:$0x19000] =	vst v63  }
0xd4: {  	s22 =	simm.s32 $0xF000  }
0xd5: {  	[tilespmem:s22], [sflag:$0x4] =	stream.indirect_vreg.gather [hbm4b:s3+s18], $0x80, v3, vm0, $0xb8;
	[tilespmem:$0x19000] =	vst v63  }
0xd6: {  	s23 =	simm.s32 $0xF800  }
0xd7: {  	[tilespmem:s23], [sflag:$0x4] =	stream.indirect_vreg.gather [hbm4b:s9+s18], $0x80, v3, vm0, $0xb8;
	[tilespmem:$0x19000] =	vst v63  }
0xd8: {  	s20 =	simm.s32 $0x10000  }
0xd9: {  	[tilespmem:s20], [sflag:$0x4] =	stream.indirect_vreg.gather [hbm4b:s10+s18], $0x80, v3, vm0, $0xb8;
	[tilespmem:$0x19000] =	vst v63  }
0xda: {  	s21 =	simm.s32 $0x10800  }
0xdb: {  	[tilespmem:s21], [sflag:$0x4] =	stream.indirect_vreg.gather [hbm4b:s11+s18], $0x80, v3, vm0, $0xb8;
	[tilespmem:$0x19000] =	vst v63  }
0xdc: {  	_ =	swait.ge [sflag:s7], $0x4000  }
0xdd: {  	s22 =	simm.s32 $0x0;
	[sflag:s7] =	ssyncset.done $0x0  }
0xde: {  	s19 =	sand.u32 $0x2000, s22;
	[sflag:s7] =	ssyncadd.s32 $0xFFFFC000  }
0xdf: {  	s20 =	sand.u32 $0x1C00, s18;
	s21 =	simm.s32 $0x0;
	_ =	swait.ge [sflag:s8], $0x4000  }
0xe0: {  	s19 =	sor.u32 s20, s19;
	s23 =	sand.u32 $0x380, s21;
	[sflag:s8] =	ssyncset.done $0x0  }
0xe1: {  	s19 =	sor.u32 s23, s19;
	[sflag:s8] =	ssyncadd.s32 $0xFFFFC000  }
0xe2: {  	v3 =	vld [tilespmem:s19+$0x11070]  }
0xe3: {  	v8 =	vld [tilespmem:s19+$0x11000]  }
0xe4: {  	v9 =	vld [tilespmem:s19+$0x11010]  }
0xe5: {  	v7 =	vld [tilespmem:s19+$0x11020]  }
0xe6: {  	v6 =	vld [tilespmem:s19+$0x11030]  }
0xe7: {  	v5 =	vld [tilespmem:s19+$0x11040]  }
0xe8: {  	v4 =	vld [tilespmem:s19+$0x11060]  }
0xe9: {  	[tilespmem:s19+$0x5070] =	vst.add.f32.msk $0xffff, v3  }
0xea: {  	v3 =	vld [tilespmem:s19+$0x11050]  }
0xeb: {  	[tilespmem:s19+$0x5000] =	vst.add.f32.msk $0xffff, v8  }
0xec: {  	s20 =	simm.s32 $0x0;
	[tilespmem:s19+$0x5010] =	vst.add.f32.msk $0xffff, v9  }
.LBB2_4:
0xed: {  	s20 =	sadd.s32 $0x8, s20;
	[tilespmem:s19+$0x5020] =	vst.add.f32.msk $0xffff, v7  }
0xee: {  	s18 =	sadd.s32 $0x400, s18;
	s21 =	sshll.u32 s20, $0x4;
	p0 =	slt.u32 s20, $0x3F8;
	[tilespmem:s19+$0x5030] =	vst.add.f32.msk $0xffff, v6  }
0xef: {  	s22 =	sand.u32 $0x1C00, s18;
	s23 =	sshll.u32 s20, $0x1;
	s21 =	sand.u32 $0x2000, s21;
	[tilespmem:s19+$0x5040] =	vst.add.f32.msk $0xffff, v5  }
0xf0: {  	s21 =	sor.u32 s22, s21;
	s22 =	sand.u32 $0x380, s23;
	[tilespmem:s19+$0x5050] =	vst.add.f32.msk $0xffff, v3  }
0xf1: {  	[tilespmem:s19+$0x5060] =	vst.add.f32.msk $0xffff, v4;
	s19 =	sor.u32 s22, s21  }
0xf2: {  	v3 =	vld [tilespmem:s19+$0x11070]  }
0xf3: {  	v8 =	vld [tilespmem:s19+$0x11000]  }
0xf4: {  	v9 =	vld [tilespmem:s19+$0x11010]  }
0xf5: {  	v7 =	vld [tilespmem:s19+$0x11020]  }
0xf6: {  	v6 =	vld [tilespmem:s19+$0x11030]  }
0xf7: {  	[tilespmem:s19+$0x5070] =	vst.add.f32.msk $0xffff, v3  }
.Ltmp1:
0xf8: {  	v5 =	vld [tilespmem:s19+$0x11040];
	(pc) =	sbr.rel @p0 .LBB2_4-.Ltmp1, $4  }
0xf9: {  	v3 =	vld [tilespmem:s19+$0x11050]  }
0xfa: {  	v4 =	vld [tilespmem:s19+$0x11060]  }
0xfb: {  	[tilespmem:s19+$0x5000] =	vst.add.f32.msk $0xffff, v8  }
0xfc: {  	[tilespmem:s19+$0x5010] =	vst.add.f32.msk $0xffff, v9  }
0xfd: {  	[tilespmem:s19+$0x5020] =	vst.add.f32.msk $0xffff, v7  }
0xfe: {  	[tilespmem:s19+$0x5030] =	vst.add.f32.msk $0xffff, v6  }
0xff: {  	[tilespmem:s19+$0x5040] =	vst.add.f32.msk $0xffff, v5  }
0x100: {  	[tilespmem:s19+$0x5050] =	vst.add.f32.msk $0xffff, v3  }
0x101: {  	[tilespmem:s19+$0x5060] =	vst.add.f32.msk $0xffff, v4  }
0x102: {  	s18 =	simm.s32 $0x0;
	s19 =	rddreg [dreg:$0x8]  }
0x103: {  	[hbm4b:s19+s18] =	stream.linear.scatter [tilespmem:s13], [sflag:$0x8], $0x4000, $0x38;
	[tilespmem:$0x19000] =	vst v63  }
0x104: {  	_ =	swait.ge [sflag:s14], $0x4000  }
0x105: {  	[sflag:s14] =	ssyncset.done $0x0  }
0x106: {  	s20 =	rddreg [dreg:$0x9];
	[sflag:s14] =	ssyncadd.s32 $0xFFFFC000  }
0x107: {  	[tilespmem:s13], [sflag:$0x2] =	stream.linear.gather [hbm4b:s20+s18], $0x4000, $0x38;
	[tilespmem:$0x19000] =	vst v63  }
0x108: {  	v3 =	vld [tilespmem:$0x200];
	_ =	sdelay $0x4  }
0x109: {  	v4 =	vshll.u32 v3, $0x3  }
0x10a: {  	v3 =	vand.u32 $0x7, v3;
	v4 =	vand.u32 $0xFFFFFFC0, v4  }
0x10b: {  	v3 =	vor.u32 v3, v4  }
0x10c: {  	v4 =	vperm.xlane v3, v0;
	_ =	sdelay $0x1  }
0x10d: {  	v4 =	vadd.s32 v1, v4;
	_ =	sdelay $0x3  }
0x10e: {  	s21 =	simm.s32 $0x11000  }
0x10f: {  	[tilespmem:s21], [sflag:$0x5] =	stream.indirect_vreg.gather [hbm4b:s3+s18], $0x80, v4, vm0, $0xb8;
	[tilespmem:$0x19000] =	vst v63  }
0x110: {  	v3 =	vperm.xlane v3, v2  }
0x111: {  	[tilespmem:s24], [sflag:$0x5] =	stream.indirect_vreg.gather [hbm4b:s9+s18], $0x80, v4, vm0, $0xb8;
	[tilespmem:$0x19000] =	vst v63  }
0x112: {  	v3 =	vadd.s32 v1, v3  }
0x113: {  	[tilespmem:s25], [sflag:$0x5] =	stream.indirect_vreg.gather [hbm4b:s10+s18], $0x80, v4, vm0, $0xb8;
	[tilespmem:$0x19000] =	vst v63  }
0x114: {  	_ = 	snop  }
0x115: {  	[tilespmem:s26], [sflag:$0x5] =	stream.indirect_vreg.gather [hbm4b:s11+s18], $0x80, v4, vm0, $0xb8;
	[tilespmem:$0x19000] =	vst v63  }
0x116: {  	_ = 	snop  }
0x117: {  	[tilespmem:s28], [sflag:$0x5] =	stream.indirect_vreg.gather [hbm4b:s3+s18], $0x80, v3, vm0, $0xb8;
	[tilespmem:$0x19000] =	vst v63  }
0x118: {  	_ = 	snop  }
0x119: {  	[tilespmem:s29], [sflag:$0x5] =	stream.indirect_vreg.gather [hbm4b:s9+s18], $0x80, v3, vm0, $0xb8;
	[tilespmem:$0x19000] =	vst v63  }
0x11a: {  	_ = 	snop  }
0x11b: {  	[tilespmem:s30], [sflag:$0x5] =	stream.indirect_vreg.gather [hbm4b:s10+s18], $0x80, v3, vm0, $0xb8;
	[tilespmem:$0x19000] =	vst v63  }
0x11c: {  	_ = 	snop  }
0x11d: {  	[tilespmem:s31], [sflag:$0x5] =	stream.indirect_vreg.gather [hbm4b:s11+s18], $0x80, v3, vm0, $0xb8;
	[tilespmem:$0x19000] =	vst v63  }
0x11e: {  	_ =	swait.ge [sflag:s2], $0x4000  }
0x11f: {  	s22 =	simm.s32 $0x0;
	[sflag:s2] =	ssyncset.done $0x0  }
0x120: {  	s19 =	sand.u32 $0x2000, s22;
	[sflag:s2] =	ssyncadd.s32 $0xFFFFC000  }
0x121: {  	s20 =	sand.u32 $0x1C00, s18;
	s21 =	simm.s32 $0x0;
	_ =	swait.ge [sflag:s15], $0x4000  }
0x122: {  	s19 =	sor.u32 s20, s19;
	s23 =	sand.u32 $0x380, s21;
	[sflag:s15] =	ssyncset.done $0x0  }
0x123: {  	s19 =	sor.u32 s23, s19;
	[sflag:s15] =	ssyncadd.s32 $0xFFFFC000  }
0x124: {  	v3 =	vld [tilespmem:s19+$0x15070]  }
0x125: {  	v8 =	vld [tilespmem:s19+$0x15000]  }
0x126: {  	v9 =	vld [tilespmem:s19+$0x15010]  }
0x127: {  	v7 =	vld [tilespmem:s19+$0x15020]  }
0x128: {  	v6 =	vld [tilespmem:s19+$0x15030]  }
0x129: {  	v5 =	vld [tilespmem:s19+$0x15040]  }
0x12a: {  	v4 =	vld [tilespmem:s19+$0x15060]  }
0x12b: {  	[tilespmem:s19+$0x9070] =	vst.add.f32.msk $0xffff, v3  }
0x12c: {  	v3 =	vld [tilespmem:s19+$0x15050]  }
0x12d: {  	[tilespmem:s19+$0x9000] =	vst.add.f32.msk $0xffff, v8  }
0x12e: {  	s20 =	simm.s32 $0x0;
	[tilespmem:s19+$0x9010] =	vst.add.f32.msk $0xffff, v9  }
.LBB2_6:
0x12f: {  	s20 =	sadd.s32 $0x8, s20;
	[tilespmem:s19+$0x9020] =	vst.add.f32.msk $0xffff, v7  }
0x130: {  	s18 =	sadd.s32 $0x400, s18;
	s21 =	sshll.u32 s20, $0x4;
	p0 =	slt.u32 s20, $0x3F8;
	[tilespmem:s19+$0x9030] =	vst.add.f32.msk $0xffff, v6  }
0x131: {  	s22 =	sand.u32 $0x1C00, s18;
	s23 =	sshll.u32 s20, $0x1;
	s21 =	sand.u32 $0x2000, s21;
	[tilespmem:s19+$0x9040] =	vst.add.f32.msk $0xffff, v5  }
0x132: {  	s21 =	sor.u32 s22, s21;
	s22 =	sand.u32 $0x380, s23;
	[tilespmem:s19+$0x9050] =	vst.add.f32.msk $0xffff, v3  }
0x133: {  	[tilespmem:s19+$0x9060] =	vst.add.f32.msk $0xffff, v4;
	s19 =	sor.u32 s22, s21  }
0x134: {  	v3 =	vld [tilespmem:s19+$0x15070]  }
0x135: {  	v8 =	vld [tilespmem:s19+$0x15000]  }
0x136: {  	v9 =	vld [tilespmem:s19+$0x15010]  }
0x137: {  	v7 =	vld [tilespmem:s19+$0x15020]  }
0x138: {  	v6 =	vld [tilespmem:s19+$0x15030]  }
0x139: {  	[tilespmem:s19+$0x9070] =	vst.add.f32.msk $0xffff, v3  }
.Ltmp2:
0x13a: {  	v5 =	vld [tilespmem:s19+$0x15040];
	(pc) =	sbr.rel @p0 .LBB2_6-.Ltmp2, $4  }
0x13b: {  	v3 =	vld [tilespmem:s19+$0x15050]  }
0x13c: {  	v4 =	vld [tilespmem:s19+$0x15060]  }
0x13d: {  	[tilespmem:s19+$0x9000] =	vst.add.f32.msk $0xffff, v8  }
0x13e: {  	[tilespmem:s19+$0x9010] =	vst.add.f32.msk $0xffff, v9  }
0x13f: {  	[tilespmem:s19+$0x9020] =	vst.add.f32.msk $0xffff, v7  }
0x140: {  	[tilespmem:s19+$0x9030] =	vst.add.f32.msk $0xffff, v6  }
0x141: {  	[tilespmem:s19+$0x9040] =	vst.add.f32.msk $0xffff, v5  }
0x142: {  	[tilespmem:s19+$0x9050] =	vst.add.f32.msk $0xffff, v3  }
0x143: {  	[tilespmem:s19+$0x9060] =	vst.add.f32.msk $0xffff, v4  }
0x144: {  	s18 =	simm.s32 $0x0;
	s19 =	rddreg [dreg:$0xa]  }
0x145: {  	[hbm4b:s19+s18] =	stream.linear.scatter [tilespmem:s0], [sflag:$0x9], $0x4000, $0x38;
	[tilespmem:$0x19000] =	vst v63  }
0x146: {  	_ =	swait.ge [sflag:s16], $0x4000  }
0x147: {  	[sflag:s16] =	ssyncset.done $0x0  }
0x148: {  	s21 =	rddreg [dreg:$0xb];
	[sflag:s16] =	ssyncadd.s32 $0xFFFFC000  }
0x149: {  	[tilespmem:s0], [sflag:$0x3] =	stream.linear.gather [hbm4b:s21+s18], $0x4000, $0x38;
	[tilespmem:$0x19000] =	vst v63  }
0x14a: {  	v3 =	vld [tilespmem:$0x280];
	_ =	sdelay $0x4  }
0x14b: {  	v4 =	vshll.u32 v3, $0x3  }
0x14c: {  	v3 =	vand.u32 $0x7, v3;
	v4 =	vand.u32 $0xFFFFFFC0, v4  }
0x14d: {  	v3 =	vor.u32 v3, v4  }
0x14e: {  	v4 =	vperm.xlane v3, v0;
	_ =	sdelay $0x1  }
0x14f: {  	v4 =	vadd.s32 v1, v4;
	_ =	sdelay $0x3  }
0x150: {  	s22 =	simm.s32 $0x15000  }
0x151: {  	[tilespmem:s22], [sflag:$0x6] =	stream.indirect_vreg.gather [hbm4b:s3+s18], $0x80, v4, vm0, $0xb8;
	[tilespmem:$0x19000] =	vst v63  }
0x152: {  	s23 =	simm.s32 $0x15800;
	v3 =	vperm.xlane v3, v2  }
0x153: {  	[tilespmem:s23], [sflag:$0x6] =	stream.indirect_vreg.gather [hbm4b:s9+s18], $0x80, v4, vm0, $0xb8;
	[tilespmem:$0x19000] =	vst v63  }
0x154: {  	s20 =	simm.s32 $0x16000;
	v3 =	vadd.s32 v1, v3  }
0x155: {  	[tilespmem:s20], [sflag:$0x6] =	stream.indirect_vreg.gather [hbm4b:s10+s18], $0x80, v4, vm0, $0xb8;
	[tilespmem:$0x19000] =	vst v63  }
0x156: {  	s21 =	simm.s32 $0x16800  }
0x157: {  	[tilespmem:s21], [sflag:$0x6] =	stream.indirect_vreg.gather [hbm4b:s11+s18], $0x80, v4, vm0, $0xb8;
	[tilespmem:$0x19000] =	vst v63  }
0x158: {  	s22 =	simm.s32 $0x17000  }
0x159: {  	[tilespmem:s22], [sflag:$0x6] =	stream.indirect_vreg.gather [hbm4b:s3+s18], $0x80, v3, vm0, $0xb8;
	[tilespmem:$0x19000] =	vst v63  }
0x15a: {  	s23 =	simm.s32 $0x17800  }
0x15b: {  	[tilespmem:s23], [sflag:$0x6] =	stream.indirect_vreg.gather [hbm4b:s9+s18], $0x80, v3, vm0, $0xb8;
	[tilespmem:$0x19000] =	vst v63  }
0x15c: {  	s20 =	simm.s32 $0x18000  }
0x15d: {  	[tilespmem:s20], [sflag:$0x6] =	stream.indirect_vreg.gather [hbm4b:s10+s18], $0x80, v3, vm0, $0xb8;
	[tilespmem:$0x19000] =	vst v63  }
0x15e: {  	s21 =	simm.s32 $0x18800  }
0x15f: {  	[tilespmem:s21], [sflag:$0x6] =	stream.indirect_vreg.gather [hbm4b:s11+s18], $0x80, v3, vm0, $0xb8;
	[tilespmem:$0x19000] =	vst v63  }
0x160: {  	_ =	swait.ge [sflag:s4], $0x4000  }
0x161: {  	s22 =	simm.s32 $0x0;
	[sflag:s4] =	ssyncset.done $0x0  }
0x162: {  	s19 =	sand.u32 $0x2000, s22;
	[sflag:s4] =	ssyncadd.s32 $0xFFFFC000  }
0x163: {  	s20 =	sand.u32 $0x1C00, s18;
	s21 =	simm.s32 $0x0;
	_ =	swait.ge [sflag:s5], $0x4000  }
0x164: {  	s19 =	sor.u32 s20, s19;
	s23 =	sand.u32 $0x380, s21;
	[sflag:s5] =	ssyncset.done $0x0  }
0x165: {  	s19 =	sor.u32 s23, s19;
	[sflag:s5] =	ssyncadd.s32 $0xFFFFC000  }
0x166: {  	v3 =	vld [tilespmem:s19+$0xD070]  }
0x167: {  	v8 =	vld [tilespmem:s19+$0xD000]  }
0x168: {  	v9 =	vld [tilespmem:s19+$0xD010]  }
0x169: {  	v7 =	vld [tilespmem:s19+$0xD020]  }
0x16a: {  	v6 =	vld [tilespmem:s19+$0xD030]  }
0x16b: {  	v5 =	vld [tilespmem:s19+$0xD040]  }
0x16c: {  	v4 =	vld [tilespmem:s19+$0xD060]  }
0x16d: {  	[tilespmem:s19+$0x1070] =	vst.add.f32.msk $0xffff, v3  }
0x16e: {  	v3 =	vld [tilespmem:s19+$0xD050]  }
0x16f: {  	[tilespmem:s19+$0x1000] =	vst.add.f32.msk $0xffff, v8  }
0x170: {  	s20 =	simm.s32 $0x0;
	[tilespmem:s19+$0x1010] =	vst.add.f32.msk $0xffff, v9  }
.LBB2_8:
0x171: {  	s20 =	sadd.s32 $0x8, s20;
	[tilespmem:s19+$0x1020] =	vst.add.f32.msk $0xffff, v7  }
0x172: {  	s18 =	sadd.s32 $0x400, s18;
	s21 =	sshll.u32 s20, $0x4;
	p0 =	slt.u32 s20, $0x3F8;
	[tilespmem:s19+$0x1030] =	vst.add.f32.msk $0xffff, v6  }
0x173: {  	s22 =	sand.u32 $0x1C00, s18;
	s23 =	sshll.u32 s20, $0x1;
	s21 =	sand.u32 $0x2000, s21;
	[tilespmem:s19+$0x1040] =	vst.add.f32.msk $0xffff, v5  }
0x174: {  	s21 =	sor.u32 s22, s21;
	s22 =	sand.u32 $0x380, s23;
	[tilespmem:s19+$0x1050] =	vst.add.f32.msk $0xffff, v3  }
0x175: {  	[tilespmem:s19+$0x1060] =	vst.add.f32.msk $0xffff, v4;
	s19 =	sor.u32 s22, s21  }
0x176: {  	v3 =	vld [tilespmem:s19+$0xD070]  }
0x177: {  	v8 =	vld [tilespmem:s19+$0xD000]  }
0x178: {  	v9 =	vld [tilespmem:s19+$0xD010]  }
0x179: {  	v7 =	vld [tilespmem:s19+$0xD020]  }
0x17a: {  	v6 =	vld [tilespmem:s19+$0xD030]  }
0x17b: {  	[tilespmem:s19+$0x1070] =	vst.add.f32.msk $0xffff, v3  }
.Ltmp3:
0x17c: {  	v5 =	vld [tilespmem:s19+$0xD040];
	(pc) =	sbr.rel @p0 .LBB2_8-.Ltmp3, $4  }
0x17d: {  	v3 =	vld [tilespmem:s19+$0xD050]  }
0x17e: {  	v4 =	vld [tilespmem:s19+$0xD060]  }
0x17f: {  	[tilespmem:s19+$0x1000] =	vst.add.f32.msk $0xffff, v8  }
0x180: {  	[tilespmem:s19+$0x1010] =	vst.add.f32.msk $0xffff, v9  }
0x181: {  	[tilespmem:s19+$0x1020] =	vst.add.f32.msk $0xffff, v7  }
0x182: {  	[tilespmem:s19+$0x1030] =	vst.add.f32.msk $0xffff, v6  }
0x183: {  	[tilespmem:s19+$0x1040] =	vst.add.f32.msk $0xffff, v5  }
0x184: {  	[tilespmem:s19+$0x1050] =	vst.add.f32.msk $0xffff, v3  }
0x185: {  	[tilespmem:s19+$0x1060] =	vst.add.f32.msk $0xffff, v4  }
0x186: {  	s18 =	simm.s32 $0x0;
	s19 =	rddreg [dreg:$0xc]  }
0x187: {  	[hbm4b:s19+s18] =	stream.linear.scatter [tilespmem:s12], [sflag:$0x7], $0x4000, $0x38;
	[tilespmem:$0x19000] =	vst v63  }
0x188: {  	_ =	swait.ge [sflag:s6], $0x4000  }
0x189: {  	[sflag:s6] =	ssyncset.done $0x0  }
0x18a: {  	s21 =	rddreg [dreg:$0xd];
	[sflag:s6] =	ssyncadd.s32 $0xFFFFC000  }
0x18b: {  	[tilespmem:s12], [sflag:$0x1] =	stream.linear.gather [hbm4b:s21+s18], $0x4000, $0x38;
	[tilespmem:$0x19000] =	vst v63  }
0x18c: {  	v3 =	vld [tilespmem:$0x300];
	_ =	sdelay $0x4  }
0x18d: {  	v4 =	vshll.u32 v3, $0x3  }
0x18e: {  	v3 =	vand.u32 $0x7, v3;
	v4 =	vand.u32 $0xFFFFFFC0, v4  }
0x18f: {  	v3 =	vor.u32 v3, v4  }
0x190: {  	v4 =	vperm.xlane v3, v0;
	_ =	sdelay $0x1  }
0x191: {  	v4 =	vadd.s32 v1, v4;
	_ =	sdelay $0x3  }
0x192: {  	s22 =	simm.s32 $0xD000  }
0x193: {  	[tilespmem:s22], [sflag:$0x4] =	stream.indirect_vreg.gather [hbm4b:s3+s18], $0x80, v4, vm0, $0xb8;
	[tilespmem:$0x19000] =	vst v63  }
0x194: {  	s23 =	simm.s32 $0xD800;
	v3 =	vperm.xlane v3, v2  }
0x195: {  	[tilespmem:s23], [sflag:$0x4] =	stream.indirect_vreg.gather [hbm4b:s9+s18], $0x80, v4, vm0, $0xb8;
	[tilespmem:$0x19000] =	vst v63  }
0x196: {  	s20 =	simm.s32 $0xE000;
	v3 =	vadd.s32 v1, v3  }
0x197: {  	[tilespmem:s20], [sflag:$0x4] =	stream.indirect_vreg.gather [hbm4b:s10+s18], $0x80, v4, vm0, $0xb8;
	[tilespmem:$0x19000] =	vst v63  }
0x198: {  	s21 =	simm.s32 $0xE800  }
0x199: {  	[tilespmem:s21], [sflag:$0x4] =	stream.indirect_vreg.gather [hbm4b:s11+s18], $0x80, v4, vm0, $0xb8;
	[tilespmem:$0x19000] =	vst v63  }
0x19a: {  	s22 =	simm.s32 $0xF000  }
0x19b: {  	[tilespmem:s22], [sflag:$0x4] =	stream.indirect_vreg.gather [hbm4b:s3+s18], $0x80, v3, vm0, $0xb8;
	[tilespmem:$0x19000] =	vst v63  }
0x19c: {  	s23 =	simm.s32 $0xF800  }
0x19d: {  	[tilespmem:s23], [sflag:$0x4] =	stream.indirect_vreg.gather [hbm4b:s9+s18], $0x80, v3, vm0, $0xb8;
	[tilespmem:$0x19000] =	vst v63  }
0x19e: {  	s20 =	simm.s32 $0x10000  }
0x19f: {  	[tilespmem:s20], [sflag:$0x4] =	stream.indirect_vreg.gather [hbm4b:s10+s18], $0x80, v3, vm0, $0xb8;
	[tilespmem:$0x19000] =	vst v63  }
0x1a0: {  	s21 =	simm.s32 $0x10800  }
0x1a1: {  	[tilespmem:s21], [sflag:$0x4] =	stream.indirect_vreg.gather [hbm4b:s11+s18], $0x80, v3, vm0, $0xb8;
	[tilespmem:$0x19000] =	vst v63  }
0x1a2: {  	_ =	swait.ge [sflag:s7], $0x4000  }
0x1a3: {  	s22 =	simm.s32 $0x0;
	[sflag:s7] =	ssyncset.done $0x0  }
0x1a4: {  	s19 =	sand.u32 $0x2000, s22;
	[sflag:s7] =	ssyncadd.s32 $0xFFFFC000  }
0x1a5: {  	s20 =	sand.u32 $0x1C00, s18;
	s21 =	simm.s32 $0x0;
	_ =	swait.ge [sflag:s8], $0x4000  }
0x1a6: {  	s19 =	sor.u32 s20, s19;
	s23 =	sand.u32 $0x380, s21;
	[sflag:s8] =	ssyncset.done $0x0  }
0x1a7: {  	s19 =	sor.u32 s23, s19;
	[sflag:s8] =	ssyncadd.s32 $0xFFFFC000  }
0x1a8: {  	v3 =	vld [tilespmem:s19+$0x11070]  }
0x1a9: {  	v8 =	vld [tilespmem:s19+$0x11000]  }
0x1aa: {  	v9 =	vld [tilespmem:s19+$0x11010]  }
0x1ab: {  	v7 =	vld [tilespmem:s19+$0x11020]  }
0x1ac: {  	v6 =	vld [tilespmem:s19+$0x11030]  }
0x1ad: {  	v5 =	vld [tilespmem:s19+$0x11040]  }
0x1ae: {  	v4 =	vld [tilespmem:s19+$0x11060]  }
0x1af: {  	[tilespmem:s19+$0x5070] =	vst.add.f32.msk $0xffff, v3  }
0x1b0: {  	v3 =	vld [tilespmem:s19+$0x11050]  }
0x1b1: {  	[tilespmem:s19+$0x5000] =	vst.add.f32.msk $0xffff, v8  }
0x1b2: {  	s20 =	simm.s32 $0x0;
	[tilespmem:s19+$0x5010] =	vst.add.f32.msk $0xffff, v9  }
.LBB2_10:
0x1b3: {  	s20 =	sadd.s32 $0x8, s20;
	[tilespmem:s19+$0x5020] =	vst.add.f32.msk $0xffff, v7  }
0x1b4: {  	s18 =	sadd.s32 $0x400, s18;
	s21 =	sshll.u32 s20, $0x4;
	p0 =	slt.u32 s20, $0x3F8;
	[tilespmem:s19+$0x5030] =	vst.add.f32.msk $0xffff, v6  }
0x1b5: {  	s22 =	sand.u32 $0x1C00, s18;
	s23 =	sshll.u32 s20, $0x1;
	s21 =	sand.u32 $0x2000, s21;
	[tilespmem:s19+$0x5040] =	vst.add.f32.msk $0xffff, v5  }
0x1b6: {  	s21 =	sor.u32 s22, s21;
	s22 =	sand.u32 $0x380, s23;
	[tilespmem:s19+$0x5050] =	vst.add.f32.msk $0xffff, v3  }
0x1b7: {  	[tilespmem:s19+$0x5060] =	vst.add.f32.msk $0xffff, v4;
	s19 =	sor.u32 s22, s21  }
0x1b8: {  	v3 =	vld [tilespmem:s19+$0x11070]  }
0x1b9: {  	v8 =	vld [tilespmem:s19+$0x11000]  }
0x1ba: {  	v9 =	vld [tilespmem:s19+$0x11010]  }
0x1bb: {  	v7 =	vld [tilespmem:s19+$0x11020]  }
0x1bc: {  	v6 =	vld [tilespmem:s19+$0x11030]  }
0x1bd: {  	[tilespmem:s19+$0x5070] =	vst.add.f32.msk $0xffff, v3  }
.Ltmp4:
0x1be: {  	v5 =	vld [tilespmem:s19+$0x11040];
	(pc) =	sbr.rel @p0 .LBB2_10-.Ltmp4, $4  }
0x1bf: {  	v3 =	vld [tilespmem:s19+$0x11050]  }
0x1c0: {  	v4 =	vld [tilespmem:s19+$0x11060]  }
0x1c1: {  	[tilespmem:s19+$0x5000] =	vst.add.f32.msk $0xffff, v8  }
0x1c2: {  	[tilespmem:s19+$0x5010] =	vst.add.f32.msk $0xffff, v9  }
0x1c3: {  	[tilespmem:s19+$0x5020] =	vst.add.f32.msk $0xffff, v7  }
0x1c4: {  	[tilespmem:s19+$0x5030] =	vst.add.f32.msk $0xffff, v6  }
0x1c5: {  	[tilespmem:s19+$0x5040] =	vst.add.f32.msk $0xffff, v5  }
0x1c6: {  	[tilespmem:s19+$0x5050] =	vst.add.f32.msk $0xffff, v3  }
0x1c7: {  	[tilespmem:s19+$0x5060] =	vst.add.f32.msk $0xffff, v4  }
0x1c8: {  	s18 =	simm.s32 $0x0;
	s19 =	rddreg [dreg:$0xe]  }
0x1c9: {  	[hbm4b:s19+s18] =	stream.linear.scatter [tilespmem:s13], [sflag:$0x8], $0x4000, $0x38;
	[tilespmem:$0x19000] =	vst v63  }
0x1ca: {  	_ =	swait.ge [sflag:s14], $0x4000  }
0x1cb: {  	[sflag:s14] =	ssyncset.done $0x0  }
0x1cc: {  	s20 =	rddreg [dreg:$0xf];
	[sflag:s14] =	ssyncadd.s32 $0xFFFFC000  }
0x1cd: {  	[tilespmem:s13], [sflag:$0x2] =	stream.linear.gather [hbm4b:s20+s18], $0x4000, $0x38;
	[tilespmem:$0x19000] =	vst v63  }
0x1ce: {  	v3 =	vld [tilespmem:$0x380];
	_ =	sdelay $0x4  }
0x1cf: {  	v4 =	vshll.u32 v3, $0x3  }
0x1d0: {  	v3 =	vand.u32 $0x7, v3;
	v4 =	vand.u32 $0xFFFFFFC0, v4  }
0x1d1: {  	v3 =	vor.u32 v3, v4  }
0x1d2: {  	v4 =	vperm.xlane v3, v0;
	_ =	sdelay $0x1  }
0x1d3: {  	v4 =	vadd.s32 v1, v4;
	_ =	sdelay $0x3  }
0x1d4: {  	s21 =	simm.s32 $0x11000  }
0x1d5: {  	[tilespmem:s21], [sflag:$0x5] =	stream.indirect_vreg.gather [hbm4b:s3+s18], $0x80, v4, vm0, $0xb8;
	[tilespmem:$0x19000] =	vst v63  }
0x1d6: {  	v3 =	vperm.xlane v3, v2  }
0x1d7: {  	[tilespmem:s24], [sflag:$0x5] =	stream.indirect_vreg.gather [hbm4b:s9+s18], $0x80, v4, vm0, $0xb8;
	[tilespmem:$0x19000] =	vst v63  }
0x1d8: {  	v3 =	vadd.s32 v1, v3  }
0x1d9: {  	[tilespmem:s25], [sflag:$0x5] =	stream.indirect_vreg.gather [hbm4b:s10+s18], $0x80, v4, vm0, $0xb8;
	[tilespmem:$0x19000] =	vst v63  }
0x1da: {  	_ = 	snop  }
0x1db: {  	[tilespmem:s26], [sflag:$0x5] =	stream.indirect_vreg.gather [hbm4b:s11+s18], $0x80, v4, vm0, $0xb8;
	[tilespmem:$0x19000] =	vst v63  }
0x1dc: {  	_ = 	snop  }
0x1dd: {  	[tilespmem:s28], [sflag:$0x5] =	stream.indirect_vreg.gather [hbm4b:s3+s18], $0x80, v3, vm0, $0xb8;
	[tilespmem:$0x19000] =	vst v63  }
0x1de: {  	_ = 	snop  }
0x1df: {  	[tilespmem:s29], [sflag:$0x5] =	stream.indirect_vreg.gather [hbm4b:s9+s18], $0x80, v3, vm0, $0xb8;
	[tilespmem:$0x19000] =	vst v63  }
0x1e0: {  	_ = 	snop  }
0x1e1: {  	[tilespmem:s30], [sflag:$0x5] =	stream.indirect_vreg.gather [hbm4b:s10+s18], $0x80, v3, vm0, $0xb8;
	[tilespmem:$0x19000] =	vst v63  }
0x1e2: {  	_ = 	snop  }
0x1e3: {  	[tilespmem:s31], [sflag:$0x5] =	stream.indirect_vreg.gather [hbm4b:s11+s18], $0x80, v3, vm0, $0xb8;
	[tilespmem:$0x19000] =	vst v63  }
0x1e4: {  	_ =	swait.ge [sflag:s2], $0x4000  }
0x1e5: {  	s22 =	simm.s32 $0x0;
	[sflag:s2] =	ssyncset.done $0x0  }
0x1e6: {  	s19 =	sand.u32 $0x2000, s22;
	[sflag:s2] =	ssyncadd.s32 $0xFFFFC000  }
0x1e7: {  	s20 =	sand.u32 $0x1C00, s18;
	s21 =	simm.s32 $0x0;
	_ =	swait.ge [sflag:s15], $0x4000  }
0x1e8: {  	s19 =	sor.u32 s20, s19;
	s23 =	sand.u32 $0x380, s21;
	[sflag:s15] =	ssyncset.done $0x0  }
0x1e9: {  	s19 =	sor.u32 s23, s19;
	[sflag:s15] =	ssyncadd.s32 $0xFFFFC000  }
0x1ea: {  	v3 =	vld [tilespmem:s19+$0x15070]  }
0x1eb: {  	v8 =	vld [tilespmem:s19+$0x15000]  }
0x1ec: {  	v9 =	vld [tilespmem:s19+$0x15010]  }
0x1ed: {  	v7 =	vld [tilespmem:s19+$0x15020]  }
0x1ee: {  	v6 =	vld [tilespmem:s19+$0x15030]  }
0x1ef: {  	v5 =	vld [tilespmem:s19+$0x15040]  }
0x1f0: {  	v4 =	vld [tilespmem:s19+$0x15060]  }
0x1f1: {  	[tilespmem:s19+$0x9070] =	vst.add.f32.msk $0xffff, v3  }
0x1f2: {  	v3 =	vld [tilespmem:s19+$0x15050]  }
0x1f3: {  	[tilespmem:s19+$0x9000] =	vst.add.f32.msk $0xffff, v8  }
0x1f4: {  	s20 =	simm.s32 $0x0;
	[tilespmem:s19+$0x9010] =	vst.add.f32.msk $0xffff, v9  }
.LBB2_12:
0x1f5: {  	s20 =	sadd.s32 $0x8, s20;
	[tilespmem:s19+$0x9020] =	vst.add.f32.msk $0xffff, v7  }
0x1f6: {  	s18 =	sadd.s32 $0x400, s18;
	s21 =	sshll.u32 s20, $0x4;
	p0 =	slt.u32 s20, $0x3F8;
	[tilespmem:s19+$0x9030] =	vst.add.f32.msk $0xffff, v6  }
0x1f7: {  	s22 =	sand.u32 $0x1C00, s18;
	s23 =	sshll.u32 s20, $0x1;
	s21 =	sand.u32 $0x2000, s21;
	[tilespmem:s19+$0x9040] =	vst.add.f32.msk $0xffff, v5  }
0x1f8: {  	s21 =	sor.u32 s22, s21;
	s22 =	sand.u32 $0x380, s23;
	[tilespmem:s19+$0x9050] =	vst.add.f32.msk $0xffff, v3  }
0x1f9: {  	[tilespmem:s19+$0x9060] =	vst.add.f32.msk $0xffff, v4;
	s19 =	sor.u32 s22, s21  }
0x1fa: {  	v3 =	vld [tilespmem:s19+$0x15070]  }
0x1fb: {  	v8 =	vld [tilespmem:s19+$0x15000]  }
0x1fc: {  	v9 =	vld [tilespmem:s19+$0x15010]  }
0x1fd: {  	v7 =	vld [tilespmem:s19+$0x15020]  }
0x1fe: {  	v6 =	vld [tilespmem:s19+$0x15030]  }
0x1ff: {  	[tilespmem:s19+$0x9070] =	vst.add.f32.msk $0xffff, v3  }
.Ltmp5:
0x200: {  	v5 =	vld [tilespmem:s19+$0x15040];
	(pc) =	sbr.rel @p0 .LBB2_12-.Ltmp5, $4  }
0x201: {  	v3 =	vld [tilespmem:s19+$0x15050]  }
0x202: {  	v4 =	vld [tilespmem:s19+$0x15060]  }
0x203: {  	[tilespmem:s19+$0x9000] =	vst.add.f32.msk $0xffff, v8  }
0x204: {  	[tilespmem:s19+$0x9010] =	vst.add.f32.msk $0xffff, v9  }
0x205: {  	[tilespmem:s19+$0x9020] =	vst.add.f32.msk $0xffff, v7  }
0x206: {  	[tilespmem:s19+$0x9030] =	vst.add.f32.msk $0xffff, v6  }
0x207: {  	[tilespmem:s19+$0x9040] =	vst.add.f32.msk $0xffff, v5  }
0x208: {  	[tilespmem:s19+$0x9050] =	vst.add.f32.msk $0xffff, v3  }
0x209: {  	[tilespmem:s19+$0x9060] =	vst.add.f32.msk $0xffff, v4  }
0x20a: {  	s18 =	simm.s32 $0x0;
	s19 =	rddreg [dreg:$0x10]  }
0x20b: {  	[hbm4b:s19+s18] =	stream.linear.scatter [tilespmem:s0], [sflag:$0x9], $0x4000, $0x38;
	[tilespmem:$0x19000] =	vst v63  }
0x20c: {  	_ =	swait.ge [sflag:s16], $0x4000  }
0x20d: {  	[sflag:s16] =	ssyncset.done $0x0  }
0x20e: {  	s21 =	rddreg [dreg:$0x11];
	[sflag:s16] =	ssyncadd.s32 $0xFFFFC000  }
0x20f: {  	[tilespmem:s0], [sflag:$0x3] =	stream.linear.gather [hbm4b:s21+s18], $0x4000, $0x38;
	[tilespmem:$0x19000] =	vst v63  }
0x210: {  	v3 =	vld [tilespmem:$0x400];
	_ =	sdelay $0x4  }
0x211: {  	v4 =	vshll.u32 v3, $0x3  }
0x212: {  	v3 =	vand.u32 $0x7, v3;
	v4 =	vand.u32 $0xFFFFFFC0, v4  }
0x213: {  	v3 =	vor.u32 v3, v4  }
0x214: {  	v4 =	vperm.xlane v3, v0;
	_ =	sdelay $0x1  }
0x215: {  	v4 =	vadd.s32 v1, v4;
	_ =	sdelay $0x3  }
0x216: {  	s22 =	simm.s32 $0x15000  }
0x217: {  	[tilespmem:s22], [sflag:$0x6] =	stream.indirect_vreg.gather [hbm4b:s3+s18], $0x80, v4, vm0, $0xb8;
	[tilespmem:$0x19000] =	vst v63  }
0x218: {  	s23 =	simm.s32 $0x15800;
	v3 =	vperm.xlane v3, v2  }
0x219: {  	[tilespmem:s23], [sflag:$0x6] =	stream.indirect_vreg.gather [hbm4b:s9+s18], $0x80, v4, vm0, $0xb8;
	[tilespmem:$0x19000] =	vst v63  }
0x21a: {  	s20 =	simm.s32 $0x16000;
	v3 =	vadd.s32 v1, v3  }
0x21b: {  	[tilespmem:s20], [sflag:$0x6] =	stream.indirect_vreg.gather [hbm4b:s10+s18], $0x80, v4, vm0, $0xb8;
	[tilespmem:$0x19000] =	vst v63  }
0x21c: {  	s21 =	simm.s32 $0x16800  }
0x21d: {  	[tilespmem:s21], [sflag:$0x6] =	stream.indirect_vreg.gather [hbm4b:s11+s18], $0x80, v4, vm0, $0xb8;
	[tilespmem:$0x19000] =	vst v63  }
0x21e: {  	s22 =	simm.s32 $0x17000  }
0x21f: {  	[tilespmem:s22], [sflag:$0x6] =	stream.indirect_vreg.gather [hbm4b:s3+s18], $0x80, v3, vm0, $0xb8;
	[tilespmem:$0x19000] =	vst v63  }
0x220: {  	s23 =	simm.s32 $0x17800  }
0x221: {  	[tilespmem:s23], [sflag:$0x6] =	stream.indirect_vreg.gather [hbm4b:s9+s18], $0x80, v3, vm0, $0xb8;
	[tilespmem:$0x19000] =	vst v63  }
0x222: {  	s20 =	simm.s32 $0x18000  }
0x223: {  	[tilespmem:s20], [sflag:$0x6] =	stream.indirect_vreg.gather [hbm4b:s10+s18], $0x80, v3, vm0, $0xb8;
	[tilespmem:$0x19000] =	vst v63  }
0x224: {  	s21 =	simm.s32 $0x18800  }
0x225: {  	[tilespmem:s21], [sflag:$0x6] =	stream.indirect_vreg.gather [hbm4b:s11+s18], $0x80, v3, vm0, $0xb8;
	[tilespmem:$0x19000] =	vst v63  }
0x226: {  	_ =	swait.ge [sflag:s4], $0x4000  }
0x227: {  	s22 =	simm.s32 $0x0;
	[sflag:s4] =	ssyncset.done $0x0  }
0x228: {  	s19 =	sand.u32 $0x2000, s22;
	[sflag:s4] =	ssyncadd.s32 $0xFFFFC000  }
0x229: {  	s20 =	sand.u32 $0x1C00, s18;
	s21 =	simm.s32 $0x0;
	_ =	swait.ge [sflag:s5], $0x4000  }
0x22a: {  	s19 =	sor.u32 s20, s19;
	s23 =	sand.u32 $0x380, s21;
	[sflag:s5] =	ssyncset.done $0x0  }
0x22b: {  	s19 =	sor.u32 s23, s19;
	[sflag:s5] =	ssyncadd.s32 $0xFFFFC000  }
0x22c: {  	v3 =	vld [tilespmem:s19+$0xD070]  }
0x22d: {  	v8 =	vld [tilespmem:s19+$0xD000]  }
0x22e: {  	v9 =	vld [tilespmem:s19+$0xD010]  }
0x22f: {  	v7 =	vld [tilespmem:s19+$0xD020]  }
0x230: {  	v6 =	vld [tilespmem:s19+$0xD030]  }
0x231: {  	v5 =	vld [tilespmem:s19+$0xD040]  }
0x232: {  	v4 =	vld [tilespmem:s19+$0xD060]  }
0x233: {  	[tilespmem:s19+$0x1070] =	vst.add.f32.msk $0xffff, v3  }
0x234: {  	v3 =	vld [tilespmem:s19+$0xD050]  }
0x235: {  	[tilespmem:s19+$0x1000] =	vst.add.f32.msk $0xffff, v8  }
0x236: {  	s20 =	simm.s32 $0x0;
	[tilespmem:s19+$0x1010] =	vst.add.f32.msk $0xffff, v9  }
.LBB2_14:
0x237: {  	s20 =	sadd.s32 $0x8, s20;
	[tilespmem:s19+$0x1020] =	vst.add.f32.msk $0xffff, v7  }
0x238: {  	s18 =	sadd.s32 $0x400, s18;
	s21 =	sshll.u32 s20, $0x4;
	p0 =	slt.u32 s20, $0x3F8;
	[tilespmem:s19+$0x1030] =	vst.add.f32.msk $0xffff, v6  }
0x239: {  	s22 =	sand.u32 $0x1C00, s18;
	s23 =	sshll.u32 s20, $0x1;
	s21 =	sand.u32 $0x2000, s21;
	[tilespmem:s19+$0x1040] =	vst.add.f32.msk $0xffff, v5  }
0x23a: {  	s21 =	sor.u32 s22, s21;
	s22 =	sand.u32 $0x380, s23;
	[tilespmem:s19+$0x1050] =	vst.add.f32.msk $0xffff, v3  }
0x23b: {  	[tilespmem:s19+$0x1060] =	vst.add.f32.msk $0xffff, v4;
	s19 =	sor.u32 s22, s21  }
0x23c: {  	v3 =	vld [tilespmem:s19+$0xD070]  }
0x23d: {  	v8 =	vld [tilespmem:s19+$0xD000]  }
0x23e: {  	v9 =	vld [tilespmem:s19+$0xD010]  }
0x23f: {  	v7 =	vld [tilespmem:s19+$0xD020]  }
0x240: {  	v6 =	vld [tilespmem:s19+$0xD030]  }
0x241: {  	[tilespmem:s19+$0x1070] =	vst.add.f32.msk $0xffff, v3  }
.Ltmp6:
0x242: {  	v5 =	vld [tilespmem:s19+$0xD040];
	(pc) =	sbr.rel @p0 .LBB2_14-.Ltmp6, $4  }
0x243: {  	v3 =	vld [tilespmem:s19+$0xD050]  }
0x244: {  	v4 =	vld [tilespmem:s19+$0xD060]  }
0x245: {  	[tilespmem:s19+$0x1000] =	vst.add.f32.msk $0xffff, v8  }
0x246: {  	[tilespmem:s19+$0x1010] =	vst.add.f32.msk $0xffff, v9  }
0x247: {  	[tilespmem:s19+$0x1020] =	vst.add.f32.msk $0xffff, v7  }
0x248: {  	[tilespmem:s19+$0x1030] =	vst.add.f32.msk $0xffff, v6  }
0x249: {  	[tilespmem:s19+$0x1040] =	vst.add.f32.msk $0xffff, v5  }
0x24a: {  	[tilespmem:s19+$0x1050] =	vst.add.f32.msk $0xffff, v3  }
0x24b: {  	[tilespmem:s19+$0x1060] =	vst.add.f32.msk $0xffff, v4  }
0x24c: {  	s18 =	simm.s32 $0x0;
	s19 =	rddreg [dreg:$0x12]  }
0x24d: {  	[hbm4b:s19+s18] =	stream.linear.scatter [tilespmem:s12], [sflag:$0x7], $0x4000, $0x38;
	[tilespmem:$0x19000] =	vst v63  }
0x24e: {  	_ =	swait.ge [sflag:s6], $0x4000  }
0x24f: {  	[sflag:s6] =	ssyncset.done $0x0  }
0x250: {  	s21 =	rddreg [dreg:$0x13];
	[sflag:s6] =	ssyncadd.s32 $0xFFFFC000  }
0x251: {  	[tilespmem:s12], [sflag:$0x1] =	stream.linear.gather [hbm4b:s21+s18], $0x4000, $0x38;
	[tilespmem:$0x19000] =	vst v63  }
0x252: {  	v3 =	vld [tilespmem:$0x480];
	_ =	sdelay $0x4  }
0x253: {  	v4 =	vshll.u32 v3, $0x3  }
0x254: {  	v3 =	vand.u32 $0x7, v3;
	v4 =	vand.u32 $0xFFFFFFC0, v4  }
0x255: {  	v3 =	vor.u32 v3, v4  }
0x256: {  	v4 =	vperm.xlane v3, v0;
	_ =	sdelay $0x1  }
0x257: {  	v4 =	vadd.s32 v1, v4;
	_ =	sdelay $0x3  }
0x258: {  	s22 =	simm.s32 $0xD000  }
0x259: {  	[tilespmem:s22], [sflag:$0x4] =	stream.indirect_vreg.gather [hbm4b:s3+s18], $0x80, v4, vm0, $0xb8;
	[tilespmem:$0x19000] =	vst v63  }
0x25a: {  	s23 =	simm.s32 $0xD800;
	v3 =	vperm.xlane v3, v2  }
0x25b: {  	[tilespmem:s23], [sflag:$0x4] =	stream.indirect_vreg.gather [hbm4b:s9+s18], $0x80, v4, vm0, $0xb8;
	[tilespmem:$0x19000] =	vst v63  }
0x25c: {  	s20 =	simm.s32 $0xE000;
	v3 =	vadd.s32 v1, v3  }
0x25d: {  	[tilespmem:s20], [sflag:$0x4] =	stream.indirect_vreg.gather [hbm4b:s10+s18], $0x80, v4, vm0, $0xb8;
	[tilespmem:$0x19000] =	vst v63  }
0x25e: {  	s21 =	simm.s32 $0xE800  }
0x25f: {  	[tilespmem:s21], [sflag:$0x4] =	stream.indirect_vreg.gather [hbm4b:s11+s18], $0x80, v4, vm0, $0xb8;
	[tilespmem:$0x19000] =	vst v63  }
0x260: {  	s22 =	simm.s32 $0xF000  }
0x261: {  	[tilespmem:s22], [sflag:$0x4] =	stream.indirect_vreg.gather [hbm4b:s3+s18], $0x80, v3, vm0, $0xb8;
	[tilespmem:$0x19000] =	vst v63  }
0x262: {  	s23 =	simm.s32 $0xF800  }
0x263: {  	[tilespmem:s23], [sflag:$0x4] =	stream.indirect_vreg.gather [hbm4b:s9+s18], $0x80, v3, vm0, $0xb8;
	[tilespmem:$0x19000] =	vst v63  }
0x264: {  	s20 =	simm.s32 $0x10000  }
0x265: {  	[tilespmem:s20], [sflag:$0x4] =	stream.indirect_vreg.gather [hbm4b:s10+s18], $0x80, v3, vm0, $0xb8;
	[tilespmem:$0x19000] =	vst v63  }
0x266: {  	s21 =	simm.s32 $0x10800  }
0x267: {  	[tilespmem:s21], [sflag:$0x4] =	stream.indirect_vreg.gather [hbm4b:s11+s18], $0x80, v3, vm0, $0xb8;
	[tilespmem:$0x19000] =	vst v63  }
0x268: {  	_ =	swait.ge [sflag:s7], $0x4000  }
0x269: {  	s22 =	simm.s32 $0x0;
	[sflag:s7] =	ssyncset.done $0x0  }
0x26a: {  	s19 =	sand.u32 $0x2000, s22;
	[sflag:s7] =	ssyncadd.s32 $0xFFFFC000  }
0x26b: {  	s20 =	sand.u32 $0x1C00, s18;
	s21 =	simm.s32 $0x0;
	_ =	swait.ge [sflag:s8], $0x4000  }
0x26c: {  	s19 =	sor.u32 s20, s19;
	s23 =	sand.u32 $0x380, s21;
	[sflag:s8] =	ssyncset.done $0x0  }
0x26d: {  	s19 =	sor.u32 s23, s19;
	[sflag:s8] =	ssyncadd.s32 $0xFFFFC000  }
0x26e: {  	v3 =	vld [tilespmem:s19+$0x11070]  }
0x26f: {  	v8 =	vld [tilespmem:s19+$0x11000]  }
0x270: {  	v9 =	vld [tilespmem:s19+$0x11010]  }
0x271: {  	v7 =	vld [tilespmem:s19+$0x11020]  }
0x272: {  	v6 =	vld [tilespmem:s19+$0x11030]  }
0x273: {  	v5 =	vld [tilespmem:s19+$0x11040]  }
0x274: {  	v4 =	vld [tilespmem:s19+$0x11060]  }
0x275: {  	[tilespmem:s19+$0x5070] =	vst.add.f32.msk $0xffff, v3  }
0x276: {  	v3 =	vld [tilespmem:s19+$0x11050]  }
0x277: {  	[tilespmem:s19+$0x5000] =	vst.add.f32.msk $0xffff, v8  }
0x278: {  	s20 =	simm.s32 $0x0;
	[tilespmem:s19+$0x5010] =	vst.add.f32.msk $0xffff, v9  }
.LBB2_16:
0x279: {  	s20 =	sadd.s32 $0x8, s20;
	[tilespmem:s19+$0x5020] =	vst.add.f32.msk $0xffff, v7  }
0x27a: {  	s18 =	sadd.s32 $0x400, s18;
	s21 =	sshll.u32 s20, $0x4;
	p0 =	slt.u32 s20, $0x3F8;
	[tilespmem:s19+$0x5030] =	vst.add.f32.msk $0xffff, v6  }
0x27b: {  	s22 =	sand.u32 $0x1C00, s18;
	s23 =	sshll.u32 s20, $0x1;
	s21 =	sand.u32 $0x2000, s21;
	[tilespmem:s19+$0x5040] =	vst.add.f32.msk $0xffff, v5  }
0x27c: {  	s21 =	sor.u32 s22, s21;
	s22 =	sand.u32 $0x380, s23;
	[tilespmem:s19+$0x5050] =	vst.add.f32.msk $0xffff, v3  }
0x27d: {  	[tilespmem:s19+$0x5060] =	vst.add.f32.msk $0xffff, v4;
	s19 =	sor.u32 s22, s21  }
0x27e: {  	v3 =	vld [tilespmem:s19+$0x11070]  }
0x27f: {  	v8 =	vld [tilespmem:s19+$0x11000]  }
0x280: {  	v9 =	vld [tilespmem:s19+$0x11010]  }
0x281: {  	v7 =	vld [tilespmem:s19+$0x11020]  }
0x282: {  	v6 =	vld [tilespmem:s19+$0x11030]  }
0x283: {  	[tilespmem:s19+$0x5070] =	vst.add.f32.msk $0xffff, v3  }
.Ltmp7:
0x284: {  	v5 =	vld [tilespmem:s19+$0x11040];
	(pc) =	sbr.rel @p0 .LBB2_16-.Ltmp7, $4  }
0x285: {  	v3 =	vld [tilespmem:s19+$0x11050]  }
0x286: {  	v4 =	vld [tilespmem:s19+$0x11060]  }
0x287: {  	[tilespmem:s19+$0x5000] =	vst.add.f32.msk $0xffff, v8  }
0x288: {  	[tilespmem:s19+$0x5010] =	vst.add.f32.msk $0xffff, v9  }
0x289: {  	[tilespmem:s19+$0x5020] =	vst.add.f32.msk $0xffff, v7  }
0x28a: {  	[tilespmem:s19+$0x5030] =	vst.add.f32.msk $0xffff, v6  }
0x28b: {  	[tilespmem:s19+$0x5040] =	vst.add.f32.msk $0xffff, v5  }
0x28c: {  	[tilespmem:s19+$0x5050] =	vst.add.f32.msk $0xffff, v3  }
0x28d: {  	[tilespmem:s19+$0x5060] =	vst.add.f32.msk $0xffff, v4  }
0x28e: {  	s18 =	simm.s32 $0x0;
	s19 =	rddreg [dreg:$0x14]  }
0x28f: {  	[hbm4b:s19+s18] =	stream.linear.scatter [tilespmem:s13], [sflag:$0x8], $0x4000, $0x38;
	[tilespmem:$0x19000] =	vst v63  }
0x290: {  	_ =	swait.ge [sflag:s14], $0x4000  }
0x291: {  	[sflag:s14] =	ssyncset.done $0x0  }
0x292: {  	s20 =	rddreg [dreg:$0x17];
	[sflag:s14] =	ssyncadd.s32 $0xFFFFC000  }
0x293: {  	[tilespmem:s13], [sflag:$0x2] =	stream.linear.gather [hbm4b:s20+s18], $0x4000, $0x38;
	[tilespmem:$0x19000] =	vst v63  }
0x294: {  	v3 =	vld [tilespmem:$0x500];
	_ =	sdelay $0x4  }
0x295: {  	v4 =	vshll.u32 v3, $0x3  }
0x296: {  	v3 =	vand.u32 $0x7, v3;
	v4 =	vand.u32 $0xFFFFFFC0, v4  }
0x297: {  	v3 =	vor.u32 v3, v4  }
0x298: {  	v4 =	vperm.xlane v3, v0;
	_ =	sdelay $0x1  }
0x299: {  	v4 =	vadd.s32 v1, v4;
	_ =	sdelay $0x3  }
0x29a: {  	s21 =	simm.s32 $0x11000  }
0x29b: {  	[tilespmem:s21], [sflag:$0x5] =	stream.indirect_vreg.gather [hbm4b:s3+s18], $0x80, v4, vm0, $0xb8;
	[tilespmem:$0x19000] =	vst v63  }
0x29c: {  	v3 =	vperm.xlane v3, v2  }
0x29d: {  	[tilespmem:s24], [sflag:$0x5] =	stream.indirect_vreg.gather [hbm4b:s9+s18], $0x80, v4, vm0, $0xb8;
	[tilespmem:$0x19000] =	vst v63  }
0x29e: {  	v3 =	vadd.s32 v1, v3  }
0x29f: {  	[tilespmem:s25], [sflag:$0x5] =	stream.indirect_vreg.gather [hbm4b:s10+s18], $0x80, v4, vm0, $0xb8;
	[tilespmem:$0x19000] =	vst v63  }
0x2a0: {  	_ = 	snop  }
0x2a1: {  	[tilespmem:s26], [sflag:$0x5] =	stream.indirect_vreg.gather [hbm4b:s11+s18], $0x80, v4, vm0, $0xb8;
	[tilespmem:$0x19000] =	vst v63  }
0x2a2: {  	_ = 	snop  }
0x2a3: {  	[tilespmem:s28], [sflag:$0x5] =	stream.indirect_vreg.gather [hbm4b:s3+s18], $0x80, v3, vm0, $0xb8;
	[tilespmem:$0x19000] =	vst v63  }
0x2a4: {  	_ = 	snop  }
0x2a5: {  	[tilespmem:s29], [sflag:$0x5] =	stream.indirect_vreg.gather [hbm4b:s9+s18], $0x80, v3, vm0, $0xb8;
	[tilespmem:$0x19000] =	vst v63  }
0x2a6: {  	_ = 	snop  }
0x2a7: {  	[tilespmem:s30], [sflag:$0x5] =	stream.indirect_vreg.gather [hbm4b:s10+s18], $0x80, v3, vm0, $0xb8;
	[tilespmem:$0x19000] =	vst v63  }
0x2a8: {  	_ = 	snop  }
0x2a9: {  	[tilespmem:s31], [sflag:$0x5] =	stream.indirect_vreg.gather [hbm4b:s11+s18], $0x80, v3, vm0, $0xb8;
	[tilespmem:$0x19000] =	vst v63  }
0x2aa: {  	_ =	swait.ge [sflag:s2], $0x4000  }
0x2ab: {  	s22 =	simm.s32 $0x0;
	[sflag:s2] =	ssyncset.done $0x0  }
0x2ac: {  	s19 =	sand.u32 $0x2000, s22;
	[sflag:s2] =	ssyncadd.s32 $0xFFFFC000  }
0x2ad: {  	s20 =	sand.u32 $0x1C00, s18;
	s21 =	simm.s32 $0x0;
	_ =	swait.ge [sflag:s15], $0x4000  }
0x2ae: {  	s19 =	sor.u32 s20, s19;
	s23 =	sand.u32 $0x380, s21;
	[sflag:s15] =	ssyncset.done $0x0  }
0x2af: {  	s19 =	sor.u32 s23, s19;
	[sflag:s15] =	ssyncadd.s32 $0xFFFFC000  }
0x2b0: {  	v3 =	vld [tilespmem:s19+$0x15070]  }
0x2b1: {  	v8 =	vld [tilespmem:s19+$0x15000]  }
0x2b2: {  	v9 =	vld [tilespmem:s19+$0x15010]  }
0x2b3: {  	v7 =	vld [tilespmem:s19+$0x15020]  }
0x2b4: {  	v6 =	vld [tilespmem:s19+$0x15030]  }
0x2b5: {  	v5 =	vld [tilespmem:s19+$0x15040]  }
0x2b6: {  	v4 =	vld [tilespmem:s19+$0x15060]  }
0x2b7: {  	[tilespmem:s19+$0x9070] =	vst.add.f32.msk $0xffff, v3  }
0x2b8: {  	v3 =	vld [tilespmem:s19+$0x15050]  }
0x2b9: {  	[tilespmem:s19+$0x9000] =	vst.add.f32.msk $0xffff, v8  }
0x2ba: {  	s20 =	simm.s32 $0x0;
	[tilespmem:s19+$0x9010] =	vst.add.f32.msk $0xffff, v9  }
.LBB2_18:
0x2bb: {  	s20 =	sadd.s32 $0x8, s20;
	[tilespmem:s19+$0x9020] =	vst.add.f32.msk $0xffff, v7  }
0x2bc: {  	s18 =	sadd.s32 $0x400, s18;
	s21 =	sshll.u32 s20, $0x4;
	p0 =	slt.u32 s20, $0x3F8;
	[tilespmem:s19+$0x9030] =	vst.add.f32.msk $0xffff, v6  }
0x2bd: {  	s22 =	sand.u32 $0x1C00, s18;
	s23 =	sshll.u32 s20, $0x1;
	s21 =	sand.u32 $0x2000, s21;
	[tilespmem:s19+$0x9040] =	vst.add.f32.msk $0xffff, v5  }
0x2be: {  	s21 =	sor.u32 s22, s21;
	s22 =	sand.u32 $0x380, s23;
	[tilespmem:s19+$0x9050] =	vst.add.f32.msk $0xffff, v3  }
0x2bf: {  	[tilespmem:s19+$0x9060] =	vst.add.f32.msk $0xffff, v4;
	s19 =	sor.u32 s22, s21  }
0x2c0: {  	v3 =	vld [tilespmem:s19+$0x15070]  }
0x2c1: {  	v8 =	vld [tilespmem:s19+$0x15000]  }
0x2c2: {  	v9 =	vld [tilespmem:s19+$0x15010]  }
0x2c3: {  	v7 =	vld [tilespmem:s19+$0x15020]  }
0x2c4: {  	v6 =	vld [tilespmem:s19+$0x15030]  }
0x2c5: {  	[tilespmem:s19+$0x9070] =	vst.add.f32.msk $0xffff, v3  }
.Ltmp8:
0x2c6: {  	v5 =	vld [tilespmem:s19+$0x15040];
	(pc) =	sbr.rel @p0 .LBB2_18-.Ltmp8, $4  }
0x2c7: {  	v3 =	vld [tilespmem:s19+$0x15050]  }
0x2c8: {  	v4 =	vld [tilespmem:s19+$0x15060]  }
0x2c9: {  	[tilespmem:s19+$0x9000] =	vst.add.f32.msk $0xffff, v8  }
0x2ca: {  	[tilespmem:s19+$0x9010] =	vst.add.f32.msk $0xffff, v9  }
0x2cb: {  	[tilespmem:s19+$0x9020] =	vst.add.f32.msk $0xffff, v7  }
0x2cc: {  	[tilespmem:s19+$0x9030] =	vst.add.f32.msk $0xffff, v6  }
0x2cd: {  	[tilespmem:s19+$0x9040] =	vst.add.f32.msk $0xffff, v5  }
0x2ce: {  	[tilespmem:s19+$0x9050] =	vst.add.f32.msk $0xffff, v3  }
0x2cf: {  	[tilespmem:s19+$0x9060] =	vst.add.f32.msk $0xffff, v4  }
0x2d0: {  	s18 =	simm.s32 $0x0;
	s19 =	rddreg [dreg:$0x15]  }
0x2d1: {  	[hbm4b:s19+s18] =	stream.linear.scatter [tilespmem:s0], [sflag:$0x9], $0x4000, $0x38;
	[tilespmem:$0x19000] =	vst v63  }
0x2d2: {  	_ =	swait.ge [sflag:s16], $0x4000  }
0x2d3: {  	[sflag:s16] =	ssyncset.done $0x0  }
0x2d4: {  	s21 =	rddreg [dreg:$0x19];
	[sflag:s16] =	ssyncadd.s32 $0xFFFFC000  }
0x2d5: {  	[tilespmem:s0], [sflag:$0x3] =	stream.linear.gather [hbm4b:s21+s18], $0x4000, $0x38;
	[tilespmem:$0x19000] =	vst v63  }
0x2d6: {  	v3 =	vld [tilespmem:$0x580];
	_ =	sdelay $0x4  }
0x2d7: {  	v4 =	vshll.u32 v3, $0x3  }
0x2d8: {  	v3 =	vand.u32 $0x7, v3;
	v4 =	vand.u32 $0xFFFFFFC0, v4  }
0x2d9: {  	v3 =	vor.u32 v3, v4  }
0x2da: {  	v4 =	vperm.xlane v3, v0;
	_ =	sdelay $0x1  }
0x2db: {  	v4 =	vadd.s32 v1, v4;
	_ =	sdelay $0x3  }
0x2dc: {  	s22 =	simm.s32 $0x15000  }
0x2dd: {  	[tilespmem:s22], [sflag:$0x6] =	stream.indirect_vreg.gather [hbm4b:s3+s18], $0x80, v4, vm0, $0xb8;
	[tilespmem:$0x19000] =	vst v63  }
0x2de: {  	s23 =	simm.s32 $0x15800;
	v3 =	vperm.xlane v3, v2  }
0x2df: {  	[tilespmem:s23], [sflag:$0x6] =	stream.indirect_vreg.gather [hbm4b:s9+s18], $0x80, v4, vm0, $0xb8;
	[tilespmem:$0x19000] =	vst v63  }
0x2e0: {  	s20 =	simm.s32 $0x16000;
	v3 =	vadd.s32 v1, v3  }
0x2e1: {  	[tilespmem:s20], [sflag:$0x6] =	stream.indirect_vreg.gather [hbm4b:s10+s18], $0x80, v4, vm0, $0xb8;
	[tilespmem:$0x19000] =	vst v63  }
0x2e2: {  	s21 =	simm.s32 $0x16800  }
0x2e3: {  	[tilespmem:s21], [sflag:$0x6] =	stream.indirect_vreg.gather [hbm4b:s11+s18], $0x80, v4, vm0, $0xb8;
	[tilespmem:$0x19000] =	vst v63  }
0x2e4: {  	s22 =	simm.s32 $0x17000  }
0x2e5: {  	[tilespmem:s22], [sflag:$0x6] =	stream.indirect_vreg.gather [hbm4b:s3+s18], $0x80, v3, vm0, $0xb8;
	[tilespmem:$0x19000] =	vst v63  }
0x2e6: {  	s23 =	simm.s32 $0x17800  }
0x2e7: {  	[tilespmem:s23], [sflag:$0x6] =	stream.indirect_vreg.gather [hbm4b:s9+s18], $0x80, v3, vm0, $0xb8;
	[tilespmem:$0x19000] =	vst v63  }
0x2e8: {  	s20 =	simm.s32 $0x18000  }
0x2e9: {  	[tilespmem:s20], [sflag:$0x6] =	stream.indirect_vreg.gather [hbm4b:s10+s18], $0x80, v3, vm0, $0xb8;
	[tilespmem:$0x19000] =	vst v63  }
0x2ea: {  	s21 =	simm.s32 $0x18800  }
0x2eb: {  	[tilespmem:s21], [sflag:$0x6] =	stream.indirect_vreg.gather [hbm4b:s11+s18], $0x80, v3, vm0, $0xb8;
	[tilespmem:$0x19000] =	vst v63  }
0x2ec: {  	_ =	swait.ge [sflag:s4], $0x4000  }
0x2ed: {  	s22 =	simm.s32 $0x0;
	[sflag:s4] =	ssyncset.done $0x0  }
0x2ee: {  	s19 =	sand.u32 $0x2000, s22;
	[sflag:s4] =	ssyncadd.s32 $0xFFFFC000  }
0x2ef: {  	s20 =	sand.u32 $0x1C00, s18;
	s21 =	simm.s32 $0x0;
	_ =	swait.ge [sflag:s5], $0x4000  }
0x2f0: {  	s19 =	sor.u32 s20, s19;
	s23 =	sand.u32 $0x380, s21;
	[sflag:s5] =	ssyncset.done $0x0  }
0x2f1: {  	s19 =	sor.u32 s23, s19;
	[sflag:s5] =	ssyncadd.s32 $0xFFFFC000  }
0x2f2: {  	v3 =	vld [tilespmem:s19+$0xD070]  }
0x2f3: {  	v8 =	vld [tilespmem:s19+$0xD000]  }
0x2f4: {  	v9 =	vld [tilespmem:s19+$0xD010]  }
0x2f5: {  	v7 =	vld [tilespmem:s19+$0xD020]  }
0x2f6: {  	v6 =	vld [tilespmem:s19+$0xD030]  }
0x2f7: {  	v5 =	vld [tilespmem:s19+$0xD040]  }
0x2f8: {  	v4 =	vld [tilespmem:s19+$0xD060]  }
0x2f9: {  	[tilespmem:s19+$0x1070] =	vst.add.f32.msk $0xffff, v3  }
0x2fa: {  	v3 =	vld [tilespmem:s19+$0xD050]  }
0x2fb: {  	[tilespmem:s19+$0x1000] =	vst.add.f32.msk $0xffff, v8  }
0x2fc: {  	s20 =	simm.s32 $0x0;
	[tilespmem:s19+$0x1010] =	vst.add.f32.msk $0xffff, v9  }
.LBB2_20:
0x2fd: {  	s20 =	sadd.s32 $0x8, s20;
	[tilespmem:s19+$0x1020] =	vst.add.f32.msk $0xffff, v7  }
0x2fe: {  	s18 =	sadd.s32 $0x400, s18;
	s21 =	sshll.u32 s20, $0x4;
	p0 =	slt.u32 s20, $0x3F8;
	[tilespmem:s19+$0x1030] =	vst.add.f32.msk $0xffff, v6  }
0x2ff: {  	s22 =	sand.u32 $0x1C00, s18;
	s23 =	sshll.u32 s20, $0x1;
	s21 =	sand.u32 $0x2000, s21;
	[tilespmem:s19+$0x1040] =	vst.add.f32.msk $0xffff, v5  }
0x300: {  	s21 =	sor.u32 s22, s21;
	s22 =	sand.u32 $0x380, s23;
	[tilespmem:s19+$0x1050] =	vst.add.f32.msk $0xffff, v3  }
0x301: {  	[tilespmem:s19+$0x1060] =	vst.add.f32.msk $0xffff, v4;
	s19 =	sor.u32 s22, s21  }
0x302: {  	v3 =	vld [tilespmem:s19+$0xD070]  }
0x303: {  	v8 =	vld [tilespmem:s19+$0xD000]  }
0x304: {  	v9 =	vld [tilespmem:s19+$0xD010]  }
0x305: {  	v7 =	vld [tilespmem:s19+$0xD020]  }
0x306: {  	v6 =	vld [tilespmem:s19+$0xD030]  }
0x307: {  	[tilespmem:s19+$0x1070] =	vst.add.f32.msk $0xffff, v3  }
.Ltmp9:
0x308: {  	v5 =	vld [tilespmem:s19+$0xD040];
	(pc) =	sbr.rel @p0 .LBB2_20-.Ltmp9, $4  }
0x309: {  	v3 =	vld [tilespmem:s19+$0xD050]  }
0x30a: {  	v4 =	vld [tilespmem:s19+$0xD060]  }
0x30b: {  	[tilespmem:s19+$0x1000] =	vst.add.f32.msk $0xffff, v8  }
0x30c: {  	[tilespmem:s19+$0x1010] =	vst.add.f32.msk $0xffff, v9  }
0x30d: {  	[tilespmem:s19+$0x1020] =	vst.add.f32.msk $0xffff, v7  }
0x30e: {  	[tilespmem:s19+$0x1030] =	vst.add.f32.msk $0xffff, v6  }
0x30f: {  	[tilespmem:s19+$0x1040] =	vst.add.f32.msk $0xffff, v5  }
0x310: {  	[tilespmem:s19+$0x1050] =	vst.add.f32.msk $0xffff, v3  }
0x311: {  	[tilespmem:s19+$0x1060] =	vst.add.f32.msk $0xffff, v4  }
0x312: {  	s18 =	simm.s32 $0x0;
	s19 =	rddreg [dreg:$0x16]  }
0x313: {  	[hbm4b:s19+s18] =	stream.linear.scatter [tilespmem:s12], [sflag:$0x7], $0x4000, $0x38;
	[tilespmem:$0x19000] =	vst v63  }
0x314: {  	_ =	swait.ge [sflag:s6], $0x4000  }
0x315: {  	[sflag:s6] =	ssyncset.done $0x0  }
0x316: {  	s21 =	rddreg [dreg:$0x1b];
	[sflag:s6] =	ssyncadd.s32 $0xFFFFC000  }
0x317: {  	[tilespmem:s12], [sflag:$0x1] =	stream.linear.gather [hbm4b:s21+s18], $0x4000, $0x38;
	[tilespmem:$0x19000] =	vst v63  }
0x318: {  	v3 =	vld [tilespmem:$0x600];
	_ =	sdelay $0x4  }
0x319: {  	v4 =	vshll.u32 v3, $0x3  }
0x31a: {  	v3 =	vand.u32 $0x7, v3;
	v4 =	vand.u32 $0xFFFFFFC0, v4  }
0x31b: {  	v3 =	vor.u32 v3, v4  }
0x31c: {  	v4 =	vperm.xlane v3, v0;
	_ =	sdelay $0x1  }
0x31d: {  	v4 =	vadd.s32 v1, v4;
	_ =	sdelay $0x3  }
0x31e: {  	s22 =	simm.s32 $0xD000  }
0x31f: {  	[tilespmem:s22], [sflag:$0x4] =	stream.indirect_vreg.gather [hbm4b:s3+s18], $0x80, v4, vm0, $0xb8;
	[tilespmem:$0x19000] =	vst v63  }
0x320: {  	s23 =	simm.s32 $0xD800;
	v3 =	vperm.xlane v3, v2  }
0x321: {  	[tilespmem:s23], [sflag:$0x4] =	stream.indirect_vreg.gather [hbm4b:s9+s18], $0x80, v4, vm0, $0xb8;
	[tilespmem:$0x19000] =	vst v63  }
0x322: {  	s20 =	simm.s32 $0xE000;
	v3 =	vadd.s32 v1, v3  }
0x323: {  	[tilespmem:s20], [sflag:$0x4] =	stream.indirect_vreg.gather [hbm4b:s10+s18], $0x80, v4, vm0, $0xb8;
	[tilespmem:$0x19000] =	vst v63  }
0x324: {  	s21 =	simm.s32 $0xE800  }
0x325: {  	[tilespmem:s21], [sflag:$0x4] =	stream.indirect_vreg.gather [hbm4b:s11+s18], $0x80, v4, vm0, $0xb8;
	[tilespmem:$0x19000] =	vst v63  }
0x326: {  	s22 =	simm.s32 $0xF000  }
0x327: {  	[tilespmem:s22], [sflag:$0x4] =	stream.indirect_vreg.gather [hbm4b:s3+s18], $0x80, v3, vm0, $0xb8;
	[tilespmem:$0x19000] =	vst v63  }
0x328: {  	s23 =	simm.s32 $0xF800  }
0x329: {  	[tilespmem:s23], [sflag:$0x4] =	stream.indirect_vreg.gather [hbm4b:s9+s18], $0x80, v3, vm0, $0xb8;
	[tilespmem:$0x19000] =	vst v63  }
0x32a: {  	s20 =	simm.s32 $0x10000  }
0x32b: {  	[tilespmem:s20], [sflag:$0x4] =	stream.indirect_vreg.gather [hbm4b:s10+s18], $0x80, v3, vm0, $0xb8;
	[tilespmem:$0x19000] =	vst v63  }
0x32c: {  	s21 =	simm.s32 $0x10800  }
0x32d: {  	[tilespmem:s21], [sflag:$0x4] =	stream.indirect_vreg.gather [hbm4b:s11+s18], $0x80, v3, vm0, $0xb8;
	[tilespmem:$0x19000] =	vst v63  }
0x32e: {  	_ =	swait.ge [sflag:s7], $0x4000  }
0x32f: {  	s22 =	simm.s32 $0x0;
	[sflag:s7] =	ssyncset.done $0x0  }
0x330: {  	s19 =	sand.u32 $0x2000, s22;
	[sflag:s7] =	ssyncadd.s32 $0xFFFFC000  }
0x331: {  	s20 =	sand.u32 $0x1C00, s18;
	s21 =	simm.s32 $0x0;
	_ =	swait.ge [sflag:s8], $0x4000  }
0x332: {  	s19 =	sor.u32 s20, s19;
	s23 =	sand.u32 $0x380, s21;
	[sflag:s8] =	ssyncset.done $0x0  }
0x333: {  	s19 =	sor.u32 s23, s19;
	[sflag:s8] =	ssyncadd.s32 $0xFFFFC000  }
0x334: {  	v3 =	vld [tilespmem:s19+$0x11070]  }
0x335: {  	v8 =	vld [tilespmem:s19+$0x11000]  }
0x336: {  	v9 =	vld [tilespmem:s19+$0x11010]  }
0x337: {  	v7 =	vld [tilespmem:s19+$0x11020]  }
0x338: {  	v6 =	vld [tilespmem:s19+$0x11030]  }
0x339: {  	v5 =	vld [tilespmem:s19+$0x11040]  }
0x33a: {  	v4 =	vld [tilespmem:s19+$0x11060]  }
0x33b: {  	[tilespmem:s19+$0x5070] =	vst.add.f32.msk $0xffff, v3  }
0x33c: {  	v3 =	vld [tilespmem:s19+$0x11050]  }
0x33d: {  	[tilespmem:s19+$0x5000] =	vst.add.f32.msk $0xffff, v8  }
0x33e: {  	s20 =	simm.s32 $0x0;
	[tilespmem:s19+$0x5010] =	vst.add.f32.msk $0xffff, v9  }
.LBB2_22:
0x33f: {  	s20 =	sadd.s32 $0x8, s20;
	[tilespmem:s19+$0x5020] =	vst.add.f32.msk $0xffff, v7  }
0x340: {  	s18 =	sadd.s32 $0x400, s18;
	s21 =	sshll.u32 s20, $0x4;
	p0 =	slt.u32 s20, $0x3F8;
	[tilespmem:s19+$0x5030] =	vst.add.f32.msk $0xffff, v6  }
0x341: {  	s22 =	sand.u32 $0x1C00, s18;
	s23 =	sshll.u32 s20, $0x1;
	s21 =	sand.u32 $0x2000, s21;
	[tilespmem:s19+$0x5040] =	vst.add.f32.msk $0xffff, v5  }
0x342: {  	s21 =	sor.u32 s22, s21;
	s22 =	sand.u32 $0x380, s23;
	[tilespmem:s19+$0x5050] =	vst.add.f32.msk $0xffff, v3  }
0x343: {  	[tilespmem:s19+$0x5060] =	vst.add.f32.msk $0xffff, v4;
	s19 =	sor.u32 s22, s21  }
0x344: {  	v3 =	vld [tilespmem:s19+$0x11070]  }
0x345: {  	v8 =	vld [tilespmem:s19+$0x11000]  }
0x346: {  	v9 =	vld [tilespmem:s19+$0x11010]  }
0x347: {  	v7 =	vld [tilespmem:s19+$0x11020]  }
0x348: {  	v6 =	vld [tilespmem:s19+$0x11030]  }
0x349: {  	[tilespmem:s19+$0x5070] =	vst.add.f32.msk $0xffff, v3  }
.Ltmp10:
0x34a: {  	v5 =	vld [tilespmem:s19+$0x11040];
	(pc) =	sbr.rel @p0 .LBB2_22-.Ltmp10, $4  }
0x34b: {  	v3 =	vld [tilespmem:s19+$0x11050]  }
0x34c: {  	v4 =	vld [tilespmem:s19+$0x11060]  }
0x34d: {  	[tilespmem:s19+$0x5000] =	vst.add.f32.msk $0xffff, v8  }
0x34e: {  	[tilespmem:s19+$0x5010] =	vst.add.f32.msk $0xffff, v9  }
0x34f: {  	[tilespmem:s19+$0x5020] =	vst.add.f32.msk $0xffff, v7  }
0x350: {  	[tilespmem:s19+$0x5030] =	vst.add.f32.msk $0xffff, v6  }
0x351: {  	[tilespmem:s19+$0x5040] =	vst.add.f32.msk $0xffff, v5  }
0x352: {  	[tilespmem:s19+$0x5050] =	vst.add.f32.msk $0xffff, v3  }
0x353: {  	[tilespmem:s19+$0x5060] =	vst.add.f32.msk $0xffff, v4  }
0x354: {  	s18 =	simm.s32 $0x0;
	s19 =	rddreg [dreg:$0x18]  }
0x355: {  	[hbm4b:s19+s18] =	stream.linear.scatter [tilespmem:s13], [sflag:$0x8], $0x4000, $0x38;
	[tilespmem:$0x19000] =	vst v63  }
0x356: {  	_ =	swait.ge [sflag:s14], $0x4000  }
0x357: {  	[sflag:s14] =	ssyncset.done $0x0  }
0x358: {  	s20 =	rddreg [dreg:$0x1d];
	[sflag:s14] =	ssyncadd.s32 $0xFFFFC000  }
0x359: {  	[tilespmem:s13], [sflag:$0x2] =	stream.linear.gather [hbm4b:s20+s18], $0x4000, $0x38;
	[tilespmem:$0x19000] =	vst v63  }
0x35a: {  	v3 =	vld [tilespmem:$0x680];
	_ =	sdelay $0x4  }
0x35b: {  	v4 =	vshll.u32 v3, $0x3  }
0x35c: {  	v3 =	vand.u32 $0x7, v3;
	v4 =	vand.u32 $0xFFFFFFC0, v4  }
0x35d: {  	v3 =	vor.u32 v3, v4  }
0x35e: {  	v4 =	vperm.xlane v3, v0;
	_ =	sdelay $0x1  }
0x35f: {  	v4 =	vadd.s32 v1, v4;
	_ =	sdelay $0x3  }
0x360: {  	s21 =	simm.s32 $0x11000  }
0x361: {  	[tilespmem:s21], [sflag:$0x5] =	stream.indirect_vreg.gather [hbm4b:s3+s18], $0x80, v4, vm0, $0xb8;
	[tilespmem:$0x19000] =	vst v63  }
0x362: {  	v3 =	vperm.xlane v3, v2  }
0x363: {  	[tilespmem:s24], [sflag:$0x5] =	stream.indirect_vreg.gather [hbm4b:s9+s18], $0x80, v4, vm0, $0xb8;
	[tilespmem:$0x19000] =	vst v63  }
0x364: {  	v3 =	vadd.s32 v1, v3  }
0x365: {  	[tilespmem:s25], [sflag:$0x5] =	stream.indirect_vreg.gather [hbm4b:s10+s18], $0x80, v4, vm0, $0xb8;
	[tilespmem:$0x19000] =	vst v63  }
0x366: {  	_ = 	snop  }
0x367: {  	[tilespmem:s26], [sflag:$0x5] =	stream.indirect_vreg.gather [hbm4b:s11+s18], $0x80, v4, vm0, $0xb8;
	[tilespmem:$0x19000] =	vst v63  }
0x368: {  	_ = 	snop  }
0x369: {  	[tilespmem:s28], [sflag:$0x5] =	stream.indirect_vreg.gather [hbm4b:s3+s18], $0x80, v3, vm0, $0xb8;
	[tilespmem:$0x19000] =	vst v63  }
0x36a: {  	_ = 	snop  }
0x36b: {  	[tilespmem:s29], [sflag:$0x5] =	stream.indirect_vreg.gather [hbm4b:s9+s18], $0x80, v3, vm0, $0xb8;
	[tilespmem:$0x19000] =	vst v63  }
0x36c: {  	_ = 	snop  }
0x36d: {  	[tilespmem:s30], [sflag:$0x5] =	stream.indirect_vreg.gather [hbm4b:s10+s18], $0x80, v3, vm0, $0xb8;
	[tilespmem:$0x19000] =	vst v63  }
0x36e: {  	_ = 	snop  }
0x36f: {  	[tilespmem:s31], [sflag:$0x5] =	stream.indirect_vreg.gather [hbm4b:s11+s18], $0x80, v3, vm0, $0xb8;
	[tilespmem:$0x19000] =	vst v63  }
0x370: {  	_ =	swait.ge [sflag:s2], $0x4000  }
0x371: {  	s22 =	simm.s32 $0x0;
	[sflag:s2] =	ssyncset.done $0x0  }
0x372: {  	s19 =	sand.u32 $0x2000, s22;
	[sflag:s2] =	ssyncadd.s32 $0xFFFFC000  }
0x373: {  	s20 =	sand.u32 $0x1C00, s18;
	s21 =	simm.s32 $0x0;
	_ =	swait.ge [sflag:s15], $0x4000  }
0x374: {  	s19 =	sor.u32 s20, s19;
	s23 =	sand.u32 $0x380, s21;
	[sflag:s15] =	ssyncset.done $0x0  }
0x375: {  	s19 =	sor.u32 s23, s19;
	[sflag:s15] =	ssyncadd.s32 $0xFFFFC000  }
0x376: {  	v3 =	vld [tilespmem:s19+$0x15070]  }
0x377: {  	v8 =	vld [tilespmem:s19+$0x15000]  }
0x378: {  	v9 =	vld [tilespmem:s19+$0x15010]  }
0x379: {  	v7 =	vld [tilespmem:s19+$0x15020]  }
0x37a: {  	v6 =	vld [tilespmem:s19+$0x15030]  }
0x37b: {  	v5 =	vld [tilespmem:s19+$0x15040]  }
0x37c: {  	v4 =	vld [tilespmem:s19+$0x15060]  }
0x37d: {  	[tilespmem:s19+$0x9070] =	vst.add.f32.msk $0xffff, v3  }
0x37e: {  	v3 =	vld [tilespmem:s19+$0x15050]  }
0x37f: {  	[tilespmem:s19+$0x9000] =	vst.add.f32.msk $0xffff, v8  }
0x380: {  	s20 =	simm.s32 $0x0;
	[tilespmem:s19+$0x9010] =	vst.add.f32.msk $0xffff, v9  }
.LBB2_24:
0x381: {  	s20 =	sadd.s32 $0x8, s20;
	[tilespmem:s19+$0x9020] =	vst.add.f32.msk $0xffff, v7  }
0x382: {  	s18 =	sadd.s32 $0x400, s18;
	s21 =	sshll.u32 s20, $0x4;
	p0 =	slt.u32 s20, $0x3F8;
	[tilespmem:s19+$0x9030] =	vst.add.f32.msk $0xffff, v6  }
0x383: {  	s22 =	sand.u32 $0x1C00, s18;
	s23 =	sshll.u32 s20, $0x1;
	s21 =	sand.u32 $0x2000, s21;
	[tilespmem:s19+$0x9040] =	vst.add.f32.msk $0xffff, v5  }
0x384: {  	s21 =	sor.u32 s22, s21;
	s22 =	sand.u32 $0x380, s23;
	[tilespmem:s19+$0x9050] =	vst.add.f32.msk $0xffff, v3  }
0x385: {  	[tilespmem:s19+$0x9060] =	vst.add.f32.msk $0xffff, v4;
	s19 =	sor.u32 s22, s21  }
0x386: {  	v3 =	vld [tilespmem:s19+$0x15070]  }
0x387: {  	v8 =	vld [tilespmem:s19+$0x15000]  }
0x388: {  	v9 =	vld [tilespmem:s19+$0x15010]  }
0x389: {  	v7 =	vld [tilespmem:s19+$0x15020]  }
0x38a: {  	v6 =	vld [tilespmem:s19+$0x15030]  }
0x38b: {  	[tilespmem:s19+$0x9070] =	vst.add.f32.msk $0xffff, v3  }
.Ltmp11:
0x38c: {  	v5 =	vld [tilespmem:s19+$0x15040];
	(pc) =	sbr.rel @p0 .LBB2_24-.Ltmp11, $4  }
0x38d: {  	v3 =	vld [tilespmem:s19+$0x15050]  }
0x38e: {  	v4 =	vld [tilespmem:s19+$0x15060]  }
0x38f: {  	[tilespmem:s19+$0x9000] =	vst.add.f32.msk $0xffff, v8  }
0x390: {  	[tilespmem:s19+$0x9010] =	vst.add.f32.msk $0xffff, v9  }
0x391: {  	[tilespmem:s19+$0x9020] =	vst.add.f32.msk $0xffff, v7  }
0x392: {  	[tilespmem:s19+$0x9030] =	vst.add.f32.msk $0xffff, v6  }
0x393: {  	[tilespmem:s19+$0x9040] =	vst.add.f32.msk $0xffff, v5  }
0x394: {  	[tilespmem:s19+$0x9050] =	vst.add.f32.msk $0xffff, v3  }
0x395: {  	[tilespmem:s19+$0x9060] =	vst.add.f32.msk $0xffff, v4  }
0x396: {  	s18 =	simm.s32 $0x0;
	s19 =	rddreg [dreg:$0x1a]  }
0x397: {  	[hbm4b:s19+s18] =	stream.linear.scatter [tilespmem:s0], [sflag:$0x9], $0x4000, $0x38;
	[tilespmem:$0x19000] =	vst v63  }
0x398: {  	_ =	swait.ge [sflag:s16], $0x4000  }
0x399: {  	[sflag:s16] =	ssyncset.done $0x0  }
0x39a: {  	s21 =	rddreg [dreg:$0x1f];
	[sflag:s16] =	ssyncadd.s32 $0xFFFFC000  }
0x39b: {  	[tilespmem:s0], [sflag:$0x3] =	stream.linear.gather [hbm4b:s21+s18], $0x4000, $0x38;
	[tilespmem:$0x19000] =	vst v63  }
0x39c: {  	v3 =	vld [tilespmem:$0x700];
	_ =	sdelay $0x4  }
0x39d: {  	v4 =	vshll.u32 v3, $0x3  }
0x39e: {  	v3 =	vand.u32 $0x7, v3;
	v4 =	vand.u32 $0xFFFFFFC0, v4  }
0x39f: {  	v3 =	vor.u32 v3, v4  }
0x3a0: {  	v4 =	vperm.xlane v3, v0;
	_ =	sdelay $0x1  }
0x3a1: {  	v4 =	vadd.s32 v1, v4;
	_ =	sdelay $0x3  }
0x3a2: {  	s22 =	simm.s32 $0x15000  }
0x3a3: {  	[tilespmem:s22], [sflag:$0x6] =	stream.indirect_vreg.gather [hbm4b:s3+s18], $0x80, v4, vm0, $0xb8;
	[tilespmem:$0x19000] =	vst v63  }
0x3a4: {  	s23 =	simm.s32 $0x15800;
	v3 =	vperm.xlane v3, v2  }
0x3a5: {  	[tilespmem:s23], [sflag:$0x6] =	stream.indirect_vreg.gather [hbm4b:s9+s18], $0x80, v4, vm0, $0xb8;
	[tilespmem:$0x19000] =	vst v63  }
0x3a6: {  	s20 =	simm.s32 $0x16000;
	v3 =	vadd.s32 v1, v3  }
0x3a7: {  	[tilespmem:s20], [sflag:$0x6] =	stream.indirect_vreg.gather [hbm4b:s10+s18], $0x80, v4, vm0, $0xb8;
	[tilespmem:$0x19000] =	vst v63  }
0x3a8: {  	s21 =	simm.s32 $0x16800  }
0x3a9: {  	[tilespmem:s21], [sflag:$0x6] =	stream.indirect_vreg.gather [hbm4b:s11+s18], $0x80, v4, vm0, $0xb8;
	[tilespmem:$0x19000] =	vst v63  }
0x3aa: {  	s22 =	simm.s32 $0x17000  }
0x3ab: {  	[tilespmem:s22], [sflag:$0x6] =	stream.indirect_vreg.gather [hbm4b:s3+s18], $0x80, v3, vm0, $0xb8;
	[tilespmem:$0x19000] =	vst v63  }
0x3ac: {  	s23 =	simm.s32 $0x17800  }
0x3ad: {  	[tilespmem:s23], [sflag:$0x6] =	stream.indirect_vreg.gather [hbm4b:s9+s18], $0x80, v3, vm0, $0xb8;
	[tilespmem:$0x19000] =	vst v63  }
0x3ae: {  	s20 =	simm.s32 $0x18000  }
0x3af: {  	[tilespmem:s20], [sflag:$0x6] =	stream.indirect_vreg.gather [hbm4b:s10+s18], $0x80, v3, vm0, $0xb8;
	[tilespmem:$0x19000] =	vst v63  }
0x3b0: {  	s21 =	simm.s32 $0x18800  }
0x3b1: {  	[tilespmem:s21], [sflag:$0x6] =	stream.indirect_vreg.gather [hbm4b:s11+s18], $0x80, v3, vm0, $0xb8;
	[tilespmem:$0x19000] =	vst v63  }
0x3b2: {  	_ =	swait.ge [sflag:s4], $0x4000  }
0x3b3: {  	s22 =	simm.s32 $0x0;
	[sflag:s4] =	ssyncset.done $0x0  }
0x3b4: {  	s19 =	sand.u32 $0x2000, s22;
	[sflag:s4] =	ssyncadd.s32 $0xFFFFC000  }
0x3b5: {  	s20 =	sand.u32 $0x1C00, s18;
	s21 =	simm.s32 $0x0;
	_ =	swait.ge [sflag:s5], $0x4000  }
0x3b6: {  	s19 =	sor.u32 s20, s19;
	s23 =	sand.u32 $0x380, s21;
	[sflag:s5] =	ssyncset.done $0x0  }
0x3b7: {  	s19 =	sor.u32 s23, s19;
	[sflag:s5] =	ssyncadd.s32 $0xFFFFC000  }
0x3b8: {  	v3 =	vld [tilespmem:s19+$0xD070]  }
0x3b9: {  	v8 =	vld [tilespmem:s19+$0xD000]  }
0x3ba: {  	v9 =	vld [tilespmem:s19+$0xD010]  }
0x3bb: {  	v7 =	vld [tilespmem:s19+$0xD020]  }
0x3bc: {  	v6 =	vld [tilespmem:s19+$0xD030]  }
0x3bd: {  	v5 =	vld [tilespmem:s19+$0xD040]  }
0x3be: {  	v4 =	vld [tilespmem:s19+$0xD060]  }
0x3bf: {  	[tilespmem:s19+$0x1070] =	vst.add.f32.msk $0xffff, v3  }
0x3c0: {  	v3 =	vld [tilespmem:s19+$0xD050]  }
0x3c1: {  	[tilespmem:s19+$0x1000] =	vst.add.f32.msk $0xffff, v8  }
0x3c2: {  	s20 =	simm.s32 $0x0;
	[tilespmem:s19+$0x1010] =	vst.add.f32.msk $0xffff, v9  }
.LBB2_26:
0x3c3: {  	s20 =	sadd.s32 $0x8, s20;
	[tilespmem:s19+$0x1020] =	vst.add.f32.msk $0xffff, v7  }
0x3c4: {  	s18 =	sadd.s32 $0x400, s18;
	s21 =	sshll.u32 s20, $0x4;
	p0 =	slt.u32 s20, $0x3F8;
	[tilespmem:s19+$0x1030] =	vst.add.f32.msk $0xffff, v6  }
0x3c5: {  	s22 =	sand.u32 $0x1C00, s18;
	s23 =	sshll.u32 s20, $0x1;
	s21 =	sand.u32 $0x2000, s21;
	[tilespmem:s19+$0x1040] =	vst.add.f32.msk $0xffff, v5  }
0x3c6: {  	s21 =	sor.u32 s22, s21;
	s22 =	sand.u32 $0x380, s23;
	[tilespmem:s19+$0x1050] =	vst.add.f32.msk $0xffff, v3  }
0x3c7: {  	[tilespmem:s19+$0x1060] =	vst.add.f32.msk $0xffff, v4;
	s19 =	sor.u32 s22, s21  }
0x3c8: {  	v3 =	vld [tilespmem:s19+$0xD070]  }
0x3c9: {  	v8 =	vld [tilespmem:s19+$0xD000]  }
0x3ca: {  	v9 =	vld [tilespmem:s19+$0xD010]  }
0x3cb: {  	v7 =	vld [tilespmem:s19+$0xD020]  }
0x3cc: {  	v6 =	vld [tilespmem:s19+$0xD030]  }
0x3cd: {  	[tilespmem:s19+$0x1070] =	vst.add.f32.msk $0xffff, v3  }
.Ltmp12:
0x3ce: {  	v5 =	vld [tilespmem:s19+$0xD040];
	(pc) =	sbr.rel @p0 .LBB2_26-.Ltmp12, $4  }
0x3cf: {  	v3 =	vld [tilespmem:s19+$0xD050]  }
0x3d0: {  	v4 =	vld [tilespmem:s19+$0xD060]  }
0x3d1: {  	[tilespmem:s19+$0x1000] =	vst.add.f32.msk $0xffff, v8  }
0x3d2: {  	[tilespmem:s19+$0x1010] =	vst.add.f32.msk $0xffff, v9  }
0x3d3: {  	[tilespmem:s19+$0x1020] =	vst.add.f32.msk $0xffff, v7  }
0x3d4: {  	[tilespmem:s19+$0x1030] =	vst.add.f32.msk $0xffff, v6  }
0x3d5: {  	[tilespmem:s19+$0x1040] =	vst.add.f32.msk $0xffff, v5  }
0x3d6: {  	[tilespmem:s19+$0x1050] =	vst.add.f32.msk $0xffff, v3  }
0x3d7: {  	[tilespmem:s19+$0x1060] =	vst.add.f32.msk $0xffff, v4  }
0x3d8: {  	s18 =	simm.s32 $0x0;
	s19 =	rddreg [dreg:$0x1c]  }
0x3d9: {  	[hbm4b:s19+s18] =	stream.linear.scatter [tilespmem:s12], [sflag:$0x7], $0x4000, $0x38;
	[tilespmem:$0x19000] =	vst v63  }
0x3da: {  	_ =	swait.ge [sflag:s6], $0x4000  }
0x3db: {  	s21 =	sld [smem:$0x7D8]  }
0x3dc: {  	[sflag:s6] =	ssyncset.done $0x0  }
0x3dd: {  	[sflag:s6] =	ssyncadd.s32 $0xFFFFC000  }
0x3de: {  	[tilespmem:s12], [sflag:$0x1] =	stream.linear.gather [hbm4b:s21+s18], $0x4000, $0x38;
	[tilespmem:$0x19000] =	vst v63  }
0x3df: {  	v3 =	vld [tilespmem:$0x780];
	_ =	sdelay $0x4  }
0x3e0: {  	v4 =	vshll.u32 v3, $0x3  }
0x3e1: {  	v3 =	vand.u32 $0x7, v3;
	v4 =	vand.u32 $0xFFFFFFC0, v4  }
0x3e2: {  	v3 =	vor.u32 v3, v4  }
0x3e3: {  	v4 =	vperm.xlane v3, v0;
	_ =	sdelay $0x1  }
0x3e4: {  	v4 =	vadd.s32 v1, v4;
	_ =	sdelay $0x3  }
0x3e5: {  	s22 =	simm.s32 $0xD000  }
0x3e6: {  	[tilespmem:s22], [sflag:$0x4] =	stream.indirect_vreg.gather [hbm4b:s3+s18], $0x80, v4, vm0, $0xb8;
	[tilespmem:$0x19000] =	vst v63  }
0x3e7: {  	s23 =	simm.s32 $0xD800;
	v3 =	vperm.xlane v3, v2  }
0x3e8: {  	[tilespmem:s23], [sflag:$0x4] =	stream.indirect_vreg.gather [hbm4b:s9+s18], $0x80, v4, vm0, $0xb8;
	[tilespmem:$0x19000] =	vst v63  }
0x3e9: {  	s20 =	simm.s32 $0xE000;
	v3 =	vadd.s32 v1, v3  }
0x3ea: {  	[tilespmem:s20], [sflag:$0x4] =	stream.indirect_vreg.gather [hbm4b:s10+s18], $0x80, v4, vm0, $0xb8;
	[tilespmem:$0x19000] =	vst v63  }
0x3eb: {  	s21 =	simm.s32 $0xE800  }
0x3ec: {  	[tilespmem:s21], [sflag:$0x4] =	stream.indirect_vreg.gather [hbm4b:s11+s18], $0x80, v4, vm0, $0xb8;
	[tilespmem:$0x19000] =	vst v63  }
0x3ed: {  	s22 =	simm.s32 $0xF000  }
0x3ee: {  	[tilespmem:s22], [sflag:$0x4] =	stream.indirect_vreg.gather [hbm4b:s3+s18], $0x80, v3, vm0, $0xb8;
	[tilespmem:$0x19000] =	vst v63  }
0x3ef: {  	s23 =	simm.s32 $0xF800  }
0x3f0: {  	[tilespmem:s23], [sflag:$0x4] =	stream.indirect_vreg.gather [hbm4b:s9+s18], $0x80, v3, vm0, $0xb8;
	[tilespmem:$0x19000] =	vst v63  }
0x3f1: {  	s20 =	simm.s32 $0x10000  }
0x3f2: {  	[tilespmem:s20], [sflag:$0x4] =	stream.indirect_vreg.gather [hbm4b:s10+s18], $0x80, v3, vm0, $0xb8;
	[tilespmem:$0x19000] =	vst v63  }
0x3f3: {  	s21 =	simm.s32 $0x10800  }
0x3f4: {  	[tilespmem:s21], [sflag:$0x4] =	stream.indirect_vreg.gather [hbm4b:s11+s18], $0x80, v3, vm0, $0xb8;
	[tilespmem:$0x19000] =	vst v63  }
0x3f5: {  	_ =	swait.ge [sflag:s7], $0x4000  }
0x3f6: {  	s22 =	simm.s32 $0x0;
	[sflag:s7] =	ssyncset.done $0x0  }
0x3f7: {  	s19 =	sand.u32 $0x2000, s22;
	[sflag:s7] =	ssyncadd.s32 $0xFFFFC000  }
0x3f8: {  	s20 =	sand.u32 $0x1C00, s18;
	s21 =	simm.s32 $0x0;
	_ =	swait.ge [sflag:s8], $0x4000  }
0x3f9: {  	s19 =	sor.u32 s20, s19;
	s23 =	sand.u32 $0x380, s21;
	[sflag:s8] =	ssyncset.done $0x0  }
0x3fa: {  	s19 =	sor.u32 s23, s19;
	[sflag:s8] =	ssyncadd.s32 $0xFFFFC000  }
0x3fb: {  	v3 =	vld [tilespmem:s19+$0x11070]  }
0x3fc: {  	v8 =	vld [tilespmem:s19+$0x11000]  }
0x3fd: {  	v9 =	vld [tilespmem:s19+$0x11010]  }
0x3fe: {  	v7 =	vld [tilespmem:s19+$0x11020]  }
0x3ff: {  	v6 =	vld [tilespmem:s19+$0x11030]  }
0x400: {  	v5 =	vld [tilespmem:s19+$0x11040]  }
0x401: {  	v4 =	vld [tilespmem:s19+$0x11060]  }
0x402: {  	[tilespmem:s19+$0x5070] =	vst.add.f32.msk $0xffff, v3  }
0x403: {  	v3 =	vld [tilespmem:s19+$0x11050]  }
0x404: {  	[tilespmem:s19+$0x5000] =	vst.add.f32.msk $0xffff, v8  }
0x405: {  	s20 =	simm.s32 $0x0;
	[tilespmem:s19+$0x5010] =	vst.add.f32.msk $0xffff, v9  }
.LBB2_28:
0x406: {  	s20 =	sadd.s32 $0x8, s20;
	[tilespmem:s19+$0x5020] =	vst.add.f32.msk $0xffff, v7  }
0x407: {  	s18 =	sadd.s32 $0x400, s18;
	s21 =	sshll.u32 s20, $0x4;
	p0 =	slt.u32 s20, $0x3F8;
	[tilespmem:s19+$0x5030] =	vst.add.f32.msk $0xffff, v6  }
0x408: {  	s22 =	sand.u32 $0x1C00, s18;
	s23 =	sshll.u32 s20, $0x1;
	s21 =	sand.u32 $0x2000, s21;
	[tilespmem:s19+$0x5040] =	vst.add.f32.msk $0xffff, v5  }
0x409: {  	s21 =	sor.u32 s22, s21;
	s22 =	sand.u32 $0x380, s23;
	[tilespmem:s19+$0x5050] =	vst.add.f32.msk $0xffff, v3  }
0x40a: {  	[tilespmem:s19+$0x5060] =	vst.add.f32.msk $0xffff, v4;
	s19 =	sor.u32 s22, s21  }
0x40b: {  	v3 =	vld [tilespmem:s19+$0x11070]  }
0x40c: {  	v8 =	vld [tilespmem:s19+$0x11000]  }
0x40d: {  	v9 =	vld [tilespmem:s19+$0x11010]  }
0x40e: {  	v7 =	vld [tilespmem:s19+$0x11020]  }
0x40f: {  	v6 =	vld [tilespmem:s19+$0x11030]  }
0x410: {  	[tilespmem:s19+$0x5070] =	vst.add.f32.msk $0xffff, v3  }
.Ltmp13:
0x411: {  	v5 =	vld [tilespmem:s19+$0x11040];
	(pc) =	sbr.rel @p0 .LBB2_28-.Ltmp13, $4  }
0x412: {  	v3 =	vld [tilespmem:s19+$0x11050]  }
0x413: {  	v4 =	vld [tilespmem:s19+$0x11060]  }
0x414: {  	[tilespmem:s19+$0x5000] =	vst.add.f32.msk $0xffff, v8  }
0x415: {  	[tilespmem:s19+$0x5010] =	vst.add.f32.msk $0xffff, v9  }
0x416: {  	[tilespmem:s19+$0x5020] =	vst.add.f32.msk $0xffff, v7  }
0x417: {  	[tilespmem:s19+$0x5030] =	vst.add.f32.msk $0xffff, v6  }
0x418: {  	[tilespmem:s19+$0x5040] =	vst.add.f32.msk $0xffff, v5  }
0x419: {  	[tilespmem:s19+$0x5050] =	vst.add.f32.msk $0xffff, v3  }
0x41a: {  	[tilespmem:s19+$0x5060] =	vst.add.f32.msk $0xffff, v4  }
0x41b: {  	s18 =	simm.s32 $0x0;
	s19 =	rddreg [dreg:$0x1e]  }
0x41c: {  	[hbm4b:s19+s18] =	stream.linear.scatter [tilespmem:s13], [sflag:$0x8], $0x4000, $0x38;
	[tilespmem:$0x19000] =	vst v63  }
0x41d: {  	_ =	swait.ge [sflag:s14], $0x4000  }
0x41e: {  	s20 =	sld [smem:$0x7DA]  }
0x41f: {  	[sflag:s14] =	ssyncset.done $0x0  }
0x420: {  	[sflag:s14] =	ssyncadd.s32 $0xFFFFC000  }
0x421: {  	[tilespmem:s13], [sflag:$0x2] =	stream.linear.gather [hbm4b:s20+s18], $0x4000, $0x38;
	[tilespmem:$0x19000] =	vst v63  }
0x422: {  	v3 =	vld [tilespmem:$0x800];
	_ =	sdelay $0x4  }
0x423: {  	v4 =	vshll.u32 v3, $0x3  }
0x424: {  	v3 =	vand.u32 $0x7, v3;
	v4 =	vand.u32 $0xFFFFFFC0, v4  }
0x425: {  	v3 =	vor.u32 v3, v4  }
0x426: {  	v4 =	vperm.xlane v3, v0;
	_ =	sdelay $0x1  }
0x427: {  	v4 =	vadd.s32 v1, v4;
	_ =	sdelay $0x3  }
0x428: {  	s21 =	simm.s32 $0x11000  }
0x429: {  	[tilespmem:s21], [sflag:$0x5] =	stream.indirect_vreg.gather [hbm4b:s3+s18], $0x80, v4, vm0, $0xb8;
	[tilespmem:$0x19000] =	vst v63  }
0x42a: {  	v3 =	vperm.xlane v3, v2  }
0x42b: {  	[tilespmem:s24], [sflag:$0x5] =	stream.indirect_vreg.gather [hbm4b:s9+s18], $0x80, v4, vm0, $0xb8;
	[tilespmem:$0x19000] =	vst v63  }
0x42c: {  	v3 =	vadd.s32 v1, v3  }
0x42d: {  	[tilespmem:s25], [sflag:$0x5] =	stream.indirect_vreg.gather [hbm4b:s10+s18], $0x80, v4, vm0, $0xb8;
	[tilespmem:$0x19000] =	vst v63  }
0x42e: {  	_ = 	snop  }
0x42f: {  	[tilespmem:s26], [sflag:$0x5] =	stream.indirect_vreg.gather [hbm4b:s11+s18], $0x80, v4, vm0, $0xb8;
	[tilespmem:$0x19000] =	vst v63  }
0x430: {  	_ = 	snop  }
0x431: {  	[tilespmem:s28], [sflag:$0x5] =	stream.indirect_vreg.gather [hbm4b:s3+s18], $0x80, v3, vm0, $0xb8;
	[tilespmem:$0x19000] =	vst v63  }
0x432: {  	_ = 	snop  }
0x433: {  	[tilespmem:s29], [sflag:$0x5] =	stream.indirect_vreg.gather [hbm4b:s9+s18], $0x80, v3, vm0, $0xb8;
	[tilespmem:$0x19000] =	vst v63  }
0x434: {  	_ = 	snop  }
0x435: {  	[tilespmem:s30], [sflag:$0x5] =	stream.indirect_vreg.gather [hbm4b:s10+s18], $0x80, v3, vm0, $0xb8;
	[tilespmem:$0x19000] =	vst v63  }
0x436: {  	_ = 	snop  }
0x437: {  	[tilespmem:s31], [sflag:$0x5] =	stream.indirect_vreg.gather [hbm4b:s11+s18], $0x80, v3, vm0, $0xb8;
	[tilespmem:$0x19000] =	vst v63  }
0x438: {  	_ =	swait.ge [sflag:s2], $0x4000  }
0x439: {  	s22 =	simm.s32 $0x0;
	[sflag:s2] =	ssyncset.done $0x0  }
0x43a: {  	s19 =	sand.u32 $0x2000, s22;
	[sflag:s2] =	ssyncadd.s32 $0xFFFFC000  }
0x43b: {  	s20 =	sand.u32 $0x1C00, s18;
	s21 =	simm.s32 $0x0;
	_ =	swait.ge [sflag:s15], $0x4000  }
0x43c: {  	s19 =	sor.u32 s20, s19;
	s23 =	sand.u32 $0x380, s21;
	[sflag:s15] =	ssyncset.done $0x0  }
0x43d: {  	s19 =	sor.u32 s23, s19;
	[sflag:s15] =	ssyncadd.s32 $0xFFFFC000  }
0x43e: {  	v3 =	vld [tilespmem:s19+$0x15070]  }
0x43f: {  	v8 =	vld [tilespmem:s19+$0x15000]  }
0x440: {  	v9 =	vld [tilespmem:s19+$0x15010]  }
0x441: {  	v7 =	vld [tilespmem:s19+$0x15020]  }
0x442: {  	v6 =	vld [tilespmem:s19+$0x15030]  }
0x443: {  	v5 =	vld [tilespmem:s19+$0x15040]  }
0x444: {  	v4 =	vld [tilespmem:s19+$0x15060]  }
0x445: {  	[tilespmem:s19+$0x9070] =	vst.add.f32.msk $0xffff, v3  }
0x446: {  	v3 =	vld [tilespmem:s19+$0x15050]  }
0x447: {  	[tilespmem:s19+$0x9000] =	vst.add.f32.msk $0xffff, v8  }
0x448: {  	s20 =	simm.s32 $0x0;
	[tilespmem:s19+$0x9010] =	vst.add.f32.msk $0xffff, v9  }
.LBB2_30:
0x449: {  	s20 =	sadd.s32 $0x8, s20;
	[tilespmem:s19+$0x9020] =	vst.add.f32.msk $0xffff, v7  }
0x44a: {  	s18 =	sadd.s32 $0x400, s18;
	s21 =	sshll.u32 s20, $0x4;
	p0 =	slt.u32 s20, $0x3F8;
	[tilespmem:s19+$0x9030] =	vst.add.f32.msk $0xffff, v6  }
0x44b: {  	s22 =	sand.u32 $0x1C00, s18;
	s23 =	sshll.u32 s20, $0x1;
	s21 =	sand.u32 $0x2000, s21;
	[tilespmem:s19+$0x9040] =	vst.add.f32.msk $0xffff, v5  }
0x44c: {  	s21 =	sor.u32 s22, s21;
	s22 =	sand.u32 $0x380, s23;
	[tilespmem:s19+$0x9050] =	vst.add.f32.msk $0xffff, v3  }
0x44d: {  	[tilespmem:s19+$0x9060] =	vst.add.f32.msk $0xffff, v4;
	s19 =	sor.u32 s22, s21  }
0x44e: {  	v3 =	vld [tilespmem:s19+$0x15070]  }
0x44f: {  	v8 =	vld [tilespmem:s19+$0x15000]  }
0x450: {  	v9 =	vld [tilespmem:s19+$0x15010]  }
0x451: {  	v7 =	vld [tilespmem:s19+$0x15020]  }
0x452: {  	v6 =	vld [tilespmem:s19+$0x15030]  }
0x453: {  	[tilespmem:s19+$0x9070] =	vst.add.f32.msk $0xffff, v3  }
.Ltmp14:
0x454: {  	v5 =	vld [tilespmem:s19+$0x15040];
	(pc) =	sbr.rel @p0 .LBB2_30-.Ltmp14, $4  }
0x455: {  	v3 =	vld [tilespmem:s19+$0x15050]  }
0x456: {  	v4 =	vld [tilespmem:s19+$0x15060]  }
0x457: {  	[tilespmem:s19+$0x9000] =	vst.add.f32.msk $0xffff, v8  }
0x458: {  	[tilespmem:s19+$0x9010] =	vst.add.f32.msk $0xffff, v9  }
0x459: {  	[tilespmem:s19+$0x9020] =	vst.add.f32.msk $0xffff, v7  }
0x45a: {  	[tilespmem:s19+$0x9030] =	vst.add.f32.msk $0xffff, v6  }
0x45b: {  	[tilespmem:s19+$0x9040] =	vst.add.f32.msk $0xffff, v5  }
0x45c: {  	[tilespmem:s19+$0x9050] =	vst.add.f32.msk $0xffff, v3  }
0x45d: {  	[tilespmem:s19+$0x9060] =	vst.add.f32.msk $0xffff, v4  }
0x45e: {  	s19 =	sld [smem:$0x7D7];
	_ =	sdelay $0x1  }
0x45f: {  	s18 =	simm.s32 $0x0  }
0x460: {  	[hbm4b:s19+s18] =	stream.linear.scatter [tilespmem:s0], [sflag:$0x9], $0x4000, $0x38;
	[tilespmem:$0x19000] =	vst v63  }
0x461: {  	_ =	swait.ge [sflag:s16], $0x4000  }
0x462: {  	s21 =	sld [smem:$0x7DC]  }
0x463: {  	[sflag:s16] =	ssyncset.done $0x0  }
0x464: {  	[sflag:s16] =	ssyncadd.s32 $0xFFFFC000  }
0x465: {  	[tilespmem:s0], [sflag:$0x3] =	stream.linear.gather [hbm4b:s21+s18], $0x4000, $0x38;
	[tilespmem:$0x19000] =	vst v63  }
0x466: {  	v3 =	vld [tilespmem:$0x880];
	_ =	sdelay $0x4  }
0x467: {  	v4 =	vshll.u32 v3, $0x3  }
0x468: {  	v3 =	vand.u32 $0x7, v3;
	v4 =	vand.u32 $0xFFFFFFC0, v4  }
0x469: {  	v3 =	vor.u32 v3, v4  }
0x46a: {  	v4 =	vperm.xlane v3, v0;
	_ =	sdelay $0x1  }
0x46b: {  	v4 =	vadd.s32 v1, v4;
	_ =	sdelay $0x3  }
0x46c: {  	s22 =	simm.s32 $0x15000  }
0x46d: {  	[tilespmem:s22], [sflag:$0x6] =	stream.indirect_vreg.gather [hbm4b:s3+s18], $0x80, v4, vm0, $0xb8;
	[tilespmem:$0x19000] =	vst v63  }
0x46e: {  	s23 =	simm.s32 $0x15800;
	v3 =	vperm.xlane v3, v2  }
0x46f: {  	[tilespmem:s23], [sflag:$0x6] =	stream.indirect_vreg.gather [hbm4b:s9+s18], $0x80, v4, vm0, $0xb8;
	[tilespmem:$0x19000] =	vst v63  }
0x470: {  	s20 =	simm.s32 $0x16000;
	v3 =	vadd.s32 v1, v3  }
0x471: {  	[tilespmem:s20], [sflag:$0x6] =	stream.indirect_vreg.gather [hbm4b:s10+s18], $0x80, v4, vm0, $0xb8;
	[tilespmem:$0x19000] =	vst v63  }
0x472: {  	s21 =	simm.s32 $0x16800  }
0x473: {  	[tilespmem:s21], [sflag:$0x6] =	stream.indirect_vreg.gather [hbm4b:s11+s18], $0x80, v4, vm0, $0xb8;
	[tilespmem:$0x19000] =	vst v63  }
0x474: {  	s22 =	simm.s32 $0x17000  }
0x475: {  	[tilespmem:s22], [sflag:$0x6] =	stream.indirect_vreg.gather [hbm4b:s3+s18], $0x80, v3, vm0, $0xb8;
	[tilespmem:$0x19000] =	vst v63  }
0x476: {  	s23 =	simm.s32 $0x17800  }
0x477: {  	[tilespmem:s23], [sflag:$0x6] =	stream.indirect_vreg.gather [hbm4b:s9+s18], $0x80, v3, vm0, $0xb8;
	[tilespmem:$0x19000] =	vst v63  }
0x478: {  	s20 =	simm.s32 $0x18000  }
0x479: {  	[tilespmem:s20], [sflag:$0x6] =	stream.indirect_vreg.gather [hbm4b:s10+s18], $0x80, v3, vm0, $0xb8;
	[tilespmem:$0x19000] =	vst v63  }
0x47a: {  	s21 =	simm.s32 $0x18800  }
0x47b: {  	[tilespmem:s21], [sflag:$0x6] =	stream.indirect_vreg.gather [hbm4b:s11+s18], $0x80, v3, vm0, $0xb8;
	[tilespmem:$0x19000] =	vst v63  }
0x47c: {  	_ =	swait.ge [sflag:s4], $0x4000  }
0x47d: {  	s22 =	simm.s32 $0x0;
	[sflag:s4] =	ssyncset.done $0x0  }
0x47e: {  	s19 =	sand.u32 $0x2000, s22;
	[sflag:s4] =	ssyncadd.s32 $0xFFFFC000  }
0x47f: {  	s20 =	sand.u32 $0x1C00, s18;
	s21 =	simm.s32 $0x0;
	_ =	swait.ge [sflag:s5], $0x4000  }
0x480: {  	s19 =	sor.u32 s20, s19;
	s23 =	sand.u32 $0x380, s21;
	[sflag:s5] =	ssyncset.done $0x0  }
0x481: {  	s19 =	sor.u32 s23, s19;
	[sflag:s5] =	ssyncadd.s32 $0xFFFFC000  }
0x482: {  	v3 =	vld [tilespmem:s19+$0xD070]  }
0x483: {  	v8 =	vld [tilespmem:s19+$0xD000]  }
0x484: {  	v9 =	vld [tilespmem:s19+$0xD010]  }
0x485: {  	v7 =	vld [tilespmem:s19+$0xD020]  }
0x486: {  	v6 =	vld [tilespmem:s19+$0xD030]  }
0x487: {  	v5 =	vld [tilespmem:s19+$0xD040]  }
0x488: {  	v4 =	vld [tilespmem:s19+$0xD060]  }
0x489: {  	[tilespmem:s19+$0x1070] =	vst.add.f32.msk $0xffff, v3  }
0x48a: {  	v3 =	vld [tilespmem:s19+$0xD050]  }
0x48b: {  	[tilespmem:s19+$0x1000] =	vst.add.f32.msk $0xffff, v8  }
0x48c: {  	s20 =	simm.s32 $0x0;
	[tilespmem:s19+$0x1010] =	vst.add.f32.msk $0xffff, v9  }
.LBB2_32:
0x48d: {  	s20 =	sadd.s32 $0x8, s20;
	[tilespmem:s19+$0x1020] =	vst.add.f32.msk $0xffff, v7  }
0x48e: {  	s18 =	sadd.s32 $0x400, s18;
	s21 =	sshll.u32 s20, $0x4;
	p0 =	slt.u32 s20, $0x3F8;
	[tilespmem:s19+$0x1030] =	vst.add.f32.msk $0xffff, v6  }
0x48f: {  	s22 =	sand.u32 $0x1C00, s18;
	s23 =	sshll.u32 s20, $0x1;
	s21 =	sand.u32 $0x2000, s21;
	[tilespmem:s19+$0x1040] =	vst.add.f32.msk $0xffff, v5  }
0x490: {  	s21 =	sor.u32 s22, s21;
	s22 =	sand.u32 $0x380, s23;
	[tilespmem:s19+$0x1050] =	vst.add.f32.msk $0xffff, v3  }
0x491: {  	[tilespmem:s19+$0x1060] =	vst.add.f32.msk $0xffff, v4;
	s19 =	sor.u32 s22, s21  }
0x492: {  	v3 =	vld [tilespmem:s19+$0xD070]  }
0x493: {  	v8 =	vld [tilespmem:s19+$0xD000]  }
0x494: {  	v9 =	vld [tilespmem:s19+$0xD010]  }
0x495: {  	v7 =	vld [tilespmem:s19+$0xD020]  }
0x496: {  	v6 =	vld [tilespmem:s19+$0xD030]  }
0x497: {  	[tilespmem:s19+$0x1070] =	vst.add.f32.msk $0xffff, v3  }
.Ltmp15:
0x498: {  	v5 =	vld [tilespmem:s19+$0xD040];
	(pc) =	sbr.rel @p0 .LBB2_32-.Ltmp15, $4  }
0x499: {  	v3 =	vld [tilespmem:s19+$0xD050]  }
0x49a: {  	v4 =	vld [tilespmem:s19+$0xD060]  }
0x49b: {  	[tilespmem:s19+$0x1000] =	vst.add.f32.msk $0xffff, v8  }
0x49c: {  	[tilespmem:s19+$0x1010] =	vst.add.f32.msk $0xffff, v9  }
0x49d: {  	[tilespmem:s19+$0x1020] =	vst.add.f32.msk $0xffff, v7  }
0x49e: {  	[tilespmem:s19+$0x1030] =	vst.add.f32.msk $0xffff, v6  }
0x49f: {  	[tilespmem:s19+$0x1040] =	vst.add.f32.msk $0xffff, v5  }
0x4a0: {  	[tilespmem:s19+$0x1050] =	vst.add.f32.msk $0xffff, v3  }
0x4a1: {  	[tilespmem:s19+$0x1060] =	vst.add.f32.msk $0xffff, v4  }
0x4a2: {  	s19 =	sld [smem:$0x7D9];
	_ =	sdelay $0x1  }
0x4a3: {  	s18 =	simm.s32 $0x0  }
0x4a4: {  	[hbm4b:s19+s18] =	stream.linear.scatter [tilespmem:s12], [sflag:$0x7], $0x4000, $0x38;
	[tilespmem:$0x19000] =	vst v63  }
0x4a5: {  	_ =	swait.ge [sflag:s6], $0x4000  }
0x4a6: {  	s21 =	sld [smem:$0x7DE]  }
0x4a7: {  	[sflag:s6] =	ssyncset.done $0x0  }
0x4a8: {  	[sflag:s6] =	ssyncadd.s32 $0xFFFFC000  }
0x4a9: {  	[tilespmem:s12], [sflag:$0x1] =	stream.linear.gather [hbm4b:s21+s18], $0x4000, $0x38;
	[tilespmem:$0x19000] =	vst v63  }
0x4aa: {  	v3 =	vld [tilespmem:$0x900];
	_ =	sdelay $0x4  }
0x4ab: {  	v4 =	vshll.u32 v3, $0x3  }
0x4ac: {  	v3 =	vand.u32 $0x7, v3;
	v4 =	vand.u32 $0xFFFFFFC0, v4  }
0x4ad: {  	v3 =	vor.u32 v3, v4  }
0x4ae: {  	v4 =	vperm.xlane v3, v0;
	_ =	sdelay $0x1  }
0x4af: {  	v4 =	vadd.s32 v1, v4;
	_ =	sdelay $0x3  }
0x4b0: {  	s22 =	simm.s32 $0xD000  }
0x4b1: {  	[tilespmem:s22], [sflag:$0x4] =	stream.indirect_vreg.gather [hbm4b:s3+s18], $0x80, v4, vm0, $0xb8;
	[tilespmem:$0x19000] =	vst v63  }
0x4b2: {  	s23 =	simm.s32 $0xD800;
	v3 =	vperm.xlane v3, v2  }
0x4b3: {  	[tilespmem:s23], [sflag:$0x4] =	stream.indirect_vreg.gather [hbm4b:s9+s18], $0x80, v4, vm0, $0xb8;
	[tilespmem:$0x19000] =	vst v63  }
0x4b4: {  	s20 =	simm.s32 $0xE000;
	v3 =	vadd.s32 v1, v3  }
0x4b5: {  	[tilespmem:s20], [sflag:$0x4] =	stream.indirect_vreg.gather [hbm4b:s10+s18], $0x80, v4, vm0, $0xb8;
	[tilespmem:$0x19000] =	vst v63  }
0x4b6: {  	s21 =	simm.s32 $0xE800  }
0x4b7: {  	[tilespmem:s21], [sflag:$0x4] =	stream.indirect_vreg.gather [hbm4b:s11+s18], $0x80, v4, vm0, $0xb8;
	[tilespmem:$0x19000] =	vst v63  }
0x4b8: {  	s22 =	simm.s32 $0xF000  }
0x4b9: {  	[tilespmem:s22], [sflag:$0x4] =	stream.indirect_vreg.gather [hbm4b:s3+s18], $0x80, v3, vm0, $0xb8;
	[tilespmem:$0x19000] =	vst v63  }
0x4ba: {  	s23 =	simm.s32 $0xF800  }
0x4bb: {  	[tilespmem:s23], [sflag:$0x4] =	stream.indirect_vreg.gather [hbm4b:s9+s18], $0x80, v3, vm0, $0xb8;
	[tilespmem:$0x19000] =	vst v63  }
0x4bc: {  	s20 =	simm.s32 $0x10000  }
0x4bd: {  	[tilespmem:s20], [sflag:$0x4] =	stream.indirect_vreg.gather [hbm4b:s10+s18], $0x80, v3, vm0, $0xb8;
	[tilespmem:$0x19000] =	vst v63  }
0x4be: {  	s21 =	simm.s32 $0x10800  }
0x4bf: {  	[tilespmem:s21], [sflag:$0x4] =	stream.indirect_vreg.gather [hbm4b:s11+s18], $0x80, v3, vm0, $0xb8;
	[tilespmem:$0x19000] =	vst v63  }
0x4c0: {  	_ =	swait.ge [sflag:s7], $0x4000  }
0x4c1: {  	s22 =	simm.s32 $0x0;
	[sflag:s7] =	ssyncset.done $0x0  }
0x4c2: {  	s19 =	sand.u32 $0x2000, s22;
	[sflag:s7] =	ssyncadd.s32 $0xFFFFC000  }
0x4c3: {  	s20 =	sand.u32 $0x1C00, s18;
	s21 =	simm.s32 $0x0;
	_ =	swait.ge [sflag:s8], $0x4000  }
0x4c4: {  	s19 =	sor.u32 s20, s19;
	s23 =	sand.u32 $0x380, s21;
	[sflag:s8] =	ssyncset.done $0x0  }
0x4c5: {  	s19 =	sor.u32 s23, s19;
	[sflag:s8] =	ssyncadd.s32 $0xFFFFC000  }
0x4c6: {  	v3 =	vld [tilespmem:s19+$0x11070]  }
0x4c7: {  	v8 =	vld [tilespmem:s19+$0x11000]  }
0x4c8: {  	v9 =	vld [tilespmem:s19+$0x11010]  }
0x4c9: {  	v7 =	vld [tilespmem:s19+$0x11020]  }
0x4ca: {  	v6 =	vld [tilespmem:s19+$0x11030]  }
0x4cb: {  	v5 =	vld [tilespmem:s19+$0x11040]  }
0x4cc: {  	v4 =	vld [tilespmem:s19+$0x11060]  }
0x4cd: {  	[tilespmem:s19+$0x5070] =	vst.add.f32.msk $0xffff, v3  }
0x4ce: {  	v3 =	vld [tilespmem:s19+$0x11050]  }
0x4cf: {  	[tilespmem:s19+$0x5000] =	vst.add.f32.msk $0xffff, v8  }
0x4d0: {  	s20 =	simm.s32 $0x0;
	[tilespmem:s19+$0x5010] =	vst.add.f32.msk $0xffff, v9  }
.LBB2_34:
0x4d1: {  	s20 =	sadd.s32 $0x8, s20;
	[tilespmem:s19+$0x5020] =	vst.add.f32.msk $0xffff, v7  }
0x4d2: {  	s18 =	sadd.s32 $0x400, s18;
	s21 =	sshll.u32 s20, $0x4;
	p0 =	slt.u32 s20, $0x3F8;
	[tilespmem:s19+$0x5030] =	vst.add.f32.msk $0xffff, v6  }
0x4d3: {  	s22 =	sand.u32 $0x1C00, s18;
	s23 =	sshll.u32 s20, $0x1;
	s21 =	sand.u32 $0x2000, s21;
	[tilespmem:s19+$0x5040] =	vst.add.f32.msk $0xffff, v5  }
0x4d4: {  	s21 =	sor.u32 s22, s21;
	s22 =	sand.u32 $0x380, s23;
	[tilespmem:s19+$0x5050] =	vst.add.f32.msk $0xffff, v3  }
0x4d5: {  	[tilespmem:s19+$0x5060] =	vst.add.f32.msk $0xffff, v4;
	s19 =	sor.u32 s22, s21  }
0x4d6: {  	v3 =	vld [tilespmem:s19+$0x11070]  }
0x4d7: {  	v8 =	vld [tilespmem:s19+$0x11000]  }
0x4d8: {  	v9 =	vld [tilespmem:s19+$0x11010]  }
0x4d9: {  	v7 =	vld [tilespmem:s19+$0x11020]  }
0x4da: {  	v6 =	vld [tilespmem:s19+$0x11030]  }
0x4db: {  	[tilespmem:s19+$0x5070] =	vst.add.f32.msk $0xffff, v3  }
.Ltmp16:
0x4dc: {  	v5 =	vld [tilespmem:s19+$0x11040];
	(pc) =	sbr.rel @p0 .LBB2_34-.Ltmp16, $4  }
0x4dd: {  	v3 =	vld [tilespmem:s19+$0x11050]  }
0x4de: {  	v4 =	vld [tilespmem:s19+$0x11060]  }
0x4df: {  	[tilespmem:s19+$0x5000] =	vst.add.f32.msk $0xffff, v8  }
0x4e0: {  	[tilespmem:s19+$0x5010] =	vst.add.f32.msk $0xffff, v9  }
0x4e1: {  	[tilespmem:s19+$0x5020] =	vst.add.f32.msk $0xffff, v7  }
0x4e2: {  	[tilespmem:s19+$0x5030] =	vst.add.f32.msk $0xffff, v6  }
0x4e3: {  	[tilespmem:s19+$0x5040] =	vst.add.f32.msk $0xffff, v5  }
0x4e4: {  	[tilespmem:s19+$0x5050] =	vst.add.f32.msk $0xffff, v3  }
0x4e5: {  	[tilespmem:s19+$0x5060] =	vst.add.f32.msk $0xffff, v4  }
0x4e6: {  	s19 =	sld [smem:$0x7DB];
	_ =	sdelay $0x1  }
0x4e7: {  	s18 =	simm.s32 $0x0  }
0x4e8: {  	[hbm4b:s19+s18] =	stream.linear.scatter [tilespmem:s13], [sflag:$0x8], $0x4000, $0x38;
	[tilespmem:$0x19000] =	vst v63  }
0x4e9: {  	_ =	swait.ge [sflag:s14], $0x4000  }
0x4ea: {  	s20 =	sld [smem:$0x7E0]  }
0x4eb: {  	[sflag:s14] =	ssyncset.done $0x0  }
0x4ec: {  	[sflag:s14] =	ssyncadd.s32 $0xFFFFC000  }
0x4ed: {  	[tilespmem:s13], [sflag:$0x2] =	stream.linear.gather [hbm4b:s20+s18], $0x4000, $0x38;
	[tilespmem:$0x19000] =	vst v63  }
0x4ee: {  	v3 =	vld [tilespmem:$0x980];
	_ =	sdelay $0x4  }
0x4ef: {  	v4 =	vshll.u32 v3, $0x3  }
0x4f0: {  	v3 =	vand.u32 $0x7, v3;
	v4 =	vand.u32 $0xFFFFFFC0, v4  }
0x4f1: {  	v3 =	vor.u32 v3, v4  }
0x4f2: {  	v4 =	vperm.xlane v3, v0;
	_ =	sdelay $0x1  }
0x4f3: {  	v4 =	vadd.s32 v1, v4;
	_ =	sdelay $0x3  }
0x4f4: {  	s21 =	simm.s32 $0x11000  }
0x4f5: {  	[tilespmem:s21], [sflag:$0x5] =	stream.indirect_vreg.gather [hbm4b:s3+s18], $0x80, v4, vm0, $0xb8;
	[tilespmem:$0x19000] =	vst v63  }
0x4f6: {  	v3 =	vperm.xlane v3, v2  }
0x4f7: {  	[tilespmem:s24], [sflag:$0x5] =	stream.indirect_vreg.gather [hbm4b:s9+s18], $0x80, v4, vm0, $0xb8;
	[tilespmem:$0x19000] =	vst v63  }
0x4f8: {  	v3 =	vadd.s32 v1, v3  }
0x4f9: {  	[tilespmem:s25], [sflag:$0x5] =	stream.indirect_vreg.gather [hbm4b:s10+s18], $0x80, v4, vm0, $0xb8;
	[tilespmem:$0x19000] =	vst v63  }
0x4fa: {  	_ = 	snop  }
0x4fb: {  	[tilespmem:s26], [sflag:$0x5] =	stream.indirect_vreg.gather [hbm4b:s11+s18], $0x80, v4, vm0, $0xb8;
	[tilespmem:$0x19000] =	vst v63  }
0x4fc: {  	_ = 	snop  }
0x4fd: {  	[tilespmem:s28], [sflag:$0x5] =	stream.indirect_vreg.gather [hbm4b:s3+s18], $0x80, v3, vm0, $0xb8;
	[tilespmem:$0x19000] =	vst v63  }
0x4fe: {  	_ = 	snop  }
0x4ff: {  	[tilespmem:s29], [sflag:$0x5] =	stream.indirect_vreg.gather [hbm4b:s9+s18], $0x80, v3, vm0, $0xb8;
	[tilespmem:$0x19000] =	vst v63  }
0x500: {  	_ = 	snop  }
0x501: {  	[tilespmem:s30], [sflag:$0x5] =	stream.indirect_vreg.gather [hbm4b:s10+s18], $0x80, v3, vm0, $0xb8;
	[tilespmem:$0x19000] =	vst v63  }
0x502: {  	_ = 	snop  }
0x503: {  	[tilespmem:s31], [sflag:$0x5] =	stream.indirect_vreg.gather [hbm4b:s11+s18], $0x80, v3, vm0, $0xb8;
	[tilespmem:$0x19000] =	vst v63  }
0x504: {  	_ =	swait.ge [sflag:s2], $0x4000  }
0x505: {  	s22 =	simm.s32 $0x0;
	[sflag:s2] =	ssyncset.done $0x0  }
0x506: {  	s19 =	sand.u32 $0x2000, s22;
	[sflag:s2] =	ssyncadd.s32 $0xFFFFC000  }
0x507: {  	s20 =	sand.u32 $0x1C00, s18;
	s21 =	simm.s32 $0x0;
	_ =	swait.ge [sflag:s15], $0x4000  }
0x508: {  	s19 =	sor.u32 s20, s19;
	s23 =	sand.u32 $0x380, s21;
	[sflag:s15] =	ssyncset.done $0x0  }
0x509: {  	s19 =	sor.u32 s23, s19;
	[sflag:s15] =	ssyncadd.s32 $0xFFFFC000  }
0x50a: {  	v3 =	vld [tilespmem:s19+$0x15070]  }
0x50b: {  	v8 =	vld [tilespmem:s19+$0x15000]  }
0x50c: {  	v9 =	vld [tilespmem:s19+$0x15010]  }
0x50d: {  	v7 =	vld [tilespmem:s19+$0x15020]  }
0x50e: {  	v6 =	vld [tilespmem:s19+$0x15030]  }
0x50f: {  	v5 =	vld [tilespmem:s19+$0x15040]  }
0x510: {  	v4 =	vld [tilespmem:s19+$0x15060]  }
0x511: {  	[tilespmem:s19+$0x9070] =	vst.add.f32.msk $0xffff, v3  }
0x512: {  	v3 =	vld [tilespmem:s19+$0x15050]  }
0x513: {  	[tilespmem:s19+$0x9000] =	vst.add.f32.msk $0xffff, v8  }
0x514: {  	s20 =	simm.s32 $0x0;
	[tilespmem:s19+$0x9010] =	vst.add.f32.msk $0xffff, v9  }
.LBB2_36:
0x515: {  	s20 =	sadd.s32 $0x8, s20;
	[tilespmem:s19+$0x9020] =	vst.add.f32.msk $0xffff, v7  }
0x516: {  	s18 =	sadd.s32 $0x400, s18;
	s21 =	sshll.u32 s20, $0x4;
	p0 =	slt.u32 s20, $0x3F8;
	[tilespmem:s19+$0x9030] =	vst.add.f32.msk $0xffff, v6  }
0x517: {  	s22 =	sand.u32 $0x1C00, s18;
	s23 =	sshll.u32 s20, $0x1;
	s21 =	sand.u32 $0x2000, s21;
	[tilespmem:s19+$0x9040] =	vst.add.f32.msk $0xffff, v5  }
0x518: {  	s21 =	sor.u32 s22, s21;
	s22 =	sand.u32 $0x380, s23;
	[tilespmem:s19+$0x9050] =	vst.add.f32.msk $0xffff, v3  }
0x519: {  	[tilespmem:s19+$0x9060] =	vst.add.f32.msk $0xffff, v4;
	s19 =	sor.u32 s22, s21  }
0x51a: {  	v3 =	vld [tilespmem:s19+$0x15070]  }
0x51b: {  	v8 =	vld [tilespmem:s19+$0x15000]  }
0x51c: {  	v9 =	vld [tilespmem:s19+$0x15010]  }
0x51d: {  	v7 =	vld [tilespmem:s19+$0x15020]  }
0x51e: {  	v6 =	vld [tilespmem:s19+$0x15030]  }
0x51f: {  	[tilespmem:s19+$0x9070] =	vst.add.f32.msk $0xffff, v3  }
.Ltmp17:
0x520: {  	v5 =	vld [tilespmem:s19+$0x15040];
	(pc) =	sbr.rel @p0 .LBB2_36-.Ltmp17, $4  }
0x521: {  	v3 =	vld [tilespmem:s19+$0x15050]  }
0x522: {  	v4 =	vld [tilespmem:s19+$0x15060]  }
0x523: {  	[tilespmem:s19+$0x9000] =	vst.add.f32.msk $0xffff, v8  }
0x524: {  	[tilespmem:s19+$0x9010] =	vst.add.f32.msk $0xffff, v9  }
0x525: {  	[tilespmem:s19+$0x9020] =	vst.add.f32.msk $0xffff, v7  }
0x526: {  	[tilespmem:s19+$0x9030] =	vst.add.f32.msk $0xffff, v6  }
0x527: {  	[tilespmem:s19+$0x9040] =	vst.add.f32.msk $0xffff, v5  }
0x528: {  	[tilespmem:s19+$0x9050] =	vst.add.f32.msk $0xffff, v3  }
0x529: {  	[tilespmem:s19+$0x9060] =	vst.add.f32.msk $0xffff, v4  }
0x52a: {  	s19 =	sld [smem:$0x7DD];
	_ =	sdelay $0x1  }
0x52b: {  	s18 =	simm.s32 $0x0  }
0x52c: {  	[hbm4b:s19+s18] =	stream.linear.scatter [tilespmem:s0], [sflag:$0x9], $0x4000, $0x38;
	[tilespmem:$0x19000] =	vst v63  }
0x52d: {  	_ =	swait.ge [sflag:s16], $0x4000  }
0x52e: {  	s21 =	sld [smem:$0x7E2]  }
0x52f: {  	[sflag:s16] =	ssyncset.done $0x0  }
0x530: {  	[sflag:s16] =	ssyncadd.s32 $0xFFFFC000  }
0x531: {  	[tilespmem:s0], [sflag:$0x3] =	stream.linear.gather [hbm4b:s21+s18], $0x4000, $0x38;
	[tilespmem:$0x19000] =	vst v63  }
0x532: {  	v3 =	vld [tilespmem:$0xA00];
	_ =	sdelay $0x4  }
0x533: {  	v4 =	vshll.u32 v3, $0x3  }
0x534: {  	v3 =	vand.u32 $0x7, v3;
	v4 =	vand.u32 $0xFFFFFFC0, v4  }
0x535: {  	v3 =	vor.u32 v3, v4  }
0x536: {  	v4 =	vperm.xlane v3, v0;
	_ =	sdelay $0x1  }
0x537: {  	v4 =	vadd.s32 v1, v4;
	_ =	sdelay $0x3  }
0x538: {  	s22 =	simm.s32 $0x15000  }
0x539: {  	[tilespmem:s22], [sflag:$0x6] =	stream.indirect_vreg.gather [hbm4b:s3+s18], $0x80, v4, vm0, $0xb8;
	[tilespmem:$0x19000] =	vst v63  }
0x53a: {  	s23 =	simm.s32 $0x15800;
	v3 =	vperm.xlane v3, v2  }
0x53b: {  	[tilespmem:s23], [sflag:$0x6] =	stream.indirect_vreg.gather [hbm4b:s9+s18], $0x80, v4, vm0, $0xb8;
	[tilespmem:$0x19000] =	vst v63  }
0x53c: {  	s20 =	simm.s32 $0x16000;
	v3 =	vadd.s32 v1, v3  }
0x53d: {  	[tilespmem:s20], [sflag:$0x6] =	stream.indirect_vreg.gather [hbm4b:s10+s18], $0x80, v4, vm0, $0xb8;
	[tilespmem:$0x19000] =	vst v63  }
0x53e: {  	s21 =	simm.s32 $0x16800  }
0x53f: {  	[tilespmem:s21], [sflag:$0x6] =	stream.indirect_vreg.gather [hbm4b:s11+s18], $0x80, v4, vm0, $0xb8;
	[tilespmem:$0x19000] =	vst v63  }
0x540: {  	s22 =	simm.s32 $0x17000  }
0x541: {  	[tilespmem:s22], [sflag:$0x6] =	stream.indirect_vreg.gather [hbm4b:s3+s18], $0x80, v3, vm0, $0xb8;
	[tilespmem:$0x19000] =	vst v63  }
0x542: {  	s23 =	simm.s32 $0x17800  }
0x543: {  	[tilespmem:s23], [sflag:$0x6] =	stream.indirect_vreg.gather [hbm4b:s9+s18], $0x80, v3, vm0, $0xb8;
	[tilespmem:$0x19000] =	vst v63  }
0x544: {  	s20 =	simm.s32 $0x18000  }
0x545: {  	[tilespmem:s20], [sflag:$0x6] =	stream.indirect_vreg.gather [hbm4b:s10+s18], $0x80, v3, vm0, $0xb8;
	[tilespmem:$0x19000] =	vst v63  }
0x546: {  	s21 =	simm.s32 $0x18800  }
0x547: {  	[tilespmem:s21], [sflag:$0x6] =	stream.indirect_vreg.gather [hbm4b:s11+s18], $0x80, v3, vm0, $0xb8;
	[tilespmem:$0x19000] =	vst v63  }
0x548: {  	_ =	swait.ge [sflag:s4], $0x4000  }
0x549: {  	s22 =	simm.s32 $0x0;
	[sflag:s4] =	ssyncset.done $0x0  }
0x54a: {  	s19 =	sand.u32 $0x2000, s22;
	[sflag:s4] =	ssyncadd.s32 $0xFFFFC000  }
0x54b: {  	s20 =	sand.u32 $0x1C00, s18;
	s21 =	simm.s32 $0x0;
	_ =	swait.ge [sflag:s5], $0x4000  }
0x54c: {  	s19 =	sor.u32 s20, s19;
	s23 =	sand.u32 $0x380, s21;
	[sflag:s5] =	ssyncset.done $0x0  }
0x54d: {  	s19 =	sor.u32 s23, s19;
	[sflag:s5] =	ssyncadd.s32 $0xFFFFC000  }
0x54e: {  	v3 =	vld [tilespmem:s19+$0xD070]  }
0x54f: {  	v8 =	vld [tilespmem:s19+$0xD000]  }
0x550: {  	v9 =	vld [tilespmem:s19+$0xD010]  }
0x551: {  	v7 =	vld [tilespmem:s19+$0xD020]  }
0x552: {  	v6 =	vld [tilespmem:s19+$0xD030]  }
0x553: {  	v5 =	vld [tilespmem:s19+$0xD040]  }
0x554: {  	v4 =	vld [tilespmem:s19+$0xD060]  }
0x555: {  	[tilespmem:s19+$0x1070] =	vst.add.f32.msk $0xffff, v3  }
0x556: {  	v3 =	vld [tilespmem:s19+$0xD050]  }
0x557: {  	[tilespmem:s19+$0x1000] =	vst.add.f32.msk $0xffff, v8  }
0x558: {  	s20 =	simm.s32 $0x0;
	[tilespmem:s19+$0x1010] =	vst.add.f32.msk $0xffff, v9  }
.LBB2_38:
0x559: {  	s20 =	sadd.s32 $0x8, s20;
	[tilespmem:s19+$0x1020] =	vst.add.f32.msk $0xffff, v7  }
0x55a: {  	s18 =	sadd.s32 $0x400, s18;
	s21 =	sshll.u32 s20, $0x4;
	p0 =	slt.u32 s20, $0x3F8;
	[tilespmem:s19+$0x1030] =	vst.add.f32.msk $0xffff, v6  }
0x55b: {  	s22 =	sand.u32 $0x1C00, s18;
	s23 =	sshll.u32 s20, $0x1;
	s21 =	sand.u32 $0x2000, s21;
	[tilespmem:s19+$0x1040] =	vst.add.f32.msk $0xffff, v5  }
0x55c: {  	s21 =	sor.u32 s22, s21;
	s22 =	sand.u32 $0x380, s23;
	[tilespmem:s19+$0x1050] =	vst.add.f32.msk $0xffff, v3  }
0x55d: {  	[tilespmem:s19+$0x1060] =	vst.add.f32.msk $0xffff, v4;
	s19 =	sor.u32 s22, s21  }
0x55e: {  	v3 =	vld [tilespmem:s19+$0xD070]  }
0x55f: {  	v8 =	vld [tilespmem:s19+$0xD000]  }
0x560: {  	v9 =	vld [tilespmem:s19+$0xD010]  }
0x561: {  	v7 =	vld [tilespmem:s19+$0xD020]  }
0x562: {  	v6 =	vld [tilespmem:s19+$0xD030]  }
0x563: {  	[tilespmem:s19+$0x1070] =	vst.add.f32.msk $0xffff, v3  }
.Ltmp18:
0x564: {  	v5 =	vld [tilespmem:s19+$0xD040];
	(pc) =	sbr.rel @p0 .LBB2_38-.Ltmp18, $4  }
0x565: {  	v3 =	vld [tilespmem:s19+$0xD050]  }
0x566: {  	v4 =	vld [tilespmem:s19+$0xD060]  }
0x567: {  	[tilespmem:s19+$0x1000] =	vst.add.f32.msk $0xffff, v8  }
0x568: {  	[tilespmem:s19+$0x1010] =	vst.add.f32.msk $0xffff, v9  }
0x569: {  	[tilespmem:s19+$0x1020] =	vst.add.f32.msk $0xffff, v7  }
0x56a: {  	[tilespmem:s19+$0x1030] =	vst.add.f32.msk $0xffff, v6  }
0x56b: {  	[tilespmem:s19+$0x1040] =	vst.add.f32.msk $0xffff, v5  }
0x56c: {  	[tilespmem:s19+$0x1050] =	vst.add.f32.msk $0xffff, v3  }
0x56d: {  	[tilespmem:s19+$0x1060] =	vst.add.f32.msk $0xffff, v4  }
0x56e: {  	s19 =	sld [smem:$0x7DF];
	_ =	sdelay $0x1  }
0x56f: {  	s18 =	simm.s32 $0x0  }
0x570: {  	[hbm4b:s19+s18] =	stream.linear.scatter [tilespmem:s12], [sflag:$0x7], $0x4000, $0x38;
	[tilespmem:$0x19000] =	vst v63  }
0x571: {  	_ =	swait.ge [sflag:s6], $0x4000  }
0x572: {  	s21 =	sld [smem:$0x7E4]  }
0x573: {  	[sflag:s6] =	ssyncset.done $0x0  }
0x574: {  	[sflag:s6] =	ssyncadd.s32 $0xFFFFC000  }
0x575: {  	[tilespmem:s12], [sflag:$0x1] =	stream.linear.gather [hbm4b:s21+s18], $0x4000, $0x38;
	[tilespmem:$0x19000] =	vst v63  }
0x576: {  	v3 =	vld [tilespmem:$0xA80];
	_ =	sdelay $0x4  }
0x577: {  	v4 =	vshll.u32 v3, $0x3  }
0x578: {  	v3 =	vand.u32 $0x7, v3;
	v4 =	vand.u32 $0xFFFFFFC0, v4  }
0x579: {  	v3 =	vor.u32 v3, v4  }
0x57a: {  	v4 =	vperm.xlane v3, v0;
	_ =	sdelay $0x1  }
0x57b: {  	v4 =	vadd.s32 v1, v4;
	_ =	sdelay $0x3  }
0x57c: {  	s22 =	simm.s32 $0xD000  }
0x57d: {  	[tilespmem:s22], [sflag:$0x4] =	stream.indirect_vreg.gather [hbm4b:s3+s18], $0x80, v4, vm0, $0xb8;
	[tilespmem:$0x19000] =	vst v63  }
0x57e: {  	s23 =	simm.s32 $0xD800;
	v3 =	vperm.xlane v3, v2  }
0x57f: {  	[tilespmem:s23], [sflag:$0x4] =	stream.indirect_vreg.gather [hbm4b:s9+s18], $0x80, v4, vm0, $0xb8;
	[tilespmem:$0x19000] =	vst v63  }
0x580: {  	s20 =	simm.s32 $0xE000;
	v3 =	vadd.s32 v1, v3  }
0x581: {  	[tilespmem:s20], [sflag:$0x4] =	stream.indirect_vreg.gather [hbm4b:s10+s18], $0x80, v4, vm0, $0xb8;
	[tilespmem:$0x19000] =	vst v63  }
0x582: {  	s21 =	simm.s32 $0xE800  }
0x583: {  	[tilespmem:s21], [sflag:$0x4] =	stream.indirect_vreg.gather [hbm4b:s11+s18], $0x80, v4, vm0, $0xb8;
	[tilespmem:$0x19000] =	vst v63  }
0x584: {  	s22 =	simm.s32 $0xF000  }
0x585: {  	[tilespmem:s22], [sflag:$0x4] =	stream.indirect_vreg.gather [hbm4b:s3+s18], $0x80, v3, vm0, $0xb8;
	[tilespmem:$0x19000] =	vst v63  }
0x586: {  	s23 =	simm.s32 $0xF800  }
0x587: {  	[tilespmem:s23], [sflag:$0x4] =	stream.indirect_vreg.gather [hbm4b:s9+s18], $0x80, v3, vm0, $0xb8;
	[tilespmem:$0x19000] =	vst v63  }
0x588: {  	s20 =	simm.s32 $0x10000  }
0x589: {  	[tilespmem:s20], [sflag:$0x4] =	stream.indirect_vreg.gather [hbm4b:s10+s18], $0x80, v3, vm0, $0xb8;
	[tilespmem:$0x19000] =	vst v63  }
0x58a: {  	s21 =	simm.s32 $0x10800  }
0x58b: {  	[tilespmem:s21], [sflag:$0x4] =	stream.indirect_vreg.gather [hbm4b:s11+s18], $0x80, v3, vm0, $0xb8;
	[tilespmem:$0x19000] =	vst v63  }
0x58c: {  	_ =	swait.ge [sflag:s7], $0x4000  }
0x58d: {  	s22 =	simm.s32 $0x0;
	[sflag:s7] =	ssyncset.done $0x0  }
0x58e: {  	s19 =	sand.u32 $0x2000, s22;
	[sflag:s7] =	ssyncadd.s32 $0xFFFFC000  }
0x58f: {  	s20 =	sand.u32 $0x1C00, s18;
	s21 =	simm.s32 $0x0;
	_ =	swait.ge [sflag:s8], $0x4000  }
0x590: {  	s19 =	sor.u32 s20, s19;
	s23 =	sand.u32 $0x380, s21;
	[sflag:s8] =	ssyncset.done $0x0  }
0x591: {  	s19 =	sor.u32 s23, s19;
	[sflag:s8] =	ssyncadd.s32 $0xFFFFC000  }
0x592: {  	v3 =	vld [tilespmem:s19+$0x11070]  }
0x593: {  	v8 =	vld [tilespmem:s19+$0x11000]  }
0x594: {  	v9 =	vld [tilespmem:s19+$0x11010]  }
0x595: {  	v7 =	vld [tilespmem:s19+$0x11020]  }
0x596: {  	v6 =	vld [tilespmem:s19+$0x11030]  }
0x597: {  	v5 =	vld [tilespmem:s19+$0x11040]  }
0x598: {  	v4 =	vld [tilespmem:s19+$0x11060]  }
0x599: {  	[tilespmem:s19+$0x5070] =	vst.add.f32.msk $0xffff, v3  }
0x59a: {  	v3 =	vld [tilespmem:s19+$0x11050]  }
0x59b: {  	[tilespmem:s19+$0x5000] =	vst.add.f32.msk $0xffff, v8  }
0x59c: {  	s20 =	simm.s32 $0x0;
	[tilespmem:s19+$0x5010] =	vst.add.f32.msk $0xffff, v9  }
.LBB2_40:
0x59d: {  	s20 =	sadd.s32 $0x8, s20;
	[tilespmem:s19+$0x5020] =	vst.add.f32.msk $0xffff, v7  }
0x59e: {  	s18 =	sadd.s32 $0x400, s18;
	s21 =	sshll.u32 s20, $0x4;
	p0 =	slt.u32 s20, $0x3F8;
	[tilespmem:s19+$0x5030] =	vst.add.f32.msk $0xffff, v6  }
0x59f: {  	s22 =	sand.u32 $0x1C00, s18;
	s23 =	sshll.u32 s20, $0x1;
	s21 =	sand.u32 $0x2000, s21;
	[tilespmem:s19+$0x5040] =	vst.add.f32.msk $0xffff, v5  }
0x5a0: {  	s21 =	sor.u32 s22, s21;
	s22 =	sand.u32 $0x380, s23;
	[tilespmem:s19+$0x5050] =	vst.add.f32.msk $0xffff, v3  }
0x5a1: {  	[tilespmem:s19+$0x5060] =	vst.add.f32.msk $0xffff, v4;
	s19 =	sor.u32 s22, s21  }
0x5a2: {  	v3 =	vld [tilespmem:s19+$0x11070]  }
0x5a3: {  	v8 =	vld [tilespmem:s19+$0x11000]  }
0x5a4: {  	v9 =	vld [tilespmem:s19+$0x11010]  }
0x5a5: {  	v7 =	vld [tilespmem:s19+$0x11020]  }
0x5a6: {  	v6 =	vld [tilespmem:s19+$0x11030]  }
0x5a7: {  	[tilespmem:s19+$0x5070] =	vst.add.f32.msk $0xffff, v3  }
.Ltmp19:
0x5a8: {  	v5 =	vld [tilespmem:s19+$0x11040];
	(pc) =	sbr.rel @p0 .LBB2_40-.Ltmp19, $4  }
0x5a9: {  	v3 =	vld [tilespmem:s19+$0x11050]  }
0x5aa: {  	v4 =	vld [tilespmem:s19+$0x11060]  }
0x5ab: {  	[tilespmem:s19+$0x5000] =	vst.add.f32.msk $0xffff, v8  }
0x5ac: {  	[tilespmem:s19+$0x5010] =	vst.add.f32.msk $0xffff, v9  }
0x5ad: {  	[tilespmem:s19+$0x5020] =	vst.add.f32.msk $0xffff, v7  }
0x5ae: {  	[tilespmem:s19+$0x5030] =	vst.add.f32.msk $0xffff, v6  }
0x5af: {  	[tilespmem:s19+$0x5040] =	vst.add.f32.msk $0xffff, v5  }
0x5b0: {  	[tilespmem:s19+$0x5050] =	vst.add.f32.msk $0xffff, v3  }
0x5b1: {  	[tilespmem:s19+$0x5060] =	vst.add.f32.msk $0xffff, v4  }
0x5b2: {  	s19 =	sld [smem:$0x7E1];
	_ =	sdelay $0x1  }
0x5b3: {  	s18 =	simm.s32 $0x0  }
0x5b4: {  	[hbm4b:s19+s18] =	stream.linear.scatter [tilespmem:s13], [sflag:$0x8], $0x4000, $0x38;
	[tilespmem:$0x19000] =	vst v63  }
0x5b5: {  	_ =	swait.ge [sflag:s14], $0x4000  }
0x5b6: {  	s20 =	sld [smem:$0x7E6]  }
0x5b7: {  	[sflag:s14] =	ssyncset.done $0x0  }
0x5b8: {  	[sflag:s14] =	ssyncadd.s32 $0xFFFFC000  }
0x5b9: {  	[tilespmem:s13], [sflag:$0x2] =	stream.linear.gather [hbm4b:s20+s18], $0x4000, $0x38;
	[tilespmem:$0x19000] =	vst v63  }
0x5ba: {  	v3 =	vld [tilespmem:$0xB00];
	_ =	sdelay $0x4  }
0x5bb: {  	v4 =	vshll.u32 v3, $0x3  }
0x5bc: {  	v3 =	vand.u32 $0x7, v3;
	v4 =	vand.u32 $0xFFFFFFC0, v4  }
0x5bd: {  	v3 =	vor.u32 v3, v4  }
0x5be: {  	v4 =	vperm.xlane v3, v0;
	_ =	sdelay $0x1  }
0x5bf: {  	v4 =	vadd.s32 v1, v4;
	_ =	sdelay $0x3  }
0x5c0: {  	s21 =	simm.s32 $0x11000  }
0x5c1: {  	[tilespmem:s21], [sflag:$0x5] =	stream.indirect_vreg.gather [hbm4b:s3+s18], $0x80, v4, vm0, $0xb8;
	[tilespmem:$0x19000] =	vst v63  }
0x5c2: {  	v3 =	vperm.xlane v3, v2  }
0x5c3: {  	[tilespmem:s24], [sflag:$0x5] =	stream.indirect_vreg.gather [hbm4b:s9+s18], $0x80, v4, vm0, $0xb8;
	[tilespmem:$0x19000] =	vst v63  }
0x5c4: {  	v3 =	vadd.s32 v1, v3  }
0x5c5: {  	[tilespmem:s25], [sflag:$0x5] =	stream.indirect_vreg.gather [hbm4b:s10+s18], $0x80, v4, vm0, $0xb8;
	[tilespmem:$0x19000] =	vst v63  }
0x5c6: {  	_ = 	snop  }
0x5c7: {  	[tilespmem:s26], [sflag:$0x5] =	stream.indirect_vreg.gather [hbm4b:s11+s18], $0x80, v4, vm0, $0xb8;
	[tilespmem:$0x19000] =	vst v63  }
0x5c8: {  	_ = 	snop  }
0x5c9: {  	[tilespmem:s28], [sflag:$0x5] =	stream.indirect_vreg.gather [hbm4b:s3+s18], $0x80, v3, vm0, $0xb8;
	[tilespmem:$0x19000] =	vst v63  }
0x5ca: {  	_ = 	snop  }
0x5cb: {  	[tilespmem:s29], [sflag:$0x5] =	stream.indirect_vreg.gather [hbm4b:s9+s18], $0x80, v3, vm0, $0xb8;
	[tilespmem:$0x19000] =	vst v63  }
0x5cc: {  	_ = 	snop  }
0x5cd: {  	[tilespmem:s30], [sflag:$0x5] =	stream.indirect_vreg.gather [hbm4b:s10+s18], $0x80, v3, vm0, $0xb8;
	[tilespmem:$0x19000] =	vst v63  }
0x5ce: {  	_ = 	snop  }
0x5cf: {  	[tilespmem:s31], [sflag:$0x5] =	stream.indirect_vreg.gather [hbm4b:s11+s18], $0x80, v3, vm0, $0xb8;
	[tilespmem:$0x19000] =	vst v63  }
0x5d0: {  	_ =	swait.ge [sflag:s2], $0x4000  }
0x5d1: {  	s22 =	simm.s32 $0x0;
	[sflag:s2] =	ssyncset.done $0x0  }
0x5d2: {  	s19 =	sand.u32 $0x2000, s22;
	[sflag:s2] =	ssyncadd.s32 $0xFFFFC000  }
0x5d3: {  	s20 =	sand.u32 $0x1C00, s18;
	s21 =	simm.s32 $0x0;
	_ =	swait.ge [sflag:s15], $0x4000  }
0x5d4: {  	s19 =	sor.u32 s20, s19;
	s23 =	sand.u32 $0x380, s21;
	[sflag:s15] =	ssyncset.done $0x0  }
0x5d5: {  	s19 =	sor.u32 s23, s19;
	[sflag:s15] =	ssyncadd.s32 $0xFFFFC000  }
0x5d6: {  	v3 =	vld [tilespmem:s19+$0x15070]  }
0x5d7: {  	v8 =	vld [tilespmem:s19+$0x15000]  }
0x5d8: {  	v9 =	vld [tilespmem:s19+$0x15010]  }
0x5d9: {  	v7 =	vld [tilespmem:s19+$0x15020]  }
0x5da: {  	v6 =	vld [tilespmem:s19+$0x15030]  }
0x5db: {  	v5 =	vld [tilespmem:s19+$0x15040]  }
0x5dc: {  	v4 =	vld [tilespmem:s19+$0x15060]  }
0x5dd: {  	[tilespmem:s19+$0x9070] =	vst.add.f32.msk $0xffff, v3  }
0x5de: {  	v3 =	vld [tilespmem:s19+$0x15050]  }
0x5df: {  	[tilespmem:s19+$0x9000] =	vst.add.f32.msk $0xffff, v8  }
0x5e0: {  	s20 =	simm.s32 $0x0;
	[tilespmem:s19+$0x9010] =	vst.add.f32.msk $0xffff, v9  }
.LBB2_42:
0x5e1: {  	s20 =	sadd.s32 $0x8, s20;
	[tilespmem:s19+$0x9020] =	vst.add.f32.msk $0xffff, v7  }
0x5e2: {  	s18 =	sadd.s32 $0x400, s18;
	s21 =	sshll.u32 s20, $0x4;
	p0 =	slt.u32 s20, $0x3F8;
	[tilespmem:s19+$0x9030] =	vst.add.f32.msk $0xffff, v6  }
0x5e3: {  	s22 =	sand.u32 $0x1C00, s18;
	s23 =	sshll.u32 s20, $0x1;
	s21 =	sand.u32 $0x2000, s21;
	[tilespmem:s19+$0x9040] =	vst.add.f32.msk $0xffff, v5  }
0x5e4: {  	s21 =	sor.u32 s22, s21;
	s22 =	sand.u32 $0x380, s23;
	[tilespmem:s19+$0x9050] =	vst.add.f32.msk $0xffff, v3  }
0x5e5: {  	[tilespmem:s19+$0x9060] =	vst.add.f32.msk $0xffff, v4;
	s19 =	sor.u32 s22, s21  }
0x5e6: {  	v3 =	vld [tilespmem:s19+$0x15070]  }
0x5e7: {  	v8 =	vld [tilespmem:s19+$0x15000]  }
0x5e8: {  	v9 =	vld [tilespmem:s19+$0x15010]  }
0x5e9: {  	v7 =	vld [tilespmem:s19+$0x15020]  }
0x5ea: {  	v6 =	vld [tilespmem:s19+$0x15030]  }
0x5eb: {  	[tilespmem:s19+$0x9070] =	vst.add.f32.msk $0xffff, v3  }
.Ltmp20:
0x5ec: {  	v5 =	vld [tilespmem:s19+$0x15040];
	(pc) =	sbr.rel @p0 .LBB2_42-.Ltmp20, $4  }
0x5ed: {  	v3 =	vld [tilespmem:s19+$0x15050]  }
0x5ee: {  	v4 =	vld [tilespmem:s19+$0x15060]  }
0x5ef: {  	[tilespmem:s19+$0x9000] =	vst.add.f32.msk $0xffff, v8  }
0x5f0: {  	[tilespmem:s19+$0x9010] =	vst.add.f32.msk $0xffff, v9  }
0x5f1: {  	[tilespmem:s19+$0x9020] =	vst.add.f32.msk $0xffff, v7  }
0x5f2: {  	[tilespmem:s19+$0x9030] =	vst.add.f32.msk $0xffff, v6  }
0x5f3: {  	[tilespmem:s19+$0x9040] =	vst.add.f32.msk $0xffff, v5  }
0x5f4: {  	[tilespmem:s19+$0x9050] =	vst.add.f32.msk $0xffff, v3  }
0x5f5: {  	[tilespmem:s19+$0x9060] =	vst.add.f32.msk $0xffff, v4  }
0x5f6: {  	s19 =	sld [smem:$0x7E3];
	_ =	sdelay $0x1  }
0x5f7: {  	s18 =	simm.s32 $0x0  }
0x5f8: {  	[hbm4b:s19+s18] =	stream.linear.scatter [tilespmem:s0], [sflag:$0x9], $0x4000, $0x38;
	[tilespmem:$0x19000] =	vst v63  }
0x5f9: {  	_ =	swait.ge [sflag:s16], $0x4000  }
0x5fa: {  	s21 =	sld [smem:$0x7E8]  }
0x5fb: {  	[sflag:s16] =	ssyncset.done $0x0  }
0x5fc: {  	[sflag:s16] =	ssyncadd.s32 $0xFFFFC000  }
0x5fd: {  	[tilespmem:s0], [sflag:$0x3] =	stream.linear.gather [hbm4b:s21+s18], $0x4000, $0x38;
	[tilespmem:$0x19000] =	vst v63  }
0x5fe: {  	v3 =	vld [tilespmem:$0xB80];
	_ =	sdelay $0x4  }
0x5ff: {  	v4 =	vshll.u32 v3, $0x3  }
0x600: {  	v3 =	vand.u32 $0x7, v3;
	v4 =	vand.u32 $0xFFFFFFC0, v4  }
0x601: {  	v3 =	vor.u32 v3, v4  }
0x602: {  	v4 =	vperm.xlane v3, v0;
	_ =	sdelay $0x1  }
0x603: {  	v4 =	vadd.s32 v1, v4;
	_ =	sdelay $0x3  }
0x604: {  	s22 =	simm.s32 $0x15000  }
0x605: {  	[tilespmem:s22], [sflag:$0x6] =	stream.indirect_vreg.gather [hbm4b:s3+s18], $0x80, v4, vm0, $0xb8;
	[tilespmem:$0x19000] =	vst v63  }
0x606: {  	s23 =	simm.s32 $0x15800;
	v3 =	vperm.xlane v3, v2  }
0x607: {  	[tilespmem:s23], [sflag:$0x6] =	stream.indirect_vreg.gather [hbm4b:s9+s18], $0x80, v4, vm0, $0xb8;
	[tilespmem:$0x19000] =	vst v63  }
0x608: {  	s20 =	simm.s32 $0x16000;
	v3 =	vadd.s32 v1, v3  }
0x609: {  	[tilespmem:s20], [sflag:$0x6] =	stream.indirect_vreg.gather [hbm4b:s10+s18], $0x80, v4, vm0, $0xb8;
	[tilespmem:$0x19000] =	vst v63  }
0x60a: {  	s21 =	simm.s32 $0x16800  }
0x60b: {  	[tilespmem:s21], [sflag:$0x6] =	stream.indirect_vreg.gather [hbm4b:s11+s18], $0x80, v4, vm0, $0xb8;
	[tilespmem:$0x19000] =	vst v63  }
0x60c: {  	s22 =	simm.s32 $0x17000  }
0x60d: {  	[tilespmem:s22], [sflag:$0x6] =	stream.indirect_vreg.gather [hbm4b:s3+s18], $0x80, v3, vm0, $0xb8;
	[tilespmem:$0x19000] =	vst v63  }
0x60e: {  	s23 =	simm.s32 $0x17800  }
0x60f: {  	[tilespmem:s23], [sflag:$0x6] =	stream.indirect_vreg.gather [hbm4b:s9+s18], $0x80, v3, vm0, $0xb8;
	[tilespmem:$0x19000] =	vst v63  }
0x610: {  	s20 =	simm.s32 $0x18000  }
0x611: {  	[tilespmem:s20], [sflag:$0x6] =	stream.indirect_vreg.gather [hbm4b:s10+s18], $0x80, v3, vm0, $0xb8;
	[tilespmem:$0x19000] =	vst v63  }
0x612: {  	s21 =	simm.s32 $0x18800  }
0x613: {  	[tilespmem:s21], [sflag:$0x6] =	stream.indirect_vreg.gather [hbm4b:s11+s18], $0x80, v3, vm0, $0xb8;
	[tilespmem:$0x19000] =	vst v63  }
0x614: {  	_ =	swait.ge [sflag:s4], $0x4000  }
0x615: {  	s22 =	simm.s32 $0x0;
	[sflag:s4] =	ssyncset.done $0x0  }
0x616: {  	s19 =	sand.u32 $0x2000, s22;
	[sflag:s4] =	ssyncadd.s32 $0xFFFFC000  }
0x617: {  	s20 =	sand.u32 $0x1C00, s18;
	s21 =	simm.s32 $0x0;
	_ =	swait.ge [sflag:s5], $0x4000  }
0x618: {  	s19 =	sor.u32 s20, s19;
	s23 =	sand.u32 $0x380, s21;
	[sflag:s5] =	ssyncset.done $0x0  }
0x619: {  	s19 =	sor.u32 s23, s19;
	[sflag:s5] =	ssyncadd.s32 $0xFFFFC000  }
0x61a: {  	v3 =	vld [tilespmem:s19+$0xD070]  }
0x61b: {  	v8 =	vld [tilespmem:s19+$0xD000]  }
0x61c: {  	v9 =	vld [tilespmem:s19+$0xD010]  }
0x61d: {  	v7 =	vld [tilespmem:s19+$0xD020]  }
0x61e: {  	v6 =	vld [tilespmem:s19+$0xD030]  }
0x61f: {  	v5 =	vld [tilespmem:s19+$0xD040]  }
0x620: {  	v4 =	vld [tilespmem:s19+$0xD060]  }
0x621: {  	[tilespmem:s19+$0x1070] =	vst.add.f32.msk $0xffff, v3  }
0x622: {  	v3 =	vld [tilespmem:s19+$0xD050]  }
0x623: {  	[tilespmem:s19+$0x1000] =	vst.add.f32.msk $0xffff, v8  }
0x624: {  	s20 =	simm.s32 $0x0;
	[tilespmem:s19+$0x1010] =	vst.add.f32.msk $0xffff, v9  }
.LBB2_44:
0x625: {  	s20 =	sadd.s32 $0x8, s20;
	[tilespmem:s19+$0x1020] =	vst.add.f32.msk $0xffff, v7  }
0x626: {  	s18 =	sadd.s32 $0x400, s18;
	s21 =	sshll.u32 s20, $0x4;
	p0 =	slt.u32 s20, $0x3F8;
	[tilespmem:s19+$0x1030] =	vst.add.f32.msk $0xffff, v6  }
0x627: {  	s22 =	sand.u32 $0x1C00, s18;
	s23 =	sshll.u32 s20, $0x1;
	s21 =	sand.u32 $0x2000, s21;
	[tilespmem:s19+$0x1040] =	vst.add.f32.msk $0xffff, v5  }
0x628: {  	s21 =	sor.u32 s22, s21;
	s22 =	sand.u32 $0x380, s23;
	[tilespmem:s19+$0x1050] =	vst.add.f32.msk $0xffff, v3  }
0x629: {  	[tilespmem:s19+$0x1060] =	vst.add.f32.msk $0xffff, v4;
	s19 =	sor.u32 s22, s21  }
0x62a: {  	v3 =	vld [tilespmem:s19+$0xD070]  }
0x62b: {  	v8 =	vld [tilespmem:s19+$0xD000]  }
0x62c: {  	v9 =	vld [tilespmem:s19+$0xD010]  }
0x62d: {  	v7 =	vld [tilespmem:s19+$0xD020]  }
0x62e: {  	v6 =	vld [tilespmem:s19+$0xD030]  }
0x62f: {  	[tilespmem:s19+$0x1070] =	vst.add.f32.msk $0xffff, v3  }
.Ltmp21:
0x630: {  	v5 =	vld [tilespmem:s19+$0xD040];
	(pc) =	sbr.rel @p0 .LBB2_44-.Ltmp21, $4  }
0x631: {  	v3 =	vld [tilespmem:s19+$0xD050]  }
0x632: {  	v4 =	vld [tilespmem:s19+$0xD060]  }
0x633: {  	[tilespmem:s19+$0x1000] =	vst.add.f32.msk $0xffff, v8  }
0x634: {  	[tilespmem:s19+$0x1010] =	vst.add.f32.msk $0xffff, v9  }
0x635: {  	[tilespmem:s19+$0x1020] =	vst.add.f32.msk $0xffff, v7  }
0x636: {  	[tilespmem:s19+$0x1030] =	vst.add.f32.msk $0xffff, v6  }
0x637: {  	[tilespmem:s19+$0x1040] =	vst.add.f32.msk $0xffff, v5  }
0x638: {  	[tilespmem:s19+$0x1050] =	vst.add.f32.msk $0xffff, v3  }
0x639: {  	[tilespmem:s19+$0x1060] =	vst.add.f32.msk $0xffff, v4  }
0x63a: {  	s19 =	sld [smem:$0x7E5];
	_ =	sdelay $0x1  }
0x63b: {  	s18 =	simm.s32 $0x0  }
0x63c: {  	[hbm4b:s19+s18] =	stream.linear.scatter [tilespmem:s12], [sflag:$0x7], $0x4000, $0x38;
	[tilespmem:$0x19000] =	vst v63  }
0x63d: {  	_ =	swait.ge [sflag:s6], $0x4000  }
0x63e: {  	s21 =	sld [smem:$0x7EA]  }
0x63f: {  	[sflag:s6] =	ssyncset.done $0x0  }
0x640: {  	[sflag:s6] =	ssyncadd.s32 $0xFFFFC000  }
0x641: {  	[tilespmem:s12], [sflag:$0x1] =	stream.linear.gather [hbm4b:s21+s18], $0x4000, $0x38;
	[tilespmem:$0x19000] =	vst v63  }
0x642: {  	v3 =	vld [tilespmem:$0xC00];
	_ =	sdelay $0x4  }
0x643: {  	v4 =	vshll.u32 v3, $0x3  }
0x644: {  	v3 =	vand.u32 $0x7, v3;
	v4 =	vand.u32 $0xFFFFFFC0, v4  }
0x645: {  	v3 =	vor.u32 v3, v4  }
0x646: {  	v4 =	vperm.xlane v3, v0;
	_ =	sdelay $0x1  }
0x647: {  	v4 =	vadd.s32 v1, v4;
	_ =	sdelay $0x3  }
0x648: {  	s22 =	simm.s32 $0xD000  }
0x649: {  	[tilespmem:s22], [sflag:$0x4] =	stream.indirect_vreg.gather [hbm4b:s3+s18], $0x80, v4, vm0, $0xb8;
	[tilespmem:$0x19000] =	vst v63  }
0x64a: {  	s23 =	simm.s32 $0xD800;
	v3 =	vperm.xlane v3, v2  }
0x64b: {  	[tilespmem:s23], [sflag:$0x4] =	stream.indirect_vreg.gather [hbm4b:s9+s18], $0x80, v4, vm0, $0xb8;
	[tilespmem:$0x19000] =	vst v63  }
0x64c: {  	s20 =	simm.s32 $0xE000;
	v3 =	vadd.s32 v1, v3  }
0x64d: {  	[tilespmem:s20], [sflag:$0x4] =	stream.indirect_vreg.gather [hbm4b:s10+s18], $0x80, v4, vm0, $0xb8;
	[tilespmem:$0x19000] =	vst v63  }
0x64e: {  	s21 =	simm.s32 $0xE800  }
0x64f: {  	[tilespmem:s21], [sflag:$0x4] =	stream.indirect_vreg.gather [hbm4b:s11+s18], $0x80, v4, vm0, $0xb8;
	[tilespmem:$0x19000] =	vst v63  }
0x650: {  	s22 =	simm.s32 $0xF000  }
0x651: {  	[tilespmem:s22], [sflag:$0x4] =	stream.indirect_vreg.gather [hbm4b:s3+s18], $0x80, v3, vm0, $0xb8;
	[tilespmem:$0x19000] =	vst v63  }
0x652: {  	s23 =	simm.s32 $0xF800  }
0x653: {  	[tilespmem:s23], [sflag:$0x4] =	stream.indirect_vreg.gather [hbm4b:s9+s18], $0x80, v3, vm0, $0xb8;
	[tilespmem:$0x19000] =	vst v63  }
0x654: {  	s20 =	simm.s32 $0x10000  }
0x655: {  	[tilespmem:s20], [sflag:$0x4] =	stream.indirect_vreg.gather [hbm4b:s10+s18], $0x80, v3, vm0, $0xb8;
	[tilespmem:$0x19000] =	vst v63  }
0x656: {  	s21 =	simm.s32 $0x10800  }
0x657: {  	[tilespmem:s21], [sflag:$0x4] =	stream.indirect_vreg.gather [hbm4b:s11+s18], $0x80, v3, vm0, $0xb8;
	[tilespmem:$0x19000] =	vst v63  }
0x658: {  	_ =	swait.ge [sflag:s7], $0x4000  }
0x659: {  	s22 =	simm.s32 $0x0;
	[sflag:s7] =	ssyncset.done $0x0  }
0x65a: {  	s19 =	sand.u32 $0x2000, s22;
	[sflag:s7] =	ssyncadd.s32 $0xFFFFC000  }
0x65b: {  	s20 =	sand.u32 $0x1C00, s18;
	s21 =	simm.s32 $0x0;
	_ =	swait.ge [sflag:s8], $0x4000  }
0x65c: {  	s19 =	sor.u32 s20, s19;
	s23 =	sand.u32 $0x380, s21;
	[sflag:s8] =	ssyncset.done $0x0  }
0x65d: {  	s19 =	sor.u32 s23, s19;
	[sflag:s8] =	ssyncadd.s32 $0xFFFFC000  }
0x65e: {  	v3 =	vld [tilespmem:s19+$0x11070]  }
0x65f: {  	v8 =	vld [tilespmem:s19+$0x11000]  }
0x660: {  	v9 =	vld [tilespmem:s19+$0x11010]  }
0x661: {  	v7 =	vld [tilespmem:s19+$0x11020]  }
0x662: {  	v6 =	vld [tilespmem:s19+$0x11030]  }
0x663: {  	v5 =	vld [tilespmem:s19+$0x11040]  }
0x664: {  	v4 =	vld [tilespmem:s19+$0x11060]  }
0x665: {  	[tilespmem:s19+$0x5070] =	vst.add.f32.msk $0xffff, v3  }
0x666: {  	v3 =	vld [tilespmem:s19+$0x11050]  }
0x667: {  	[tilespmem:s19+$0x5000] =	vst.add.f32.msk $0xffff, v8  }
0x668: {  	s20 =	simm.s32 $0x0;
	[tilespmem:s19+$0x5010] =	vst.add.f32.msk $0xffff, v9  }
.LBB2_46:
0x669: {  	s20 =	sadd.s32 $0x8, s20;
	[tilespmem:s19+$0x5020] =	vst.add.f32.msk $0xffff, v7  }
0x66a: {  	s18 =	sadd.s32 $0x400, s18;
	s21 =	sshll.u32 s20, $0x4;
	p0 =	slt.u32 s20, $0x3F8;
	[tilespmem:s19+$0x5030] =	vst.add.f32.msk $0xffff, v6  }
0x66b: {  	s22 =	sand.u32 $0x1C00, s18;
	s23 =	sshll.u32 s20, $0x1;
	s21 =	sand.u32 $0x2000, s21;
	[tilespmem:s19+$0x5040] =	vst.add.f32.msk $0xffff, v5  }
0x66c: {  	s21 =	sor.u32 s22, s21;
	s22 =	sand.u32 $0x380, s23;
	[tilespmem:s19+$0x5050] =	vst.add.f32.msk $0xffff, v3  }
0x66d: {  	[tilespmem:s19+$0x5060] =	vst.add.f32.msk $0xffff, v4;
	s19 =	sor.u32 s22, s21  }
0x66e: {  	v3 =	vld [tilespmem:s19+$0x11070]  }
0x66f: {  	v8 =	vld [tilespmem:s19+$0x11000]  }
0x670: {  	v9 =	vld [tilespmem:s19+$0x11010]  }
0x671: {  	v7 =	vld [tilespmem:s19+$0x11020]  }
0x672: {  	v6 =	vld [tilespmem:s19+$0x11030]  }
0x673: {  	[tilespmem:s19+$0x5070] =	vst.add.f32.msk $0xffff, v3  }
.Ltmp22:
0x674: {  	v5 =	vld [tilespmem:s19+$0x11040];
	(pc) =	sbr.rel @p0 .LBB2_46-.Ltmp22, $4  }
0x675: {  	v3 =	vld [tilespmem:s19+$0x11050]  }
0x676: {  	v4 =	vld [tilespmem:s19+$0x11060]  }
0x677: {  	[tilespmem:s19+$0x5000] =	vst.add.f32.msk $0xffff, v8  }
0x678: {  	[tilespmem:s19+$0x5010] =	vst.add.f32.msk $0xffff, v9  }
0x679: {  	[tilespmem:s19+$0x5020] =	vst.add.f32.msk $0xffff, v7  }
0x67a: {  	[tilespmem:s19+$0x5030] =	vst.add.f32.msk $0xffff, v6  }
0x67b: {  	[tilespmem:s19+$0x5040] =	vst.add.f32.msk $0xffff, v5  }
0x67c: {  	[tilespmem:s19+$0x5050] =	vst.add.f32.msk $0xffff, v3  }
0x67d: {  	[tilespmem:s19+$0x5060] =	vst.add.f32.msk $0xffff, v4  }
0x67e: {  	s19 =	sld [smem:$0x7E7];
	_ =	sdelay $0x1  }
0x67f: {  	s18 =	simm.s32 $0x0  }
0x680: {  	[hbm4b:s19+s18] =	stream.linear.scatter [tilespmem:s13], [sflag:$0x8], $0x4000, $0x38;
	[tilespmem:$0x19000] =	vst v63  }
0x681: {  	_ =	swait.ge [sflag:s14], $0x4000  }
0x682: {  	s20 =	sld [smem:$0x7EC]  }
0x683: {  	[sflag:s14] =	ssyncset.done $0x0  }
0x684: {  	[sflag:s14] =	ssyncadd.s32 $0xFFFFC000  }
0x685: {  	[tilespmem:s13], [sflag:$0x2] =	stream.linear.gather [hbm4b:s20+s18], $0x4000, $0x38;
	[tilespmem:$0x19000] =	vst v63  }
0x686: {  	v3 =	vld [tilespmem:$0xC80];
	_ =	sdelay $0x4  }
0x687: {  	v4 =	vshll.u32 v3, $0x3  }
0x688: {  	v3 =	vand.u32 $0x7, v3;
	v4 =	vand.u32 $0xFFFFFFC0, v4  }
0x689: {  	v3 =	vor.u32 v3, v4  }
0x68a: {  	v4 =	vperm.xlane v3, v0;
	_ =	sdelay $0x1  }
0x68b: {  	v4 =	vadd.s32 v1, v4;
	_ =	sdelay $0x3  }
0x68c: {  	s21 =	simm.s32 $0x11000  }
0x68d: {  	[tilespmem:s21], [sflag:$0x5] =	stream.indirect_vreg.gather [hbm4b:s3+s18], $0x80, v4, vm0, $0xb8;
	[tilespmem:$0x19000] =	vst v63  }
0x68e: {  	v3 =	vperm.xlane v3, v2  }
0x68f: {  	[tilespmem:s24], [sflag:$0x5] =	stream.indirect_vreg.gather [hbm4b:s9+s18], $0x80, v4, vm0, $0xb8;
	[tilespmem:$0x19000] =	vst v63  }
0x690: {  	v3 =	vadd.s32 v1, v3  }
0x691: {  	[tilespmem:s25], [sflag:$0x5] =	stream.indirect_vreg.gather [hbm4b:s10+s18], $0x80, v4, vm0, $0xb8;
	[tilespmem:$0x19000] =	vst v63  }
0x692: {  	_ = 	snop  }
0x693: {  	[tilespmem:s26], [sflag:$0x5] =	stream.indirect_vreg.gather [hbm4b:s11+s18], $0x80, v4, vm0, $0xb8;
	[tilespmem:$0x19000] =	vst v63  }
0x694: {  	_ = 	snop  }
0x695: {  	[tilespmem:s28], [sflag:$0x5] =	stream.indirect_vreg.gather [hbm4b:s3+s18], $0x80, v3, vm0, $0xb8;
	[tilespmem:$0x19000] =	vst v63  }
0x696: {  	_ = 	snop  }
0x697: {  	[tilespmem:s29], [sflag:$0x5] =	stream.indirect_vreg.gather [hbm4b:s9+s18], $0x80, v3, vm0, $0xb8;
	[tilespmem:$0x19000] =	vst v63  }
0x698: {  	_ = 	snop  }
0x699: {  	[tilespmem:s30], [sflag:$0x5] =	stream.indirect_vreg.gather [hbm4b:s10+s18], $0x80, v3, vm0, $0xb8;
	[tilespmem:$0x19000] =	vst v63  }
0x69a: {  	_ = 	snop  }
0x69b: {  	[tilespmem:s31], [sflag:$0x5] =	stream.indirect_vreg.gather [hbm4b:s11+s18], $0x80, v3, vm0, $0xb8;
	[tilespmem:$0x19000] =	vst v63  }
0x69c: {  	_ =	swait.ge [sflag:s2], $0x4000  }
0x69d: {  	s22 =	simm.s32 $0x0;
	[sflag:s2] =	ssyncset.done $0x0  }
0x69e: {  	s19 =	sand.u32 $0x2000, s22;
	[sflag:s2] =	ssyncadd.s32 $0xFFFFC000  }
0x69f: {  	s20 =	sand.u32 $0x1C00, s18;
	s21 =	simm.s32 $0x0;
	_ =	swait.ge [sflag:s15], $0x4000  }
0x6a0: {  	s19 =	sor.u32 s20, s19;
	s23 =	sand.u32 $0x380, s21;
	[sflag:s15] =	ssyncset.done $0x0  }
0x6a1: {  	s19 =	sor.u32 s23, s19;
	[sflag:s15] =	ssyncadd.s32 $0xFFFFC000  }
0x6a2: {  	v3 =	vld [tilespmem:s19+$0x15070]  }
0x6a3: {  	v8 =	vld [tilespmem:s19+$0x15000]  }
0x6a4: {  	v9 =	vld [tilespmem:s19+$0x15010]  }
0x6a5: {  	v7 =	vld [tilespmem:s19+$0x15020]  }
0x6a6: {  	v6 =	vld [tilespmem:s19+$0x15030]  }
0x6a7: {  	v5 =	vld [tilespmem:s19+$0x15040]  }
0x6a8: {  	v4 =	vld [tilespmem:s19+$0x15060]  }
0x6a9: {  	[tilespmem:s19+$0x9070] =	vst.add.f32.msk $0xffff, v3  }
0x6aa: {  	v3 =	vld [tilespmem:s19+$0x15050]  }
0x6ab: {  	[tilespmem:s19+$0x9000] =	vst.add.f32.msk $0xffff, v8  }
0x6ac: {  	s20 =	simm.s32 $0x0;
	[tilespmem:s19+$0x9010] =	vst.add.f32.msk $0xffff, v9  }
.LBB2_48:
0x6ad: {  	s20 =	sadd.s32 $0x8, s20;
	[tilespmem:s19+$0x9020] =	vst.add.f32.msk $0xffff, v7  }
0x6ae: {  	s18 =	sadd.s32 $0x400, s18;
	s21 =	sshll.u32 s20, $0x4;
	p0 =	slt.u32 s20, $0x3F8;
	[tilespmem:s19+$0x9030] =	vst.add.f32.msk $0xffff, v6  }
0x6af: {  	s22 =	sand.u32 $0x1C00, s18;
	s23 =	sshll.u32 s20, $0x1;
	s21 =	sand.u32 $0x2000, s21;
	[tilespmem:s19+$0x9040] =	vst.add.f32.msk $0xffff, v5  }
0x6b0: {  	s21 =	sor.u32 s22, s21;
	s22 =	sand.u32 $0x380, s23;
	[tilespmem:s19+$0x9050] =	vst.add.f32.msk $0xffff, v3  }
0x6b1: {  	[tilespmem:s19+$0x9060] =	vst.add.f32.msk $0xffff, v4;
	s19 =	sor.u32 s22, s21  }
0x6b2: {  	v3 =	vld [tilespmem:s19+$0x15070]  }
0x6b3: {  	v8 =	vld [tilespmem:s19+$0x15000]  }
0x6b4: {  	v9 =	vld [tilespmem:s19+$0x15010]  }
0x6b5: {  	v7 =	vld [tilespmem:s19+$0x15020]  }
0x6b6: {  	v6 =	vld [tilespmem:s19+$0x15030]  }
0x6b7: {  	[tilespmem:s19+$0x9070] =	vst.add.f32.msk $0xffff, v3  }
.Ltmp23:
0x6b8: {  	v5 =	vld [tilespmem:s19+$0x15040];
	(pc) =	sbr.rel @p0 .LBB2_48-.Ltmp23, $4  }
0x6b9: {  	v3 =	vld [tilespmem:s19+$0x15050]  }
0x6ba: {  	v4 =	vld [tilespmem:s19+$0x15060]  }
0x6bb: {  	[tilespmem:s19+$0x9000] =	vst.add.f32.msk $0xffff, v8  }
0x6bc: {  	[tilespmem:s19+$0x9010] =	vst.add.f32.msk $0xffff, v9  }
0x6bd: {  	[tilespmem:s19+$0x9020] =	vst.add.f32.msk $0xffff, v7  }
0x6be: {  	[tilespmem:s19+$0x9030] =	vst.add.f32.msk $0xffff, v6  }
0x6bf: {  	[tilespmem:s19+$0x9040] =	vst.add.f32.msk $0xffff, v5  }
0x6c0: {  	[tilespmem:s19+$0x9050] =	vst.add.f32.msk $0xffff, v3  }
0x6c1: {  	[tilespmem:s19+$0x9060] =	vst.add.f32.msk $0xffff, v4  }
0x6c2: {  	s19 =	sld [smem:$0x7E9];
	_ =	sdelay $0x1  }
0x6c3: {  	s18 =	simm.s32 $0x0  }
0x6c4: {  	[hbm4b:s19+s18] =	stream.linear.scatter [tilespmem:s0], [sflag:$0x9], $0x4000, $0x38;
	[tilespmem:$0x19000] =	vst v63  }
0x6c5: {  	_ =	swait.ge [sflag:s16], $0x4000  }
0x6c6: {  	s21 =	sld [smem:$0x7EE]  }
0x6c7: {  	[sflag:s16] =	ssyncset.done $0x0  }
0x6c8: {  	[sflag:s16] =	ssyncadd.s32 $0xFFFFC000  }
0x6c9: {  	[tilespmem:s0], [sflag:$0x3] =	stream.linear.gather [hbm4b:s21+s18], $0x4000, $0x38;
	[tilespmem:$0x19000] =	vst v63  }
0x6ca: {  	v3 =	vld [tilespmem:$0xD00];
	_ =	sdelay $0x4  }
0x6cb: {  	v4 =	vshll.u32 v3, $0x3  }
0x6cc: {  	v3 =	vand.u32 $0x7, v3;
	v4 =	vand.u32 $0xFFFFFFC0, v4  }
0x6cd: {  	v3 =	vor.u32 v3, v4  }
0x6ce: {  	v4 =	vperm.xlane v3, v0;
	_ =	sdelay $0x1  }
0x6cf: {  	v4 =	vadd.s32 v1, v4;
	_ =	sdelay $0x3  }
0x6d0: {  	s22 =	simm.s32 $0x15000  }
0x6d1: {  	[tilespmem:s22], [sflag:$0x6] =	stream.indirect_vreg.gather [hbm4b:s3+s18], $0x80, v4, vm0, $0xb8;
	[tilespmem:$0x19000] =	vst v63  }
0x6d2: {  	s23 =	simm.s32 $0x15800;
	v3 =	vperm.xlane v3, v2  }
0x6d3: {  	[tilespmem:s23], [sflag:$0x6] =	stream.indirect_vreg.gather [hbm4b:s9+s18], $0x80, v4, vm0, $0xb8;
	[tilespmem:$0x19000] =	vst v63  }
0x6d4: {  	s20 =	simm.s32 $0x16000;
	v3 =	vadd.s32 v1, v3  }
0x6d5: {  	[tilespmem:s20], [sflag:$0x6] =	stream.indirect_vreg.gather [hbm4b:s10+s18], $0x80, v4, vm0, $0xb8;
	[tilespmem:$0x19000] =	vst v63  }
0x6d6: {  	s21 =	simm.s32 $0x16800  }
0x6d7: {  	[tilespmem:s21], [sflag:$0x6] =	stream.indirect_vreg.gather [hbm4b:s11+s18], $0x80, v4, vm0, $0xb8;
	[tilespmem:$0x19000] =	vst v63  }
0x6d8: {  	s22 =	simm.s32 $0x17000  }
0x6d9: {  	[tilespmem:s22], [sflag:$0x6] =	stream.indirect_vreg.gather [hbm4b:s3+s18], $0x80, v3, vm0, $0xb8;
	[tilespmem:$0x19000] =	vst v63  }
0x6da: {  	s23 =	simm.s32 $0x17800  }
0x6db: {  	[tilespmem:s23], [sflag:$0x6] =	stream.indirect_vreg.gather [hbm4b:s9+s18], $0x80, v3, vm0, $0xb8;
	[tilespmem:$0x19000] =	vst v63  }
0x6dc: {  	s20 =	simm.s32 $0x18000  }
0x6dd: {  	[tilespmem:s20], [sflag:$0x6] =	stream.indirect_vreg.gather [hbm4b:s10+s18], $0x80, v3, vm0, $0xb8;
	[tilespmem:$0x19000] =	vst v63  }
0x6de: {  	s21 =	simm.s32 $0x18800  }
0x6df: {  	[tilespmem:s21], [sflag:$0x6] =	stream.indirect_vreg.gather [hbm4b:s11+s18], $0x80, v3, vm0, $0xb8;
	[tilespmem:$0x19000] =	vst v63  }
0x6e0: {  	_ =	swait.ge [sflag:s4], $0x4000  }
0x6e1: {  	s22 =	simm.s32 $0x0;
	[sflag:s4] =	ssyncset.done $0x0  }
0x6e2: {  	s19 =	sand.u32 $0x2000, s22;
	[sflag:s4] =	ssyncadd.s32 $0xFFFFC000  }
0x6e3: {  	s20 =	sand.u32 $0x1C00, s18;
	s21 =	simm.s32 $0x0;
	_ =	swait.ge [sflag:s5], $0x4000  }
0x6e4: {  	s19 =	sor.u32 s20, s19;
	s23 =	sand.u32 $0x380, s21;
	[sflag:s5] =	ssyncset.done $0x0  }
0x6e5: {  	s19 =	sor.u32 s23, s19;
	[sflag:s5] =	ssyncadd.s32 $0xFFFFC000  }
0x6e6: {  	v3 =	vld [tilespmem:s19+$0xD070]  }
0x6e7: {  	v8 =	vld [tilespmem:s19+$0xD000]  }
0x6e8: {  	v9 =	vld [tilespmem:s19+$0xD010]  }
0x6e9: {  	v7 =	vld [tilespmem:s19+$0xD020]  }
0x6ea: {  	v6 =	vld [tilespmem:s19+$0xD030]  }
0x6eb: {  	v5 =	vld [tilespmem:s19+$0xD040]  }
0x6ec: {  	v4 =	vld [tilespmem:s19+$0xD060]  }
0x6ed: {  	[tilespmem:s19+$0x1070] =	vst.add.f32.msk $0xffff, v3  }
0x6ee: {  	v3 =	vld [tilespmem:s19+$0xD050]  }
0x6ef: {  	[tilespmem:s19+$0x1000] =	vst.add.f32.msk $0xffff, v8  }
0x6f0: {  	s20 =	simm.s32 $0x0;
	[tilespmem:s19+$0x1010] =	vst.add.f32.msk $0xffff, v9  }
.LBB2_50:
0x6f1: {  	s20 =	sadd.s32 $0x8, s20;
	[tilespmem:s19+$0x1020] =	vst.add.f32.msk $0xffff, v7  }
0x6f2: {  	s18 =	sadd.s32 $0x400, s18;
	s21 =	sshll.u32 s20, $0x4;
	p0 =	slt.u32 s20, $0x3F8;
	[tilespmem:s19+$0x1030] =	vst.add.f32.msk $0xffff, v6  }
0x6f3: {  	s22 =	sand.u32 $0x1C00, s18;
	s23 =	sshll.u32 s20, $0x1;
	s21 =	sand.u32 $0x2000, s21;
	[tilespmem:s19+$0x1040] =	vst.add.f32.msk $0xffff, v5  }
0x6f4: {  	s21 =	sor.u32 s22, s21;
	s22 =	sand.u32 $0x380, s23;
	[tilespmem:s19+$0x1050] =	vst.add.f32.msk $0xffff, v3  }
0x6f5: {  	[tilespmem:s19+$0x1060] =	vst.add.f32.msk $0xffff, v4;
	s19 =	sor.u32 s22, s21  }
0x6f6: {  	v3 =	vld [tilespmem:s19+$0xD070]  }
0x6f7: {  	v8 =	vld [tilespmem:s19+$0xD000]  }
0x6f8: {  	v9 =	vld [tilespmem:s19+$0xD010]  }
0x6f9: {  	v7 =	vld [tilespmem:s19+$0xD020]  }
0x6fa: {  	v6 =	vld [tilespmem:s19+$0xD030]  }
0x6fb: {  	[tilespmem:s19+$0x1070] =	vst.add.f32.msk $0xffff, v3  }
.Ltmp24:
0x6fc: {  	v5 =	vld [tilespmem:s19+$0xD040];
	(pc) =	sbr.rel @p0 .LBB2_50-.Ltmp24, $4  }
0x6fd: {  	v3 =	vld [tilespmem:s19+$0xD050]  }
0x6fe: {  	v4 =	vld [tilespmem:s19+$0xD060]  }
0x6ff: {  	[tilespmem:s19+$0x1000] =	vst.add.f32.msk $0xffff, v8  }
0x700: {  	[tilespmem:s19+$0x1010] =	vst.add.f32.msk $0xffff, v9  }
0x701: {  	[tilespmem:s19+$0x1020] =	vst.add.f32.msk $0xffff, v7  }
0x702: {  	[tilespmem:s19+$0x1030] =	vst.add.f32.msk $0xffff, v6  }
0x703: {  	[tilespmem:s19+$0x1040] =	vst.add.f32.msk $0xffff, v5  }
0x704: {  	[tilespmem:s19+$0x1050] =	vst.add.f32.msk $0xffff, v3  }
0x705: {  	[tilespmem:s19+$0x1060] =	vst.add.f32.msk $0xffff, v4  }
0x706: {  	s19 =	sld [smem:$0x7EB];
	_ =	sdelay $0x1  }
0x707: {  	s18 =	simm.s32 $0x0  }
0x708: {  	[hbm4b:s19+s18] =	stream.linear.scatter [tilespmem:s12], [sflag:$0x7], $0x4000, $0x38;
	[tilespmem:$0x19000] =	vst v63  }
0x709: {  	_ =	swait.ge [sflag:s6], $0x4000  }
0x70a: {  	s21 =	sld [smem:$0x7F0]  }
0x70b: {  	[sflag:s6] =	ssyncset.done $0x0  }
0x70c: {  	[sflag:s6] =	ssyncadd.s32 $0xFFFFC000  }
0x70d: {  	[tilespmem:s12], [sflag:$0x1] =	stream.linear.gather [hbm4b:s21+s18], $0x4000, $0x38;
	[tilespmem:$0x19000] =	vst v63  }
0x70e: {  	v3 =	vld [tilespmem:$0xD80];
	_ =	sdelay $0x4  }
0x70f: {  	v4 =	vshll.u32 v3, $0x3  }
0x710: {  	v3 =	vand.u32 $0x7, v3;
	v4 =	vand.u32 $0xFFFFFFC0, v4  }
0x711: {  	v3 =	vor.u32 v3, v4  }
0x712: {  	v4 =	vperm.xlane v3, v0;
	_ =	sdelay $0x1  }
0x713: {  	v4 =	vadd.s32 v1, v4;
	_ =	sdelay $0x3  }
0x714: {  	s22 =	simm.s32 $0xD000  }
0x715: {  	[tilespmem:s22], [sflag:$0x4] =	stream.indirect_vreg.gather [hbm4b:s3+s18], $0x80, v4, vm0, $0xb8;
	[tilespmem:$0x19000] =	vst v63  }
0x716: {  	s23 =	simm.s32 $0xD800;
	v3 =	vperm.xlane v3, v2  }
0x717: {  	[tilespmem:s23], [sflag:$0x4] =	stream.indirect_vreg.gather [hbm4b:s9+s18], $0x80, v4, vm0, $0xb8;
	[tilespmem:$0x19000] =	vst v63  }
0x718: {  	s20 =	simm.s32 $0xE000;
	v3 =	vadd.s32 v1, v3  }
0x719: {  	[tilespmem:s20], [sflag:$0x4] =	stream.indirect_vreg.gather [hbm4b:s10+s18], $0x80, v4, vm0, $0xb8;
	[tilespmem:$0x19000] =	vst v63  }
0x71a: {  	s21 =	simm.s32 $0xE800  }
0x71b: {  	[tilespmem:s21], [sflag:$0x4] =	stream.indirect_vreg.gather [hbm4b:s11+s18], $0x80, v4, vm0, $0xb8;
	[tilespmem:$0x19000] =	vst v63  }
0x71c: {  	s22 =	simm.s32 $0xF000  }
0x71d: {  	[tilespmem:s22], [sflag:$0x4] =	stream.indirect_vreg.gather [hbm4b:s3+s18], $0x80, v3, vm0, $0xb8;
	[tilespmem:$0x19000] =	vst v63  }
0x71e: {  	s23 =	simm.s32 $0xF800  }
0x71f: {  	[tilespmem:s23], [sflag:$0x4] =	stream.indirect_vreg.gather [hbm4b:s9+s18], $0x80, v3, vm0, $0xb8;
	[tilespmem:$0x19000] =	vst v63  }
0x720: {  	s20 =	simm.s32 $0x10000  }
0x721: {  	[tilespmem:s20], [sflag:$0x4] =	stream.indirect_vreg.gather [hbm4b:s10+s18], $0x80, v3, vm0, $0xb8;
	[tilespmem:$0x19000] =	vst v63  }
0x722: {  	s21 =	simm.s32 $0x10800  }
0x723: {  	[tilespmem:s21], [sflag:$0x4] =	stream.indirect_vreg.gather [hbm4b:s11+s18], $0x80, v3, vm0, $0xb8;
	[tilespmem:$0x19000] =	vst v63  }
0x724: {  	_ =	swait.ge [sflag:s7], $0x4000  }
0x725: {  	s22 =	simm.s32 $0x0;
	[sflag:s7] =	ssyncset.done $0x0  }
0x726: {  	s19 =	sand.u32 $0x2000, s22;
	[sflag:s7] =	ssyncadd.s32 $0xFFFFC000  }
0x727: {  	s20 =	sand.u32 $0x1C00, s18;
	s21 =	simm.s32 $0x0;
	_ =	swait.ge [sflag:s8], $0x4000  }
0x728: {  	s19 =	sor.u32 s20, s19;
	s23 =	sand.u32 $0x380, s21;
	[sflag:s8] =	ssyncset.done $0x0  }
0x729: {  	s19 =	sor.u32 s23, s19;
	[sflag:s8] =	ssyncadd.s32 $0xFFFFC000  }
0x72a: {  	v3 =	vld [tilespmem:s19+$0x11070]  }
0x72b: {  	v8 =	vld [tilespmem:s19+$0x11000]  }
0x72c: {  	v9 =	vld [tilespmem:s19+$0x11010]  }
0x72d: {  	v7 =	vld [tilespmem:s19+$0x11020]  }
0x72e: {  	v6 =	vld [tilespmem:s19+$0x11030]  }
0x72f: {  	v5 =	vld [tilespmem:s19+$0x11040]  }
0x730: {  	v4 =	vld [tilespmem:s19+$0x11060]  }
0x731: {  	[tilespmem:s19+$0x5070] =	vst.add.f32.msk $0xffff, v3  }
0x732: {  	v3 =	vld [tilespmem:s19+$0x11050]  }
0x733: {  	[tilespmem:s19+$0x5000] =	vst.add.f32.msk $0xffff, v8  }
0x734: {  	s20 =	simm.s32 $0x0;
	[tilespmem:s19+$0x5010] =	vst.add.f32.msk $0xffff, v9  }
.LBB2_52:
0x735: {  	s20 =	sadd.s32 $0x8, s20;
	[tilespmem:s19+$0x5020] =	vst.add.f32.msk $0xffff, v7  }
0x736: {  	s18 =	sadd.s32 $0x400, s18;
	s21 =	sshll.u32 s20, $0x4;
	p0 =	slt.u32 s20, $0x3F8;
	[tilespmem:s19+$0x5030] =	vst.add.f32.msk $0xffff, v6  }
0x737: {  	s22 =	sand.u32 $0x1C00, s18;
	s23 =	sshll.u32 s20, $0x1;
	s21 =	sand.u32 $0x2000, s21;
	[tilespmem:s19+$0x5040] =	vst.add.f32.msk $0xffff, v5  }
0x738: {  	s21 =	sor.u32 s22, s21;
	s22 =	sand.u32 $0x380, s23;
	[tilespmem:s19+$0x5050] =	vst.add.f32.msk $0xffff, v3  }
0x739: {  	[tilespmem:s19+$0x5060] =	vst.add.f32.msk $0xffff, v4;
	s19 =	sor.u32 s22, s21  }
0x73a: {  	v3 =	vld [tilespmem:s19+$0x11070]  }
0x73b: {  	v8 =	vld [tilespmem:s19+$0x11000]  }
0x73c: {  	v9 =	vld [tilespmem:s19+$0x11010]  }
0x73d: {  	v7 =	vld [tilespmem:s19+$0x11020]  }
0x73e: {  	v6 =	vld [tilespmem:s19+$0x11030]  }
0x73f: {  	[tilespmem:s19+$0x5070] =	vst.add.f32.msk $0xffff, v3  }
.Ltmp25:
0x740: {  	v5 =	vld [tilespmem:s19+$0x11040];
	(pc) =	sbr.rel @p0 .LBB2_52-.Ltmp25, $4  }
0x741: {  	v3 =	vld [tilespmem:s19+$0x11050]  }
0x742: {  	v4 =	vld [tilespmem:s19+$0x11060]  }
0x743: {  	[tilespmem:s19+$0x5000] =	vst.add.f32.msk $0xffff, v8  }
0x744: {  	[tilespmem:s19+$0x5010] =	vst.add.f32.msk $0xffff, v9  }
0x745: {  	[tilespmem:s19+$0x5020] =	vst.add.f32.msk $0xffff, v7  }
0x746: {  	[tilespmem:s19+$0x5030] =	vst.add.f32.msk $0xffff, v6  }
0x747: {  	[tilespmem:s19+$0x5040] =	vst.add.f32.msk $0xffff, v5  }
0x748: {  	[tilespmem:s19+$0x5050] =	vst.add.f32.msk $0xffff, v3  }
0x749: {  	[tilespmem:s19+$0x5060] =	vst.add.f32.msk $0xffff, v4  }
0x74a: {  	s19 =	sld [smem:$0x7ED];
	_ =	sdelay $0x1  }
0x74b: {  	s18 =	simm.s32 $0x0  }
0x74c: {  	[hbm4b:s19+s18] =	stream.linear.scatter [tilespmem:s13], [sflag:$0x8], $0x4000, $0x38;
	[tilespmem:$0x19000] =	vst v63  }
0x74d: {  	_ =	swait.ge [sflag:s14], $0x4000  }
0x74e: {  	s20 =	sld [smem:$0x7F2]  }
0x74f: {  	[sflag:s14] =	ssyncset.done $0x0  }
0x750: {  	[sflag:s14] =	ssyncadd.s32 $0xFFFFC000  }
0x751: {  	[tilespmem:s13], [sflag:$0x2] =	stream.linear.gather [hbm4b:s20+s18], $0x4000, $0x38;
	[tilespmem:$0x19000] =	vst v63  }
0x752: {  	v3 =	vld [tilespmem:$0xE00];
	_ =	sdelay $0x4  }
0x753: {  	v4 =	vshll.u32 v3, $0x3  }
0x754: {  	v3 =	vand.u32 $0x7, v3;
	v4 =	vand.u32 $0xFFFFFFC0, v4  }
0x755: {  	v3 =	vor.u32 v3, v4  }
0x756: {  	v4 =	vperm.xlane v3, v0;
	_ =	sdelay $0x1  }
0x757: {  	v4 =	vadd.s32 v1, v4;
	_ =	sdelay $0x3  }
0x758: {  	s21 =	simm.s32 $0x11000  }
0x759: {  	[tilespmem:s21], [sflag:$0x5] =	stream.indirect_vreg.gather [hbm4b:s3+s18], $0x80, v4, vm0, $0xb8;
	[tilespmem:$0x19000] =	vst v63  }
0x75a: {  	v3 =	vperm.xlane v3, v2  }
0x75b: {  	[tilespmem:s24], [sflag:$0x5] =	stream.indirect_vreg.gather [hbm4b:s9+s18], $0x80, v4, vm0, $0xb8;
	[tilespmem:$0x19000] =	vst v63  }
0x75c: {  	v3 =	vadd.s32 v1, v3  }
0x75d: {  	[tilespmem:s25], [sflag:$0x5] =	stream.indirect_vreg.gather [hbm4b:s10+s18], $0x80, v4, vm0, $0xb8;
	[tilespmem:$0x19000] =	vst v63  }
0x75e: {  	_ = 	snop  }
0x75f: {  	[tilespmem:s26], [sflag:$0x5] =	stream.indirect_vreg.gather [hbm4b:s11+s18], $0x80, v4, vm0, $0xb8;
	[tilespmem:$0x19000] =	vst v63  }
0x760: {  	_ = 	snop  }
0x761: {  	[tilespmem:s28], [sflag:$0x5] =	stream.indirect_vreg.gather [hbm4b:s3+s18], $0x80, v3, vm0, $0xb8;
	[tilespmem:$0x19000] =	vst v63  }
0x762: {  	_ = 	snop  }
0x763: {  	[tilespmem:s29], [sflag:$0x5] =	stream.indirect_vreg.gather [hbm4b:s9+s18], $0x80, v3, vm0, $0xb8;
	[tilespmem:$0x19000] =	vst v63  }
0x764: {  	_ = 	snop  }
0x765: {  	[tilespmem:s30], [sflag:$0x5] =	stream.indirect_vreg.gather [hbm4b:s10+s18], $0x80, v3, vm0, $0xb8;
	[tilespmem:$0x19000] =	vst v63  }
0x766: {  	_ = 	snop  }
0x767: {  	[tilespmem:s31], [sflag:$0x5] =	stream.indirect_vreg.gather [hbm4b:s11+s18], $0x80, v3, vm0, $0xb8;
	[tilespmem:$0x19000] =	vst v63  }
0x768: {  	_ =	swait.ge [sflag:s2], $0x4000  }
0x769: {  	s22 =	simm.s32 $0x0;
	[sflag:s2] =	ssyncset.done $0x0  }
0x76a: {  	s19 =	sand.u32 $0x2000, s22;
	[sflag:s2] =	ssyncadd.s32 $0xFFFFC000  }
0x76b: {  	s20 =	sand.u32 $0x1C00, s18;
	s21 =	simm.s32 $0x0;
	_ =	swait.ge [sflag:s15], $0x4000  }
0x76c: {  	s19 =	sor.u32 s20, s19;
	s23 =	sand.u32 $0x380, s21;
	[sflag:s15] =	ssyncset.done $0x0  }
0x76d: {  	s19 =	sor.u32 s23, s19;
	[sflag:s15] =	ssyncadd.s32 $0xFFFFC000  }
0x76e: {  	v3 =	vld [tilespmem:s19+$0x15070]  }
0x76f: {  	v8 =	vld [tilespmem:s19+$0x15000]  }
0x770: {  	v9 =	vld [tilespmem:s19+$0x15010]  }
0x771: {  	v7 =	vld [tilespmem:s19+$0x15020]  }
0x772: {  	v6 =	vld [tilespmem:s19+$0x15030]  }
0x773: {  	v5 =	vld [tilespmem:s19+$0x15040]  }
0x774: {  	v4 =	vld [tilespmem:s19+$0x15060]  }
0x775: {  	[tilespmem:s19+$0x9070] =	vst.add.f32.msk $0xffff, v3  }
0x776: {  	v3 =	vld [tilespmem:s19+$0x15050]  }
0x777: {  	[tilespmem:s19+$0x9000] =	vst.add.f32.msk $0xffff, v8  }
0x778: {  	s20 =	simm.s32 $0x0;
	[tilespmem:s19+$0x9010] =	vst.add.f32.msk $0xffff, v9  }
.LBB2_54:
0x779: {  	s20 =	sadd.s32 $0x8, s20;
	[tilespmem:s19+$0x9020] =	vst.add.f32.msk $0xffff, v7  }
0x77a: {  	s18 =	sadd.s32 $0x400, s18;
	s21 =	sshll.u32 s20, $0x4;
	p0 =	slt.u32 s20, $0x3F8;
	[tilespmem:s19+$0x9030] =	vst.add.f32.msk $0xffff, v6  }
0x77b: {  	s22 =	sand.u32 $0x1C00, s18;
	s23 =	sshll.u32 s20, $0x1;
	s21 =	sand.u32 $0x2000, s21;
	[tilespmem:s19+$0x9040] =	vst.add.f32.msk $0xffff, v5  }
0x77c: {  	s21 =	sor.u32 s22, s21;
	s22 =	sand.u32 $0x380, s23;
	[tilespmem:s19+$0x9050] =	vst.add.f32.msk $0xffff, v3  }
0x77d: {  	[tilespmem:s19+$0x9060] =	vst.add.f32.msk $0xffff, v4;
	s19 =	sor.u32 s22, s21  }
0x77e: {  	v3 =	vld [tilespmem:s19+$0x15070]  }
0x77f: {  	v8 =	vld [tilespmem:s19+$0x15000]  }
0x780: {  	v9 =	vld [tilespmem:s19+$0x15010]  }
0x781: {  	v7 =	vld [tilespmem:s19+$0x15020]  }
0x782: {  	v6 =	vld [tilespmem:s19+$0x15030]  }
0x783: {  	[tilespmem:s19+$0x9070] =	vst.add.f32.msk $0xffff, v3  }
.Ltmp26:
0x784: {  	v5 =	vld [tilespmem:s19+$0x15040];
	(pc) =	sbr.rel @p0 .LBB2_54-.Ltmp26, $4  }
0x785: {  	v3 =	vld [tilespmem:s19+$0x15050]  }
0x786: {  	v4 =	vld [tilespmem:s19+$0x15060]  }
0x787: {  	[tilespmem:s19+$0x9000] =	vst.add.f32.msk $0xffff, v8  }
0x788: {  	[tilespmem:s19+$0x9010] =	vst.add.f32.msk $0xffff, v9  }
0x789: {  	[tilespmem:s19+$0x9020] =	vst.add.f32.msk $0xffff, v7  }
0x78a: {  	[tilespmem:s19+$0x9030] =	vst.add.f32.msk $0xffff, v6  }
0x78b: {  	[tilespmem:s19+$0x9040] =	vst.add.f32.msk $0xffff, v5  }
0x78c: {  	[tilespmem:s19+$0x9050] =	vst.add.f32.msk $0xffff, v3  }
0x78d: {  	[tilespmem:s19+$0x9060] =	vst.add.f32.msk $0xffff, v4  }
0x78e: {  	s19 =	sld [smem:$0x7EF];
	_ =	sdelay $0x1  }
0x78f: {  	s18 =	simm.s32 $0x0  }
0x790: {  	[hbm4b:s19+s18] =	stream.linear.scatter [tilespmem:s0], [sflag:$0x9], $0x4000, $0x38;
	[tilespmem:$0x19000] =	vst v63  }
0x791: {  	_ =	swait.ge [sflag:s16], $0x4000  }
0x792: {  	s21 =	sld [smem:$0x7F6]  }
0x793: {  	[sflag:s16] =	ssyncset.done $0x0  }
0x794: {  	[sflag:s16] =	ssyncadd.s32 $0xFFFFC000  }
0x795: {  	[tilespmem:s0], [sflag:$0x3] =	stream.linear.gather [hbm4b:s21+s18], $0x4000, $0x38;
	[tilespmem:$0x19000] =	vst v63  }
0x796: {  	v3 =	vld [tilespmem:$0xE80];
	_ =	sdelay $0x4  }
0x797: {  	v4 =	vshll.u32 v3, $0x3  }
0x798: {  	v3 =	vand.u32 $0x7, v3;
	v4 =	vand.u32 $0xFFFFFFC0, v4  }
0x799: {  	v3 =	vor.u32 v3, v4  }
0x79a: {  	v4 =	vperm.xlane v3, v0;
	_ =	sdelay $0x1  }
0x79b: {  	v4 =	vadd.s32 v1, v4;
	_ =	sdelay $0x3  }
0x79c: {  	s22 =	simm.s32 $0x15000  }
0x79d: {  	[tilespmem:s22], [sflag:$0x6] =	stream.indirect_vreg.gather [hbm4b:s3+s18], $0x80, v4, vm0, $0xb8;
	[tilespmem:$0x19000] =	vst v63  }
0x79e: {  	s23 =	simm.s32 $0x15800;
	v3 =	vperm.xlane v3, v2  }
0x79f: {  	[tilespmem:s23], [sflag:$0x6] =	stream.indirect_vreg.gather [hbm4b:s9+s18], $0x80, v4, vm0, $0xb8;
	[tilespmem:$0x19000] =	vst v63  }
0x7a0: {  	s20 =	simm.s32 $0x16000;
	v3 =	vadd.s32 v1, v3  }
0x7a1: {  	[tilespmem:s20], [sflag:$0x6] =	stream.indirect_vreg.gather [hbm4b:s10+s18], $0x80, v4, vm0, $0xb8;
	[tilespmem:$0x19000] =	vst v63  }
0x7a2: {  	s21 =	simm.s32 $0x16800  }
0x7a3: {  	[tilespmem:s21], [sflag:$0x6] =	stream.indirect_vreg.gather [hbm4b:s11+s18], $0x80, v4, vm0, $0xb8;
	[tilespmem:$0x19000] =	vst v63  }
0x7a4: {  	s22 =	simm.s32 $0x17000  }
0x7a5: {  	[tilespmem:s22], [sflag:$0x6] =	stream.indirect_vreg.gather [hbm4b:s3+s18], $0x80, v3, vm0, $0xb8;
	[tilespmem:$0x19000] =	vst v63  }
0x7a6: {  	s23 =	simm.s32 $0x17800  }
0x7a7: {  	[tilespmem:s23], [sflag:$0x6] =	stream.indirect_vreg.gather [hbm4b:s9+s18], $0x80, v3, vm0, $0xb8;
	[tilespmem:$0x19000] =	vst v63  }
0x7a8: {  	s20 =	simm.s32 $0x18000  }
0x7a9: {  	[tilespmem:s20], [sflag:$0x6] =	stream.indirect_vreg.gather [hbm4b:s10+s18], $0x80, v3, vm0, $0xb8;
	[tilespmem:$0x19000] =	vst v63  }
0x7aa: {  	s21 =	simm.s32 $0x18800  }
0x7ab: {  	[tilespmem:s21], [sflag:$0x6] =	stream.indirect_vreg.gather [hbm4b:s11+s18], $0x80, v3, vm0, $0xb8;
	[tilespmem:$0x19000] =	vst v63  }
0x7ac: {  	_ =	swait.ge [sflag:s4], $0x4000  }
0x7ad: {  	s22 =	simm.s32 $0x0;
	[sflag:s4] =	ssyncset.done $0x0  }
0x7ae: {  	s19 =	sand.u32 $0x2000, s22;
	[sflag:s4] =	ssyncadd.s32 $0xFFFFC000  }
0x7af: {  	s20 =	sand.u32 $0x1C00, s18;
	s21 =	simm.s32 $0x0;
	_ =	swait.ge [sflag:s5], $0x4000  }
0x7b0: {  	s19 =	sor.u32 s20, s19;
	s23 =	sand.u32 $0x380, s21;
	[sflag:s5] =	ssyncset.done $0x0  }
0x7b1: {  	s19 =	sor.u32 s23, s19;
	[sflag:s5] =	ssyncadd.s32 $0xFFFFC000  }
0x7b2: {  	v3 =	vld [tilespmem:s19+$0xD070]  }
0x7b3: {  	v8 =	vld [tilespmem:s19+$0xD000]  }
0x7b4: {  	v9 =	vld [tilespmem:s19+$0xD010]  }
0x7b5: {  	v7 =	vld [tilespmem:s19+$0xD020]  }
0x7b6: {  	v6 =	vld [tilespmem:s19+$0xD030]  }
0x7b7: {  	v5 =	vld [tilespmem:s19+$0xD040]  }
0x7b8: {  	v4 =	vld [tilespmem:s19+$0xD060]  }
0x7b9: {  	[tilespmem:s19+$0x1070] =	vst.add.f32.msk $0xffff, v3  }
0x7ba: {  	v3 =	vld [tilespmem:s19+$0xD050]  }
0x7bb: {  	[tilespmem:s19+$0x1000] =	vst.add.f32.msk $0xffff, v8  }
0x7bc: {  	s20 =	simm.s32 $0x0;
	[tilespmem:s19+$0x1010] =	vst.add.f32.msk $0xffff, v9  }
.LBB2_56:
0x7bd: {  	s20 =	sadd.s32 $0x8, s20;
	[tilespmem:s19+$0x1020] =	vst.add.f32.msk $0xffff, v7  }
0x7be: {  	s18 =	sadd.s32 $0x400, s18;
	s21 =	sshll.u32 s20, $0x4;
	p0 =	slt.u32 s20, $0x3F8;
	[tilespmem:s19+$0x1030] =	vst.add.f32.msk $0xffff, v6  }
0x7bf: {  	s22 =	sand.u32 $0x1C00, s18;
	s23 =	sshll.u32 s20, $0x1;
	s21 =	sand.u32 $0x2000, s21;
	[tilespmem:s19+$0x1040] =	vst.add.f32.msk $0xffff, v5  }
0x7c0: {  	s21 =	sor.u32 s22, s21;
	s22 =	sand.u32 $0x380, s23;
	[tilespmem:s19+$0x1050] =	vst.add.f32.msk $0xffff, v3  }
0x7c1: {  	[tilespmem:s19+$0x1060] =	vst.add.f32.msk $0xffff, v4;
	s19 =	sor.u32 s22, s21  }
0x7c2: {  	v3 =	vld [tilespmem:s19+$0xD070]  }
0x7c3: {  	v8 =	vld [tilespmem:s19+$0xD000]  }
0x7c4: {  	v9 =	vld [tilespmem:s19+$0xD010]  }
0x7c5: {  	v7 =	vld [tilespmem:s19+$0xD020]  }
0x7c6: {  	v6 =	vld [tilespmem:s19+$0xD030]  }
0x7c7: {  	[tilespmem:s19+$0x1070] =	vst.add.f32.msk $0xffff, v3  }
.Ltmp27:
0x7c8: {  	v5 =	vld [tilespmem:s19+$0xD040];
	(pc) =	sbr.rel @p0 .LBB2_56-.Ltmp27, $4  }
0x7c9: {  	v3 =	vld [tilespmem:s19+$0xD050]  }
0x7ca: {  	v4 =	vld [tilespmem:s19+$0xD060]  }
0x7cb: {  	[tilespmem:s19+$0x1000] =	vst.add.f32.msk $0xffff, v8  }
0x7cc: {  	[tilespmem:s19+$0x1010] =	vst.add.f32.msk $0xffff, v9  }
0x7cd: {  	[tilespmem:s19+$0x1020] =	vst.add.f32.msk $0xffff, v7  }
0x7ce: {  	[tilespmem:s19+$0x1030] =	vst.add.f32.msk $0xffff, v6  }
0x7cf: {  	[tilespmem:s19+$0x1040] =	vst.add.f32.msk $0xffff, v5  }
0x7d0: {  	[tilespmem:s19+$0x1050] =	vst.add.f32.msk $0xffff, v3  }
0x7d1: {  	[tilespmem:s19+$0x1060] =	vst.add.f32.msk $0xffff, v4  }
0x7d2: {  	s19 =	sld [smem:$0x7F1];
	_ =	sdelay $0x1  }
0x7d3: {  	s18 =	simm.s32 $0x0  }
0x7d4: {  	[hbm4b:s19+s18] =	stream.linear.scatter [tilespmem:s12], [sflag:$0x7], $0x4000, $0x38;
	[tilespmem:$0x19000] =	vst v63  }
0x7d5: {  	_ =	swait.ge [sflag:s6], $0x4000  }
0x7d6: {  	s21 =	sld [smem:$0x7F7]  }
0x7d7: {  	[sflag:s6] =	ssyncset.done $0x0  }
0x7d8: {  	[sflag:s6] =	ssyncadd.s32 $0xFFFFC000  }
0x7d9: {  	[tilespmem:s12], [sflag:$0x1] =	stream.linear.gather [hbm4b:s21+s18], $0x4000, $0x38;
	[tilespmem:$0x19000] =	vst v63  }
0x7da: {  	v3 =	vld [tilespmem:$0xF00];
	_ =	sdelay $0x4  }
0x7db: {  	v4 =	vshll.u32 v3, $0x3  }
0x7dc: {  	v3 =	vand.u32 $0x7, v3;
	v4 =	vand.u32 $0xFFFFFFC0, v4  }
0x7dd: {  	v3 =	vor.u32 v3, v4  }
0x7de: {  	v4 =	vperm.xlane v3, v0;
	_ =	sdelay $0x1  }
0x7df: {  	v4 =	vadd.s32 v1, v4;
	_ =	sdelay $0x3  }
0x7e0: {  	s22 =	simm.s32 $0xD000  }
0x7e1: {  	[tilespmem:s22], [sflag:$0x4] =	stream.indirect_vreg.gather [hbm4b:s3+s18], $0x80, v4, vm0, $0xb8;
	[tilespmem:$0x19000] =	vst v63  }
0x7e2: {  	s23 =	simm.s32 $0xD800;
	v3 =	vperm.xlane v3, v2  }
0x7e3: {  	[tilespmem:s23], [sflag:$0x4] =	stream.indirect_vreg.gather [hbm4b:s9+s18], $0x80, v4, vm0, $0xb8;
	[tilespmem:$0x19000] =	vst v63  }
0x7e4: {  	s20 =	simm.s32 $0xE000;
	v3 =	vadd.s32 v1, v3  }
0x7e5: {  	[tilespmem:s20], [sflag:$0x4] =	stream.indirect_vreg.gather [hbm4b:s10+s18], $0x80, v4, vm0, $0xb8;
	[tilespmem:$0x19000] =	vst v63  }
0x7e6: {  	s21 =	simm.s32 $0xE800  }
0x7e7: {  	[tilespmem:s21], [sflag:$0x4] =	stream.indirect_vreg.gather [hbm4b:s11+s18], $0x80, v4, vm0, $0xb8;
	[tilespmem:$0x19000] =	vst v63  }
0x7e8: {  	s22 =	simm.s32 $0xF000  }
0x7e9: {  	[tilespmem:s22], [sflag:$0x4] =	stream.indirect_vreg.gather [hbm4b:s3+s18], $0x80, v3, vm0, $0xb8;
	[tilespmem:$0x19000] =	vst v63  }
0x7ea: {  	s23 =	simm.s32 $0xF800  }
0x7eb: {  	[tilespmem:s23], [sflag:$0x4] =	stream.indirect_vreg.gather [hbm4b:s9+s18], $0x80, v3, vm0, $0xb8;
	[tilespmem:$0x19000] =	vst v63  }
0x7ec: {  	s20 =	simm.s32 $0x10000  }
0x7ed: {  	[tilespmem:s20], [sflag:$0x4] =	stream.indirect_vreg.gather [hbm4b:s10+s18], $0x80, v3, vm0, $0xb8;
	[tilespmem:$0x19000] =	vst v63  }
0x7ee: {  	s21 =	simm.s32 $0x10800  }
0x7ef: {  	[tilespmem:s21], [sflag:$0x4] =	stream.indirect_vreg.gather [hbm4b:s11+s18], $0x80, v3, vm0, $0xb8;
	[tilespmem:$0x19000] =	vst v63  }
0x7f0: {  	_ =	swait.ge [sflag:s7], $0x4000  }
0x7f1: {  	s22 =	simm.s32 $0x0;
	[sflag:s7] =	ssyncset.done $0x0  }
0x7f2: {  	s19 =	sand.u32 $0x2000, s22;
	[sflag:s7] =	ssyncadd.s32 $0xFFFFC000  }
0x7f3: {  	s20 =	sand.u32 $0x1C00, s18;
	s21 =	simm.s32 $0x0;
	_ =	swait.ge [sflag:s8], $0x4000  }
0x7f4: {  	s19 =	sor.u32 s20, s19;
	s23 =	sand.u32 $0x380, s21;
	[sflag:s8] =	ssyncset.done $0x0  }
0x7f5: {  	s19 =	sor.u32 s23, s19;
	[sflag:s8] =	ssyncadd.s32 $0xFFFFC000  }
0x7f6: {  	v3 =	vld [tilespmem:s19+$0x11070]  }
0x7f7: {  	v8 =	vld [tilespmem:s19+$0x11000]  }
0x7f8: {  	v9 =	vld [tilespmem:s19+$0x11010]  }
0x7f9: {  	v7 =	vld [tilespmem:s19+$0x11020]  }
0x7fa: {  	v6 =	vld [tilespmem:s19+$0x11030]  }
0x7fb: {  	v5 =	vld [tilespmem:s19+$0x11040]  }
0x7fc: {  	v4 =	vld [tilespmem:s19+$0x11060]  }
0x7fd: {  	[tilespmem:s19+$0x5070] =	vst.add.f32.msk $0xffff, v3  }
0x7fe: {  	v3 =	vld [tilespmem:s19+$0x11050]  }
0x7ff: {  	[tilespmem:s19+$0x5000] =	vst.add.f32.msk $0xffff, v8  }
0x800: {  	s20 =	simm.s32 $0x0;
	[tilespmem:s19+$0x5010] =	vst.add.f32.msk $0xffff, v9  }
.LBB2_58:
0x801: {  	s20 =	sadd.s32 $0x8, s20;
	[tilespmem:s19+$0x5020] =	vst.add.f32.msk $0xffff, v7  }
0x802: {  	s18 =	sadd.s32 $0x400, s18;
	s21 =	sshll.u32 s20, $0x4;
	p0 =	slt.u32 s20, $0x3F8;
	[tilespmem:s19+$0x5030] =	vst.add.f32.msk $0xffff, v6  }
0x803: {  	s22 =	sand.u32 $0x1C00, s18;
	s23 =	sshll.u32 s20, $0x1;
	s21 =	sand.u32 $0x2000, s21;
	[tilespmem:s19+$0x5040] =	vst.add.f32.msk $0xffff, v5  }
0x804: {  	s21 =	sor.u32 s22, s21;
	s22 =	sand.u32 $0x380, s23;
	[tilespmem:s19+$0x5050] =	vst.add.f32.msk $0xffff, v3  }
0x805: {  	[tilespmem:s19+$0x5060] =	vst.add.f32.msk $0xffff, v4;
	s19 =	sor.u32 s22, s21  }
0x806: {  	v3 =	vld [tilespmem:s19+$0x11070]  }
0x807: {  	v8 =	vld [tilespmem:s19+$0x11000]  }
0x808: {  	v9 =	vld [tilespmem:s19+$0x11010]  }
0x809: {  	v7 =	vld [tilespmem:s19+$0x11020]  }
0x80a: {  	v6 =	vld [tilespmem:s19+$0x11030]  }
0x80b: {  	[tilespmem:s19+$0x5070] =	vst.add.f32.msk $0xffff, v3  }
.Ltmp28:
0x80c: {  	v5 =	vld [tilespmem:s19+$0x11040];
	(pc) =	sbr.rel @p0 .LBB2_58-.Ltmp28, $4  }
0x80d: {  	v3 =	vld [tilespmem:s19+$0x11050]  }
0x80e: {  	v4 =	vld [tilespmem:s19+$0x11060]  }
0x80f: {  	[tilespmem:s19+$0x5000] =	vst.add.f32.msk $0xffff, v8  }
0x810: {  	[tilespmem:s19+$0x5010] =	vst.add.f32.msk $0xffff, v9  }
0x811: {  	[tilespmem:s19+$0x5020] =	vst.add.f32.msk $0xffff, v7  }
0x812: {  	[tilespmem:s19+$0x5030] =	vst.add.f32.msk $0xffff, v6  }
0x813: {  	[tilespmem:s19+$0x5040] =	vst.add.f32.msk $0xffff, v5  }
0x814: {  	[tilespmem:s19+$0x5050] =	vst.add.f32.msk $0xffff, v3  }
0x815: {  	[tilespmem:s19+$0x5060] =	vst.add.f32.msk $0xffff, v4  }
0x816: {  	s19 =	sld [smem:$0x7F3];
	_ =	sdelay $0x1  }
0x817: {  	s18 =	simm.s32 $0x0  }
0x818: {  	[hbm4b:s19+s18] =	stream.linear.scatter [tilespmem:s13], [sflag:$0x8], $0x4000, $0x38;
	[tilespmem:$0x19000] =	vst v63  }
0x819: {  	_ =	swait.ge [sflag:s14], $0x4000  }
0x81a: {  	s20 =	sld [smem:$0x7F8]  }
0x81b: {  	[sflag:s14] =	ssyncset.done $0x0  }
0x81c: {  	[sflag:s14] =	ssyncadd.s32 $0xFFFFC000  }
0x81d: {  	[tilespmem:s13], [sflag:$0x2] =	stream.linear.gather [hbm4b:s20+s18], $0x4000, $0x38;
	[tilespmem:$0x19000] =	vst v63  }
0x81e: {  	v3 =	vld [tilespmem:$0xF80];
	_ =	sdelay $0x4  }
0x81f: {  	v4 =	vshll.u32 v3, $0x3  }
0x820: {  	v3 =	vand.u32 $0x7, v3;
	v4 =	vand.u32 $0xFFFFFFC0, v4  }
0x821: {  	v3 =	vor.u32 v3, v4  }
0x822: {  	v4 =	vperm.xlane v3, v0;
	_ =	sdelay $0x1  }
0x823: {  	v4 =	vadd.s32 v1, v4;
	_ =	sdelay $0x3  }
0x824: {  	s21 =	simm.s32 $0x11000  }
0x825: {  	[tilespmem:s21], [sflag:$0x5] =	stream.indirect_vreg.gather [hbm4b:s3+s18], $0x80, v4, vm0, $0xb8;
	[tilespmem:$0x19000] =	vst v63  }
0x826: {  	v3 =	vperm.xlane v3, v2  }
0x827: {  	[tilespmem:s24], [sflag:$0x5] =	stream.indirect_vreg.gather [hbm4b:s9+s18], $0x80, v4, vm0, $0xb8;
	[tilespmem:$0x19000] =	vst v63  }
0x828: {  	v3 =	vadd.s32 v1, v3  }
0x829: {  	[tilespmem:s25], [sflag:$0x5] =	stream.indirect_vreg.gather [hbm4b:s10+s18], $0x80, v4, vm0, $0xb8;
	[tilespmem:$0x19000] =	vst v63  }
0x82a: {  	_ = 	snop  }
0x82b: {  	[tilespmem:s26], [sflag:$0x5] =	stream.indirect_vreg.gather [hbm4b:s11+s18], $0x80, v4, vm0, $0xb8;
	[tilespmem:$0x19000] =	vst v63  }
0x82c: {  	_ = 	snop  }
0x82d: {  	[tilespmem:s28], [sflag:$0x5] =	stream.indirect_vreg.gather [hbm4b:s3+s18], $0x80, v3, vm0, $0xb8;
	[tilespmem:$0x19000] =	vst v63  }
0x82e: {  	_ = 	snop  }
0x82f: {  	[tilespmem:s29], [sflag:$0x5] =	stream.indirect_vreg.gather [hbm4b:s9+s18], $0x80, v3, vm0, $0xb8;
	[tilespmem:$0x19000] =	vst v63  }
0x830: {  	_ = 	snop  }
0x831: {  	[tilespmem:s30], [sflag:$0x5] =	stream.indirect_vreg.gather [hbm4b:s10+s18], $0x80, v3, vm0, $0xb8;
	[tilespmem:$0x19000] =	vst v63  }
0x832: {  	_ = 	snop  }
0x833: {  	[tilespmem:s31], [sflag:$0x5] =	stream.indirect_vreg.gather [hbm4b:s11+s18], $0x80, v3, vm0, $0xb8;
	[tilespmem:$0x19000] =	vst v63  }
0x834: {  	_ =	swait.ge [sflag:s2], $0x4000  }
0x835: {  	s22 =	simm.s32 $0x0;
	[sflag:s2] =	ssyncset.done $0x0  }
0x836: {  	s19 =	sand.u32 $0x2000, s22;
	[sflag:s2] =	ssyncadd.s32 $0xFFFFC000  }
0x837: {  	s20 =	sand.u32 $0x1C00, s18;
	s21 =	simm.s32 $0x0;
	_ =	swait.ge [sflag:s15], $0x4000  }
0x838: {  	s19 =	sor.u32 s20, s19;
	s23 =	sand.u32 $0x380, s21;
	[sflag:s15] =	ssyncset.done $0x0  }
0x839: {  	s19 =	sor.u32 s23, s19;
	[sflag:s15] =	ssyncadd.s32 $0xFFFFC000  }
0x83a: {  	v3 =	vld [tilespmem:s19+$0x15070]  }
0x83b: {  	v8 =	vld [tilespmem:s19+$0x15000]  }
0x83c: {  	v9 =	vld [tilespmem:s19+$0x15010]  }
0x83d: {  	v7 =	vld [tilespmem:s19+$0x15020]  }
0x83e: {  	v6 =	vld [tilespmem:s19+$0x15030]  }
0x83f: {  	v5 =	vld [tilespmem:s19+$0x15040]  }
0x840: {  	v4 =	vld [tilespmem:s19+$0x15060]  }
0x841: {  	[tilespmem:s19+$0x9070] =	vst.add.f32.msk $0xffff, v3  }
0x842: {  	v3 =	vld [tilespmem:s19+$0x15050]  }
0x843: {  	[tilespmem:s19+$0x9000] =	vst.add.f32.msk $0xffff, v8  }
0x844: {  	s20 =	simm.s32 $0x0;
	[tilespmem:s19+$0x9010] =	vst.add.f32.msk $0xffff, v9  }
.LBB2_60:
0x845: {  	s20 =	sadd.s32 $0x8, s20;
	[tilespmem:s19+$0x9020] =	vst.add.f32.msk $0xffff, v7  }
0x846: {  	s18 =	sadd.s32 $0x400, s18;
	s21 =	sshll.u32 s20, $0x4;
	p0 =	slt.u32 s20, $0x3F8;
	[tilespmem:s19+$0x9030] =	vst.add.f32.msk $0xffff, v6  }
0x847: {  	s22 =	sand.u32 $0x1C00, s18;
	s23 =	sshll.u32 s20, $0x1;
	s21 =	sand.u32 $0x2000, s21;
	[tilespmem:s19+$0x9040] =	vst.add.f32.msk $0xffff, v5  }
0x848: {  	s21 =	sor.u32 s22, s21;
	s22 =	sand.u32 $0x380, s23;
	[tilespmem:s19+$0x9050] =	vst.add.f32.msk $0xffff, v3  }
0x849: {  	[tilespmem:s19+$0x9060] =	vst.add.f32.msk $0xffff, v4;
	s19 =	sor.u32 s22, s21  }
0x84a: {  	v3 =	vld [tilespmem:s19+$0x15070]  }
0x84b: {  	v8 =	vld [tilespmem:s19+$0x15000]  }
0x84c: {  	v9 =	vld [tilespmem:s19+$0x15010]  }
0x84d: {  	v7 =	vld [tilespmem:s19+$0x15020]  }
0x84e: {  	v6 =	vld [tilespmem:s19+$0x15030]  }
0x84f: {  	[tilespmem:s19+$0x9070] =	vst.add.f32.msk $0xffff, v3  }
.Ltmp29:
0x850: {  	v5 =	vld [tilespmem:s19+$0x15040];
	(pc) =	sbr.rel @p0 .LBB2_60-.Ltmp29, $4  }
0x851: {  	v3 =	vld [tilespmem:s19+$0x15050]  }
0x852: {  	v4 =	vld [tilespmem:s19+$0x15060]  }
0x853: {  	[tilespmem:s19+$0x9000] =	vst.add.f32.msk $0xffff, v8  }
0x854: {  	[tilespmem:s19+$0x9010] =	vst.add.f32.msk $0xffff, v9  }
0x855: {  	[tilespmem:s19+$0x9020] =	vst.add.f32.msk $0xffff, v7  }
0x856: {  	[tilespmem:s19+$0x9030] =	vst.add.f32.msk $0xffff, v6  }
0x857: {  	[tilespmem:s19+$0x9040] =	vst.add.f32.msk $0xffff, v5  }
0x858: {  	[tilespmem:s19+$0x9050] =	vst.add.f32.msk $0xffff, v3  }
0x859: {  	[tilespmem:s19+$0x9060] =	vst.add.f32.msk $0xffff, v4  }
0x85a: {  	s19 =	sld [smem:$0x7F9];
	_ =	sdelay $0x1  }
0x85b: {  	s18 =	simm.s32 $0x0  }
0x85c: {  	[hbm4b:s19+s18] =	stream.linear.scatter [tilespmem:s0], [sflag:$0x9], $0x4000, $0x38;
	[tilespmem:$0x19000] =	vst v63  }
0x85d: {  	_ =	swait.ge [sflag:s4], $0x4000  }
0x85e: {  	[sflag:s4] =	ssyncset.done $0x0  }
0x85f: {  	s22 =	simm.s32 $0x0;
	s21 =	simm.s32 $0x0;
	[sflag:s4] =	ssyncadd.s32 $0xFFFFC000  }
0x860: {  	s20 =	sand.u32 $0x1C00, s18;
	s19 =	sand.u32 $0x2000, s22;
	_ =	swait.ge [sflag:s5], $0x4000  }
0x861: {  	s23 =	sand.u32 $0x380, s21;
	s19 =	sor.u32 s20, s19;
	[sflag:s5] =	ssyncset.done $0x0  }
0x862: {  	s19 =	sor.u32 s23, s19;
	[sflag:s5] =	ssyncadd.s32 $0xFFFFC000  }
0x863: {  	v3 =	vld [tilespmem:s19+$0xD070]  }
0x864: {  	v8 =	vld [tilespmem:s19+$0xD000]  }
0x865: {  	v9 =	vld [tilespmem:s19+$0xD010]  }
0x866: {  	v7 =	vld [tilespmem:s19+$0xD020]  }
0x867: {  	v6 =	vld [tilespmem:s19+$0xD030]  }
0x868: {  	v5 =	vld [tilespmem:s19+$0xD040]  }
0x869: {  	v4 =	vld [tilespmem:s19+$0xD060]  }
0x86a: {  	[tilespmem:s19+$0x1070] =	vst.add.f32.msk $0xffff, v3  }
0x86b: {  	v3 =	vld [tilespmem:s19+$0xD050]  }
0x86c: {  	[tilespmem:s19+$0x1000] =	vst.add.f32.msk $0xffff, v8  }
0x86d: {  	s20 =	simm.s32 $0x0;
	[tilespmem:s19+$0x1010] =	vst.add.f32.msk $0xffff, v9  }
.LBB2_62:
0x86e: {  	s20 =	sadd.s32 $0x8, s20;
	[tilespmem:s19+$0x1020] =	vst.add.f32.msk $0xffff, v7  }
0x86f: {  	s18 =	sadd.s32 $0x400, s18;
	s21 =	sshll.u32 s20, $0x4;
	p0 =	slt.u32 s20, $0x3F8;
	[tilespmem:s19+$0x1030] =	vst.add.f32.msk $0xffff, v6  }
0x870: {  	s22 =	sand.u32 $0x1C00, s18;
	s23 =	sshll.u32 s20, $0x1;
	s21 =	sand.u32 $0x2000, s21;
	[tilespmem:s19+$0x1040] =	vst.add.f32.msk $0xffff, v5  }
0x871: {  	s21 =	sor.u32 s22, s21;
	s22 =	sand.u32 $0x380, s23;
	[tilespmem:s19+$0x1050] =	vst.add.f32.msk $0xffff, v3  }
0x872: {  	[tilespmem:s19+$0x1060] =	vst.add.f32.msk $0xffff, v4;
	s19 =	sor.u32 s22, s21  }
0x873: {  	v3 =	vld [tilespmem:s19+$0xD070]  }
0x874: {  	v8 =	vld [tilespmem:s19+$0xD000]  }
0x875: {  	v9 =	vld [tilespmem:s19+$0xD010]  }
0x876: {  	v7 =	vld [tilespmem:s19+$0xD020]  }
0x877: {  	v6 =	vld [tilespmem:s19+$0xD030]  }
0x878: {  	[tilespmem:s19+$0x1070] =	vst.add.f32.msk $0xffff, v3  }
.Ltmp30:
0x879: {  	v5 =	vld [tilespmem:s19+$0xD040];
	(pc) =	sbr.rel @p0 .LBB2_62-.Ltmp30, $4  }
0x87a: {  	v3 =	vld [tilespmem:s19+$0xD050]  }
0x87b: {  	v4 =	vld [tilespmem:s19+$0xD060]  }
0x87c: {  	[tilespmem:s19+$0x1000] =	vst.add.f32.msk $0xffff, v8  }
0x87d: {  	[tilespmem:s19+$0x1010] =	vst.add.f32.msk $0xffff, v9  }
0x87e: {  	[tilespmem:s19+$0x1020] =	vst.add.f32.msk $0xffff, v7  }
0x87f: {  	[tilespmem:s19+$0x1030] =	vst.add.f32.msk $0xffff, v6  }
0x880: {  	[tilespmem:s19+$0x1040] =	vst.add.f32.msk $0xffff, v5  }
0x881: {  	[tilespmem:s19+$0x1050] =	vst.add.f32.msk $0xffff, v3  }
0x882: {  	[tilespmem:s19+$0x1060] =	vst.add.f32.msk $0xffff, v4  }
0x883: {  	s19 =	sld [smem:$0x7FA];
	_ =	sdelay $0x1  }
0x884: {  	s18 =	simm.s32 $0x0  }
0x885: {  	[hbm4b:s19+s18] =	stream.linear.scatter [tilespmem:s12], [sflag:$0x7], $0x4000, $0x38;
	[tilespmem:$0x19000] =	vst v63  }
0x886: {  	_ =	swait.ge [sflag:s7], $0x4000  }
0x887: {  	[sflag:s7] =	ssyncset.done $0x0  }
0x888: {  	s22 =	simm.s32 $0x0;
	s21 =	simm.s32 $0x0;
	[sflag:s7] =	ssyncadd.s32 $0xFFFFC000  }
0x889: {  	s20 =	sand.u32 $0x1C00, s18;
	s19 =	sand.u32 $0x2000, s22;
	_ =	swait.ge [sflag:s8], $0x4000  }
0x88a: {  	s23 =	sand.u32 $0x380, s21;
	s19 =	sor.u32 s20, s19;
	[sflag:s8] =	ssyncset.done $0x0  }
0x88b: {  	s19 =	sor.u32 s23, s19;
	[sflag:s8] =	ssyncadd.s32 $0xFFFFC000  }
0x88c: {  	v3 =	vld [tilespmem:s19+$0x11070]  }
0x88d: {  	v8 =	vld [tilespmem:s19+$0x11000]  }
0x88e: {  	v9 =	vld [tilespmem:s19+$0x11010]  }
0x88f: {  	v7 =	vld [tilespmem:s19+$0x11020]  }
0x890: {  	v6 =	vld [tilespmem:s19+$0x11030]  }
0x891: {  	v5 =	vld [tilespmem:s19+$0x11040]  }
0x892: {  	v4 =	vld [tilespmem:s19+$0x11060]  }
0x893: {  	[tilespmem:s19+$0x5070] =	vst.add.f32.msk $0xffff, v3  }
0x894: {  	v3 =	vld [tilespmem:s19+$0x11050]  }
0x895: {  	[tilespmem:s19+$0x5000] =	vst.add.f32.msk $0xffff, v8  }
0x896: {  	s20 =	simm.s32 $0x0;
	[tilespmem:s19+$0x5010] =	vst.add.f32.msk $0xffff, v9  }
.LBB2_64:
0x897: {  	s20 =	sadd.s32 $0x8, s20;
	[tilespmem:s19+$0x5020] =	vst.add.f32.msk $0xffff, v7  }
0x898: {  	s18 =	sadd.s32 $0x400, s18;
	s21 =	sshll.u32 s20, $0x4;
	p0 =	slt.u32 s20, $0x3F8;
	[tilespmem:s19+$0x5030] =	vst.add.f32.msk $0xffff, v6  }
0x899: {  	s22 =	sand.u32 $0x1C00, s18;
	s23 =	sshll.u32 s20, $0x1;
	s21 =	sand.u32 $0x2000, s21;
	[tilespmem:s19+$0x5040] =	vst.add.f32.msk $0xffff, v5  }
0x89a: {  	s21 =	sor.u32 s22, s21;
	s22 =	sand.u32 $0x380, s23;
	[tilespmem:s19+$0x5050] =	vst.add.f32.msk $0xffff, v3  }
0x89b: {  	[tilespmem:s19+$0x5060] =	vst.add.f32.msk $0xffff, v4;
	s19 =	sor.u32 s22, s21  }
0x89c: {  	v3 =	vld [tilespmem:s19+$0x11070]  }
0x89d: {  	v8 =	vld [tilespmem:s19+$0x11000]  }
0x89e: {  	v9 =	vld [tilespmem:s19+$0x11010]  }
0x89f: {  	v7 =	vld [tilespmem:s19+$0x11020]  }
0x8a0: {  	v6 =	vld [tilespmem:s19+$0x11030]  }
0x8a1: {  	[tilespmem:s19+$0x5070] =	vst.add.f32.msk $0xffff, v3  }
.Ltmp31:
0x8a2: {  	v5 =	vld [tilespmem:s19+$0x11040];
	(pc) =	sbr.rel @p0 .LBB2_64-.Ltmp31, $4  }
0x8a3: {  	v3 =	vld [tilespmem:s19+$0x11050]  }
0x8a4: {  	v4 =	vld [tilespmem:s19+$0x11060]  }
0x8a5: {  	[tilespmem:s19+$0x5000] =	vst.add.f32.msk $0xffff, v8  }
0x8a6: {  	[tilespmem:s19+$0x5010] =	vst.add.f32.msk $0xffff, v9  }
0x8a7: {  	[tilespmem:s19+$0x5020] =	vst.add.f32.msk $0xffff, v7  }
0x8a8: {  	[tilespmem:s19+$0x5030] =	vst.add.f32.msk $0xffff, v6  }
0x8a9: {  	[tilespmem:s19+$0x5040] =	vst.add.f32.msk $0xffff, v5  }
0x8aa: {  	[tilespmem:s19+$0x5050] =	vst.add.f32.msk $0xffff, v3  }
0x8ab: {  	[tilespmem:s19+$0x5060] =	vst.add.f32.msk $0xffff, v4  }
0x8ac: {  	s18 =	sld [smem:$0x7FB];
	_ =	sdelay $0x2  }
0x8ad: {  	[hbm4b:s18+s1] =	stream.linear.scatter [tilespmem:s13], [sflag:$0x8], $0x4000, $0x38;
	[tilespmem:$0x19000] =	vst v63  }
0x8ae: {  	_ =	swait.ge [sflag:s6], $0x4000  }
0x8af: {  	[sflag:s6] =	ssyncset.done $0x0  }
0x8b0: {  	[sflag:s6] =	ssyncadd.s32 $0xFFFFC000  }
0x8b1: {  	_ =	swait.ge [sflag:s14], $0x4000  }
0x8b2: {  	[sflag:s14] =	ssyncset.done $0x0  }
0x8b3: {  	[sflag:s14] =	ssyncadd.s32 $0xFFFFC000  }
0x8b4: {  	_ =	swait.ge [sflag:s16], $0x4000  }
0x8b5: {  	s23 =	sld [smem:$0x7FD];
	_ =	sdelay $0x1  }
0x8b6: {  	s17 =	sadd.s32 $0x1, s17  }
0x8b7: {  	p0 =	sne.s32 s17, s23  }
.Ltmp32:
0x8b8: {  	_ = 	snop;
	(pc) =	sbr.rel @p0 .LBB2_1-.Ltmp32, $3  }
0x8b9: {  	_ =	sdelay $0x1  }
0x8ba: {  	[sflag:s16] =	ssyncset.done $0x0  }
0x8bb: {  	[sflag:s16] =	ssyncadd.s32 $0xFFFFC000  }
0x8bc: {  	_ =	sfence.sel $0x180000  }
0x8bd: {  	[bflag:$0x0] =	sbarrier.arrive $0xFFFF  }
0x8be: {  	_ =	strace $0x90000047  }
0x8bf: {  	s0 =	stileid.u32;
	[bflag:$0x2] =	sbarrier.arrive $0xFFFF  }
0x8c0: {  	p0 =	sne.s32 s0, $0x0;
	s0 =	rddreg [dreg:$0x4]  }
0x8c1: {  	s0 =	sadd.s32 @!p0 $0x100000, s0  }
0x8c2: {  	[sflag:s0] =	ssyncadd.tile.s32 @!p0 $0x1;
	_ =	shalt  }
.Lfunc_end2:
_tile_overlayer_lowered:
.L_overlay_start_2:
0x8c3: {  	(tag) =	ssettag $0x2  }
0x8c4: {  	s0 =	rddreg [dreg:$0x0];
	s2 =	stileid.u32  }
0x8c5: {  	s1 =	rddreg [dreg:$0x1];
	p0 =	sne.s32 s2, $0x0  }
0x8c6: {  	s3 =	rddreg [dreg:$0x2];
	[bflag:$0x3] =	sbarrier.arrive $0xFFFF;
	s2 =	simm.s32 @!p0 $0x1C0B  }
0x8c7: {  	[timem:s3], [sflag:s2] =	dma.local @!p0 [hbm:s0], s1  }
0x8c8: {  	s0 =	simm.s32 @!p0 $0xB  }
0x8c9: {  	_ =	swait.ge @!p0 [sflag:s0], s1  }
0x8ca: {  	s1 =	ssub.s32 @!p0 $0x0, s1;
	[sflag:s0] =	ssyncset.done @!p0 $0x0  }
0x8cb: {  	[sflag:s0] =	ssyncadd.s32 @!p0 s1  }
0x8cc: {  	[bflag:$0x3] =	sbarrier.arrive $0xFFFF  }
0x8cd: {  	_ =	shalt  }

</sc_bundles>
